<compile_context>
chip_gen: v7x
topology: tpu7x:2x2x1
jax: 0.10.2.dev20260603
libtpu: 0.0.44.dev20260713+nightly
codegen_flags: <defaults>
</compile_context>

<pallas_src>
import functools

import jax
import jax.numpy as jnp
from jax import lax
from jax.experimental import pallas as pl
from jax.experimental.pallas import tpu as pltpu
from jax.experimental.pallas import tpu_sc as plsc

N = 10000
E = 320000
D = 128

NC = 2
NS = 16
NW = NC * NS
EPW = E // NW
C = 80
CPW = EPW // C
ROWM = 624
TAIL = N - NS * ROWM
NBUF = 4
LAG = 2
NI = 2 * NBUF

@functools.cache
def _get_sc_agg():
    mesh = plsc.VectorSubcoreMesh(
        core_axis_name="c", subcore_axis_name="s",
        num_cores=NC, num_subcores=NS)

    @functools.partial(
        pl.kernel,
        out_type=jax.ShapeDtypeStruct((NC, N, D), jnp.float32),
        mesh=mesh,
        scratch_types=(
            [pltpu.VMEM((2, C), jnp.int32)] * NI
            + [pltpu.VMEM((C, D), jnp.float32)] * NBUF
            + [pltpu.VMEM_SHARED((N, D), jnp.float32)]
            + [pltpu.SemaphoreType.DMA] * (NI + 2 * NBUF)
        ),
    )
    def _sc_agg(x_hbm, eidx_hbm, zeros_hbm, out_hbm, *scr):
        ib = scr[:NI]
        rows_v = scr[NI:NI + NBUF]
        acc_sh = scr[NI + NBUF]
        s0 = NI + NBUF + 1
        sem_i = scr[s0:s0 + NI]
        sem_g = scr[s0 + NI:s0 + NI + NBUF]
        sem_s = scr[s0 + NI + NBUF:]
        cid = lax.axis_index("c")
        sid = lax.axis_index("s")
        wid = cid * NS + sid

        @pl.when(cid == 0)
        def _init_x():
            pltpu.sync_copy(x_hbm.at[pl.ds(sid * ROWM, ROWM)],
                            acc_sh.at[pl.ds(sid * ROWM, ROWM)])

            @pl.when(sid == 0)
            def _tail():
                pltpu.sync_copy(x_hbm.at[pl.ds(NS * ROWM, TAIL)],
                                acc_sh.at[pl.ds(NS * ROWM, TAIL)])

        @pl.when(cid == 1)
        def _init_zero():
            pltpu.sync_copy(zeros_hbm, acc_sh.at[pl.ds(sid * ROWM, ROWM)])

            @pl.when(sid == 0)
            def _tail():
                pltpu.sync_copy(zeros_hbm.at[pl.ds(0, TAIL)],
                                acc_sh.at[pl.ds(NS * ROWM, TAIL)])

        plsc.subcore_barrier()

        def fire_idx(j, k):
            pltpu.async_copy(eidx_hbm.at[wid, j], ib[k], sem_i[k])

        def wait_idx(k):
            pltpu.make_async_copy(eidx_hbm.at[wid, 0], ib[k], sem_i[k]).wait()

        def fire_gather(k, b):
            pltpu.async_copy(x_hbm.at[ib[k].at[0]], rows_v[b], sem_g[b])

        def wait_gather(b):
            pltpu.make_async_copy(
                x_hbm.at[ib[0].at[0]], rows_v[b], sem_g[b]).wait()

        def fire_scatter(k, b):
            pltpu.async_copy(rows_v[b], acc_sh.at[ib[k].at[1]],
                             sem_s[b], add=True)

        def wait_scatter(b):
            pltpu.make_async_copy(
                rows_v[0], acc_sh.at[ib[0].at[1]], sem_s[b]).wait()

        def visit(i, b, k, when):
            wait_gather(b)
            fire_scatter(k, b)
            when(i >= LAG, lambda: wait_scatter((b + LAG) % NBUF))
            when(i + NI - LAG < CPW,
                 lambda: fire_idx(i + NI - LAG, (k - LAG) % NI))

            def _pref_gather():
                wait_idx((k + LAG) % NI)
                fire_gather((k + LAG) % NI, (b + LAG) % NBUF)

            when(i + LAG < CPW, _pref_gather)

        def when_traced(cond, fn):
            pl.when(cond)(fn)

        def when_static(cond, fn):
            if cond:
                fn()

        for j in range(NI - LAG):
            fire_idx(j, j)
        for t in range(LAG):
            wait_idx(t)
            fire_gather(t, t)

        def outer(g, carry):
            for k in range(NI):
                visit(g * NI + k, k % NBUF, k, when_traced)
            return carry

        lax.fori_loop(0, CPW // NI, outer, 0)
        for i in range((CPW // NI) * NI, CPW):
            visit(i, i % NBUF, i % NI, when_static)
        for t in range(LAG):
            wait_scatter((CPW - LAG + t) % NBUF)
        plsc.subcore_barrier()

        pltpu.sync_copy(acc_sh.at[pl.ds(sid * ROWM, ROWM)],
                        out_hbm.at[cid, pl.ds(sid * ROWM, ROWM)])

        @pl.when(sid == 0)
        def _write_tail():
            pltpu.sync_copy(acc_sh.at[pl.ds(NS * ROWM, TAIL)],
                            out_hbm.at[cid, pl.ds(NS * ROWM, TAIL)])

    return _sc_agg


BN = 1000


def _mlp1_body(p0_ref, p1_ref, wa_ref, ba_ref, wb_ref, bb_ref, o_ref):
    h = p0_ref[0] + p1_ref[0]
    h = jnp.dot(h, wa_ref[...], preferred_element_type=jnp.float32) + ba_ref[...]
    h = jnp.maximum(h, 0.0)
    h = jnp.dot(h, wb_ref[...], preferred_element_type=jnp.float32) + bb_ref[...]
    o_ref[...] = jnp.maximum(h, 0.0)


def _mlp2_body(p0_ref, p1_ref, wa_ref, ba_ref, wb_ref, bb_ref,
               wl_ref, bl_ref, o_ref):
    h = p0_ref[0] + p1_ref[0]
    h = jnp.dot(h, wa_ref[...], preferred_element_type=jnp.float32) + ba_ref[...]
    h = jnp.maximum(h, 0.0)
    h = jnp.dot(h, wb_ref[...], preferred_element_type=jnp.float32) + bb_ref[...]
    h = jnp.maximum(h, 0.0)
    o_ref[...] = jnp.dot(h, wl_ref[...], preferred_element_type=jnp.float32) + bl_ref[...]


def _plane_block(c):
    return pl.BlockSpec((1, BN, D), lambda i, c=c: (c, i, 0))


def _row_block(bn, d):
    return pl.BlockSpec((bn, d), lambda i: (i, 0))


def _full_block(shape):
    return pl.BlockSpec(shape, lambda i: tuple(0 for _ in shape))


def _mlp1(p, wa, ba, wb, bb):
    return pl.pallas_call(
        _mlp1_body,
        out_shape=jax.ShapeDtypeStruct((N, D), jnp.float32),
        grid=(N // BN,),
        in_specs=[
            _plane_block(0), _plane_block(1),
            _full_block((D, D)), _full_block((1, D)),
            _full_block((D, D)), _full_block((1, D)),
        ],
        out_specs=_row_block(BN, D),
    )(p, p, wa, ba.reshape(1, D), wb, bb.reshape(1, D))


def _mlp2(p, wa, ba, wb, bb, wl, bl):
    return pl.pallas_call(
        _mlp2_body,
        out_shape=jax.ShapeDtypeStruct((N, D), jnp.float32),
        grid=(N // BN,),
        in_specs=[
            _plane_block(0), _plane_block(1),
            _full_block((D, D)), _full_block((1, D)),
            _full_block((D, D)), _full_block((1, D)),
            _full_block((D, D)), _full_block((1, D)),
        ],
        out_specs=_row_block(BN, D),
    )(p, p, wa, ba.reshape(1, D), wb, bb.reshape(1, D),
      wl, bl.reshape(1, D))


def kernel(x, edge_index, W1a, b1a, W1b, b1b, W2a, b2a, W2b, b2b, Wl, bl):
    eidx = jnp.transpose(edge_index.reshape(2, NW, CPW, C), (1, 2, 0, 3))
    zeros = jnp.zeros((ROWM, D), jnp.float32)

    sc_agg = _get_sc_agg()
    p = sc_agg(x, eidx, zeros)
    h1 = _mlp1(p, W1a, b1a, W1b, b1b)
    q = sc_agg(h1, eidx, zeros)
    out = _mlp2(q, W2a, b2a, W2b, b2b, Wl, bl)
    return out

# --- scband reference (transcript-rebuilt; emitter-appended) ---
"""Pipeline reference for scband-node-gin-33397665693790 (READ-ONLY COPY).

The authoritative reference and input builder live on the scoring server;
editing this copy changes nothing except your own understanding.
"""

import jax, jax.numpy as jnp
import numpy as np

N = 10000
E = 320000
D = 128
H = 128
O = 128

def setup_inputs(seed: int = 0) -> dict:
    key = jax.random.key(seed)
    ks = jax.random.split(key, 12)
    x = jax.random.normal(ks[0], (N, D), dtype=jnp.float32)
    edge_index = jax.random.randint(ks[1], (2, E), 0, N, dtype=jnp.int32)
    s1 = 1.0 / np.sqrt(D)
    s2 = 1.0 / np.sqrt(H)
    W1a = jax.random.normal(ks[2], (D, H), dtype=jnp.float32) * s1
    b1a = jnp.zeros((H,), dtype=jnp.float32)
    W1b = jax.random.normal(ks[3], (H, H), dtype=jnp.float32) * s2
    b1b = jnp.zeros((H,), dtype=jnp.float32)
    W2a = jax.random.normal(ks[4], (H, H), dtype=jnp.float32) * s2
    b2a = jnp.zeros((H,), dtype=jnp.float32)
    W2b = jax.random.normal(ks[5], (H, H), dtype=jnp.float32) * s2
    b2b = jnp.zeros((H,), dtype=jnp.float32)
    Wl = jax.random.normal(ks[6], (H, O), dtype=jnp.float32) * s2
    bl = jnp.zeros((O,), dtype=jnp.float32)
    return {"x": x, "edge_index": edge_index, "W1a": W1a, "b1a": b1a, "W1b": W1b, "b1b": b1b, "W2a": W2a, "b2a": b2a, "W2b": W2b, "b2b": b2b, "Wl": Wl, "bl": bl}


def _gin_conv(x, edge_index, Wa, ba, Wb, bb, eps=0.0):
    # GINConv: h = MLP((1 + eps) * x + sum_{j in N(i)} x_j)
    src = edge_index[0]
    dst = edge_index[1]
    msgs = jnp.take(x, src, axis=0)                 # gather source features
    agg = jnp.zeros_like(x).at[dst].add(msgs)       # scatter-add to destinations
    h = (1.0 + eps) * x + agg
    h = jnp.maximum(h @ Wa + ba, 0.0)
    h = h @ Wb + bb
    return h


def reference(x, edge_index, W1a, b1a, W1b, b1b, W2a, b2a, W2b, b2b, Wl, bl):
    h = _gin_conv(x, edge_index, W1a, b1a, W1b, b1b)
    h = jnp.maximum(h, 0.0)
    # dropout is identity in eval mode
    h = _gin_conv(h, edge_index, W2a, b2a, W2b, b2b)
    h = jnp.maximum(h, 0.0)
    out = h @ Wl + bl
    return out

if __name__ == "__main__":
    import jax
    _d = setup_inputs()
    print(jax.jit(kernel)(*tuple(_d.values())))

</pallas_src>

<mosaic_0001>
#map = affine_map<(d0, d1) -> (0, 0)>
#map1 = affine_map<(d0, d1) -> (0, 0, 0, 0)>
#map2 = affine_map<(d0, d1) -> (0, 0, 0)>
module attributes {stable_mosaic.version = 14 : i64} {
  func.func @_sc_agg(%arg0: i32, %arg1: i32, %arg2: memref<10000x128xf32, #tpu.memory_space<hbm>>, %arg3: memref<32x125x2x80xi32, #tpu.memory_space<hbm>>, %arg4: memref<624x128xf32, #tpu.memory_space<hbm>>, %arg5: memref<2x10000x128xf32, #tpu.memory_space<hbm>>, %arg6: memref<2x80xi32, #tpu.memory_space<vmem>>, %arg7: memref<2x80xi32, #tpu.memory_space<vmem>>, %arg8: memref<2x80xi32, #tpu.memory_space<vmem>>, %arg9: memref<2x80xi32, #tpu.memory_space<vmem>>, %arg10: memref<2x80xi32, #tpu.memory_space<vmem>>, %arg11: memref<2x80xi32, #tpu.memory_space<vmem>>, %arg12: memref<2x80xi32, #tpu.memory_space<vmem>>, %arg13: memref<2x80xi32, #tpu.memory_space<vmem>>, %arg14: memref<80x128xf32, #tpu.memory_space<vmem>>, %arg15: memref<80x128xf32, #tpu.memory_space<vmem>>, %arg16: memref<80x128xf32, #tpu.memory_space<vmem>>, %arg17: memref<80x128xf32, #tpu.memory_space<vmem>>, %arg18: memref<10000x128xf32, #tpu.memory_space<vmem_shared>>, %arg19: memref<!tpu.dma_semaphore, #tpu.memory_space<semaphore_mem>>, %arg20: memref<!tpu.dma_semaphore, #tpu.memory_space<semaphore_mem>>, %arg21: memref<!tpu.dma_semaphore, #tpu.memory_space<semaphore_mem>>, %arg22: memref<!tpu.dma_semaphore, #tpu.memory_space<semaphore_mem>>, %arg23: memref<!tpu.dma_semaphore, #tpu.memory_space<semaphore_mem>>, %arg24: memref<!tpu.dma_semaphore, #tpu.memory_space<semaphore_mem>>, %arg25: memref<!tpu.dma_semaphore, #tpu.memory_space<semaphore_mem>>, %arg26: memref<!tpu.dma_semaphore, #tpu.memory_space<semaphore_mem>>, %arg27: memref<!tpu.dma_semaphore, #tpu.memory_space<semaphore_mem>>, %arg28: memref<!tpu.dma_semaphore, #tpu.memory_space<semaphore_mem>>, %arg29: memref<!tpu.dma_semaphore, #tpu.memory_space<semaphore_mem>>, %arg30: memref<!tpu.dma_semaphore, #tpu.memory_space<semaphore_mem>>, %arg31: memref<!tpu.dma_semaphore, #tpu.memory_space<semaphore_mem>>, %arg32: memref<!tpu.dma_semaphore, #tpu.memory_space<semaphore_mem>>, %arg33: memref<!tpu.dma_semaphore, #tpu.memory_space<semaphore_mem>>, %arg34: memref<!tpu.dma_semaphore, #tpu.memory_space<semaphore_mem>>) attributes {dimension_semantics = [#tpu.dimension_semantics<core_parallel>, #tpu.dimension_semantics<subcore_parallel>], iteration_bounds = array<i64: 2, 16>, scalar_prefetch = 0 : i64, scratch_operands = 29 : i64, tpu.core_type = #tpu.core_type<sc_vector_subcore>, window_params = [{transform_indices = #map}, {transform_indices = #map1}, {transform_indices = #map}, {transform_indices = #map2}]} {
    %mul3A = arith.constant 16 : i32
    %mul3A_0 = arith.muli %arg0, %mul3A : i32
    %add3A = arith.addi %mul3A_0, %arg1 : i32
    %eq3A = arith.constant 0 : i32
    %eq3A_1 = arith.cmpi eq, %arg0, %eq3A : i32
    %convert_element_type3A = arith.extui %eq3A_1 : i1 to i32
    %cond3A = arith.constant 0 : i32
    %cond3A_2 = arith.cmpi ne, %convert_element_type3A, %cond3A : i32
    scf.if %cond3A_2 {
      %mul3A_274 = arith.constant 624 : i32
      %mul3A_275 = arith.muli %arg1, %mul3A_274 : i32
      %mul3A_276 = arith.constant 624 : i32
      %mul3A_277 = arith.muli %arg1, %mul3A_276 : i32
      "tpu.region"() ({
        %run_scoped3A = tpu.sem_alloc : memref<!tpu.dma_semaphore, #tpu.memory_space<semaphore_mem>>
        %dma_start3A_283 = arith.constant 0 : i32
        %dma_start3A_284 = tpu.memref_slice %arg18[%mul3A_277, %dma_start3A_283] : memref<10000x128xf32, #tpu.memory_space<vmem_shared>> -> memref<624x128xf32, #tpu.memory_space<vmem_shared>>
        %dma_start3A_285 = arith.constant 0 : i32
        %dma_start3A_286 = tpu.memref_slice %arg2[%mul3A_275, %dma_start3A_285] : memref<10000x128xf32, #tpu.memory_space<hbm>> -> memref<624x128xf32, #tpu.memory_space<hbm>>
        tpu.enqueue_dma source(%dma_start3A_286 : memref<624x128xf32, #tpu.memory_space<hbm>>) target(%dma_start3A_284 : memref<624x128xf32, #tpu.memory_space<vmem_shared>>) target_semaphore(%run_scoped3A : memref<!tpu.dma_semaphore, #tpu.memory_space<semaphore_mem>>)
        %dma_wait3A_287 = arith.constant 0 : i32
        %dma_wait3A_288 = tpu.memref_slice %arg18[%mul3A_277, %dma_wait3A_287] : memref<10000x128xf32, #tpu.memory_space<vmem_shared>> -> memref<624x128xf32, #tpu.memory_space<vmem_shared>>
        %dma_wait3A_289 = arith.constant 0 : i32
        %dma_wait3A_290 = tpu.memref_slice %arg2[%mul3A_275, %dma_wait3A_289] : memref<10000x128xf32, #tpu.memory_space<hbm>> -> memref<624x128xf32, #tpu.memory_space<hbm>>
        tpu.wait_dma2 semaphore(%run_scoped3A : memref<!tpu.dma_semaphore, #tpu.memory_space<semaphore_mem>>) src(%dma_wait3A_290 : memref<624x128xf32, #tpu.memory_space<hbm>>) dst(%dma_wait3A_288 : memref<624x128xf32, #tpu.memory_space<vmem_shared>>)
        tpu.yield
      }) : () -> ()
      %eq3A_278 = arith.constant 0 : i32
      %eq3A_279 = arith.cmpi eq, %arg1, %eq3A_278 : i32
      %convert_element_type3A_280 = arith.extui %eq3A_279 : i1 to i32
      %cond3A_281 = arith.constant 0 : i32
      %cond3A_282 = arith.cmpi ne, %convert_element_type3A_280, %cond3A_281 : i32
      scf.if %cond3A_282 {
        "tpu.region"() ({
          %run_scoped3A = tpu.sem_alloc : memref<!tpu.dma_semaphore, #tpu.memory_space<semaphore_mem>>
          %dma_start3A_283 = arith.constant 9984 : i32
          %dma_start3A_284 = arith.constant 0 : i32
          %dma_start3A_285 = tpu.memref_slice %arg18[%dma_start3A_283, %dma_start3A_284] : memref<10000x128xf32, #tpu.memory_space<vmem_shared>> -> memref<16x128xf32, #tpu.memory_space<vmem_shared>>
          %dma_start3A_286 = arith.constant 9984 : i32
          %dma_start3A_287 = arith.constant 0 : i32
          %dma_start3A_288 = tpu.memref_slice %arg2[%dma_start3A_286, %dma_start3A_287] : memref<10000x128xf32, #tpu.memory_space<hbm>> -> memref<16x128xf32, #tpu.memory_space<hbm>>
          tpu.enqueue_dma source(%dma_start3A_288 : memref<16x128xf32, #tpu.memory_space<hbm>>) target(%dma_start3A_285 : memref<16x128xf32, #tpu.memory_space<vmem_shared>>) target_semaphore(%run_scoped3A : memref<!tpu.dma_semaphore, #tpu.memory_space<semaphore_mem>>)
          %dma_wait3A_289 = arith.constant 9984 : i32
          %dma_wait3A_290 = arith.constant 0 : i32
          %dma_wait3A_291 = tpu.memref_slice %arg18[%dma_wait3A_289, %dma_wait3A_290] : memref<10000x128xf32, #tpu.memory_space<vmem_shared>> -> memref<16x128xf32, #tpu.memory_space<vmem_shared>>
          %dma_wait3A_292 = arith.constant 9984 : i32
          %dma_wait3A_293 = arith.constant 0 : i32
          %dma_wait3A_294 = tpu.memref_slice %arg2[%dma_wait3A_292, %dma_wait3A_293] : memref<10000x128xf32, #tpu.memory_space<hbm>> -> memref<16x128xf32, #tpu.memory_space<hbm>>
          tpu.wait_dma2 semaphore(%run_scoped3A : memref<!tpu.dma_semaphore, #tpu.memory_space<semaphore_mem>>) src(%dma_wait3A_294 : memref<16x128xf32, #tpu.memory_space<hbm>>) dst(%dma_wait3A_291 : memref<16x128xf32, #tpu.memory_space<vmem_shared>>)
          tpu.yield
        }) : () -> ()
      } else {
      }
    } else {
    }
    %eq3A_3 = arith.constant 1 : i32
    %eq3A_4 = arith.cmpi eq, %arg0, %eq3A_3 : i32
    %convert_element_type3A_5 = arith.extui %eq3A_4 : i1 to i32
    %cond3A_6 = arith.constant 0 : i32
    %cond3A_7 = arith.cmpi ne, %convert_element_type3A_5, %cond3A_6 : i32
    scf.if %cond3A_7 {
      %mul3A_274 = arith.constant 624 : i32
      %mul3A_275 = arith.muli %arg1, %mul3A_274 : i32
      "tpu.region"() ({
        %run_scoped3A = tpu.sem_alloc : memref<!tpu.dma_semaphore, #tpu.memory_space<semaphore_mem>>
        %dma_start3A_281 = arith.constant 0 : i32
        %dma_start3A_282 = tpu.memref_slice %arg18[%mul3A_275, %dma_start3A_281] : memref<10000x128xf32, #tpu.memory_space<vmem_shared>> -> memref<624x128xf32, #tpu.memory_space<vmem_shared>>
        tpu.enqueue_dma source(%arg4 : memref<624x128xf32, #tpu.memory_space<hbm>>) target(%dma_start3A_282 : memref<624x128xf32, #tpu.memory_space<vmem_shared>>) target_semaphore(%run_scoped3A : memref<!tpu.dma_semaphore, #tpu.memory_space<semaphore_mem>>)
        %dma_wait3A_283 = arith.constant 0 : i32
        %dma_wait3A_284 = tpu.memref_slice %arg18[%mul3A_275, %dma_wait3A_283] : memref<10000x128xf32, #tpu.memory_space<vmem_shared>> -> memref<624x128xf32, #tpu.memory_space<vmem_shared>>
        tpu.wait_dma2 semaphore(%run_scoped3A : memref<!tpu.dma_semaphore, #tpu.memory_space<semaphore_mem>>) src(%arg4 : memref<624x128xf32, #tpu.memory_space<hbm>>) dst(%dma_wait3A_284 : memref<624x128xf32, #tpu.memory_space<vmem_shared>>)
        tpu.yield
      }) : () -> ()
      %eq3A_276 = arith.constant 0 : i32
      %eq3A_277 = arith.cmpi eq, %arg1, %eq3A_276 : i32
      %convert_element_type3A_278 = arith.extui %eq3A_277 : i1 to i32
      %cond3A_279 = arith.constant 0 : i32
      %cond3A_280 = arith.cmpi ne, %convert_element_type3A_278, %cond3A_279 : i32
      scf.if %cond3A_280 {
        "tpu.region"() ({
          %run_scoped3A = tpu.sem_alloc : memref<!tpu.dma_semaphore, #tpu.memory_space<semaphore_mem>>
          %dma_start3A_281 = arith.constant 9984 : i32
          %dma_start3A_282 = arith.constant 0 : i32
          %dma_start3A_283 = tpu.memref_slice %arg18[%dma_start3A_281, %dma_start3A_282] : memref<10000x128xf32, #tpu.memory_space<vmem_shared>> -> memref<16x128xf32, #tpu.memory_space<vmem_shared>>
          %dma_start3A_284 = arith.constant 0 : i32
          %dma_start3A_285 = arith.constant 0 : i32
          %dma_start3A_286 = tpu.memref_slice %arg4[%dma_start3A_284, %dma_start3A_285] : memref<624x128xf32, #tpu.memory_space<hbm>> -> memref<16x128xf32, #tpu.memory_space<hbm>>
          tpu.enqueue_dma source(%dma_start3A_286 : memref<16x128xf32, #tpu.memory_space<hbm>>) target(%dma_start3A_283 : memref<16x128xf32, #tpu.memory_space<vmem_shared>>) target_semaphore(%run_scoped3A : memref<!tpu.dma_semaphore, #tpu.memory_space<semaphore_mem>>)
          %dma_wait3A_287 = arith.constant 9984 : i32
          %dma_wait3A_288 = arith.constant 0 : i32
          %dma_wait3A_289 = tpu.memref_slice %arg18[%dma_wait3A_287, %dma_wait3A_288] : memref<10000x128xf32, #tpu.memory_space<vmem_shared>> -> memref<16x128xf32, #tpu.memory_space<vmem_shared>>
          %dma_wait3A_290 = arith.constant 0 : i32
          %dma_wait3A_291 = arith.constant 0 : i32
          %dma_wait3A_292 = tpu.memref_slice %arg4[%dma_wait3A_290, %dma_wait3A_291] : memref<624x128xf32, #tpu.memory_space<hbm>> -> memref<16x128xf32, #tpu.memory_space<hbm>>
          tpu.wait_dma2 semaphore(%run_scoped3A : memref<!tpu.dma_semaphore, #tpu.memory_space<semaphore_mem>>) src(%dma_wait3A_292 : memref<16x128xf32, #tpu.memory_space<hbm>>) dst(%dma_wait3A_289 : memref<16x128xf32, #tpu.memory_space<vmem_shared>>)
          tpu.yield
        }) : () -> ()
      } else {
      }
    } else {
    }
    %barrier3A = arith.constant 0 : index
    tpu.barrier barrier_id(%barrier3A)
    %dma_start3A = arith.constant 0 : i32
    %dma_start3A_8 = arith.constant 0 : i32
    %dma_start3A_9 = arith.constant 0 : i32
    %dma_start3A_10 = tpu.memref_slice %arg3[%add3A, %dma_start3A, %dma_start3A_8, %dma_start3A_9] : memref<32x125x2x80xi32, #tpu.memory_space<hbm>> -> memref<1x1x2x80xi32, #tpu.memory_space<hbm>>
    %dma_start3A_11 = tpu.memref_squeeze %dma_start3A_10 : memref<1x1x2x80xi32, #tpu.memory_space<hbm>> -> memref<2x80xi32, #tpu.memory_space<hbm>>
    %dma_start3A_12 = arith.constant 0 : i32
    %dma_start3A_13 = arith.constant 0 : i32
    %dma_start3A_14 = tpu.memref_slice %arg3[%add3A, %dma_start3A, %dma_start3A_12, %dma_start3A_13] : memref<32x125x2x80xi32, #tpu.memory_space<hbm>> -> memref<1x1x2x80xi32, #tpu.memory_space<hbm>>
    %dma_start3A_15 = tpu.memref_squeeze %dma_start3A_14 : memref<1x1x2x80xi32, #tpu.memory_space<hbm>> -> memref<2x80xi32, #tpu.memory_space<hbm>>
    tpu.enqueue_dma source(%dma_start3A_15 : memref<2x80xi32, #tpu.memory_space<hbm>>) target(%arg6 : memref<2x80xi32, #tpu.memory_space<vmem>>) target_semaphore(%arg19 : memref<!tpu.dma_semaphore, #tpu.memory_space<semaphore_mem>>)
    %dma_start3A_16 = arith.constant 1 : i32
    %dma_start3A_17 = arith.constant 0 : i32
    %dma_start3A_18 = arith.constant 0 : i32
    %dma_start3A_19 = tpu.memref_slice %arg3[%add3A, %dma_start3A_16, %dma_start3A_17, %dma_start3A_18] : memref<32x125x2x80xi32, #tpu.memory_space<hbm>> -> memref<1x1x2x80xi32, #tpu.memory_space<hbm>>
    %dma_start3A_20 = tpu.memref_squeeze %dma_start3A_19 : memref<1x1x2x80xi32, #tpu.memory_space<hbm>> -> memref<2x80xi32, #tpu.memory_space<hbm>>
    %dma_start3A_21 = arith.constant 0 : i32
    %dma_start3A_22 = arith.constant 0 : i32
    %dma_start3A_23 = tpu.memref_slice %arg3[%add3A, %dma_start3A_16, %dma_start3A_21, %dma_start3A_22] : memref<32x125x2x80xi32, #tpu.memory_space<hbm>> -> memref<1x1x2x80xi32, #tpu.memory_space<hbm>>
    %dma_start3A_24 = tpu.memref_squeeze %dma_start3A_23 : memref<1x1x2x80xi32, #tpu.memory_space<hbm>> -> memref<2x80xi32, #tpu.memory_space<hbm>>
    tpu.enqueue_dma source(%dma_start3A_24 : memref<2x80xi32, #tpu.memory_space<hbm>>) target(%arg7 : memref<2x80xi32, #tpu.memory_space<vmem>>) target_semaphore(%arg20 : memref<!tpu.dma_semaphore, #tpu.memory_space<semaphore_mem>>)
    %dma_start3A_25 = arith.constant 2 : i32
    %dma_start3A_26 = arith.constant 0 : i32
    %dma_start3A_27 = arith.constant 0 : i32
    %dma_start3A_28 = tpu.memref_slice %arg3[%add3A, %dma_start3A_25, %dma_start3A_26, %dma_start3A_27] : memref<32x125x2x80xi32, #tpu.memory_space<hbm>> -> memref<1x1x2x80xi32, #tpu.memory_space<hbm>>
    %dma_start3A_29 = tpu.memref_squeeze %dma_start3A_28 : memref<1x1x2x80xi32, #tpu.memory_space<hbm>> -> memref<2x80xi32, #tpu.memory_space<hbm>>
    %dma_start3A_30 = arith.constant 0 : i32
    %dma_start3A_31 = arith.constant 0 : i32
    %dma_start3A_32 = tpu.memref_slice %arg3[%add3A, %dma_start3A_25, %dma_start3A_30, %dma_start3A_31] : memref<32x125x2x80xi32, #tpu.memory_space<hbm>> -> memref<1x1x2x80xi32, #tpu.memory_space<hbm>>
    %dma_start3A_33 = tpu.memref_squeeze %dma_start3A_32 : memref<1x1x2x80xi32, #tpu.memory_space<hbm>> -> memref<2x80xi32, #tpu.memory_space<hbm>>
    tpu.enqueue_dma source(%dma_start3A_33 : memref<2x80xi32, #tpu.memory_space<hbm>>) target(%arg8 : memref<2x80xi32, #tpu.memory_space<vmem>>) target_semaphore(%arg21 : memref<!tpu.dma_semaphore, #tpu.memory_space<semaphore_mem>>)
    %dma_start3A_34 = arith.constant 3 : i32
    %dma_start3A_35 = arith.constant 0 : i32
    %dma_start3A_36 = arith.constant 0 : i32
    %dma_start3A_37 = tpu.memref_slice %arg3[%add3A, %dma_start3A_34, %dma_start3A_35, %dma_start3A_36] : memref<32x125x2x80xi32, #tpu.memory_space<hbm>> -> memref<1x1x2x80xi32, #tpu.memory_space<hbm>>
    %dma_start3A_38 = tpu.memref_squeeze %dma_start3A_37 : memref<1x1x2x80xi32, #tpu.memory_space<hbm>> -> memref<2x80xi32, #tpu.memory_space<hbm>>
    %dma_start3A_39 = arith.constant 0 : i32
    %dma_start3A_40 = arith.constant 0 : i32
    %dma_start3A_41 = tpu.memref_slice %arg3[%add3A, %dma_start3A_34, %dma_start3A_39, %dma_start3A_40] : memref<32x125x2x80xi32, #tpu.memory_space<hbm>> -> memref<1x1x2x80xi32, #tpu.memory_space<hbm>>
    %dma_start3A_42 = tpu.memref_squeeze %dma_start3A_41 : memref<1x1x2x80xi32, #tpu.memory_space<hbm>> -> memref<2x80xi32, #tpu.memory_space<hbm>>
    tpu.enqueue_dma source(%dma_start3A_42 : memref<2x80xi32, #tpu.memory_space<hbm>>) target(%arg9 : memref<2x80xi32, #tpu.memory_space<vmem>>) target_semaphore(%arg22 : memref<!tpu.dma_semaphore, #tpu.memory_space<semaphore_mem>>)
    %dma_start3A_43 = arith.constant 4 : i32
    %dma_start3A_44 = arith.constant 0 : i32
    %dma_start3A_45 = arith.constant 0 : i32
    %dma_start3A_46 = tpu.memref_slice %arg3[%add3A, %dma_start3A_43, %dma_start3A_44, %dma_start3A_45] : memref<32x125x2x80xi32, #tpu.memory_space<hbm>> -> memref<1x1x2x80xi32, #tpu.memory_space<hbm>>
    %dma_start3A_47 = tpu.memref_squeeze %dma_start3A_46 : memref<1x1x2x80xi32, #tpu.memory_space<hbm>> -> memref<2x80xi32, #tpu.memory_space<hbm>>
    %dma_start3A_48 = arith.constant 0 : i32
    %dma_start3A_49 = arith.constant 0 : i32
    %dma_start3A_50 = tpu.memref_slice %arg3[%add3A, %dma_start3A_43, %dma_start3A_48, %dma_start3A_49] : memref<32x125x2x80xi32, #tpu.memory_space<hbm>> -> memref<1x1x2x80xi32, #tpu.memory_space<hbm>>
    %dma_start3A_51 = tpu.memref_squeeze %dma_start3A_50 : memref<1x1x2x80xi32, #tpu.memory_space<hbm>> -> memref<2x80xi32, #tpu.memory_space<hbm>>
    tpu.enqueue_dma source(%dma_start3A_51 : memref<2x80xi32, #tpu.memory_space<hbm>>) target(%arg10 : memref<2x80xi32, #tpu.memory_space<vmem>>) target_semaphore(%arg23 : memref<!tpu.dma_semaphore, #tpu.memory_space<semaphore_mem>>)
    %dma_start3A_52 = arith.constant 5 : i32
    %dma_start3A_53 = arith.constant 0 : i32
    %dma_start3A_54 = arith.constant 0 : i32
    %dma_start3A_55 = tpu.memref_slice %arg3[%add3A, %dma_start3A_52, %dma_start3A_53, %dma_start3A_54] : memref<32x125x2x80xi32, #tpu.memory_space<hbm>> -> memref<1x1x2x80xi32, #tpu.memory_space<hbm>>
    %dma_start3A_56 = tpu.memref_squeeze %dma_start3A_55 : memref<1x1x2x80xi32, #tpu.memory_space<hbm>> -> memref<2x80xi32, #tpu.memory_space<hbm>>
    %dma_start3A_57 = arith.constant 0 : i32
    %dma_start3A_58 = arith.constant 0 : i32
    %dma_start3A_59 = tpu.memref_slice %arg3[%add3A, %dma_start3A_52, %dma_start3A_57, %dma_start3A_58] : memref<32x125x2x80xi32, #tpu.memory_space<hbm>> -> memref<1x1x2x80xi32, #tpu.memory_space<hbm>>
    %dma_start3A_60 = tpu.memref_squeeze %dma_start3A_59 : memref<1x1x2x80xi32, #tpu.memory_space<hbm>> -> memref<2x80xi32, #tpu.memory_space<hbm>>
    tpu.enqueue_dma source(%dma_start3A_60 : memref<2x80xi32, #tpu.memory_space<hbm>>) target(%arg11 : memref<2x80xi32, #tpu.memory_space<vmem>>) target_semaphore(%arg24 : memref<!tpu.dma_semaphore, #tpu.memory_space<semaphore_mem>>)
    %dma_wait3A = arith.constant 0 : i32
    %dma_wait3A_61 = arith.constant 0 : i32
    %dma_wait3A_62 = arith.constant 0 : i32
    %dma_wait3A_63 = tpu.memref_slice %arg3[%add3A, %dma_wait3A, %dma_wait3A_61, %dma_wait3A_62] : memref<32x125x2x80xi32, #tpu.memory_space<hbm>> -> memref<1x1x2x80xi32, #tpu.memory_space<hbm>>
    %dma_wait3A_64 = tpu.memref_squeeze %dma_wait3A_63 : memref<1x1x2x80xi32, #tpu.memory_space<hbm>> -> memref<2x80xi32, #tpu.memory_space<hbm>>
    %dma_wait3A_65 = arith.constant 0 : i32
    %dma_wait3A_66 = arith.constant 0 : i32
    %dma_wait3A_67 = tpu.memref_slice %arg3[%add3A, %dma_wait3A, %dma_wait3A_65, %dma_wait3A_66] : memref<32x125x2x80xi32, #tpu.memory_space<hbm>> -> memref<1x1x2x80xi32, #tpu.memory_space<hbm>>
    %dma_wait3A_68 = tpu.memref_squeeze %dma_wait3A_67 : memref<1x1x2x80xi32, #tpu.memory_space<hbm>> -> memref<2x80xi32, #tpu.memory_space<hbm>>
    tpu.wait_dma2 semaphore(%arg19 : memref<!tpu.dma_semaphore, #tpu.memory_space<semaphore_mem>>) src(%dma_wait3A_68 : memref<2x80xi32, #tpu.memory_space<hbm>>) dst(%arg6 : memref<2x80xi32, #tpu.memory_space<vmem>>)
    %dma_start3A_69 = arith.constant 0 : i32
    %dma_start3A_70 = arith.constant 0 : i32
    %dma_start3A_71 = tpu.memref_slice %arg6[%dma_start3A_69, %dma_start3A_70] : memref<2x80xi32, #tpu.memory_space<vmem>> -> memref<1x80xi32, #tpu.memory_space<vmem>>
    %dma_start3A_72 = tpu.memref_squeeze %dma_start3A_71 : memref<1x80xi32, #tpu.memory_space<vmem>> -> memref<80xi32, #tpu.memory_space<vmem>>
    %dma_start3A_73 = arith.constant 0 : i32
    %dma_start3A_74 = arith.constant 0 : i32
    %dma_start3A_75 = tpu.memref_slice %arg2[%dma_start3A_73, %dma_start3A_74] : memref<10000x128xf32, #tpu.memory_space<hbm>> -> memref<10000x128xf32, #tpu.memory_space<hbm>>
    tpu.enqueue_indirect_dma source(%dma_start3A_75 : memref<10000x128xf32, #tpu.memory_space<hbm>>) target(%arg14 : memref<80x128xf32, #tpu.memory_space<vmem>>) offsets(%dma_start3A_72 : memref<80xi32, #tpu.memory_space<vmem>>) semaphore(%arg27 : memref<!tpu.dma_semaphore, #tpu.memory_space<semaphore_mem>>)
    %dma_wait3A_76 = arith.constant 0 : i32
    %dma_wait3A_77 = arith.constant 0 : i32
    %dma_wait3A_78 = arith.constant 0 : i32
    %dma_wait3A_79 = tpu.memref_slice %arg3[%add3A, %dma_wait3A_76, %dma_wait3A_77, %dma_wait3A_78] : memref<32x125x2x80xi32, #tpu.memory_space<hbm>> -> memref<1x1x2x80xi32, #tpu.memory_space<hbm>>
    %dma_wait3A_80 = tpu.memref_squeeze %dma_wait3A_79 : memref<1x1x2x80xi32, #tpu.memory_space<hbm>> -> memref<2x80xi32, #tpu.memory_space<hbm>>
    %dma_wait3A_81 = arith.constant 0 : i32
    %dma_wait3A_82 = arith.constant 0 : i32
    %dma_wait3A_83 = tpu.memref_slice %arg3[%add3A, %dma_wait3A_76, %dma_wait3A_81, %dma_wait3A_82] : memref<32x125x2x80xi32, #tpu.memory_space<hbm>> -> memref<1x1x2x80xi32, #tpu.memory_space<hbm>>
    %dma_wait3A_84 = tpu.memref_squeeze %dma_wait3A_83 : memref<1x1x2x80xi32, #tpu.memory_space<hbm>> -> memref<2x80xi32, #tpu.memory_space<hbm>>
    tpu.wait_dma2 semaphore(%arg20 : memref<!tpu.dma_semaphore, #tpu.memory_space<semaphore_mem>>) src(%dma_wait3A_84 : memref<2x80xi32, #tpu.memory_space<hbm>>) dst(%arg7 : memref<2x80xi32, #tpu.memory_space<vmem>>)
    %dma_start3A_85 = arith.constant 0 : i32
    %dma_start3A_86 = arith.constant 0 : i32
    %dma_start3A_87 = tpu.memref_slice %arg7[%dma_start3A_85, %dma_start3A_86] : memref<2x80xi32, #tpu.memory_space<vmem>> -> memref<1x80xi32, #tpu.memory_space<vmem>>
    %dma_start3A_88 = tpu.memref_squeeze %dma_start3A_87 : memref<1x80xi32, #tpu.memory_space<vmem>> -> memref<80xi32, #tpu.memory_space<vmem>>
    %dma_start3A_89 = arith.constant 0 : i32
    %dma_start3A_90 = arith.constant 0 : i32
    %dma_start3A_91 = tpu.memref_slice %arg2[%dma_start3A_89, %dma_start3A_90] : memref<10000x128xf32, #tpu.memory_space<hbm>> -> memref<10000x128xf32, #tpu.memory_space<hbm>>
    tpu.enqueue_indirect_dma source(%dma_start3A_91 : memref<10000x128xf32, #tpu.memory_space<hbm>>) target(%arg15 : memref<80x128xf32, #tpu.memory_space<vmem>>) offsets(%dma_start3A_88 : memref<80xi32, #tpu.memory_space<vmem>>) semaphore(%arg28 : memref<!tpu.dma_semaphore, #tpu.memory_space<semaphore_mem>>)
    %scan3A = arith.constant 0 : i32
    %scan3A_92 = arith.constant 0 : i32
    %scan3A_93 = arith.constant 15 : i32
    %scan3A_94 = arith.addi %scan3A_92, %scan3A_93 : i32
    %scan3A_95 = arith.constant 1 : i32
    scf.for %scan3A_274 = %scan3A_92 to %scan3A_94 step %scan3A_95  : i32 {
      %mul3A_275 = arith.constant 8 : i32
      %mul3A_276 = arith.muli %scan3A_274, %mul3A_275 : i32
      %add3A_277 = arith.constant 0 : i32
      %add3A_278 = arith.addi %mul3A_276, %add3A_277 : i32
      %dma_wait3A_279 = arith.constant 0 : i32
      %dma_wait3A_280 = arith.constant 0 : i32
      %dma_wait3A_281 = tpu.memref_slice %arg6[%dma_wait3A_279, %dma_wait3A_280] : memref<2x80xi32, #tpu.memory_space<vmem>> -> memref<1x80xi32, #tpu.memory_space<vmem>>
      %dma_wait3A_282 = tpu.memref_squeeze %dma_wait3A_281 : memref<1x80xi32, #tpu.memory_space<vmem>> -> memref<80xi32, #tpu.memory_space<vmem>>
      %dma_wait3A_283 = arith.constant 0 : i32
      %dma_wait3A_284 = arith.constant 0 : i32
      %dma_wait3A_285 = tpu.memref_slice %arg2[%dma_wait3A_283, %dma_wait3A_284] : memref<10000x128xf32, #tpu.memory_space<hbm>> -> memref<10000x128xf32, #tpu.memory_space<hbm>>
      tpu.wait_indirect_dma semaphore(%arg27 : memref<!tpu.dma_semaphore, #tpu.memory_space<semaphore_mem>>) src(%dma_wait3A_285 : memref<10000x128xf32, #tpu.memory_space<hbm>>) dst(%arg14 : memref<80x128xf32, #tpu.memory_space<vmem>>)
      %dma_start3A_286 = arith.constant 1 : i32
      %dma_start3A_287 = arith.constant 0 : i32
      %dma_start3A_288 = tpu.memref_slice %arg6[%dma_start3A_286, %dma_start3A_287] : memref<2x80xi32, #tpu.memory_space<vmem>> -> memref<1x80xi32, #tpu.memory_space<vmem>>
      %dma_start3A_289 = tpu.memref_squeeze %dma_start3A_288 : memref<1x80xi32, #tpu.memory_space<vmem>> -> memref<80xi32, #tpu.memory_space<vmem>>
      %dma_start3A_290 = arith.constant 0 : i32
      %dma_start3A_291 = arith.constant 0 : i32
      %dma_start3A_292 = tpu.memref_slice %arg18[%dma_start3A_290, %dma_start3A_291] : memref<10000x128xf32, #tpu.memory_space<vmem_shared>> -> memref<10000x128xf32, #tpu.memory_space<vmem_shared>>
      tpu.enqueue_indirect_dma source(%arg14 : memref<80x128xf32, #tpu.memory_space<vmem>>) target(%dma_start3A_292 : memref<10000x128xf32, #tpu.memory_space<vmem_shared>>) offsets(%dma_start3A_289 : memref<80xi32, #tpu.memory_space<vmem>>) semaphore(%arg31 : memref<!tpu.dma_semaphore, #tpu.memory_space<semaphore_mem>>) {add = true}
      %ge3A = arith.constant 2 : i32
      %ge3A_293 = arith.cmpi sge, %add3A_278, %ge3A : i32
      %convert_element_type3A_294 = arith.extui %ge3A_293 : i1 to i32
      %cond3A_295 = arith.constant 0 : i32
      %cond3A_296 = arith.cmpi ne, %convert_element_type3A_294, %cond3A_295 : i32
      scf.if %cond3A_296 {
        %dma_wait3A_584 = arith.constant 1 : i32
        %dma_wait3A_585 = arith.constant 0 : i32
        %dma_wait3A_586 = tpu.memref_slice %arg6[%dma_wait3A_584, %dma_wait3A_585] : memref<2x80xi32, #tpu.memory_space<vmem>> -> memref<1x80xi32, #tpu.memory_space<vmem>>
        %dma_wait3A_587 = tpu.memref_squeeze %dma_wait3A_586 : memref<1x80xi32, #tpu.memory_space<vmem>> -> memref<80xi32, #tpu.memory_space<vmem>>
        %dma_wait3A_588 = arith.constant 0 : i32
        %dma_wait3A_589 = arith.constant 0 : i32
        %dma_wait3A_590 = tpu.memref_slice %arg18[%dma_wait3A_588, %dma_wait3A_589] : memref<10000x128xf32, #tpu.memory_space<vmem_shared>> -> memref<10000x128xf32, #tpu.memory_space<vmem_shared>>
        tpu.wait_indirect_dma semaphore(%arg33 : memref<!tpu.dma_semaphore, #tpu.memory_space<semaphore_mem>>) src(%arg14 : memref<80x128xf32, #tpu.memory_space<vmem>>) dst(%dma_wait3A_590 : memref<10000x128xf32, #tpu.memory_space<vmem_shared>>)
      } else {
      }
      %add3A_297 = arith.constant 8 : i32
      %add3A_298 = arith.addi %add3A_278, %add3A_297 : i32
      %sub3A = arith.constant 2 : i32
      %sub3A_299 = arith.subi %add3A_298, %sub3A : i32
      %lt3A = arith.constant 125 : i32
      %lt3A_300 = arith.cmpi slt, %sub3A_299, %lt3A : i32
      %convert_element_type3A_301 = arith.extui %lt3A_300 : i1 to i32
      %cond3A_302 = arith.constant 0 : i32
      %cond3A_303 = arith.cmpi ne, %convert_element_type3A_301, %cond3A_302 : i32
      scf.if %cond3A_303 {
        %add3A_584 = arith.constant 8 : i32
        %add3A_585 = arith.addi %add3A_278, %add3A_584 : i32
        %sub3A_586 = arith.constant 2 : i32
        %sub3A_587 = arith.subi %add3A_585, %sub3A_586 : i32
        %dma_start3A_588 = arith.constant 0 : i32
        %dma_start3A_589 = arith.constant 0 : i32
        %dma_start3A_590 = tpu.memref_slice %arg3[%add3A, %sub3A_587, %dma_start3A_588, %dma_start3A_589] : memref<32x125x2x80xi32, #tpu.memory_space<hbm>> -> memref<1x1x2x80xi32, #tpu.memory_space<hbm>>
        %dma_start3A_591 = tpu.memref_squeeze %dma_start3A_590 : memref<1x1x2x80xi32, #tpu.memory_space<hbm>> -> memref<2x80xi32, #tpu.memory_space<hbm>>
        %dma_start3A_592 = arith.constant 0 : i32
        %dma_start3A_593 = arith.constant 0 : i32
        %dma_start3A_594 = tpu.memref_slice %arg3[%add3A, %sub3A_587, %dma_start3A_592, %dma_start3A_593] : memref<32x125x2x80xi32, #tpu.memory_space<hbm>> -> memref<1x1x2x80xi32, #tpu.memory_space<hbm>>
        %dma_start3A_595 = tpu.memref_squeeze %dma_start3A_594 : memref<1x1x2x80xi32, #tpu.memory_space<hbm>> -> memref<2x80xi32, #tpu.memory_space<hbm>>
        tpu.enqueue_dma source(%dma_start3A_595 : memref<2x80xi32, #tpu.memory_space<hbm>>) target(%arg12 : memref<2x80xi32, #tpu.memory_space<vmem>>) target_semaphore(%arg25 : memref<!tpu.dma_semaphore, #tpu.memory_space<semaphore_mem>>)
      } else {
      }
      %add3A_304 = arith.constant 2 : i32
      %add3A_305 = arith.addi %add3A_278, %add3A_304 : i32
      %lt3A_306 = arith.constant 125 : i32
      %lt3A_307 = arith.cmpi slt, %add3A_305, %lt3A_306 : i32
      %convert_element_type3A_308 = arith.extui %lt3A_307 : i1 to i32
      %cond3A_309 = arith.constant 0 : i32
      %cond3A_310 = arith.cmpi ne, %convert_element_type3A_308, %cond3A_309 : i32
      scf.if %cond3A_310 {
        %dma_wait3A_584 = arith.constant 0 : i32
        %dma_wait3A_585 = arith.constant 0 : i32
        %dma_wait3A_586 = arith.constant 0 : i32
        %dma_wait3A_587 = tpu.memref_slice %arg3[%add3A, %dma_wait3A_584, %dma_wait3A_585, %dma_wait3A_586] : memref<32x125x2x80xi32, #tpu.memory_space<hbm>> -> memref<1x1x2x80xi32, #tpu.memory_space<hbm>>
        %dma_wait3A_588 = tpu.memref_squeeze %dma_wait3A_587 : memref<1x1x2x80xi32, #tpu.memory_space<hbm>> -> memref<2x80xi32, #tpu.memory_space<hbm>>
        %dma_wait3A_589 = arith.constant 0 : i32
        %dma_wait3A_590 = arith.constant 0 : i32
        %dma_wait3A_591 = tpu.memref_slice %arg3[%add3A, %dma_wait3A_584, %dma_wait3A_589, %dma_wait3A_590] : memref<32x125x2x80xi32, #tpu.memory_space<hbm>> -> memref<1x1x2x80xi32, #tpu.memory_space<hbm>>
        %dma_wait3A_592 = tpu.memref_squeeze %dma_wait3A_591 : memref<1x1x2x80xi32, #tpu.memory_space<hbm>> -> memref<2x80xi32, #tpu.memory_space<hbm>>
        tpu.wait_dma2 semaphore(%arg21 : memref<!tpu.dma_semaphore, #tpu.memory_space<semaphore_mem>>) src(%dma_wait3A_592 : memref<2x80xi32, #tpu.memory_space<hbm>>) dst(%arg8 : memref<2x80xi32, #tpu.memory_space<vmem>>)
        %dma_start3A_593 = arith.constant 0 : i32
        %dma_start3A_594 = arith.constant 0 : i32
        %dma_start3A_595 = tpu.memref_slice %arg8[%dma_start3A_593, %dma_start3A_594] : memref<2x80xi32, #tpu.memory_space<vmem>> -> memref<1x80xi32, #tpu.memory_space<vmem>>
        %dma_start3A_596 = tpu.memref_squeeze %dma_start3A_595 : memref<1x80xi32, #tpu.memory_space<vmem>> -> memref<80xi32, #tpu.memory_space<vmem>>
        %dma_start3A_597 = arith.constant 0 : i32
        %dma_start3A_598 = arith.constant 0 : i32
        %dma_start3A_599 = tpu.memref_slice %arg2[%dma_start3A_597, %dma_start3A_598] : memref<10000x128xf32, #tpu.memory_space<hbm>> -> memref<10000x128xf32, #tpu.memory_space<hbm>>
        tpu.enqueue_indirect_dma source(%dma_start3A_599 : memref<10000x128xf32, #tpu.memory_space<hbm>>) target(%arg16 : memref<80x128xf32, #tpu.memory_space<vmem>>) offsets(%dma_start3A_596 : memref<80xi32, #tpu.memory_space<vmem>>) semaphore(%arg29 : memref<!tpu.dma_semaphore, #tpu.memory_space<semaphore_mem>>)
      } else {
      }
      %mul3A_311 = arith.constant 8 : i32
      %mul3A_312 = arith.muli %scan3A_274, %mul3A_311 : i32
      %add3A_313 = arith.constant 1 : i32
      %add3A_314 = arith.addi %mul3A_312, %add3A_313 : i32
      %dma_wait3A_315 = arith.constant 0 : i32
      %dma_wait3A_316 = arith.constant 0 : i32
      %dma_wait3A_317 = tpu.memref_slice %arg6[%dma_wait3A_315, %dma_wait3A_316] : memref<2x80xi32, #tpu.memory_space<vmem>> -> memref<1x80xi32, #tpu.memory_space<vmem>>
      %dma_wait3A_318 = tpu.memref_squeeze %dma_wait3A_317 : memref<1x80xi32, #tpu.memory_space<vmem>> -> memref<80xi32, #tpu.memory_space<vmem>>
      %dma_wait3A_319 = arith.constant 0 : i32
      %dma_wait3A_320 = arith.constant 0 : i32
      %dma_wait3A_321 = tpu.memref_slice %arg2[%dma_wait3A_319, %dma_wait3A_320] : memref<10000x128xf32, #tpu.memory_space<hbm>> -> memref<10000x128xf32, #tpu.memory_space<hbm>>
      tpu.wait_indirect_dma semaphore(%arg28 : memref<!tpu.dma_semaphore, #tpu.memory_space<semaphore_mem>>) src(%dma_wait3A_321 : memref<10000x128xf32, #tpu.memory_space<hbm>>) dst(%arg15 : memref<80x128xf32, #tpu.memory_space<vmem>>)
      %dma_start3A_322 = arith.constant 1 : i32
      %dma_start3A_323 = arith.constant 0 : i32
      %dma_start3A_324 = tpu.memref_slice %arg7[%dma_start3A_322, %dma_start3A_323] : memref<2x80xi32, #tpu.memory_space<vmem>> -> memref<1x80xi32, #tpu.memory_space<vmem>>
      %dma_start3A_325 = tpu.memref_squeeze %dma_start3A_324 : memref<1x80xi32, #tpu.memory_space<vmem>> -> memref<80xi32, #tpu.memory_space<vmem>>
      %dma_start3A_326 = arith.constant 0 : i32
      %dma_start3A_327 = arith.constant 0 : i32
      %dma_start3A_328 = tpu.memref_slice %arg18[%dma_start3A_326, %dma_start3A_327] : memref<10000x128xf32, #tpu.memory_space<vmem_shared>> -> memref<10000x128xf32, #tpu.memory_space<vmem_shared>>
      tpu.enqueue_indirect_dma source(%arg15 : memref<80x128xf32, #tpu.memory_space<vmem>>) target(%dma_start3A_328 : memref<10000x128xf32, #tpu.memory_space<vmem_shared>>) offsets(%dma_start3A_325 : memref<80xi32, #tpu.memory_space<vmem>>) semaphore(%arg32 : memref<!tpu.dma_semaphore, #tpu.memory_space<semaphore_mem>>) {add = true}
      %ge3A_329 = arith.constant 2 : i32
      %ge3A_330 = arith.cmpi sge, %add3A_314, %ge3A_329 : i32
      %convert_element_type3A_331 = arith.extui %ge3A_330 : i1 to i32
      %cond3A_332 = arith.constant 0 : i32
      %cond3A_333 = arith.cmpi ne, %convert_element_type3A_331, %cond3A_332 : i32
      scf.if %cond3A_333 {
        %dma_wait3A_584 = arith.constant 1 : i32
        %dma_wait3A_585 = arith.constant 0 : i32
        %dma_wait3A_586 = tpu.memref_slice %arg6[%dma_wait3A_584, %dma_wait3A_585] : memref<2x80xi32, #tpu.memory_space<vmem>> -> memref<1x80xi32, #tpu.memory_space<vmem>>
        %dma_wait3A_587 = tpu.memref_squeeze %dma_wait3A_586 : memref<1x80xi32, #tpu.memory_space<vmem>> -> memref<80xi32, #tpu.memory_space<vmem>>
        %dma_wait3A_588 = arith.constant 0 : i32
        %dma_wait3A_589 = arith.constant 0 : i32
        %dma_wait3A_590 = tpu.memref_slice %arg18[%dma_wait3A_588, %dma_wait3A_589] : memref<10000x128xf32, #tpu.memory_space<vmem_shared>> -> memref<10000x128xf32, #tpu.memory_space<vmem_shared>>
        tpu.wait_indirect_dma semaphore(%arg34 : memref<!tpu.dma_semaphore, #tpu.memory_space<semaphore_mem>>) src(%arg14 : memref<80x128xf32, #tpu.memory_space<vmem>>) dst(%dma_wait3A_590 : memref<10000x128xf32, #tpu.memory_space<vmem_shared>>)
      } else {
      }
      %add3A_334 = arith.constant 8 : i32
      %add3A_335 = arith.addi %add3A_314, %add3A_334 : i32
      %sub3A_336 = arith.constant 2 : i32
      %sub3A_337 = arith.subi %add3A_335, %sub3A_336 : i32
      %lt3A_338 = arith.constant 125 : i32
      %lt3A_339 = arith.cmpi slt, %sub3A_337, %lt3A_338 : i32
      %convert_element_type3A_340 = arith.extui %lt3A_339 : i1 to i32
      %cond3A_341 = arith.constant 0 : i32
      %cond3A_342 = arith.cmpi ne, %convert_element_type3A_340, %cond3A_341 : i32
      scf.if %cond3A_342 {
        %add3A_584 = arith.constant 8 : i32
        %add3A_585 = arith.addi %add3A_314, %add3A_584 : i32
        %sub3A_586 = arith.constant 2 : i32
        %sub3A_587 = arith.subi %add3A_585, %sub3A_586 : i32
        %dma_start3A_588 = arith.constant 0 : i32
        %dma_start3A_589 = arith.constant 0 : i32
        %dma_start3A_590 = tpu.memref_slice %arg3[%add3A, %sub3A_587, %dma_start3A_588, %dma_start3A_589] : memref<32x125x2x80xi32, #tpu.memory_space<hbm>> -> memref<1x1x2x80xi32, #tpu.memory_space<hbm>>
        %dma_start3A_591 = tpu.memref_squeeze %dma_start3A_590 : memref<1x1x2x80xi32, #tpu.memory_space<hbm>> -> memref<2x80xi32, #tpu.memory_space<hbm>>
        %dma_start3A_592 = arith.constant 0 : i32
        %dma_start3A_593 = arith.constant 0 : i32
        %dma_start3A_594 = tpu.memref_slice %arg3[%add3A, %sub3A_587, %dma_start3A_592, %dma_start3A_593] : memref<32x125x2x80xi32, #tpu.memory_space<hbm>> -> memref<1x1x2x80xi32, #tpu.memory_space<hbm>>
        %dma_start3A_595 = tpu.memref_squeeze %dma_start3A_594 : memref<1x1x2x80xi32, #tpu.memory_space<hbm>> -> memref<2x80xi32, #tpu.memory_space<hbm>>
        tpu.enqueue_dma source(%dma_start3A_595 : memref<2x80xi32, #tpu.memory_space<hbm>>) target(%arg13 : memref<2x80xi32, #tpu.memory_space<vmem>>) target_semaphore(%arg26 : memref<!tpu.dma_semaphore, #tpu.memory_space<semaphore_mem>>)
      } else {
      }
      %add3A_343 = arith.constant 2 : i32
      %add3A_344 = arith.addi %add3A_314, %add3A_343 : i32
      %lt3A_345 = arith.constant 125 : i32
      %lt3A_346 = arith.cmpi slt, %add3A_344, %lt3A_345 : i32
      %convert_element_type3A_347 = arith.extui %lt3A_346 : i1 to i32
      %cond3A_348 = arith.constant 0 : i32
      %cond3A_349 = arith.cmpi ne, %convert_element_type3A_347, %cond3A_348 : i32
      scf.if %cond3A_349 {
        %dma_wait3A_584 = arith.constant 0 : i32
        %dma_wait3A_585 = arith.constant 0 : i32
        %dma_wait3A_586 = arith.constant 0 : i32
        %dma_wait3A_587 = tpu.memref_slice %arg3[%add3A, %dma_wait3A_584, %dma_wait3A_585, %dma_wait3A_586] : memref<32x125x2x80xi32, #tpu.memory_space<hbm>> -> memref<1x1x2x80xi32, #tpu.memory_space<hbm>>
        %dma_wait3A_588 = tpu.memref_squeeze %dma_wait3A_587 : memref<1x1x2x80xi32, #tpu.memory_space<hbm>> -> memref<2x80xi32, #tpu.memory_space<hbm>>
        %dma_wait3A_589 = arith.constant 0 : i32
        %dma_wait3A_590 = arith.constant 0 : i32
        %dma_wait3A_591 = tpu.memref_slice %arg3[%add3A, %dma_wait3A_584, %dma_wait3A_589, %dma_wait3A_590] : memref<32x125x2x80xi32, #tpu.memory_space<hbm>> -> memref<1x1x2x80xi32, #tpu.memory_space<hbm>>
        %dma_wait3A_592 = tpu.memref_squeeze %dma_wait3A_591 : memref<1x1x2x80xi32, #tpu.memory_space<hbm>> -> memref<2x80xi32, #tpu.memory_space<hbm>>
        tpu.wait_dma2 semaphore(%arg22 : memref<!tpu.dma_semaphore, #tpu.memory_space<semaphore_mem>>) src(%dma_wait3A_592 : memref<2x80xi32, #tpu.memory_space<hbm>>) dst(%arg9 : memref<2x80xi32, #tpu.memory_space<vmem>>)
        %dma_start3A_593 = arith.constant 0 : i32
        %dma_start3A_594 = arith.constant 0 : i32
        %dma_start3A_595 = tpu.memref_slice %arg9[%dma_start3A_593, %dma_start3A_594] : memref<2x80xi32, #tpu.memory_space<vmem>> -> memref<1x80xi32, #tpu.memory_space<vmem>>
        %dma_start3A_596 = tpu.memref_squeeze %dma_start3A_595 : memref<1x80xi32, #tpu.memory_space<vmem>> -> memref<80xi32, #tpu.memory_space<vmem>>
        %dma_start3A_597 = arith.constant 0 : i32
        %dma_start3A_598 = arith.constant 0 : i32
        %dma_start3A_599 = tpu.memref_slice %arg2[%dma_start3A_597, %dma_start3A_598] : memref<10000x128xf32, #tpu.memory_space<hbm>> -> memref<10000x128xf32, #tpu.memory_space<hbm>>
        tpu.enqueue_indirect_dma source(%dma_start3A_599 : memref<10000x128xf32, #tpu.memory_space<hbm>>) target(%arg17 : memref<80x128xf32, #tpu.memory_space<vmem>>) offsets(%dma_start3A_596 : memref<80xi32, #tpu.memory_space<vmem>>) semaphore(%arg30 : memref<!tpu.dma_semaphore, #tpu.memory_space<semaphore_mem>>)
      } else {
      }
      %mul3A_350 = arith.constant 8 : i32
      %mul3A_351 = arith.muli %scan3A_274, %mul3A_350 : i32
      %add3A_352 = arith.constant 2 : i32
      %add3A_353 = arith.addi %mul3A_351, %add3A_352 : i32
      %dma_wait3A_354 = arith.constant 0 : i32
      %dma_wait3A_355 = arith.constant 0 : i32
      %dma_wait3A_356 = tpu.memref_slice %arg6[%dma_wait3A_354, %dma_wait3A_355] : memref<2x80xi32, #tpu.memory_space<vmem>> -> memref<1x80xi32, #tpu.memory_space<vmem>>
      %dma_wait3A_357 = tpu.memref_squeeze %dma_wait3A_356 : memref<1x80xi32, #tpu.memory_space<vmem>> -> memref<80xi32, #tpu.memory_space<vmem>>
      %dma_wait3A_358 = arith.constant 0 : i32
      %dma_wait3A_359 = arith.constant 0 : i32
      %dma_wait3A_360 = tpu.memref_slice %arg2[%dma_wait3A_358, %dma_wait3A_359] : memref<10000x128xf32, #tpu.memory_space<hbm>> -> memref<10000x128xf32, #tpu.memory_space<hbm>>
      tpu.wait_indirect_dma semaphore(%arg29 : memref<!tpu.dma_semaphore, #tpu.memory_space<semaphore_mem>>) src(%dma_wait3A_360 : memref<10000x128xf32, #tpu.memory_space<hbm>>) dst(%arg16 : memref<80x128xf32, #tpu.memory_space<vmem>>)
      %dma_start3A_361 = arith.constant 1 : i32
      %dma_start3A_362 = arith.constant 0 : i32
      %dma_start3A_363 = tpu.memref_slice %arg8[%dma_start3A_361, %dma_start3A_362] : memref<2x80xi32, #tpu.memory_space<vmem>> -> memref<1x80xi32, #tpu.memory_space<vmem>>
      %dma_start3A_364 = tpu.memref_squeeze %dma_start3A_363 : memref<1x80xi32, #tpu.memory_space<vmem>> -> memref<80xi32, #tpu.memory_space<vmem>>
      %dma_start3A_365 = arith.constant 0 : i32
      %dma_start3A_366 = arith.constant 0 : i32
      %dma_start3A_367 = tpu.memref_slice %arg18[%dma_start3A_365, %dma_start3A_366] : memref<10000x128xf32, #tpu.memory_space<vmem_shared>> -> memref<10000x128xf32, #tpu.memory_space<vmem_shared>>
      tpu.enqueue_indirect_dma source(%arg16 : memref<80x128xf32, #tpu.memory_space<vmem>>) target(%dma_start3A_367 : memref<10000x128xf32, #tpu.memory_space<vmem_shared>>) offsets(%dma_start3A_364 : memref<80xi32, #tpu.memory_space<vmem>>) semaphore(%arg33 : memref<!tpu.dma_semaphore, #tpu.memory_space<semaphore_mem>>) {add = true}
      %ge3A_368 = arith.constant 2 : i32
      %ge3A_369 = arith.cmpi sge, %add3A_353, %ge3A_368 : i32
      %convert_element_type3A_370 = arith.extui %ge3A_369 : i1 to i32
      %cond3A_371 = arith.constant 0 : i32
      %cond3A_372 = arith.cmpi ne, %convert_element_type3A_370, %cond3A_371 : i32
      scf.if %cond3A_372 {
        %dma_wait3A_584 = arith.constant 1 : i32
        %dma_wait3A_585 = arith.constant 0 : i32
        %dma_wait3A_586 = tpu.memref_slice %arg6[%dma_wait3A_584, %dma_wait3A_585] : memref<2x80xi32, #tpu.memory_space<vmem>> -> memref<1x80xi32, #tpu.memory_space<vmem>>
        %dma_wait3A_587 = tpu.memref_squeeze %dma_wait3A_586 : memref<1x80xi32, #tpu.memory_space<vmem>> -> memref<80xi32, #tpu.memory_space<vmem>>
        %dma_wait3A_588 = arith.constant 0 : i32
        %dma_wait3A_589 = arith.constant 0 : i32
        %dma_wait3A_590 = tpu.memref_slice %arg18[%dma_wait3A_588, %dma_wait3A_589] : memref<10000x128xf32, #tpu.memory_space<vmem_shared>> -> memref<10000x128xf32, #tpu.memory_space<vmem_shared>>
        tpu.wait_indirect_dma semaphore(%arg31 : memref<!tpu.dma_semaphore, #tpu.memory_space<semaphore_mem>>) src(%arg14 : memref<80x128xf32, #tpu.memory_space<vmem>>) dst(%dma_wait3A_590 : memref<10000x128xf32, #tpu.memory_space<vmem_shared>>)
      } else {
      }
      %add3A_373 = arith.constant 8 : i32
      %add3A_374 = arith.addi %add3A_353, %add3A_373 : i32
      %sub3A_375 = arith.constant 2 : i32
      %sub3A_376 = arith.subi %add3A_374, %sub3A_375 : i32
      %lt3A_377 = arith.constant 125 : i32
      %lt3A_378 = arith.cmpi slt, %sub3A_376, %lt3A_377 : i32
      %convert_element_type3A_379 = arith.extui %lt3A_378 : i1 to i32
      %cond3A_380 = arith.constant 0 : i32
      %cond3A_381 = arith.cmpi ne, %convert_element_type3A_379, %cond3A_380 : i32
      scf.if %cond3A_381 {
        %add3A_584 = arith.constant 8 : i32
        %add3A_585 = arith.addi %add3A_353, %add3A_584 : i32
        %sub3A_586 = arith.constant 2 : i32
        %sub3A_587 = arith.subi %add3A_585, %sub3A_586 : i32
        %dma_start3A_588 = arith.constant 0 : i32
        %dma_start3A_589 = arith.constant 0 : i32
        %dma_start3A_590 = tpu.memref_slice %arg3[%add3A, %sub3A_587, %dma_start3A_588, %dma_start3A_589] : memref<32x125x2x80xi32, #tpu.memory_space<hbm>> -> memref<1x1x2x80xi32, #tpu.memory_space<hbm>>
        %dma_start3A_591 = tpu.memref_squeeze %dma_start3A_590 : memref<1x1x2x80xi32, #tpu.memory_space<hbm>> -> memref<2x80xi32, #tpu.memory_space<hbm>>
        %dma_start3A_592 = arith.constant 0 : i32
        %dma_start3A_593 = arith.constant 0 : i32
        %dma_start3A_594 = tpu.memref_slice %arg3[%add3A, %sub3A_587, %dma_start3A_592, %dma_start3A_593] : memref<32x125x2x80xi32, #tpu.memory_space<hbm>> -> memref<1x1x2x80xi32, #tpu.memory_space<hbm>>
        %dma_start3A_595 = tpu.memref_squeeze %dma_start3A_594 : memref<1x1x2x80xi32, #tpu.memory_space<hbm>> -> memref<2x80xi32, #tpu.memory_space<hbm>>
        tpu.enqueue_dma source(%dma_start3A_595 : memref<2x80xi32, #tpu.memory_space<hbm>>) target(%arg6 : memref<2x80xi32, #tpu.memory_space<vmem>>) target_semaphore(%arg19 : memref<!tpu.dma_semaphore, #tpu.memory_space<semaphore_mem>>)
      } else {
      }
      %add3A_382 = arith.constant 2 : i32
      %add3A_383 = arith.addi %add3A_353, %add3A_382 : i32
      %lt3A_384 = arith.constant 125 : i32
      %lt3A_385 = arith.cmpi slt, %add3A_383, %lt3A_384 : i32
      %convert_element_type3A_386 = arith.extui %lt3A_385 : i1 to i32
      %cond3A_387 = arith.constant 0 : i32
      %cond3A_388 = arith.cmpi ne, %convert_element_type3A_386, %cond3A_387 : i32
      scf.if %cond3A_388 {
        %dma_wait3A_584 = arith.constant 0 : i32
        %dma_wait3A_585 = arith.constant 0 : i32
        %dma_wait3A_586 = arith.constant 0 : i32
        %dma_wait3A_587 = tpu.memref_slice %arg3[%add3A, %dma_wait3A_584, %dma_wait3A_585, %dma_wait3A_586] : memref<32x125x2x80xi32, #tpu.memory_space<hbm>> -> memref<1x1x2x80xi32, #tpu.memory_space<hbm>>
        %dma_wait3A_588 = tpu.memref_squeeze %dma_wait3A_587 : memref<1x1x2x80xi32, #tpu.memory_space<hbm>> -> memref<2x80xi32, #tpu.memory_space<hbm>>
        %dma_wait3A_589 = arith.constant 0 : i32
        %dma_wait3A_590 = arith.constant 0 : i32
        %dma_wait3A_591 = tpu.memref_slice %arg3[%add3A, %dma_wait3A_584, %dma_wait3A_589, %dma_wait3A_590] : memref<32x125x2x80xi32, #tpu.memory_space<hbm>> -> memref<1x1x2x80xi32, #tpu.memory_space<hbm>>
        %dma_wait3A_592 = tpu.memref_squeeze %dma_wait3A_591 : memref<1x1x2x80xi32, #tpu.memory_space<hbm>> -> memref<2x80xi32, #tpu.memory_space<hbm>>
        tpu.wait_dma2 semaphore(%arg23 : memref<!tpu.dma_semaphore, #tpu.memory_space<semaphore_mem>>) src(%dma_wait3A_592 : memref<2x80xi32, #tpu.memory_space<hbm>>) dst(%arg10 : memref<2x80xi32, #tpu.memory_space<vmem>>)
        %dma_start3A_593 = arith.constant 0 : i32
        %dma_start3A_594 = arith.constant 0 : i32
        %dma_start3A_595 = tpu.memref_slice %arg10[%dma_start3A_593, %dma_start3A_594] : memref<2x80xi32, #tpu.memory_space<vmem>> -> memref<1x80xi32, #tpu.memory_space<vmem>>
        %dma_start3A_596 = tpu.memref_squeeze %dma_start3A_595 : memref<1x80xi32, #tpu.memory_space<vmem>> -> memref<80xi32, #tpu.memory_space<vmem>>
        %dma_start3A_597 = arith.constant 0 : i32
        %dma_start3A_598 = arith.constant 0 : i32
        %dma_start3A_599 = tpu.memref_slice %arg2[%dma_start3A_597, %dma_start3A_598] : memref<10000x128xf32, #tpu.memory_space<hbm>> -> memref<10000x128xf32, #tpu.memory_space<hbm>>
        tpu.enqueue_indirect_dma source(%dma_start3A_599 : memref<10000x128xf32, #tpu.memory_space<hbm>>) target(%arg14 : memref<80x128xf32, #tpu.memory_space<vmem>>) offsets(%dma_start3A_596 : memref<80xi32, #tpu.memory_space<vmem>>) semaphore(%arg27 : memref<!tpu.dma_semaphore, #tpu.memory_space<semaphore_mem>>)
      } else {
      }
      %mul3A_389 = arith.constant 8 : i32
      %mul3A_390 = arith.muli %scan3A_274, %mul3A_389 : i32
      %add3A_391 = arith.constant 3 : i32
      %add3A_392 = arith.addi %mul3A_390, %add3A_391 : i32
      %dma_wait3A_393 = arith.constant 0 : i32
      %dma_wait3A_394 = arith.constant 0 : i32
      %dma_wait3A_395 = tpu.memref_slice %arg6[%dma_wait3A_393, %dma_wait3A_394] : memref<2x80xi32, #tpu.memory_space<vmem>> -> memref<1x80xi32, #tpu.memory_space<vmem>>
      %dma_wait3A_396 = tpu.memref_squeeze %dma_wait3A_395 : memref<1x80xi32, #tpu.memory_space<vmem>> -> memref<80xi32, #tpu.memory_space<vmem>>
      %dma_wait3A_397 = arith.constant 0 : i32
      %dma_wait3A_398 = arith.constant 0 : i32
      %dma_wait3A_399 = tpu.memref_slice %arg2[%dma_wait3A_397, %dma_wait3A_398] : memref<10000x128xf32, #tpu.memory_space<hbm>> -> memref<10000x128xf32, #tpu.memory_space<hbm>>
      tpu.wait_indirect_dma semaphore(%arg30 : memref<!tpu.dma_semaphore, #tpu.memory_space<semaphore_mem>>) src(%dma_wait3A_399 : memref<10000x128xf32, #tpu.memory_space<hbm>>) dst(%arg17 : memref<80x128xf32, #tpu.memory_space<vmem>>)
      %dma_start3A_400 = arith.constant 1 : i32
      %dma_start3A_401 = arith.constant 0 : i32
      %dma_start3A_402 = tpu.memref_slice %arg9[%dma_start3A_400, %dma_start3A_401] : memref<2x80xi32, #tpu.memory_space<vmem>> -> memref<1x80xi32, #tpu.memory_space<vmem>>
      %dma_start3A_403 = tpu.memref_squeeze %dma_start3A_402 : memref<1x80xi32, #tpu.memory_space<vmem>> -> memref<80xi32, #tpu.memory_space<vmem>>
      %dma_start3A_404 = arith.constant 0 : i32
      %dma_start3A_405 = arith.constant 0 : i32
      %dma_start3A_406 = tpu.memref_slice %arg18[%dma_start3A_404, %dma_start3A_405] : memref<10000x128xf32, #tpu.memory_space<vmem_shared>> -> memref<10000x128xf32, #tpu.memory_space<vmem_shared>>
      tpu.enqueue_indirect_dma source(%arg17 : memref<80x128xf32, #tpu.memory_space<vmem>>) target(%dma_start3A_406 : memref<10000x128xf32, #tpu.memory_space<vmem_shared>>) offsets(%dma_start3A_403 : memref<80xi32, #tpu.memory_space<vmem>>) semaphore(%arg34 : memref<!tpu.dma_semaphore, #tpu.memory_space<semaphore_mem>>) {add = true}
      %ge3A_407 = arith.constant 2 : i32
      %ge3A_408 = arith.cmpi sge, %add3A_392, %ge3A_407 : i32
      %convert_element_type3A_409 = arith.extui %ge3A_408 : i1 to i32
      %cond3A_410 = arith.constant 0 : i32
      %cond3A_411 = arith.cmpi ne, %convert_element_type3A_409, %cond3A_410 : i32
      scf.if %cond3A_411 {
        %dma_wait3A_584 = arith.constant 1 : i32
        %dma_wait3A_585 = arith.constant 0 : i32
        %dma_wait3A_586 = tpu.memref_slice %arg6[%dma_wait3A_584, %dma_wait3A_585] : memref<2x80xi32, #tpu.memory_space<vmem>> -> memref<1x80xi32, #tpu.memory_space<vmem>>
        %dma_wait3A_587 = tpu.memref_squeeze %dma_wait3A_586 : memref<1x80xi32, #tpu.memory_space<vmem>> -> memref<80xi32, #tpu.memory_space<vmem>>
        %dma_wait3A_588 = arith.constant 0 : i32
        %dma_wait3A_589 = arith.constant 0 : i32
        %dma_wait3A_590 = tpu.memref_slice %arg18[%dma_wait3A_588, %dma_wait3A_589] : memref<10000x128xf32, #tpu.memory_space<vmem_shared>> -> memref<10000x128xf32, #tpu.memory_space<vmem_shared>>
        tpu.wait_indirect_dma semaphore(%arg32 : memref<!tpu.dma_semaphore, #tpu.memory_space<semaphore_mem>>) src(%arg14 : memref<80x128xf32, #tpu.memory_space<vmem>>) dst(%dma_wait3A_590 : memref<10000x128xf32, #tpu.memory_space<vmem_shared>>)
      } else {
      }
      %add3A_412 = arith.constant 8 : i32
      %add3A_413 = arith.addi %add3A_392, %add3A_412 : i32
      %sub3A_414 = arith.constant 2 : i32
      %sub3A_415 = arith.subi %add3A_413, %sub3A_414 : i32
      %lt3A_416 = arith.constant 125 : i32
      %lt3A_417 = arith.cmpi slt, %sub3A_415, %lt3A_416 : i32
      %convert_element_type3A_418 = arith.extui %lt3A_417 : i1 to i32
      %cond3A_419 = arith.constant 0 : i32
      %cond3A_420 = arith.cmpi ne, %convert_element_type3A_418, %cond3A_419 : i32
      scf.if %cond3A_420 {
        %add3A_584 = arith.constant 8 : i32
        %add3A_585 = arith.addi %add3A_392, %add3A_584 : i32
        %sub3A_586 = arith.constant 2 : i32
        %sub3A_587 = arith.subi %add3A_585, %sub3A_586 : i32
        %dma_start3A_588 = arith.constant 0 : i32
        %dma_start3A_589 = arith.constant 0 : i32
        %dma_start3A_590 = tpu.memref_slice %arg3[%add3A, %sub3A_587, %dma_start3A_588, %dma_start3A_589] : memref<32x125x2x80xi32, #tpu.memory_space<hbm>> -> memref<1x1x2x80xi32, #tpu.memory_space<hbm>>
        %dma_start3A_591 = tpu.memref_squeeze %dma_start3A_590 : memref<1x1x2x80xi32, #tpu.memory_space<hbm>> -> memref<2x80xi32, #tpu.memory_space<hbm>>
        %dma_start3A_592 = arith.constant 0 : i32
        %dma_start3A_593 = arith.constant 0 : i32
        %dma_start3A_594 = tpu.memref_slice %arg3[%add3A, %sub3A_587, %dma_start3A_592, %dma_start3A_593] : memref<32x125x2x80xi32, #tpu.memory_space<hbm>> -> memref<1x1x2x80xi32, #tpu.memory_space<hbm>>
        %dma_start3A_595 = tpu.memref_squeeze %dma_start3A_594 : memref<1x1x2x80xi32, #tpu.memory_space<hbm>> -> memref<2x80xi32, #tpu.memory_space<hbm>>
        tpu.enqueue_dma source(%dma_start3A_595 : memref<2x80xi32, #tpu.memory_space<hbm>>) target(%arg7 : memref<2x80xi32, #tpu.memory_space<vmem>>) target_semaphore(%arg20 : memref<!tpu.dma_semaphore, #tpu.memory_space<semaphore_mem>>)
      } else {
      }
      %add3A_421 = arith.constant 2 : i32
      %add3A_422 = arith.addi %add3A_392, %add3A_421 : i32
      %lt3A_423 = arith.constant 125 : i32
      %lt3A_424 = arith.cmpi slt, %add3A_422, %lt3A_423 : i32
      %convert_element_type3A_425 = arith.extui %lt3A_424 : i1 to i32
      %cond3A_426 = arith.constant 0 : i32
      %cond3A_427 = arith.cmpi ne, %convert_element_type3A_425, %cond3A_426 : i32
      scf.if %cond3A_427 {
        %dma_wait3A_584 = arith.constant 0 : i32
        %dma_wait3A_585 = arith.constant 0 : i32
        %dma_wait3A_586 = arith.constant 0 : i32
        %dma_wait3A_587 = tpu.memref_slice %arg3[%add3A, %dma_wait3A_584, %dma_wait3A_585, %dma_wait3A_586] : memref<32x125x2x80xi32, #tpu.memory_space<hbm>> -> memref<1x1x2x80xi32, #tpu.memory_space<hbm>>
        %dma_wait3A_588 = tpu.memref_squeeze %dma_wait3A_587 : memref<1x1x2x80xi32, #tpu.memory_space<hbm>> -> memref<2x80xi32, #tpu.memory_space<hbm>>
        %dma_wait3A_589 = arith.constant 0 : i32
        %dma_wait3A_590 = arith.constant 0 : i32
        %dma_wait3A_591 = tpu.memref_slice %arg3[%add3A, %dma_wait3A_584, %dma_wait3A_589, %dma_wait3A_590] : memref<32x125x2x80xi32, #tpu.memory_space<hbm>> -> memref<1x1x2x80xi32, #tpu.memory_space<hbm>>
        %dma_wait3A_592 = tpu.memref_squeeze %dma_wait3A_591 : memref<1x1x2x80xi32, #tpu.memory_space<hbm>> -> memref<2x80xi32, #tpu.memory_space<hbm>>
        tpu.wait_dma2 semaphore(%arg24 : memref<!tpu.dma_semaphore, #tpu.memory_space<semaphore_mem>>) src(%dma_wait3A_592 : memref<2x80xi32, #tpu.memory_space<hbm>>) dst(%arg11 : memref<2x80xi32, #tpu.memory_space<vmem>>)
        %dma_start3A_593 = arith.constant 0 : i32
        %dma_start3A_594 = arith.constant 0 : i32
        %dma_start3A_595 = tpu.memref_slice %arg11[%dma_start3A_593, %dma_start3A_594] : memref<2x80xi32, #tpu.memory_space<vmem>> -> memref<1x80xi32, #tpu.memory_space<vmem>>
        %dma_start3A_596 = tpu.memref_squeeze %dma_start3A_595 : memref<1x80xi32, #tpu.memory_space<vmem>> -> memref<80xi32, #tpu.memory_space<vmem>>
        %dma_start3A_597 = arith.constant 0 : i32
        %dma_start3A_598 = arith.constant 0 : i32
        %dma_start3A_599 = tpu.memref_slice %arg2[%dma_start3A_597, %dma_start3A_598] : memref<10000x128xf32, #tpu.memory_space<hbm>> -> memref<10000x128xf32, #tpu.memory_space<hbm>>
        tpu.enqueue_indirect_dma source(%dma_start3A_599 : memref<10000x128xf32, #tpu.memory_space<hbm>>) target(%arg15 : memref<80x128xf32, #tpu.memory_space<vmem>>) offsets(%dma_start3A_596 : memref<80xi32, #tpu.memory_space<vmem>>) semaphore(%arg28 : memref<!tpu.dma_semaphore, #tpu.memory_space<semaphore_mem>>)
      } else {
      }
      %mul3A_428 = arith.constant 8 : i32
      %mul3A_429 = arith.muli %scan3A_274, %mul3A_428 : i32
      %add3A_430 = arith.constant 4 : i32
      %add3A_431 = arith.addi %mul3A_429, %add3A_430 : i32
      %dma_wait3A_432 = arith.constant 0 : i32
      %dma_wait3A_433 = arith.constant 0 : i32
      %dma_wait3A_434 = tpu.memref_slice %arg6[%dma_wait3A_432, %dma_wait3A_433] : memref<2x80xi32, #tpu.memory_space<vmem>> -> memref<1x80xi32, #tpu.memory_space<vmem>>
      %dma_wait3A_435 = tpu.memref_squeeze %dma_wait3A_434 : memref<1x80xi32, #tpu.memory_space<vmem>> -> memref<80xi32, #tpu.memory_space<vmem>>
      %dma_wait3A_436 = arith.constant 0 : i32
      %dma_wait3A_437 = arith.constant 0 : i32
      %dma_wait3A_438 = tpu.memref_slice %arg2[%dma_wait3A_436, %dma_wait3A_437] : memref<10000x128xf32, #tpu.memory_space<hbm>> -> memref<10000x128xf32, #tpu.memory_space<hbm>>
      tpu.wait_indirect_dma semaphore(%arg27 : memref<!tpu.dma_semaphore, #tpu.memory_space<semaphore_mem>>) src(%dma_wait3A_438 : memref<10000x128xf32, #tpu.memory_space<hbm>>) dst(%arg14 : memref<80x128xf32, #tpu.memory_space<vmem>>)
      %dma_start3A_439 = arith.constant 1 : i32
      %dma_start3A_440 = arith.constant 0 : i32
      %dma_start3A_441 = tpu.memref_slice %arg10[%dma_start3A_439, %dma_start3A_440] : memref<2x80xi32, #tpu.memory_space<vmem>> -> memref<1x80xi32, #tpu.memory_space<vmem>>
      %dma_start3A_442 = tpu.memref_squeeze %dma_start3A_441 : memref<1x80xi32, #tpu.memory_space<vmem>> -> memref<80xi32, #tpu.memory_space<vmem>>
      %dma_start3A_443 = arith.constant 0 : i32
      %dma_start3A_444 = arith.constant 0 : i32
      %dma_start3A_445 = tpu.memref_slice %arg18[%dma_start3A_443, %dma_start3A_444] : memref<10000x128xf32, #tpu.memory_space<vmem_shared>> -> memref<10000x128xf32, #tpu.memory_space<vmem_shared>>
      tpu.enqueue_indirect_dma source(%arg14 : memref<80x128xf32, #tpu.memory_space<vmem>>) target(%dma_start3A_445 : memref<10000x128xf32, #tpu.memory_space<vmem_shared>>) offsets(%dma_start3A_442 : memref<80xi32, #tpu.memory_space<vmem>>) semaphore(%arg31 : memref<!tpu.dma_semaphore, #tpu.memory_space<semaphore_mem>>) {add = true}
      %ge3A_446 = arith.constant 2 : i32
      %ge3A_447 = arith.cmpi sge, %add3A_431, %ge3A_446 : i32
      %convert_element_type3A_448 = arith.extui %ge3A_447 : i1 to i32
      %cond3A_449 = arith.constant 0 : i32
      %cond3A_450 = arith.cmpi ne, %convert_element_type3A_448, %cond3A_449 : i32
      scf.if %cond3A_450 {
        %dma_wait3A_584 = arith.constant 1 : i32
        %dma_wait3A_585 = arith.constant 0 : i32
        %dma_wait3A_586 = tpu.memref_slice %arg6[%dma_wait3A_584, %dma_wait3A_585] : memref<2x80xi32, #tpu.memory_space<vmem>> -> memref<1x80xi32, #tpu.memory_space<vmem>>
        %dma_wait3A_587 = tpu.memref_squeeze %dma_wait3A_586 : memref<1x80xi32, #tpu.memory_space<vmem>> -> memref<80xi32, #tpu.memory_space<vmem>>
        %dma_wait3A_588 = arith.constant 0 : i32
        %dma_wait3A_589 = arith.constant 0 : i32
        %dma_wait3A_590 = tpu.memref_slice %arg18[%dma_wait3A_588, %dma_wait3A_589] : memref<10000x128xf32, #tpu.memory_space<vmem_shared>> -> memref<10000x128xf32, #tpu.memory_space<vmem_shared>>
        tpu.wait_indirect_dma semaphore(%arg33 : memref<!tpu.dma_semaphore, #tpu.memory_space<semaphore_mem>>) src(%arg14 : memref<80x128xf32, #tpu.memory_space<vmem>>) dst(%dma_wait3A_590 : memref<10000x128xf32, #tpu.memory_space<vmem_shared>>)
      } else {
      }
      %add3A_451 = arith.constant 8 : i32
      %add3A_452 = arith.addi %add3A_431, %add3A_451 : i32
      %sub3A_453 = arith.constant 2 : i32
      %sub3A_454 = arith.subi %add3A_452, %sub3A_453 : i32
      %lt3A_455 = arith.constant 125 : i32
      %lt3A_456 = arith.cmpi slt, %sub3A_454, %lt3A_455 : i32
      %convert_element_type3A_457 = arith.extui %lt3A_456 : i1 to i32
      %cond3A_458 = arith.constant 0 : i32
      %cond3A_459 = arith.cmpi ne, %convert_element_type3A_457, %cond3A_458 : i32
      scf.if %cond3A_459 {
        %add3A_584 = arith.constant 8 : i32
        %add3A_585 = arith.addi %add3A_431, %add3A_584 : i32
        %sub3A_586 = arith.constant 2 : i32
        %sub3A_587 = arith.subi %add3A_585, %sub3A_586 : i32
        %dma_start3A_588 = arith.constant 0 : i32
        %dma_start3A_589 = arith.constant 0 : i32
        %dma_start3A_590 = tpu.memref_slice %arg3[%add3A, %sub3A_587, %dma_start3A_588, %dma_start3A_589] : memref<32x125x2x80xi32, #tpu.memory_space<hbm>> -> memref<1x1x2x80xi32, #tpu.memory_space<hbm>>
        %dma_start3A_591 = tpu.memref_squeeze %dma_start3A_590 : memref<1x1x2x80xi32, #tpu.memory_space<hbm>> -> memref<2x80xi32, #tpu.memory_space<hbm>>
        %dma_start3A_592 = arith.constant 0 : i32
        %dma_start3A_593 = arith.constant 0 : i32
        %dma_start3A_594 = tpu.memref_slice %arg3[%add3A, %sub3A_587, %dma_start3A_592, %dma_start3A_593] : memref<32x125x2x80xi32, #tpu.memory_space<hbm>> -> memref<1x1x2x80xi32, #tpu.memory_space<hbm>>
        %dma_start3A_595 = tpu.memref_squeeze %dma_start3A_594 : memref<1x1x2x80xi32, #tpu.memory_space<hbm>> -> memref<2x80xi32, #tpu.memory_space<hbm>>
        tpu.enqueue_dma source(%dma_start3A_595 : memref<2x80xi32, #tpu.memory_space<hbm>>) target(%arg8 : memref<2x80xi32, #tpu.memory_space<vmem>>) target_semaphore(%arg21 : memref<!tpu.dma_semaphore, #tpu.memory_space<semaphore_mem>>)
      } else {
      }
      %add3A_460 = arith.constant 2 : i32
      %add3A_461 = arith.addi %add3A_431, %add3A_460 : i32
      %lt3A_462 = arith.constant 125 : i32
      %lt3A_463 = arith.cmpi slt, %add3A_461, %lt3A_462 : i32
      %convert_element_type3A_464 = arith.extui %lt3A_463 : i1 to i32
      %cond3A_465 = arith.constant 0 : i32
      %cond3A_466 = arith.cmpi ne, %convert_element_type3A_464, %cond3A_465 : i32
      scf.if %cond3A_466 {
        %dma_wait3A_584 = arith.constant 0 : i32
        %dma_wait3A_585 = arith.constant 0 : i32
        %dma_wait3A_586 = arith.constant 0 : i32
        %dma_wait3A_587 = tpu.memref_slice %arg3[%add3A, %dma_wait3A_584, %dma_wait3A_585, %dma_wait3A_586] : memref<32x125x2x80xi32, #tpu.memory_space<hbm>> -> memref<1x1x2x80xi32, #tpu.memory_space<hbm>>
        %dma_wait3A_588 = tpu.memref_squeeze %dma_wait3A_587 : memref<1x1x2x80xi32, #tpu.memory_space<hbm>> -> memref<2x80xi32, #tpu.memory_space<hbm>>
        %dma_wait3A_589 = arith.constant 0 : i32
        %dma_wait3A_590 = arith.constant 0 : i32
        %dma_wait3A_591 = tpu.memref_slice %arg3[%add3A, %dma_wait3A_584, %dma_wait3A_589, %dma_wait3A_590] : memref<32x125x2x80xi32, #tpu.memory_space<hbm>> -> memref<1x1x2x80xi32, #tpu.memory_space<hbm>>
        %dma_wait3A_592 = tpu.memref_squeeze %dma_wait3A_591 : memref<1x1x2x80xi32, #tpu.memory_space<hbm>> -> memref<2x80xi32, #tpu.memory_space<hbm>>
        tpu.wait_dma2 semaphore(%arg25 : memref<!tpu.dma_semaphore, #tpu.memory_space<semaphore_mem>>) src(%dma_wait3A_592 : memref<2x80xi32, #tpu.memory_space<hbm>>) dst(%arg12 : memref<2x80xi32, #tpu.memory_space<vmem>>)
        %dma_start3A_593 = arith.constant 0 : i32
        %dma_start3A_594 = arith.constant 0 : i32
        %dma_start3A_595 = tpu.memref_slice %arg12[%dma_start3A_593, %dma_start3A_594] : memref<2x80xi32, #tpu.memory_space<vmem>> -> memref<1x80xi32, #tpu.memory_space<vmem>>
        %dma_start3A_596 = tpu.memref_squeeze %dma_start3A_595 : memref<1x80xi32, #tpu.memory_space<vmem>> -> memref<80xi32, #tpu.memory_space<vmem>>
        %dma_start3A_597 = arith.constant 0 : i32
        %dma_start3A_598 = arith.constant 0 : i32
        %dma_start3A_599 = tpu.memref_slice %arg2[%dma_start3A_597, %dma_start3A_598] : memref<10000x128xf32, #tpu.memory_space<hbm>> -> memref<10000x128xf32, #tpu.memory_space<hbm>>
        tpu.enqueue_indirect_dma source(%dma_start3A_599 : memref<10000x128xf32, #tpu.memory_space<hbm>>) target(%arg16 : memref<80x128xf32, #tpu.memory_space<vmem>>) offsets(%dma_start3A_596 : memref<80xi32, #tpu.memory_space<vmem>>) semaphore(%arg29 : memref<!tpu.dma_semaphore, #tpu.memory_space<semaphore_mem>>)
      } else {
      }
      %mul3A_467 = arith.constant 8 : i32
      %mul3A_468 = arith.muli %scan3A_274, %mul3A_467 : i32
      %add3A_469 = arith.constant 5 : i32
      %add3A_470 = arith.addi %mul3A_468, %add3A_469 : i32
      %dma_wait3A_471 = arith.constant 0 : i32
      %dma_wait3A_472 = arith.constant 0 : i32
      %dma_wait3A_473 = tpu.memref_slice %arg6[%dma_wait3A_471, %dma_wait3A_472] : memref<2x80xi32, #tpu.memory_space<vmem>> -> memref<1x80xi32, #tpu.memory_space<vmem>>
      %dma_wait3A_474 = tpu.memref_squeeze %dma_wait3A_473 : memref<1x80xi32, #tpu.memory_space<vmem>> -> memref<80xi32, #tpu.memory_space<vmem>>
      %dma_wait3A_475 = arith.constant 0 : i32
      %dma_wait3A_476 = arith.constant 0 : i32
      %dma_wait3A_477 = tpu.memref_slice %arg2[%dma_wait3A_475, %dma_wait3A_476] : memref<10000x128xf32, #tpu.memory_space<hbm>> -> memref<10000x128xf32, #tpu.memory_space<hbm>>
      tpu.wait_indirect_dma semaphore(%arg28 : memref<!tpu.dma_semaphore, #tpu.memory_space<semaphore_mem>>) src(%dma_wait3A_477 : memref<10000x128xf32, #tpu.memory_space<hbm>>) dst(%arg15 : memref<80x128xf32, #tpu.memory_space<vmem>>)
      %dma_start3A_478 = arith.constant 1 : i32
      %dma_start3A_479 = arith.constant 0 : i32
      %dma_start3A_480 = tpu.memref_slice %arg11[%dma_start3A_478, %dma_start3A_479] : memref<2x80xi32, #tpu.memory_space<vmem>> -> memref<1x80xi32, #tpu.memory_space<vmem>>
      %dma_start3A_481 = tpu.memref_squeeze %dma_start3A_480 : memref<1x80xi32, #tpu.memory_space<vmem>> -> memref<80xi32, #tpu.memory_space<vmem>>
      %dma_start3A_482 = arith.constant 0 : i32
      %dma_start3A_483 = arith.constant 0 : i32
      %dma_start3A_484 = tpu.memref_slice %arg18[%dma_start3A_482, %dma_start3A_483] : memref<10000x128xf32, #tpu.memory_space<vmem_shared>> -> memref<10000x128xf32, #tpu.memory_space<vmem_shared>>
      tpu.enqueue_indirect_dma source(%arg15 : memref<80x128xf32, #tpu.memory_space<vmem>>) target(%dma_start3A_484 : memref<10000x128xf32, #tpu.memory_space<vmem_shared>>) offsets(%dma_start3A_481 : memref<80xi32, #tpu.memory_space<vmem>>) semaphore(%arg32 : memref<!tpu.dma_semaphore, #tpu.memory_space<semaphore_mem>>) {add = true}
      %ge3A_485 = arith.constant 2 : i32
      %ge3A_486 = arith.cmpi sge, %add3A_470, %ge3A_485 : i32
      %convert_element_type3A_487 = arith.extui %ge3A_486 : i1 to i32
      %cond3A_488 = arith.constant 0 : i32
      %cond3A_489 = arith.cmpi ne, %convert_element_type3A_487, %cond3A_488 : i32
      scf.if %cond3A_489 {
        %dma_wait3A_584 = arith.constant 1 : i32
        %dma_wait3A_585 = arith.constant 0 : i32
        %dma_wait3A_586 = tpu.memref_slice %arg6[%dma_wait3A_584, %dma_wait3A_585] : memref<2x80xi32, #tpu.memory_space<vmem>> -> memref<1x80xi32, #tpu.memory_space<vmem>>
        %dma_wait3A_587 = tpu.memref_squeeze %dma_wait3A_586 : memref<1x80xi32, #tpu.memory_space<vmem>> -> memref<80xi32, #tpu.memory_space<vmem>>
        %dma_wait3A_588 = arith.constant 0 : i32
        %dma_wait3A_589 = arith.constant 0 : i32
        %dma_wait3A_590 = tpu.memref_slice %arg18[%dma_wait3A_588, %dma_wait3A_589] : memref<10000x128xf32, #tpu.memory_space<vmem_shared>> -> memref<10000x128xf32, #tpu.memory_space<vmem_shared>>
        tpu.wait_indirect_dma semaphore(%arg34 : memref<!tpu.dma_semaphore, #tpu.memory_space<semaphore_mem>>) src(%arg14 : memref<80x128xf32, #tpu.memory_space<vmem>>) dst(%dma_wait3A_590 : memref<10000x128xf32, #tpu.memory_space<vmem_shared>>)
      } else {
      }
      %add3A_490 = arith.constant 8 : i32
      %add3A_491 = arith.addi %add3A_470, %add3A_490 : i32
      %sub3A_492 = arith.constant 2 : i32
      %sub3A_493 = arith.subi %add3A_491, %sub3A_492 : i32
      %lt3A_494 = arith.constant 125 : i32
      %lt3A_495 = arith.cmpi slt, %sub3A_493, %lt3A_494 : i32
      %convert_element_type3A_496 = arith.extui %lt3A_495 : i1 to i32
      %cond3A_497 = arith.constant 0 : i32
      %cond3A_498 = arith.cmpi ne, %convert_element_type3A_496, %cond3A_497 : i32
      scf.if %cond3A_498 {
        %add3A_584 = arith.constant 8 : i32
        %add3A_585 = arith.addi %add3A_470, %add3A_584 : i32
        %sub3A_586 = arith.constant 2 : i32
        %sub3A_587 = arith.subi %add3A_585, %sub3A_586 : i32
        %dma_start3A_588 = arith.constant 0 : i32
        %dma_start3A_589 = arith.constant 0 : i32
        %dma_start3A_590 = tpu.memref_slice %arg3[%add3A, %sub3A_587, %dma_start3A_588, %dma_start3A_589] : memref<32x125x2x80xi32, #tpu.memory_space<hbm>> -> memref<1x1x2x80xi32, #tpu.memory_space<hbm>>
        %dma_start3A_591 = tpu.memref_squeeze %dma_start3A_590 : memref<1x1x2x80xi32, #tpu.memory_space<hbm>> -> memref<2x80xi32, #tpu.memory_space<hbm>>
        %dma_start3A_592 = arith.constant 0 : i32
        %dma_start3A_593 = arith.constant 0 : i32
        %dma_start3A_594 = tpu.memref_slice %arg3[%add3A, %sub3A_587, %dma_start3A_592, %dma_start3A_593] : memref<32x125x2x80xi32, #tpu.memory_space<hbm>> -> memref<1x1x2x80xi32, #tpu.memory_space<hbm>>
        %dma_start3A_595 = tpu.memref_squeeze %dma_start3A_594 : memref<1x1x2x80xi32, #tpu.memory_space<hbm>> -> memref<2x80xi32, #tpu.memory_space<hbm>>
        tpu.enqueue_dma source(%dma_start3A_595 : memref<2x80xi32, #tpu.memory_space<hbm>>) target(%arg9 : memref<2x80xi32, #tpu.memory_space<vmem>>) target_semaphore(%arg22 : memref<!tpu.dma_semaphore, #tpu.memory_space<semaphore_mem>>)
      } else {
      }
      %add3A_499 = arith.constant 2 : i32
      %add3A_500 = arith.addi %add3A_470, %add3A_499 : i32
      %lt3A_501 = arith.constant 125 : i32
      %lt3A_502 = arith.cmpi slt, %add3A_500, %lt3A_501 : i32
      %convert_element_type3A_503 = arith.extui %lt3A_502 : i1 to i32
      %cond3A_504 = arith.constant 0 : i32
      %cond3A_505 = arith.cmpi ne, %convert_element_type3A_503, %cond3A_504 : i32
      scf.if %cond3A_505 {
        %dma_wait3A_584 = arith.constant 0 : i32
        %dma_wait3A_585 = arith.constant 0 : i32
        %dma_wait3A_586 = arith.constant 0 : i32
        %dma_wait3A_587 = tpu.memref_slice %arg3[%add3A, %dma_wait3A_584, %dma_wait3A_585, %dma_wait3A_586] : memref<32x125x2x80xi32, #tpu.memory_space<hbm>> -> memref<1x1x2x80xi32, #tpu.memory_space<hbm>>
        %dma_wait3A_588 = tpu.memref_squeeze %dma_wait3A_587 : memref<1x1x2x80xi32, #tpu.memory_space<hbm>> -> memref<2x80xi32, #tpu.memory_space<hbm>>
        %dma_wait3A_589 = arith.constant 0 : i32
        %dma_wait3A_590 = arith.constant 0 : i32
        %dma_wait3A_591 = tpu.memref_slice %arg3[%add3A, %dma_wait3A_584, %dma_wait3A_589, %dma_wait3A_590] : memref<32x125x2x80xi32, #tpu.memory_space<hbm>> -> memref<1x1x2x80xi32, #tpu.memory_space<hbm>>
        %dma_wait3A_592 = tpu.memref_squeeze %dma_wait3A_591 : memref<1x1x2x80xi32, #tpu.memory_space<hbm>> -> memref<2x80xi32, #tpu.memory_space<hbm>>
        tpu.wait_dma2 semaphore(%arg26 : memref<!tpu.dma_semaphore, #tpu.memory_space<semaphore_mem>>) src(%dma_wait3A_592 : memref<2x80xi32, #tpu.memory_space<hbm>>) dst(%arg13 : memref<2x80xi32, #tpu.memory_space<vmem>>)
        %dma_start3A_593 = arith.constant 0 : i32
        %dma_start3A_594 = arith.constant 0 : i32
        %dma_start3A_595 = tpu.memref_slice %arg13[%dma_start3A_593, %dma_start3A_594] : memref<2x80xi32, #tpu.memory_space<vmem>> -> memref<1x80xi32, #tpu.memory_space<vmem>>
        %dma_start3A_596 = tpu.memref_squeeze %dma_start3A_595 : memref<1x80xi32, #tpu.memory_space<vmem>> -> memref<80xi32, #tpu.memory_space<vmem>>
        %dma_start3A_597 = arith.constant 0 : i32
        %dma_start3A_598 = arith.constant 0 : i32
        %dma_start3A_599 = tpu.memref_slice %arg2[%dma_start3A_597, %dma_start3A_598] : memref<10000x128xf32, #tpu.memory_space<hbm>> -> memref<10000x128xf32, #tpu.memory_space<hbm>>
        tpu.enqueue_indirect_dma source(%dma_start3A_599 : memref<10000x128xf32, #tpu.memory_space<hbm>>) target(%arg17 : memref<80x128xf32, #tpu.memory_space<vmem>>) offsets(%dma_start3A_596 : memref<80xi32, #tpu.memory_space<vmem>>) semaphore(%arg30 : memref<!tpu.dma_semaphore, #tpu.memory_space<semaphore_mem>>)
      } else {
      }
      %mul3A_506 = arith.constant 8 : i32
      %mul3A_507 = arith.muli %scan3A_274, %mul3A_506 : i32
      %add3A_508 = arith.constant 6 : i32
      %add3A_509 = arith.addi %mul3A_507, %add3A_508 : i32
      %dma_wait3A_510 = arith.constant 0 : i32
      %dma_wait3A_511 = arith.constant 0 : i32
      %dma_wait3A_512 = tpu.memref_slice %arg6[%dma_wait3A_510, %dma_wait3A_511] : memref<2x80xi32, #tpu.memory_space<vmem>> -> memref<1x80xi32, #tpu.memory_space<vmem>>
      %dma_wait3A_513 = tpu.memref_squeeze %dma_wait3A_512 : memref<1x80xi32, #tpu.memory_space<vmem>> -> memref<80xi32, #tpu.memory_space<vmem>>
      %dma_wait3A_514 = arith.constant 0 : i32
      %dma_wait3A_515 = arith.constant 0 : i32
      %dma_wait3A_516 = tpu.memref_slice %arg2[%dma_wait3A_514, %dma_wait3A_515] : memref<10000x128xf32, #tpu.memory_space<hbm>> -> memref<10000x128xf32, #tpu.memory_space<hbm>>
      tpu.wait_indirect_dma semaphore(%arg29 : memref<!tpu.dma_semaphore, #tpu.memory_space<semaphore_mem>>) src(%dma_wait3A_516 : memref<10000x128xf32, #tpu.memory_space<hbm>>) dst(%arg16 : memref<80x128xf32, #tpu.memory_space<vmem>>)
      %dma_start3A_517 = arith.constant 1 : i32
      %dma_start3A_518 = arith.constant 0 : i32
      %dma_start3A_519 = tpu.memref_slice %arg12[%dma_start3A_517, %dma_start3A_518] : memref<2x80xi32, #tpu.memory_space<vmem>> -> memref<1x80xi32, #tpu.memory_space<vmem>>
      %dma_start3A_520 = tpu.memref_squeeze %dma_start3A_519 : memref<1x80xi32, #tpu.memory_space<vmem>> -> memref<80xi32, #tpu.memory_space<vmem>>
      %dma_start3A_521 = arith.constant 0 : i32
      %dma_start3A_522 = arith.constant 0 : i32
      %dma_start3A_523 = tpu.memref_slice %arg18[%dma_start3A_521, %dma_start3A_522] : memref<10000x128xf32, #tpu.memory_space<vmem_shared>> -> memref<10000x128xf32, #tpu.memory_space<vmem_shared>>
      tpu.enqueue_indirect_dma source(%arg16 : memref<80x128xf32, #tpu.memory_space<vmem>>) target(%dma_start3A_523 : memref<10000x128xf32, #tpu.memory_space<vmem_shared>>) offsets(%dma_start3A_520 : memref<80xi32, #tpu.memory_space<vmem>>) semaphore(%arg33 : memref<!tpu.dma_semaphore, #tpu.memory_space<semaphore_mem>>) {add = true}
      %ge3A_524 = arith.constant 2 : i32
      %ge3A_525 = arith.cmpi sge, %add3A_509, %ge3A_524 : i32
      %convert_element_type3A_526 = arith.extui %ge3A_525 : i1 to i32
      %cond3A_527 = arith.constant 0 : i32
      %cond3A_528 = arith.cmpi ne, %convert_element_type3A_526, %cond3A_527 : i32
      scf.if %cond3A_528 {
        %dma_wait3A_584 = arith.constant 1 : i32
        %dma_wait3A_585 = arith.constant 0 : i32
        %dma_wait3A_586 = tpu.memref_slice %arg6[%dma_wait3A_584, %dma_wait3A_585] : memref<2x80xi32, #tpu.memory_space<vmem>> -> memref<1x80xi32, #tpu.memory_space<vmem>>
        %dma_wait3A_587 = tpu.memref_squeeze %dma_wait3A_586 : memref<1x80xi32, #tpu.memory_space<vmem>> -> memref<80xi32, #tpu.memory_space<vmem>>
        %dma_wait3A_588 = arith.constant 0 : i32
        %dma_wait3A_589 = arith.constant 0 : i32
        %dma_wait3A_590 = tpu.memref_slice %arg18[%dma_wait3A_588, %dma_wait3A_589] : memref<10000x128xf32, #tpu.memory_space<vmem_shared>> -> memref<10000x128xf32, #tpu.memory_space<vmem_shared>>
        tpu.wait_indirect_dma semaphore(%arg31 : memref<!tpu.dma_semaphore, #tpu.memory_space<semaphore_mem>>) src(%arg14 : memref<80x128xf32, #tpu.memory_space<vmem>>) dst(%dma_wait3A_590 : memref<10000x128xf32, #tpu.memory_space<vmem_shared>>)
      } else {
      }
      %add3A_529 = arith.constant 8 : i32
      %add3A_530 = arith.addi %add3A_509, %add3A_529 : i32
      %sub3A_531 = arith.constant 2 : i32
      %sub3A_532 = arith.subi %add3A_530, %sub3A_531 : i32
      %lt3A_533 = arith.constant 125 : i32
      %lt3A_534 = arith.cmpi slt, %sub3A_532, %lt3A_533 : i32
      %convert_element_type3A_535 = arith.extui %lt3A_534 : i1 to i32
      %cond3A_536 = arith.constant 0 : i32
      %cond3A_537 = arith.cmpi ne, %convert_element_type3A_535, %cond3A_536 : i32
      scf.if %cond3A_537 {
        %add3A_584 = arith.constant 8 : i32
        %add3A_585 = arith.addi %add3A_509, %add3A_584 : i32
        %sub3A_586 = arith.constant 2 : i32
        %sub3A_587 = arith.subi %add3A_585, %sub3A_586 : i32
        %dma_start3A_588 = arith.constant 0 : i32
        %dma_start3A_589 = arith.constant 0 : i32
        %dma_start3A_590 = tpu.memref_slice %arg3[%add3A, %sub3A_587, %dma_start3A_588, %dma_start3A_589] : memref<32x125x2x80xi32, #tpu.memory_space<hbm>> -> memref<1x1x2x80xi32, #tpu.memory_space<hbm>>
        %dma_start3A_591 = tpu.memref_squeeze %dma_start3A_590 : memref<1x1x2x80xi32, #tpu.memory_space<hbm>> -> memref<2x80xi32, #tpu.memory_space<hbm>>
        %dma_start3A_592 = arith.constant 0 : i32
        %dma_start3A_593 = arith.constant 0 : i32
        %dma_start3A_594 = tpu.memref_slice %arg3[%add3A, %sub3A_587, %dma_start3A_592, %dma_start3A_593] : memref<32x125x2x80xi32, #tpu.memory_space<hbm>> -> memref<1x1x2x80xi32, #tpu.memory_space<hbm>>
        %dma_start3A_595 = tpu.memref_squeeze %dma_start3A_594 : memref<1x1x2x80xi32, #tpu.memory_space<hbm>> -> memref<2x80xi32, #tpu.memory_space<hbm>>
        tpu.enqueue_dma source(%dma_start3A_595 : memref<2x80xi32, #tpu.memory_space<hbm>>) target(%arg10 : memref<2x80xi32, #tpu.memory_space<vmem>>) target_semaphore(%arg23 : memref<!tpu.dma_semaphore, #tpu.memory_space<semaphore_mem>>)
      } else {
      }
      %add3A_538 = arith.constant 2 : i32
      %add3A_539 = arith.addi %add3A_509, %add3A_538 : i32
      %lt3A_540 = arith.constant 125 : i32
      %lt3A_541 = arith.cmpi slt, %add3A_539, %lt3A_540 : i32
      %convert_element_type3A_542 = arith.extui %lt3A_541 : i1 to i32
      %cond3A_543 = arith.constant 0 : i32
      %cond3A_544 = arith.cmpi ne, %convert_element_type3A_542, %cond3A_543 : i32
      scf.if %cond3A_544 {
        %dma_wait3A_584 = arith.constant 0 : i32
        %dma_wait3A_585 = arith.constant 0 : i32
        %dma_wait3A_586 = arith.constant 0 : i32
        %dma_wait3A_587 = tpu.memref_slice %arg3[%add3A, %dma_wait3A_584, %dma_wait3A_585, %dma_wait3A_586] : memref<32x125x2x80xi32, #tpu.memory_space<hbm>> -> memref<1x1x2x80xi32, #tpu.memory_space<hbm>>
        %dma_wait3A_588 = tpu.memref_squeeze %dma_wait3A_587 : memref<1x1x2x80xi32, #tpu.memory_space<hbm>> -> memref<2x80xi32, #tpu.memory_space<hbm>>
        %dma_wait3A_589 = arith.constant 0 : i32
        %dma_wait3A_590 = arith.constant 0 : i32
        %dma_wait3A_591 = tpu.memref_slice %arg3[%add3A, %dma_wait3A_584, %dma_wait3A_589, %dma_wait3A_590] : memref<32x125x2x80xi32, #tpu.memory_space<hbm>> -> memref<1x1x2x80xi32, #tpu.memory_space<hbm>>
        %dma_wait3A_592 = tpu.memref_squeeze %dma_wait3A_591 : memref<1x1x2x80xi32, #tpu.memory_space<hbm>> -> memref<2x80xi32, #tpu.memory_space<hbm>>
        tpu.wait_dma2 semaphore(%arg19 : memref<!tpu.dma_semaphore, #tpu.memory_space<semaphore_mem>>) src(%dma_wait3A_592 : memref<2x80xi32, #tpu.memory_space<hbm>>) dst(%arg6 : memref<2x80xi32, #tpu.memory_space<vmem>>)
        %dma_start3A_593 = arith.constant 0 : i32
        %dma_start3A_594 = arith.constant 0 : i32
        %dma_start3A_595 = tpu.memref_slice %arg6[%dma_start3A_593, %dma_start3A_594] : memref<2x80xi32, #tpu.memory_space<vmem>> -> memref<1x80xi32, #tpu.memory_space<vmem>>
        %dma_start3A_596 = tpu.memref_squeeze %dma_start3A_595 : memref<1x80xi32, #tpu.memory_space<vmem>> -> memref<80xi32, #tpu.memory_space<vmem>>
        %dma_start3A_597 = arith.constant 0 : i32
        %dma_start3A_598 = arith.constant 0 : i32
        %dma_start3A_599 = tpu.memref_slice %arg2[%dma_start3A_597, %dma_start3A_598] : memref<10000x128xf32, #tpu.memory_space<hbm>> -> memref<10000x128xf32, #tpu.memory_space<hbm>>
        tpu.enqueue_indirect_dma source(%dma_start3A_599 : memref<10000x128xf32, #tpu.memory_space<hbm>>) target(%arg14 : memref<80x128xf32, #tpu.memory_space<vmem>>) offsets(%dma_start3A_596 : memref<80xi32, #tpu.memory_space<vmem>>) semaphore(%arg27 : memref<!tpu.dma_semaphore, #tpu.memory_space<semaphore_mem>>)
      } else {
      }
      %mul3A_545 = arith.constant 8 : i32
      %mul3A_546 = arith.muli %scan3A_274, %mul3A_545 : i32
      %add3A_547 = arith.constant 7 : i32
      %add3A_548 = arith.addi %mul3A_546, %add3A_547 : i32
      %dma_wait3A_549 = arith.constant 0 : i32
      %dma_wait3A_550 = arith.constant 0 : i32
      %dma_wait3A_551 = tpu.memref_slice %arg6[%dma_wait3A_549, %dma_wait3A_550] : memref<2x80xi32, #tpu.memory_space<vmem>> -> memref<1x80xi32, #tpu.memory_space<vmem>>
      %dma_wait3A_552 = tpu.memref_squeeze %dma_wait3A_551 : memref<1x80xi32, #tpu.memory_space<vmem>> -> memref<80xi32, #tpu.memory_space<vmem>>
      %dma_wait3A_553 = arith.constant 0 : i32
      %dma_wait3A_554 = arith.constant 0 : i32
      %dma_wait3A_555 = tpu.memref_slice %arg2[%dma_wait3A_553, %dma_wait3A_554] : memref<10000x128xf32, #tpu.memory_space<hbm>> -> memref<10000x128xf32, #tpu.memory_space<hbm>>
      tpu.wait_indirect_dma semaphore(%arg30 : memref<!tpu.dma_semaphore, #tpu.memory_space<semaphore_mem>>) src(%dma_wait3A_555 : memref<10000x128xf32, #tpu.memory_space<hbm>>) dst(%arg17 : memref<80x128xf32, #tpu.memory_space<vmem>>)
      %dma_start3A_556 = arith.constant 1 : i32
      %dma_start3A_557 = arith.constant 0 : i32
      %dma_start3A_558 = tpu.memref_slice %arg13[%dma_start3A_556, %dma_start3A_557] : memref<2x80xi32, #tpu.memory_space<vmem>> -> memref<1x80xi32, #tpu.memory_space<vmem>>
      %dma_start3A_559 = tpu.memref_squeeze %dma_start3A_558 : memref<1x80xi32, #tpu.memory_space<vmem>> -> memref<80xi32, #tpu.memory_space<vmem>>
      %dma_start3A_560 = arith.constant 0 : i32
      %dma_start3A_561 = arith.constant 0 : i32
      %dma_start3A_562 = tpu.memref_slice %arg18[%dma_start3A_560, %dma_start3A_561] : memref<10000x128xf32, #tpu.memory_space<vmem_shared>> -> memref<10000x128xf32, #tpu.memory_space<vmem_shared>>
      tpu.enqueue_indirect_dma source(%arg17 : memref<80x128xf32, #tpu.memory_space<vmem>>) target(%dma_start3A_562 : memref<10000x128xf32, #tpu.memory_space<vmem_shared>>) offsets(%dma_start3A_559 : memref<80xi32, #tpu.memory_space<vmem>>) semaphore(%arg34 : memref<!tpu.dma_semaphore, #tpu.memory_space<semaphore_mem>>) {add = true}
      %ge3A_563 = arith.constant 2 : i32
      %ge3A_564 = arith.cmpi sge, %add3A_548, %ge3A_563 : i32
      %convert_element_type3A_565 = arith.extui %ge3A_564 : i1 to i32
      %cond3A_566 = arith.constant 0 : i32
      %cond3A_567 = arith.cmpi ne, %convert_element_type3A_565, %cond3A_566 : i32
      scf.if %cond3A_567 {
        %dma_wait3A_584 = arith.constant 1 : i32
        %dma_wait3A_585 = arith.constant 0 : i32
        %dma_wait3A_586 = tpu.memref_slice %arg6[%dma_wait3A_584, %dma_wait3A_585] : memref<2x80xi32, #tpu.memory_space<vmem>> -> memref<1x80xi32, #tpu.memory_space<vmem>>
        %dma_wait3A_587 = tpu.memref_squeeze %dma_wait3A_586 : memref<1x80xi32, #tpu.memory_space<vmem>> -> memref<80xi32, #tpu.memory_space<vmem>>
        %dma_wait3A_588 = arith.constant 0 : i32
        %dma_wait3A_589 = arith.constant 0 : i32
        %dma_wait3A_590 = tpu.memref_slice %arg18[%dma_wait3A_588, %dma_wait3A_589] : memref<10000x128xf32, #tpu.memory_space<vmem_shared>> -> memref<10000x128xf32, #tpu.memory_space<vmem_shared>>
        tpu.wait_indirect_dma semaphore(%arg32 : memref<!tpu.dma_semaphore, #tpu.memory_space<semaphore_mem>>) src(%arg14 : memref<80x128xf32, #tpu.memory_space<vmem>>) dst(%dma_wait3A_590 : memref<10000x128xf32, #tpu.memory_space<vmem_shared>>)
      } else {
      }
      %add3A_568 = arith.constant 8 : i32
      %add3A_569 = arith.addi %add3A_548, %add3A_568 : i32
      %sub3A_570 = arith.constant 2 : i32
      %sub3A_571 = arith.subi %add3A_569, %sub3A_570 : i32
      %lt3A_572 = arith.constant 125 : i32
      %lt3A_573 = arith.cmpi slt, %sub3A_571, %lt3A_572 : i32
      %convert_element_type3A_574 = arith.extui %lt3A_573 : i1 to i32
      %cond3A_575 = arith.constant 0 : i32
      %cond3A_576 = arith.cmpi ne, %convert_element_type3A_574, %cond3A_575 : i32
      scf.if %cond3A_576 {
        %add3A_584 = arith.constant 8 : i32
        %add3A_585 = arith.addi %add3A_548, %add3A_584 : i32
        %sub3A_586 = arith.constant 2 : i32
        %sub3A_587 = arith.subi %add3A_585, %sub3A_586 : i32
        %dma_start3A_588 = arith.constant 0 : i32
        %dma_start3A_589 = arith.constant 0 : i32
        %dma_start3A_590 = tpu.memref_slice %arg3[%add3A, %sub3A_587, %dma_start3A_588, %dma_start3A_589] : memref<32x125x2x80xi32, #tpu.memory_space<hbm>> -> memref<1x1x2x80xi32, #tpu.memory_space<hbm>>
        %dma_start3A_591 = tpu.memref_squeeze %dma_start3A_590 : memref<1x1x2x80xi32, #tpu.memory_space<hbm>> -> memref<2x80xi32, #tpu.memory_space<hbm>>
        %dma_start3A_592 = arith.constant 0 : i32
        %dma_start3A_593 = arith.constant 0 : i32
        %dma_start3A_594 = tpu.memref_slice %arg3[%add3A, %sub3A_587, %dma_start3A_592, %dma_start3A_593] : memref<32x125x2x80xi32, #tpu.memory_space<hbm>> -> memref<1x1x2x80xi32, #tpu.memory_space<hbm>>
        %dma_start3A_595 = tpu.memref_squeeze %dma_start3A_594 : memref<1x1x2x80xi32, #tpu.memory_space<hbm>> -> memref<2x80xi32, #tpu.memory_space<hbm>>
        tpu.enqueue_dma source(%dma_start3A_595 : memref<2x80xi32, #tpu.memory_space<hbm>>) target(%arg11 : memref<2x80xi32, #tpu.memory_space<vmem>>) target_semaphore(%arg24 : memref<!tpu.dma_semaphore, #tpu.memory_space<semaphore_mem>>)
      } else {
      }
      %add3A_577 = arith.constant 2 : i32
      %add3A_578 = arith.addi %add3A_548, %add3A_577 : i32
      %lt3A_579 = arith.constant 125 : i32
      %lt3A_580 = arith.cmpi slt, %add3A_578, %lt3A_579 : i32
      %convert_element_type3A_581 = arith.extui %lt3A_580 : i1 to i32
      %cond3A_582 = arith.constant 0 : i32
      %cond3A_583 = arith.cmpi ne, %convert_element_type3A_581, %cond3A_582 : i32
      scf.if %cond3A_583 {
        %dma_wait3A_584 = arith.constant 0 : i32
        %dma_wait3A_585 = arith.constant 0 : i32
        %dma_wait3A_586 = arith.constant 0 : i32
        %dma_wait3A_587 = tpu.memref_slice %arg3[%add3A, %dma_wait3A_584, %dma_wait3A_585, %dma_wait3A_586] : memref<32x125x2x80xi32, #tpu.memory_space<hbm>> -> memref<1x1x2x80xi32, #tpu.memory_space<hbm>>
        %dma_wait3A_588 = tpu.memref_squeeze %dma_wait3A_587 : memref<1x1x2x80xi32, #tpu.memory_space<hbm>> -> memref<2x80xi32, #tpu.memory_space<hbm>>
        %dma_wait3A_589 = arith.constant 0 : i32
        %dma_wait3A_590 = arith.constant 0 : i32
        %dma_wait3A_591 = tpu.memref_slice %arg3[%add3A, %dma_wait3A_584, %dma_wait3A_589, %dma_wait3A_590] : memref<32x125x2x80xi32, #tpu.memory_space<hbm>> -> memref<1x1x2x80xi32, #tpu.memory_space<hbm>>
        %dma_wait3A_592 = tpu.memref_squeeze %dma_wait3A_591 : memref<1x1x2x80xi32, #tpu.memory_space<hbm>> -> memref<2x80xi32, #tpu.memory_space<hbm>>
        tpu.wait_dma2 semaphore(%arg20 : memref<!tpu.dma_semaphore, #tpu.memory_space<semaphore_mem>>) src(%dma_wait3A_592 : memref<2x80xi32, #tpu.memory_space<hbm>>) dst(%arg7 : memref<2x80xi32, #tpu.memory_space<vmem>>)
        %dma_start3A_593 = arith.constant 0 : i32
        %dma_start3A_594 = arith.constant 0 : i32
        %dma_start3A_595 = tpu.memref_slice %arg7[%dma_start3A_593, %dma_start3A_594] : memref<2x80xi32, #tpu.memory_space<vmem>> -> memref<1x80xi32, #tpu.memory_space<vmem>>
        %dma_start3A_596 = tpu.memref_squeeze %dma_start3A_595 : memref<1x80xi32, #tpu.memory_space<vmem>> -> memref<80xi32, #tpu.memory_space<vmem>>
        %dma_start3A_597 = arith.constant 0 : i32
        %dma_start3A_598 = arith.constant 0 : i32
        %dma_start3A_599 = tpu.memref_slice %arg2[%dma_start3A_597, %dma_start3A_598] : memref<10000x128xf32, #tpu.memory_space<hbm>> -> memref<10000x128xf32, #tpu.memory_space<hbm>>
        tpu.enqueue_indirect_dma source(%dma_start3A_599 : memref<10000x128xf32, #tpu.memory_space<hbm>>) target(%arg15 : memref<80x128xf32, #tpu.memory_space<vmem>>) offsets(%dma_start3A_596 : memref<80xi32, #tpu.memory_space<vmem>>) semaphore(%arg28 : memref<!tpu.dma_semaphore, #tpu.memory_space<semaphore_mem>>)
      } else {
      }
    }
    %scan3A_96 = arith.constant 15 : i32
    %dma_wait3A_97 = arith.constant 0 : i32
    %dma_wait3A_98 = arith.constant 0 : i32
    %dma_wait3A_99 = tpu.memref_slice %arg6[%dma_wait3A_97, %dma_wait3A_98] : memref<2x80xi32, #tpu.memory_space<vmem>> -> memref<1x80xi32, #tpu.memory_space<vmem>>
    %dma_wait3A_100 = tpu.memref_squeeze %dma_wait3A_99 : memref<1x80xi32, #tpu.memory_space<vmem>> -> memref<80xi32, #tpu.memory_space<vmem>>
    %dma_wait3A_101 = arith.constant 0 : i32
    %dma_wait3A_102 = arith.constant 0 : i32
    %dma_wait3A_103 = tpu.memref_slice %arg2[%dma_wait3A_101, %dma_wait3A_102] : memref<10000x128xf32, #tpu.memory_space<hbm>> -> memref<10000x128xf32, #tpu.memory_space<hbm>>
    tpu.wait_indirect_dma semaphore(%arg27 : memref<!tpu.dma_semaphore, #tpu.memory_space<semaphore_mem>>) src(%dma_wait3A_103 : memref<10000x128xf32, #tpu.memory_space<hbm>>) dst(%arg14 : memref<80x128xf32, #tpu.memory_space<vmem>>)
    %dma_start3A_104 = arith.constant 1 : i32
    %dma_start3A_105 = arith.constant 0 : i32
    %dma_start3A_106 = tpu.memref_slice %arg6[%dma_start3A_104, %dma_start3A_105] : memref<2x80xi32, #tpu.memory_space<vmem>> -> memref<1x80xi32, #tpu.memory_space<vmem>>
    %dma_start3A_107 = tpu.memref_squeeze %dma_start3A_106 : memref<1x80xi32, #tpu.memory_space<vmem>> -> memref<80xi32, #tpu.memory_space<vmem>>
    %dma_start3A_108 = arith.constant 0 : i32
    %dma_start3A_109 = arith.constant 0 : i32
    %dma_start3A_110 = tpu.memref_slice %arg18[%dma_start3A_108, %dma_start3A_109] : memref<10000x128xf32, #tpu.memory_space<vmem_shared>> -> memref<10000x128xf32, #tpu.memory_space<vmem_shared>>
    tpu.enqueue_indirect_dma source(%arg14 : memref<80x128xf32, #tpu.memory_space<vmem>>) target(%dma_start3A_110 : memref<10000x128xf32, #tpu.memory_space<vmem_shared>>) offsets(%dma_start3A_107 : memref<80xi32, #tpu.memory_space<vmem>>) semaphore(%arg31 : memref<!tpu.dma_semaphore, #tpu.memory_space<semaphore_mem>>) {add = true}
    %dma_wait3A_111 = arith.constant 1 : i32
    %dma_wait3A_112 = arith.constant 0 : i32
    %dma_wait3A_113 = tpu.memref_slice %arg6[%dma_wait3A_111, %dma_wait3A_112] : memref<2x80xi32, #tpu.memory_space<vmem>> -> memref<1x80xi32, #tpu.memory_space<vmem>>
    %dma_wait3A_114 = tpu.memref_squeeze %dma_wait3A_113 : memref<1x80xi32, #tpu.memory_space<vmem>> -> memref<80xi32, #tpu.memory_space<vmem>>
    %dma_wait3A_115 = arith.constant 0 : i32
    %dma_wait3A_116 = arith.constant 0 : i32
    %dma_wait3A_117 = tpu.memref_slice %arg18[%dma_wait3A_115, %dma_wait3A_116] : memref<10000x128xf32, #tpu.memory_space<vmem_shared>> -> memref<10000x128xf32, #tpu.memory_space<vmem_shared>>
    tpu.wait_indirect_dma semaphore(%arg33 : memref<!tpu.dma_semaphore, #tpu.memory_space<semaphore_mem>>) src(%arg14 : memref<80x128xf32, #tpu.memory_space<vmem>>) dst(%dma_wait3A_117 : memref<10000x128xf32, #tpu.memory_space<vmem_shared>>)
    %dma_wait3A_118 = arith.constant 0 : i32
    %dma_wait3A_119 = arith.constant 0 : i32
    %dma_wait3A_120 = arith.constant 0 : i32
    %dma_wait3A_121 = tpu.memref_slice %arg3[%add3A, %dma_wait3A_118, %dma_wait3A_119, %dma_wait3A_120] : memref<32x125x2x80xi32, #tpu.memory_space<hbm>> -> memref<1x1x2x80xi32, #tpu.memory_space<hbm>>
    %dma_wait3A_122 = tpu.memref_squeeze %dma_wait3A_121 : memref<1x1x2x80xi32, #tpu.memory_space<hbm>> -> memref<2x80xi32, #tpu.memory_space<hbm>>
    %dma_wait3A_123 = arith.constant 0 : i32
    %dma_wait3A_124 = arith.constant 0 : i32
    %dma_wait3A_125 = tpu.memref_slice %arg3[%add3A, %dma_wait3A_118, %dma_wait3A_123, %dma_wait3A_124] : memref<32x125x2x80xi32, #tpu.memory_space<hbm>> -> memref<1x1x2x80xi32, #tpu.memory_space<hbm>>
    %dma_wait3A_126 = tpu.memref_squeeze %dma_wait3A_125 : memref<1x1x2x80xi32, #tpu.memory_space<hbm>> -> memref<2x80xi32, #tpu.memory_space<hbm>>
    tpu.wait_dma2 semaphore(%arg21 : memref<!tpu.dma_semaphore, #tpu.memory_space<semaphore_mem>>) src(%dma_wait3A_126 : memref<2x80xi32, #tpu.memory_space<hbm>>) dst(%arg8 : memref<2x80xi32, #tpu.memory_space<vmem>>)
    %dma_start3A_127 = arith.constant 0 : i32
    %dma_start3A_128 = arith.constant 0 : i32
    %dma_start3A_129 = tpu.memref_slice %arg8[%dma_start3A_127, %dma_start3A_128] : memref<2x80xi32, #tpu.memory_space<vmem>> -> memref<1x80xi32, #tpu.memory_space<vmem>>
    %dma_start3A_130 = tpu.memref_squeeze %dma_start3A_129 : memref<1x80xi32, #tpu.memory_space<vmem>> -> memref<80xi32, #tpu.memory_space<vmem>>
    %dma_start3A_131 = arith.constant 0 : i32
    %dma_start3A_132 = arith.constant 0 : i32
    %dma_start3A_133 = tpu.memref_slice %arg2[%dma_start3A_131, %dma_start3A_132] : memref<10000x128xf32, #tpu.memory_space<hbm>> -> memref<10000x128xf32, #tpu.memory_space<hbm>>
    tpu.enqueue_indirect_dma source(%dma_start3A_133 : memref<10000x128xf32, #tpu.memory_space<hbm>>) target(%arg16 : memref<80x128xf32, #tpu.memory_space<vmem>>) offsets(%dma_start3A_130 : memref<80xi32, #tpu.memory_space<vmem>>) semaphore(%arg29 : memref<!tpu.dma_semaphore, #tpu.memory_space<semaphore_mem>>)
    %dma_wait3A_134 = arith.constant 0 : i32
    %dma_wait3A_135 = arith.constant 0 : i32
    %dma_wait3A_136 = tpu.memref_slice %arg6[%dma_wait3A_134, %dma_wait3A_135] : memref<2x80xi32, #tpu.memory_space<vmem>> -> memref<1x80xi32, #tpu.memory_space<vmem>>
    %dma_wait3A_137 = tpu.memref_squeeze %dma_wait3A_136 : memref<1x80xi32, #tpu.memory_space<vmem>> -> memref<80xi32, #tpu.memory_space<vmem>>
    %dma_wait3A_138 = arith.constant 0 : i32
    %dma_wait3A_139 = arith.constant 0 : i32
    %dma_wait3A_140 = tpu.memref_slice %arg2[%dma_wait3A_138, %dma_wait3A_139] : memref<10000x128xf32, #tpu.memory_space<hbm>> -> memref<10000x128xf32, #tpu.memory_space<hbm>>
    tpu.wait_indirect_dma semaphore(%arg28 : memref<!tpu.dma_semaphore, #tpu.memory_space<semaphore_mem>>) src(%dma_wait3A_140 : memref<10000x128xf32, #tpu.memory_space<hbm>>) dst(%arg15 : memref<80x128xf32, #tpu.memory_space<vmem>>)
    %dma_start3A_141 = arith.constant 1 : i32
    %dma_start3A_142 = arith.constant 0 : i32
    %dma_start3A_143 = tpu.memref_slice %arg7[%dma_start3A_141, %dma_start3A_142] : memref<2x80xi32, #tpu.memory_space<vmem>> -> memref<1x80xi32, #tpu.memory_space<vmem>>
    %dma_start3A_144 = tpu.memref_squeeze %dma_start3A_143 : memref<1x80xi32, #tpu.memory_space<vmem>> -> memref<80xi32, #tpu.memory_space<vmem>>
    %dma_start3A_145 = arith.constant 0 : i32
    %dma_start3A_146 = arith.constant 0 : i32
    %dma_start3A_147 = tpu.memref_slice %arg18[%dma_start3A_145, %dma_start3A_146] : memref<10000x128xf32, #tpu.memory_space<vmem_shared>> -> memref<10000x128xf32, #tpu.memory_space<vmem_shared>>
    tpu.enqueue_indirect_dma source(%arg15 : memref<80x128xf32, #tpu.memory_space<vmem>>) target(%dma_start3A_147 : memref<10000x128xf32, #tpu.memory_space<vmem_shared>>) offsets(%dma_start3A_144 : memref<80xi32, #tpu.memory_space<vmem>>) semaphore(%arg32 : memref<!tpu.dma_semaphore, #tpu.memory_space<semaphore_mem>>) {add = true}
    %dma_wait3A_148 = arith.constant 1 : i32
    %dma_wait3A_149 = arith.constant 0 : i32
    %dma_wait3A_150 = tpu.memref_slice %arg6[%dma_wait3A_148, %dma_wait3A_149] : memref<2x80xi32, #tpu.memory_space<vmem>> -> memref<1x80xi32, #tpu.memory_space<vmem>>
    %dma_wait3A_151 = tpu.memref_squeeze %dma_wait3A_150 : memref<1x80xi32, #tpu.memory_space<vmem>> -> memref<80xi32, #tpu.memory_space<vmem>>
    %dma_wait3A_152 = arith.constant 0 : i32
    %dma_wait3A_153 = arith.constant 0 : i32
    %dma_wait3A_154 = tpu.memref_slice %arg18[%dma_wait3A_152, %dma_wait3A_153] : memref<10000x128xf32, #tpu.memory_space<vmem_shared>> -> memref<10000x128xf32, #tpu.memory_space<vmem_shared>>
    tpu.wait_indirect_dma semaphore(%arg34 : memref<!tpu.dma_semaphore, #tpu.memory_space<semaphore_mem>>) src(%arg14 : memref<80x128xf32, #tpu.memory_space<vmem>>) dst(%dma_wait3A_154 : memref<10000x128xf32, #tpu.memory_space<vmem_shared>>)
    %dma_wait3A_155 = arith.constant 0 : i32
    %dma_wait3A_156 = arith.constant 0 : i32
    %dma_wait3A_157 = arith.constant 0 : i32
    %dma_wait3A_158 = tpu.memref_slice %arg3[%add3A, %dma_wait3A_155, %dma_wait3A_156, %dma_wait3A_157] : memref<32x125x2x80xi32, #tpu.memory_space<hbm>> -> memref<1x1x2x80xi32, #tpu.memory_space<hbm>>
    %dma_wait3A_159 = tpu.memref_squeeze %dma_wait3A_158 : memref<1x1x2x80xi32, #tpu.memory_space<hbm>> -> memref<2x80xi32, #tpu.memory_space<hbm>>
    %dma_wait3A_160 = arith.constant 0 : i32
    %dma_wait3A_161 = arith.constant 0 : i32
    %dma_wait3A_162 = tpu.memref_slice %arg3[%add3A, %dma_wait3A_155, %dma_wait3A_160, %dma_wait3A_161] : memref<32x125x2x80xi32, #tpu.memory_space<hbm>> -> memref<1x1x2x80xi32, #tpu.memory_space<hbm>>
    %dma_wait3A_163 = tpu.memref_squeeze %dma_wait3A_162 : memref<1x1x2x80xi32, #tpu.memory_space<hbm>> -> memref<2x80xi32, #tpu.memory_space<hbm>>
    tpu.wait_dma2 semaphore(%arg22 : memref<!tpu.dma_semaphore, #tpu.memory_space<semaphore_mem>>) src(%dma_wait3A_163 : memref<2x80xi32, #tpu.memory_space<hbm>>) dst(%arg9 : memref<2x80xi32, #tpu.memory_space<vmem>>)
    %dma_start3A_164 = arith.constant 0 : i32
    %dma_start3A_165 = arith.constant 0 : i32
    %dma_start3A_166 = tpu.memref_slice %arg9[%dma_start3A_164, %dma_start3A_165] : memref<2x80xi32, #tpu.memory_space<vmem>> -> memref<1x80xi32, #tpu.memory_space<vmem>>
    %dma_start3A_167 = tpu.memref_squeeze %dma_start3A_166 : memref<1x80xi32, #tpu.memory_space<vmem>> -> memref<80xi32, #tpu.memory_space<vmem>>
    %dma_start3A_168 = arith.constant 0 : i32
    %dma_start3A_169 = arith.constant 0 : i32
    %dma_start3A_170 = tpu.memref_slice %arg2[%dma_start3A_168, %dma_start3A_169] : memref<10000x128xf32, #tpu.memory_space<hbm>> -> memref<10000x128xf32, #tpu.memory_space<hbm>>
    tpu.enqueue_indirect_dma source(%dma_start3A_170 : memref<10000x128xf32, #tpu.memory_space<hbm>>) target(%arg17 : memref<80x128xf32, #tpu.memory_space<vmem>>) offsets(%dma_start3A_167 : memref<80xi32, #tpu.memory_space<vmem>>) semaphore(%arg30 : memref<!tpu.dma_semaphore, #tpu.memory_space<semaphore_mem>>)
    %dma_wait3A_171 = arith.constant 0 : i32
    %dma_wait3A_172 = arith.constant 0 : i32
    %dma_wait3A_173 = tpu.memref_slice %arg6[%dma_wait3A_171, %dma_wait3A_172] : memref<2x80xi32, #tpu.memory_space<vmem>> -> memref<1x80xi32, #tpu.memory_space<vmem>>
    %dma_wait3A_174 = tpu.memref_squeeze %dma_wait3A_173 : memref<1x80xi32, #tpu.memory_space<vmem>> -> memref<80xi32, #tpu.memory_space<vmem>>
    %dma_wait3A_175 = arith.constant 0 : i32
    %dma_wait3A_176 = arith.constant 0 : i32
    %dma_wait3A_177 = tpu.memref_slice %arg2[%dma_wait3A_175, %dma_wait3A_176] : memref<10000x128xf32, #tpu.memory_space<hbm>> -> memref<10000x128xf32, #tpu.memory_space<hbm>>
    tpu.wait_indirect_dma semaphore(%arg29 : memref<!tpu.dma_semaphore, #tpu.memory_space<semaphore_mem>>) src(%dma_wait3A_177 : memref<10000x128xf32, #tpu.memory_space<hbm>>) dst(%arg16 : memref<80x128xf32, #tpu.memory_space<vmem>>)
    %dma_start3A_178 = arith.constant 1 : i32
    %dma_start3A_179 = arith.constant 0 : i32
    %dma_start3A_180 = tpu.memref_slice %arg8[%dma_start3A_178, %dma_start3A_179] : memref<2x80xi32, #tpu.memory_space<vmem>> -> memref<1x80xi32, #tpu.memory_space<vmem>>
    %dma_start3A_181 = tpu.memref_squeeze %dma_start3A_180 : memref<1x80xi32, #tpu.memory_space<vmem>> -> memref<80xi32, #tpu.memory_space<vmem>>
    %dma_start3A_182 = arith.constant 0 : i32
    %dma_start3A_183 = arith.constant 0 : i32
    %dma_start3A_184 = tpu.memref_slice %arg18[%dma_start3A_182, %dma_start3A_183] : memref<10000x128xf32, #tpu.memory_space<vmem_shared>> -> memref<10000x128xf32, #tpu.memory_space<vmem_shared>>
    tpu.enqueue_indirect_dma source(%arg16 : memref<80x128xf32, #tpu.memory_space<vmem>>) target(%dma_start3A_184 : memref<10000x128xf32, #tpu.memory_space<vmem_shared>>) offsets(%dma_start3A_181 : memref<80xi32, #tpu.memory_space<vmem>>) semaphore(%arg33 : memref<!tpu.dma_semaphore, #tpu.memory_space<semaphore_mem>>) {add = true}
    %dma_wait3A_185 = arith.constant 1 : i32
    %dma_wait3A_186 = arith.constant 0 : i32
    %dma_wait3A_187 = tpu.memref_slice %arg6[%dma_wait3A_185, %dma_wait3A_186] : memref<2x80xi32, #tpu.memory_space<vmem>> -> memref<1x80xi32, #tpu.memory_space<vmem>>
    %dma_wait3A_188 = tpu.memref_squeeze %dma_wait3A_187 : memref<1x80xi32, #tpu.memory_space<vmem>> -> memref<80xi32, #tpu.memory_space<vmem>>
    %dma_wait3A_189 = arith.constant 0 : i32
    %dma_wait3A_190 = arith.constant 0 : i32
    %dma_wait3A_191 = tpu.memref_slice %arg18[%dma_wait3A_189, %dma_wait3A_190] : memref<10000x128xf32, #tpu.memory_space<vmem_shared>> -> memref<10000x128xf32, #tpu.memory_space<vmem_shared>>
    tpu.wait_indirect_dma semaphore(%arg31 : memref<!tpu.dma_semaphore, #tpu.memory_space<semaphore_mem>>) src(%arg14 : memref<80x128xf32, #tpu.memory_space<vmem>>) dst(%dma_wait3A_191 : memref<10000x128xf32, #tpu.memory_space<vmem_shared>>)
    %dma_wait3A_192 = arith.constant 0 : i32
    %dma_wait3A_193 = arith.constant 0 : i32
    %dma_wait3A_194 = arith.constant 0 : i32
    %dma_wait3A_195 = tpu.memref_slice %arg3[%add3A, %dma_wait3A_192, %dma_wait3A_193, %dma_wait3A_194] : memref<32x125x2x80xi32, #tpu.memory_space<hbm>> -> memref<1x1x2x80xi32, #tpu.memory_space<hbm>>
    %dma_wait3A_196 = tpu.memref_squeeze %dma_wait3A_195 : memref<1x1x2x80xi32, #tpu.memory_space<hbm>> -> memref<2x80xi32, #tpu.memory_space<hbm>>
    %dma_wait3A_197 = arith.constant 0 : i32
    %dma_wait3A_198 = arith.constant 0 : i32
    %dma_wait3A_199 = tpu.memref_slice %arg3[%add3A, %dma_wait3A_192, %dma_wait3A_197, %dma_wait3A_198] : memref<32x125x2x80xi32, #tpu.memory_space<hbm>> -> memref<1x1x2x80xi32, #tpu.memory_space<hbm>>
    %dma_wait3A_200 = tpu.memref_squeeze %dma_wait3A_199 : memref<1x1x2x80xi32, #tpu.memory_space<hbm>> -> memref<2x80xi32, #tpu.memory_space<hbm>>
    tpu.wait_dma2 semaphore(%arg23 : memref<!tpu.dma_semaphore, #tpu.memory_space<semaphore_mem>>) src(%dma_wait3A_200 : memref<2x80xi32, #tpu.memory_space<hbm>>) dst(%arg10 : memref<2x80xi32, #tpu.memory_space<vmem>>)
    %dma_start3A_201 = arith.constant 0 : i32
    %dma_start3A_202 = arith.constant 0 : i32
    %dma_start3A_203 = tpu.memref_slice %arg10[%dma_start3A_201, %dma_start3A_202] : memref<2x80xi32, #tpu.memory_space<vmem>> -> memref<1x80xi32, #tpu.memory_space<vmem>>
    %dma_start3A_204 = tpu.memref_squeeze %dma_start3A_203 : memref<1x80xi32, #tpu.memory_space<vmem>> -> memref<80xi32, #tpu.memory_space<vmem>>
    %dma_start3A_205 = arith.constant 0 : i32
    %dma_start3A_206 = arith.constant 0 : i32
    %dma_start3A_207 = tpu.memref_slice %arg2[%dma_start3A_205, %dma_start3A_206] : memref<10000x128xf32, #tpu.memory_space<hbm>> -> memref<10000x128xf32, #tpu.memory_space<hbm>>
    tpu.enqueue_indirect_dma source(%dma_start3A_207 : memref<10000x128xf32, #tpu.memory_space<hbm>>) target(%arg14 : memref<80x128xf32, #tpu.memory_space<vmem>>) offsets(%dma_start3A_204 : memref<80xi32, #tpu.memory_space<vmem>>) semaphore(%arg27 : memref<!tpu.dma_semaphore, #tpu.memory_space<semaphore_mem>>)
    %dma_wait3A_208 = arith.constant 0 : i32
    %dma_wait3A_209 = arith.constant 0 : i32
    %dma_wait3A_210 = tpu.memref_slice %arg6[%dma_wait3A_208, %dma_wait3A_209] : memref<2x80xi32, #tpu.memory_space<vmem>> -> memref<1x80xi32, #tpu.memory_space<vmem>>
    %dma_wait3A_211 = tpu.memref_squeeze %dma_wait3A_210 : memref<1x80xi32, #tpu.memory_space<vmem>> -> memref<80xi32, #tpu.memory_space<vmem>>
    %dma_wait3A_212 = arith.constant 0 : i32
    %dma_wait3A_213 = arith.constant 0 : i32
    %dma_wait3A_214 = tpu.memref_slice %arg2[%dma_wait3A_212, %dma_wait3A_213] : memref<10000x128xf32, #tpu.memory_space<hbm>> -> memref<10000x128xf32, #tpu.memory_space<hbm>>
    tpu.wait_indirect_dma semaphore(%arg30 : memref<!tpu.dma_semaphore, #tpu.memory_space<semaphore_mem>>) src(%dma_wait3A_214 : memref<10000x128xf32, #tpu.memory_space<hbm>>) dst(%arg17 : memref<80x128xf32, #tpu.memory_space<vmem>>)
    %dma_start3A_215 = arith.constant 1 : i32
    %dma_start3A_216 = arith.constant 0 : i32
    %dma_start3A_217 = tpu.memref_slice %arg9[%dma_start3A_215, %dma_start3A_216] : memref<2x80xi32, #tpu.memory_space<vmem>> -> memref<1x80xi32, #tpu.memory_space<vmem>>
    %dma_start3A_218 = tpu.memref_squeeze %dma_start3A_217 : memref<1x80xi32, #tpu.memory_space<vmem>> -> memref<80xi32, #tpu.memory_space<vmem>>
    %dma_start3A_219 = arith.constant 0 : i32
    %dma_start3A_220 = arith.constant 0 : i32
    %dma_start3A_221 = tpu.memref_slice %arg18[%dma_start3A_219, %dma_start3A_220] : memref<10000x128xf32, #tpu.memory_space<vmem_shared>> -> memref<10000x128xf32, #tpu.memory_space<vmem_shared>>
    tpu.enqueue_indirect_dma source(%arg17 : memref<80x128xf32, #tpu.memory_space<vmem>>) target(%dma_start3A_221 : memref<10000x128xf32, #tpu.memory_space<vmem_shared>>) offsets(%dma_start3A_218 : memref<80xi32, #tpu.memory_space<vmem>>) semaphore(%arg34 : memref<!tpu.dma_semaphore, #tpu.memory_space<semaphore_mem>>) {add = true}
    %dma_wait3A_222 = arith.constant 1 : i32
    %dma_wait3A_223 = arith.constant 0 : i32
    %dma_wait3A_224 = tpu.memref_slice %arg6[%dma_wait3A_222, %dma_wait3A_223] : memref<2x80xi32, #tpu.memory_space<vmem>> -> memref<1x80xi32, #tpu.memory_space<vmem>>
    %dma_wait3A_225 = tpu.memref_squeeze %dma_wait3A_224 : memref<1x80xi32, #tpu.memory_space<vmem>> -> memref<80xi32, #tpu.memory_space<vmem>>
    %dma_wait3A_226 = arith.constant 0 : i32
    %dma_wait3A_227 = arith.constant 0 : i32
    %dma_wait3A_228 = tpu.memref_slice %arg18[%dma_wait3A_226, %dma_wait3A_227] : memref<10000x128xf32, #tpu.memory_space<vmem_shared>> -> memref<10000x128xf32, #tpu.memory_space<vmem_shared>>
    tpu.wait_indirect_dma semaphore(%arg32 : memref<!tpu.dma_semaphore, #tpu.memory_space<semaphore_mem>>) src(%arg14 : memref<80x128xf32, #tpu.memory_space<vmem>>) dst(%dma_wait3A_228 : memref<10000x128xf32, #tpu.memory_space<vmem_shared>>)
    %dma_wait3A_229 = arith.constant 0 : i32
    %dma_wait3A_230 = arith.constant 0 : i32
    %dma_wait3A_231 = tpu.memref_slice %arg6[%dma_wait3A_229, %dma_wait3A_230] : memref<2x80xi32, #tpu.memory_space<vmem>> -> memref<1x80xi32, #tpu.memory_space<vmem>>
    %dma_wait3A_232 = tpu.memref_squeeze %dma_wait3A_231 : memref<1x80xi32, #tpu.memory_space<vmem>> -> memref<80xi32, #tpu.memory_space<vmem>>
    %dma_wait3A_233 = arith.constant 0 : i32
    %dma_wait3A_234 = arith.constant 0 : i32
    %dma_wait3A_235 = tpu.memref_slice %arg2[%dma_wait3A_233, %dma_wait3A_234] : memref<10000x128xf32, #tpu.memory_space<hbm>> -> memref<10000x128xf32, #tpu.memory_space<hbm>>
    tpu.wait_indirect_dma semaphore(%arg27 : memref<!tpu.dma_semaphore, #tpu.memory_space<semaphore_mem>>) src(%dma_wait3A_235 : memref<10000x128xf32, #tpu.memory_space<hbm>>) dst(%arg14 : memref<80x128xf32, #tpu.memory_space<vmem>>)
    %dma_start3A_236 = arith.constant 1 : i32
    %dma_start3A_237 = arith.constant 0 : i32
    %dma_start3A_238 = tpu.memref_slice %arg10[%dma_start3A_236, %dma_start3A_237] : memref<2x80xi32, #tpu.memory_space<vmem>> -> memref<1x80xi32, #tpu.memory_space<vmem>>
    %dma_start3A_239 = tpu.memref_squeeze %dma_start3A_238 : memref<1x80xi32, #tpu.memory_space<vmem>> -> memref<80xi32, #tpu.memory_space<vmem>>
    %dma_start3A_240 = arith.constant 0 : i32
    %dma_start3A_241 = arith.constant 0 : i32
    %dma_start3A_242 = tpu.memref_slice %arg18[%dma_start3A_240, %dma_start3A_241] : memref<10000x128xf32, #tpu.memory_space<vmem_shared>> -> memref<10000x128xf32, #tpu.memory_space<vmem_shared>>
    tpu.enqueue_indirect_dma source(%arg14 : memref<80x128xf32, #tpu.memory_space<vmem>>) target(%dma_start3A_242 : memref<10000x128xf32, #tpu.memory_space<vmem_shared>>) offsets(%dma_start3A_239 : memref<80xi32, #tpu.memory_space<vmem>>) semaphore(%arg31 : memref<!tpu.dma_semaphore, #tpu.memory_space<semaphore_mem>>) {add = true}
    %dma_wait3A_243 = arith.constant 1 : i32
    %dma_wait3A_244 = arith.constant 0 : i32
    %dma_wait3A_245 = tpu.memref_slice %arg6[%dma_wait3A_243, %dma_wait3A_244] : memref<2x80xi32, #tpu.memory_space<vmem>> -> memref<1x80xi32, #tpu.memory_space<vmem>>
    %dma_wait3A_246 = tpu.memref_squeeze %dma_wait3A_245 : memref<1x80xi32, #tpu.memory_space<vmem>> -> memref<80xi32, #tpu.memory_space<vmem>>
    %dma_wait3A_247 = arith.constant 0 : i32
    %dma_wait3A_248 = arith.constant 0 : i32
    %dma_wait3A_249 = tpu.memref_slice %arg18[%dma_wait3A_247, %dma_wait3A_248] : memref<10000x128xf32, #tpu.memory_space<vmem_shared>> -> memref<10000x128xf32, #tpu.memory_space<vmem_shared>>
    tpu.wait_indirect_dma semaphore(%arg33 : memref<!tpu.dma_semaphore, #tpu.memory_space<semaphore_mem>>) src(%arg14 : memref<80x128xf32, #tpu.memory_space<vmem>>) dst(%dma_wait3A_249 : memref<10000x128xf32, #tpu.memory_space<vmem_shared>>)
    %dma_wait3A_250 = arith.constant 1 : i32
    %dma_wait3A_251 = arith.constant 0 : i32
    %dma_wait3A_252 = tpu.memref_slice %arg6[%dma_wait3A_250, %dma_wait3A_251] : memref<2x80xi32, #tpu.memory_space<vmem>> -> memref<1x80xi32, #tpu.memory_space<vmem>>
    %dma_wait3A_253 = tpu.memref_squeeze %dma_wait3A_252 : memref<1x80xi32, #tpu.memory_space<vmem>> -> memref<80xi32, #tpu.memory_space<vmem>>
    %dma_wait3A_254 = arith.constant 0 : i32
    %dma_wait3A_255 = arith.constant 0 : i32
    %dma_wait3A_256 = tpu.memref_slice %arg18[%dma_wait3A_254, %dma_wait3A_255] : memref<10000x128xf32, #tpu.memory_space<vmem_shared>> -> memref<10000x128xf32, #tpu.memory_space<vmem_shared>>
    tpu.wait_indirect_dma semaphore(%arg34 : memref<!tpu.dma_semaphore, #tpu.memory_space<semaphore_mem>>) src(%arg14 : memref<80x128xf32, #tpu.memory_space<vmem>>) dst(%dma_wait3A_256 : memref<10000x128xf32, #tpu.memory_space<vmem_shared>>)
    %dma_wait3A_257 = arith.constant 1 : i32
    %dma_wait3A_258 = arith.constant 0 : i32
    %dma_wait3A_259 = tpu.memref_slice %arg6[%dma_wait3A_257, %dma_wait3A_258] : memref<2x80xi32, #tpu.memory_space<vmem>> -> memref<1x80xi32, #tpu.memory_space<vmem>>
    %dma_wait3A_260 = tpu.memref_squeeze %dma_wait3A_259 : memref<1x80xi32, #tpu.memory_space<vmem>> -> memref<80xi32, #tpu.memory_space<vmem>>
    %dma_wait3A_261 = arith.constant 0 : i32
    %dma_wait3A_262 = arith.constant 0 : i32
    %dma_wait3A_263 = tpu.memref_slice %arg18[%dma_wait3A_261, %dma_wait3A_262] : memref<10000x128xf32, #tpu.memory_space<vmem_shared>> -> memref<10000x128xf32, #tpu.memory_space<vmem_shared>>
    tpu.wait_indirect_dma semaphore(%arg31 : memref<!tpu.dma_semaphore, #tpu.memory_space<semaphore_mem>>) src(%arg14 : memref<80x128xf32, #tpu.memory_space<vmem>>) dst(%dma_wait3A_263 : memref<10000x128xf32, #tpu.memory_space<vmem_shared>>)
    %barrier3A_264 = arith.constant 0 : index
    tpu.barrier barrier_id(%barrier3A_264)
    %mul3A_265 = arith.constant 624 : i32
    %mul3A_266 = arith.muli %arg1, %mul3A_265 : i32
    %mul3A_267 = arith.constant 624 : i32
    %mul3A_268 = arith.muli %arg1, %mul3A_267 : i32
    "tpu.region"() ({
      %run_scoped3A = tpu.sem_alloc : memref<!tpu.dma_semaphore, #tpu.memory_space<semaphore_mem>>
      %dma_start3A_274 = arith.constant 0 : i32
      %dma_start3A_275 = tpu.memref_slice %arg5[%arg0, %mul3A_268, %dma_start3A_274] : memref<2x10000x128xf32, #tpu.memory_space<hbm>> -> memref<1x624x128xf32, #tpu.memory_space<hbm>>
      %dma_start3A_276 = tpu.memref_squeeze %dma_start3A_275 : memref<1x624x128xf32, #tpu.memory_space<hbm>> -> memref<624x128xf32, #tpu.memory_space<hbm>>
      %dma_start3A_277 = arith.constant 0 : i32
      %dma_start3A_278 = tpu.memref_slice %arg18[%mul3A_266, %dma_start3A_277] : memref<10000x128xf32, #tpu.memory_space<vmem_shared>> -> memref<624x128xf32, #tpu.memory_space<vmem_shared>>
      tpu.enqueue_dma source(%dma_start3A_278 : memref<624x128xf32, #tpu.memory_space<vmem_shared>>) target(%dma_start3A_276 : memref<624x128xf32, #tpu.memory_space<hbm>>) target_semaphore(%run_scoped3A : memref<!tpu.dma_semaphore, #tpu.memory_space<semaphore_mem>>)
      %dma_wait3A_279 = arith.constant 0 : i32
      %dma_wait3A_280 = tpu.memref_slice %arg5[%arg0, %mul3A_268, %dma_wait3A_279] : memref<2x10000x128xf32, #tpu.memory_space<hbm>> -> memref<1x624x128xf32, #tpu.memory_space<hbm>>
      %dma_wait3A_281 = tpu.memref_squeeze %dma_wait3A_280 : memref<1x624x128xf32, #tpu.memory_space<hbm>> -> memref<624x128xf32, #tpu.memory_space<hbm>>
      %dma_wait3A_282 = arith.constant 0 : i32
      %dma_wait3A_283 = tpu.memref_slice %arg18[%mul3A_266, %dma_wait3A_282] : memref<10000x128xf32, #tpu.memory_space<vmem_shared>> -> memref<624x128xf32, #tpu.memory_space<vmem_shared>>
      tpu.wait_dma2 semaphore(%run_scoped3A : memref<!tpu.dma_semaphore, #tpu.memory_space<semaphore_mem>>) src(%dma_wait3A_283 : memref<624x128xf32, #tpu.memory_space<vmem_shared>>) dst(%dma_wait3A_281 : memref<624x128xf32, #tpu.memory_space<hbm>>)
      tpu.yield
    }) : () -> ()
    %eq3A_269 = arith.constant 0 : i32
    %eq3A_270 = arith.cmpi eq, %arg1, %eq3A_269 : i32
    %convert_element_type3A_271 = arith.extui %eq3A_270 : i1 to i32
    %cond3A_272 = arith.constant 0 : i32
    %cond3A_273 = arith.cmpi ne, %convert_element_type3A_271, %cond3A_272 : i32
    scf.if %cond3A_273 {
      "tpu.region"() ({
        %run_scoped3A = tpu.sem_alloc : memref<!tpu.dma_semaphore, #tpu.memory_space<semaphore_mem>>
        %dma_start3A_274 = arith.constant 9984 : i32
        %dma_start3A_275 = arith.constant 0 : i32
        %dma_start3A_276 = tpu.memref_slice %arg5[%arg0, %dma_start3A_274, %dma_start3A_275] : memref<2x10000x128xf32, #tpu.memory_space<hbm>> -> memref<1x16x128xf32, #tpu.memory_space<hbm>>
        %dma_start3A_277 = tpu.memref_squeeze %dma_start3A_276 : memref<1x16x128xf32, #tpu.memory_space<hbm>> -> memref<16x128xf32, #tpu.memory_space<hbm>>
        %dma_start3A_278 = arith.constant 9984 : i32
        %dma_start3A_279 = arith.constant 0 : i32
        %dma_start3A_280 = tpu.memref_slice %arg18[%dma_start3A_278, %dma_start3A_279] : memref<10000x128xf32, #tpu.memory_space<vmem_shared>> -> memref<16x128xf32, #tpu.memory_space<vmem_shared>>
        tpu.enqueue_dma source(%dma_start3A_280 : memref<16x128xf32, #tpu.memory_space<vmem_shared>>) target(%dma_start3A_277 : memref<16x128xf32, #tpu.memory_space<hbm>>) target_semaphore(%run_scoped3A : memref<!tpu.dma_semaphore, #tpu.memory_space<semaphore_mem>>)
        %dma_wait3A_281 = arith.constant 9984 : i32
        %dma_wait3A_282 = arith.constant 0 : i32
        %dma_wait3A_283 = tpu.memref_slice %arg5[%arg0, %dma_wait3A_281, %dma_wait3A_282] : memref<2x10000x128xf32, #tpu.memory_space<hbm>> -> memref<1x16x128xf32, #tpu.memory_space<hbm>>
        %dma_wait3A_284 = tpu.memref_squeeze %dma_wait3A_283 : memref<1x16x128xf32, #tpu.memory_space<hbm>> -> memref<16x128xf32, #tpu.memory_space<hbm>>
        %dma_wait3A_285 = arith.constant 9984 : i32
        %dma_wait3A_286 = arith.constant 0 : i32
        %dma_wait3A_287 = tpu.memref_slice %arg18[%dma_wait3A_285, %dma_wait3A_286] : memref<10000x128xf32, #tpu.memory_space<vmem_shared>> -> memref<16x128xf32, #tpu.memory_space<vmem_shared>>
        tpu.wait_dma2 semaphore(%run_scoped3A : memref<!tpu.dma_semaphore, #tpu.memory_space<semaphore_mem>>) src(%dma_wait3A_287 : memref<16x128xf32, #tpu.memory_space<vmem_shared>>) dst(%dma_wait3A_284 : memref<16x128xf32, #tpu.memory_space<hbm>>)
        tpu.yield
      }) : () -> ()
    } else {
    }
    return
  }
}

#map = affine_map<(d0, d1) -> (0, 0)>
#map1 = affine_map<(d0, d1) -> (0, 0, 0, 0)>
#map2 = affine_map<(d0, d1) -> (0, 0, 0)>
module attributes {stable_mosaic.version = 14 : i64} {
  func.func @_sc_agg(%arg0: i32, %arg1: i32, %arg2: memref<10000x128xf32, #tpu.memory_space<hbm>>, %arg3: memref<32x125x2x80xi32, #tpu.memory_space<hbm>>, %arg4: memref<624x128xf32, #tpu.memory_space<hbm>>, %arg5: memref<2x10000x128xf32, #tpu.memory_space<hbm>>, %arg6: memref<2x80xi32, #tpu.memory_space<vmem>>, %arg7: memref<2x80xi32, #tpu.memory_space<vmem>>, %arg8: memref<2x80xi32, #tpu.memory_space<vmem>>, %arg9: memref<2x80xi32, #tpu.memory_space<vmem>>, %arg10: memref<2x80xi32, #tpu.memory_space<vmem>>, %arg11: memref<2x80xi32, #tpu.memory_space<vmem>>, %arg12: memref<2x80xi32, #tpu.memory_space<vmem>>, %arg13: memref<2x80xi32, #tpu.memory_space<vmem>>, %arg14: memref<80x128xf32, #tpu.memory_space<vmem>>, %arg15: memref<80x128xf32, #tpu.memory_space<vmem>>, %arg16: memref<80x128xf32, #tpu.memory_space<vmem>>, %arg17: memref<80x128xf32, #tpu.memory_space<vmem>>, %arg18: memref<10000x128xf32, #tpu.memory_space<vmem_shared>>, %arg19: memref<!tpu.dma_semaphore, #tpu.memory_space<semaphore_mem>>, %arg20: memref<!tpu.dma_semaphore, #tpu.memory_space<semaphore_mem>>, %arg21: memref<!tpu.dma_semaphore, #tpu.memory_space<semaphore_mem>>, %arg22: memref<!tpu.dma_semaphore, #tpu.memory_space<semaphore_mem>>, %arg23: memref<!tpu.dma_semaphore, #tpu.memory_space<semaphore_mem>>, %arg24: memref<!tpu.dma_semaphore, #tpu.memory_space<semaphore_mem>>, %arg25: memref<!tpu.dma_semaphore, #tpu.memory_space<semaphore_mem>>, %arg26: memref<!tpu.dma_semaphore, #tpu.memory_space<semaphore_mem>>, %arg27: memref<!tpu.dma_semaphore, #tpu.memory_space<semaphore_mem>>, %arg28: memref<!tpu.dma_semaphore, #tpu.memory_space<semaphore_mem>>, %arg29: memref<!tpu.dma_semaphore, #tpu.memory_space<semaphore_mem>>, %arg30: memref<!tpu.dma_semaphore, #tpu.memory_space<semaphore_mem>>, %arg31: memref<!tpu.dma_semaphore, #tpu.memory_space<semaphore_mem>>, %arg32: memref<!tpu.dma_semaphore, #tpu.memory_space<semaphore_mem>>, %arg33: memref<!tpu.dma_semaphore, #tpu.memory_space<semaphore_mem>>, %arg34: memref<!tpu.dma_semaphore, #tpu.memory_space<semaphore_mem>>) attributes {dimension_semantics = [#tpu.dimension_semantics<core_parallel>, #tpu.dimension_semantics<subcore_parallel>], iteration_bounds = array<i64: 2, 16>, scalar_prefetch = 0 : i64, scratch_operands = 29 : i64, tpu.core_type = #tpu.core_type<sc_vector_subcore>, window_params = [{transform_indices = #map}, {transform_indices = #map1}, {transform_indices = #map}, {transform_indices = #map2}]} {
    %mul3A = arith.constant 16 : i32
    %mul3A_0 = arith.muli %arg0, %mul3A : i32
    %add3A = arith.addi %mul3A_0, %arg1 : i32
    %eq3A = arith.constant 0 : i32
    %eq3A_1 = arith.cmpi eq, %arg0, %eq3A : i32
    %convert_element_type3A = arith.extui %eq3A_1 : i1 to i32
    %cond3A = arith.constant 0 : i32
    %cond3A_2 = arith.cmpi ne, %convert_element_type3A, %cond3A : i32
    scf.if %cond3A_2 {
      %mul3A_274 = arith.constant 624 : i32
      %mul3A_275 = arith.muli %arg1, %mul3A_274 : i32
      %mul3A_276 = arith.constant 624 : i32
      %mul3A_277 = arith.muli %arg1, %mul3A_276 : i32
      "tpu.region"() ({
        %run_scoped3A = tpu.sem_alloc : memref<!tpu.dma_semaphore, #tpu.memory_space<semaphore_mem>>
        %dma_start3A_283 = arith.constant 0 : i32
        %dma_start3A_284 = tpu.memref_slice %arg18[%mul3A_277, %dma_start3A_283] : memref<10000x128xf32, #tpu.memory_space<vmem_shared>> -> memref<624x128xf32, #tpu.memory_space<vmem_shared>>
        %dma_start3A_285 = arith.constant 0 : i32
        %dma_start3A_286 = tpu.memref_slice %arg2[%mul3A_275, %dma_start3A_285] : memref<10000x128xf32, #tpu.memory_space<hbm>> -> memref<624x128xf32, #tpu.memory_space<hbm>>
        tpu.enqueue_dma source(%dma_start3A_286 : memref<624x128xf32, #tpu.memory_space<hbm>>) target(%dma_start3A_284 : memref<624x128xf32, #tpu.memory_space<vmem_shared>>) target_semaphore(%run_scoped3A : memref<!tpu.dma_semaphore, #tpu.memory_space<semaphore_mem>>)
        %dma_wait3A_287 = arith.constant 0 : i32
        %dma_wait3A_288 = tpu.memref_slice %arg18[%mul3A_277, %dma_wait3A_287] : memref<10000x128xf32, #tpu.memory_space<vmem_shared>> -> memref<624x128xf32, #tpu.memory_space<vmem_shared>>
        %dma_wait3A_289 = arith.constant 0 : i32
        %dma_wait3A_290 = tpu.memref_slice %arg2[%mul3A_275, %dma_wait3A_289] : memref<10000x128xf32, #tpu.memory_space<hbm>> -> memref<624x128xf32, #tpu.memory_space<hbm>>
        tpu.wait_dma2 semaphore(%run_scoped3A : memref<!tpu.dma_semaphore, #tpu.memory_space<semaphore_mem>>) src(%dma_wait3A_290 : memref<624x128xf32, #tpu.memory_space<hbm>>) dst(%dma_wait3A_288 : memref<624x128xf32, #tpu.memory_space<vmem_shared>>)
        tpu.yield
      }) : () -> ()
      %eq3A_278 = arith.constant 0 : i32
      %eq3A_279 = arith.cmpi eq, %arg1, %eq3A_278 : i32
      %convert_element_type3A_280 = arith.extui %eq3A_279 : i1 to i32
      %cond3A_281 = arith.constant 0 : i32
      %cond3A_282 = arith.cmpi ne, %convert_element_type3A_280, %cond3A_281 : i32
      scf.if %cond3A_282 {
        "tpu.region"() ({
          %run_scoped3A = tpu.sem_alloc : memref<!tpu.dma_semaphore, #tpu.memory_space<semaphore_mem>>
          %dma_start3A_283 = arith.constant 9984 : i32
          %dma_start3A_284 = arith.constant 0 : i32
          %dma_start3A_285 = tpu.memref_slice %arg18[%dma_start3A_283, %dma_start3A_284] : memref<10000x128xf32, #tpu.memory_space<vmem_shared>> -> memref<16x128xf32, #tpu.memory_space<vmem_shared>>
          %dma_start3A_286 = arith.constant 9984 : i32
          %dma_start3A_287 = arith.constant 0 : i32
          %dma_start3A_288 = tpu.memref_slice %arg2[%dma_start3A_286, %dma_start3A_287] : memref<10000x128xf32, #tpu.memory_space<hbm>> -> memref<16x128xf32, #tpu.memory_space<hbm>>
          tpu.enqueue_dma source(%dma_start3A_288 : memref<16x128xf32, #tpu.memory_space<hbm>>) target(%dma_start3A_285 : memref<16x128xf32, #tpu.memory_space<vmem_shared>>) target_semaphore(%run_scoped3A : memref<!tpu.dma_semaphore, #tpu.memory_space<semaphore_mem>>)
          %dma_wait3A_289 = arith.constant 9984 : i32
          %dma_wait3A_290 = arith.constant 0 : i32
          %dma_wait3A_291 = tpu.memref_slice %arg18[%dma_wait3A_289, %dma_wait3A_290] : memref<10000x128xf32, #tpu.memory_space<vmem_shared>> -> memref<16x128xf32, #tpu.memory_space<vmem_shared>>
          %dma_wait3A_292 = arith.constant 9984 : i32
          %dma_wait3A_293 = arith.constant 0 : i32
          %dma_wait3A_294 = tpu.memref_slice %arg2[%dma_wait3A_292, %dma_wait3A_293] : memref<10000x128xf32, #tpu.memory_space<hbm>> -> memref<16x128xf32, #tpu.memory_space<hbm>>
          tpu.wait_dma2 semaphore(%run_scoped3A : memref<!tpu.dma_semaphore, #tpu.memory_space<semaphore_mem>>) src(%dma_wait3A_294 : memref<16x128xf32, #tpu.memory_space<hbm>>) dst(%dma_wait3A_291 : memref<16x128xf32, #tpu.memory_space<vmem_shared>>)
          tpu.yield
        }) : () -> ()
      } else {
      }
    } else {
    }
    %eq3A_3 = arith.constant 1 : i32
    %eq3A_4 = arith.cmpi eq, %arg0, %eq3A_3 : i32
    %convert_element_type3A_5 = arith.extui %eq3A_4 : i1 to i32
    %cond3A_6 = arith.constant 0 : i32
    %cond3A_7 = arith.cmpi ne, %convert_element_type3A_5, %cond3A_6 : i32
    scf.if %cond3A_7 {
      %mul3A_274 = arith.constant 624 : i32
      %mul3A_275 = arith.muli %arg1, %mul3A_274 : i32
      "tpu.region"() ({
        %run_scoped3A = tpu.sem_alloc : memref<!tpu.dma_semaphore, #tpu.memory_space<semaphore_mem>>
        %dma_start3A_281 = arith.constant 0 : i32
        %dma_start3A_282 = tpu.memref_slice %arg18[%mul3A_275, %dma_start3A_281] : memref<10000x128xf32, #tpu.memory_space<vmem_shared>> -> memref<624x128xf32, #tpu.memory_space<vmem_shared>>
        tpu.enqueue_dma source(%arg4 : memref<624x128xf32, #tpu.memory_space<hbm>>) target(%dma_start3A_282 : memref<624x128xf32, #tpu.memory_space<vmem_shared>>) target_semaphore(%run_scoped3A : memref<!tpu.dma_semaphore, #tpu.memory_space<semaphore_mem>>)
        %dma_wait3A_283 = arith.constant 0 : i32
        %dma_wait3A_284 = tpu.memref_slice %arg18[%mul3A_275, %dma_wait3A_283] : memref<10000x128xf32, #tpu.memory_space<vmem_shared>> -> memref<624x128xf32, #tpu.memory_space<vmem_shared>>
        tpu.wait_dma2 semaphore(%run_scoped3A : memref<!tpu.dma_semaphore, #tpu.memory_space<semaphore_mem>>) src(%arg4 : memref<624x128xf32, #tpu.memory_space<hbm>>) dst(%dma_wait3A_284 : memref<624x128xf32, #tpu.memory_space<vmem_shared>>)
        tpu.yield
      }) : () -> ()
      %eq3A_276 = arith.constant 0 : i32
      %eq3A_277 = arith.cmpi eq, %arg1, %eq3A_276 : i32
      %convert_element_type3A_278 = arith.extui %eq3A_277 : i1 to i32
      %cond3A_279 = arith.constant 0 : i32
      %cond3A_280 = arith.cmpi ne, %convert_element_type3A_278, %cond3A_279 : i32
      scf.if %cond3A_280 {
        "tpu.region"() ({
          %run_scoped3A = tpu.sem_alloc : memref<!tpu.dma_semaphore, #tpu.memory_space<semaphore_mem>>
          %dma_start3A_281 = arith.constant 9984 : i32
          %dma_start3A_282 = arith.constant 0 : i32
          %dma_start3A_283 = tpu.memref_slice %arg18[%dma_start3A_281, %dma_start3A_282] : memref<10000x128xf32, #tpu.memory_space<vmem_shared>> -> memref<16x128xf32, #tpu.memory_space<vmem_shared>>
          %dma_start3A_284 = arith.constant 0 : i32
          %dma_start3A_285 = arith.constant 0 : i32
          %dma_start3A_286 = tpu.memref_slice %arg4[%dma_start3A_284, %dma_start3A_285] : memref<624x128xf32, #tpu.memory_space<hbm>> -> memref<16x128xf32, #tpu.memory_space<hbm>>
          tpu.enqueue_dma source(%dma_start3A_286 : memref<16x128xf32, #tpu.memory_space<hbm>>) target(%dma_start3A_283 : memref<16x128xf32, #tpu.memory_space<vmem_shared>>) target_semaphore(%run_scoped3A : memref<!tpu.dma_semaphore, #tpu.memory_space<semaphore_mem>>)
          %dma_wait3A_287 = arith.constant 9984 : i32
          %dma_wait3A_288 = arith.constant 0 : i32
          %dma_wait3A_289 = tpu.memref_slice %arg18[%dma_wait3A_287, %dma_wait3A_288] : memref<10000x128xf32, #tpu.memory_space<vmem_shared>> -> memref<16x128xf32, #tpu.memory_space<vmem_shared>>
          %dma_wait3A_290 = arith.constant 0 : i32
          %dma_wait3A_291 = arith.constant 0 : i32
          %dma_wait3A_292 = tpu.memref_slice %arg4[%dma_wait3A_290, %dma_wait3A_291] : memref<624x128xf32, #tpu.memory_space<hbm>> -> memref<16x128xf32, #tpu.memory_space<hbm>>
          tpu.wait_dma2 semaphore(%run_scoped3A : memref<!tpu.dma_semaphore, #tpu.memory_space<semaphore_mem>>) src(%dma_wait3A_292 : memref<16x128xf32, #tpu.memory_space<hbm>>) dst(%dma_wait3A_289 : memref<16x128xf32, #tpu.memory_space<vmem_shared>>)
          tpu.yield
        }) : () -> ()
      } else {
      }
    } else {
    }
    %barrier3A = arith.constant 0 : index
    tpu.barrier barrier_id(%barrier3A)
    %dma_start3A = arith.constant 0 : i32
    %dma_start3A_8 = arith.constant 0 : i32
    %dma_start3A_9 = arith.constant 0 : i32
    %dma_start3A_10 = tpu.memref_slice %arg3[%add3A, %dma_start3A, %dma_start3A_8, %dma_start3A_9] : memref<32x125x2x80xi32, #tpu.memory_space<hbm>> -> memref<1x1x2x80xi32, #tpu.memory_space<hbm>>
    %dma_start3A_11 = tpu.memref_squeeze %dma_start3A_10 : memref<1x1x2x80xi32, #tpu.memory_space<hbm>> -> memref<2x80xi32, #tpu.memory_space<hbm>>
    %dma_start3A_12 = arith.constant 0 : i32
    %dma_start3A_13 = arith.constant 0 : i32
    %dma_start3A_14 = tpu.memref_slice %arg3[%add3A, %dma_start3A, %dma_start3A_12, %dma_start3A_13] : memref<32x125x2x80xi32, #tpu.memory_space<hbm>> -> memref<1x1x2x80xi32, #tpu.memory_space<hbm>>
    %dma_start3A_15 = tpu.memref_squeeze %dma_start3A_14 : memref<1x1x2x80xi32, #tpu.memory_space<hbm>> -> memref<2x80xi32, #tpu.memory_space<hbm>>
    tpu.enqueue_dma source(%dma_start3A_15 : memref<2x80xi32, #tpu.memory_space<hbm>>) target(%arg6 : memref<2x80xi32, #tpu.memory_space<vmem>>) target_semaphore(%arg19 : memref<!tpu.dma_semaphore, #tpu.memory_space<semaphore_mem>>)
    %dma_start3A_16 = arith.constant 1 : i32
    %dma_start3A_17 = arith.constant 0 : i32
    %dma_start3A_18 = arith.constant 0 : i32
    %dma_start3A_19 = tpu.memref_slice %arg3[%add3A, %dma_start3A_16, %dma_start3A_17, %dma_start3A_18] : memref<32x125x2x80xi32, #tpu.memory_space<hbm>> -> memref<1x1x2x80xi32, #tpu.memory_space<hbm>>
    %dma_start3A_20 = tpu.memref_squeeze %dma_start3A_19 : memref<1x1x2x80xi32, #tpu.memory_space<hbm>> -> memref<2x80xi32, #tpu.memory_space<hbm>>
    %dma_start3A_21 = arith.constant 0 : i32
    %dma_start3A_22 = arith.constant 0 : i32
    %dma_start3A_23 = tpu.memref_slice %arg3[%add3A, %dma_start3A_16, %dma_start3A_21, %dma_start3A_22] : memref<32x125x2x80xi32, #tpu.memory_space<hbm>> -> memref<1x1x2x80xi32, #tpu.memory_space<hbm>>
    %dma_start3A_24 = tpu.memref_squeeze %dma_start3A_23 : memref<1x1x2x80xi32, #tpu.memory_space<hbm>> -> memref<2x80xi32, #tpu.memory_space<hbm>>
    tpu.enqueue_dma source(%dma_start3A_24 : memref<2x80xi32, #tpu.memory_space<hbm>>) target(%arg7 : memref<2x80xi32, #tpu.memory_space<vmem>>) target_semaphore(%arg20 : memref<!tpu.dma_semaphore, #tpu.memory_space<semaphore_mem>>)
    %dma_start3A_25 = arith.constant 2 : i32
    %dma_start3A_26 = arith.constant 0 : i32
    %dma_start3A_27 = arith.constant 0 : i32
    %dma_start3A_28 = tpu.memref_slice %arg3[%add3A, %dma_start3A_25, %dma_start3A_26, %dma_start3A_27] : memref<32x125x2x80xi32, #tpu.memory_space<hbm>> -> memref<1x1x2x80xi32, #tpu.memory_space<hbm>>
    %dma_start3A_29 = tpu.memref_squeeze %dma_start3A_28 : memref<1x1x2x80xi32, #tpu.memory_space<hbm>> -> memref<2x80xi32, #tpu.memory_space<hbm>>
    %dma_start3A_30 = arith.constant 0 : i32
    %dma_start3A_31 = arith.constant 0 : i32
    %dma_start3A_32 = tpu.memref_slice %arg3[%add3A, %dma_start3A_25, %dma_start3A_30, %dma_start3A_31] : memref<32x125x2x80xi32, #tpu.memory_space<hbm>> -> memref<1x1x2x80xi32, #tpu.memory_space<hbm>>
    %dma_start3A_33 = tpu.memref_squeeze %dma_start3A_32 : memref<1x1x2x80xi32, #tpu.memory_space<hbm>> -> memref<2x80xi32, #tpu.memory_space<hbm>>
    tpu.enqueue_dma source(%dma_start3A_33 : memref<2x80xi32, #tpu.memory_space<hbm>>) target(%arg8 : memref<2x80xi32, #tpu.memory_space<vmem>>) target_semaphore(%arg21 : memref<!tpu.dma_semaphore, #tpu.memory_space<semaphore_mem>>)
    %dma_start3A_34 = arith.constant 3 : i32
    %dma_start3A_35 = arith.constant 0 : i32
    %dma_start3A_36 = arith.constant 0 : i32
    %dma_start3A_37 = tpu.memref_slice %arg3[%add3A, %dma_start3A_34, %dma_start3A_35, %dma_start3A_36] : memref<32x125x2x80xi32, #tpu.memory_space<hbm>> -> memref<1x1x2x80xi32, #tpu.memory_space<hbm>>
    %dma_start3A_38 = tpu.memref_squeeze %dma_start3A_37 : memref<1x1x2x80xi32, #tpu.memory_space<hbm>> -> memref<2x80xi32, #tpu.memory_space<hbm>>
    %dma_start3A_39 = arith.constant 0 : i32
    %dma_start3A_40 = arith.constant 0 : i32
    %dma_start3A_41 = tpu.memref_slice %arg3[%add3A, %dma_start3A_34, %dma_start3A_39, %dma_start3A_40] : memref<32x125x2x80xi32, #tpu.memory_space<hbm>> -> memref<1x1x2x80xi32, #tpu.memory_space<hbm>>
    %dma_start3A_42 = tpu.memref_squeeze %dma_start3A_41 : memref<1x1x2x80xi32, #tpu.memory_space<hbm>> -> memref<2x80xi32, #tpu.memory_space<hbm>>
    tpu.enqueue_dma source(%dma_start3A_42 : memref<2x80xi32, #tpu.memory_space<hbm>>) target(%arg9 : memref<2x80xi32, #tpu.memory_space<vmem>>) target_semaphore(%arg22 : memref<!tpu.dma_semaphore, #tpu.memory_space<semaphore_mem>>)
    %dma_start3A_43 = arith.constant 4 : i32
    %dma_start3A_44 = arith.constant 0 : i32
    %dma_start3A_45 = arith.constant 0 : i32
    %dma_start3A_46 = tpu.memref_slice %arg3[%add3A, %dma_start3A_43, %dma_start3A_44, %dma_start3A_45] : memref<32x125x2x80xi32, #tpu.memory_space<hbm>> -> memref<1x1x2x80xi32, #tpu.memory_space<hbm>>
    %dma_start3A_47 = tpu.memref_squeeze %dma_start3A_46 : memref<1x1x2x80xi32, #tpu.memory_space<hbm>> -> memref<2x80xi32, #tpu.memory_space<hbm>>
    %dma_start3A_48 = arith.constant 0 : i32
    %dma_start3A_49 = arith.constant 0 : i32
    %dma_start3A_50 = tpu.memref_slice %arg3[%add3A, %dma_start3A_43, %dma_start3A_48, %dma_start3A_49] : memref<32x125x2x80xi32, #tpu.memory_space<hbm>> -> memref<1x1x2x80xi32, #tpu.memory_space<hbm>>
    %dma_start3A_51 = tpu.memref_squeeze %dma_start3A_50 : memref<1x1x2x80xi32, #tpu.memory_space<hbm>> -> memref<2x80xi32, #tpu.memory_space<hbm>>
    tpu.enqueue_dma source(%dma_start3A_51 : memref<2x80xi32, #tpu.memory_space<hbm>>) target(%arg10 : memref<2x80xi32, #tpu.memory_space<vmem>>) target_semaphore(%arg23 : memref<!tpu.dma_semaphore, #tpu.memory_space<semaphore_mem>>)
    %dma_start3A_52 = arith.constant 5 : i32
    %dma_start3A_53 = arith.constant 0 : i32
    %dma_start3A_54 = arith.constant 0 : i32
    %dma_start3A_55 = tpu.memref_slice %arg3[%add3A, %dma_start3A_52, %dma_start3A_53, %dma_start3A_54] : memref<32x125x2x80xi32, #tpu.memory_space<hbm>> -> memref<1x1x2x80xi32, #tpu.memory_space<hbm>>
    %dma_start3A_56 = tpu.memref_squeeze %dma_start3A_55 : memref<1x1x2x80xi32, #tpu.memory_space<hbm>> -> memref<2x80xi32, #tpu.memory_space<hbm>>
    %dma_start3A_57 = arith.constant 0 : i32
    %dma_start3A_58 = arith.constant 0 : i32
    %dma_start3A_59 = tpu.memref_slice %arg3[%add3A, %dma_start3A_52, %dma_start3A_57, %dma_start3A_58] : memref<32x125x2x80xi32, #tpu.memory_space<hbm>> -> memref<1x1x2x80xi32, #tpu.memory_space<hbm>>
    %dma_start3A_60 = tpu.memref_squeeze %dma_start3A_59 : memref<1x1x2x80xi32, #tpu.memory_space<hbm>> -> memref<2x80xi32, #tpu.memory_space<hbm>>
    tpu.enqueue_dma source(%dma_start3A_60 : memref<2x80xi32, #tpu.memory_space<hbm>>) target(%arg11 : memref<2x80xi32, #tpu.memory_space<vmem>>) target_semaphore(%arg24 : memref<!tpu.dma_semaphore, #tpu.memory_space<semaphore_mem>>)
    %dma_wait3A = arith.constant 0 : i32
    %dma_wait3A_61 = arith.constant 0 : i32
    %dma_wait3A_62 = arith.constant 0 : i32
    %dma_wait3A_63 = tpu.memref_slice %arg3[%add3A, %dma_wait3A, %dma_wait3A_61, %dma_wait3A_62] : memref<32x125x2x80xi32, #tpu.memory_space<hbm>> -> memref<1x1x2x80xi32, #tpu.memory_space<hbm>>
    %dma_wait3A_64 = tpu.memref_squeeze %dma_wait3A_63 : memref<1x1x2x80xi32, #tpu.memory_space<hbm>> -> memref<2x80xi32, #tpu.memory_space<hbm>>
    %dma_wait3A_65 = arith.constant 0 : i32
    %dma_wait3A_66 = arith.constant 0 : i32
    %dma_wait3A_67 = tpu.memref_slice %arg3[%add3A, %dma_wait3A, %dma_wait3A_65, %dma_wait3A_66] : memref<32x125x2x80xi32, #tpu.memory_space<hbm>> -> memref<1x1x2x80xi32, #tpu.memory_space<hbm>>
    %dma_wait3A_68 = tpu.memref_squeeze %dma_wait3A_67 : memref<1x1x2x80xi32, #tpu.memory_space<hbm>> -> memref<2x80xi32, #tpu.memory_space<hbm>>
    tpu.wait_dma2 semaphore(%arg19 : memref<!tpu.dma_semaphore, #tpu.memory_space<semaphore_mem>>) src(%dma_wait3A_68 : memref<2x80xi32, #tpu.memory_space<hbm>>) dst(%arg6 : memref<2x80xi32, #tpu.memory_space<vmem>>)
    %dma_start3A_69 = arith.constant 0 : i32
    %dma_start3A_70 = arith.constant 0 : i32
    %dma_start3A_71 = tpu.memref_slice %arg6[%dma_start3A_69, %dma_start3A_70] : memref<2x80xi32, #tpu.memory_space<vmem>> -> memref<1x80xi32, #tpu.memory_space<vmem>>
    %dma_start3A_72 = tpu.memref_squeeze %dma_start3A_71 : memref<1x80xi32, #tpu.memory_space<vmem>> -> memref<80xi32, #tpu.memory_space<vmem>>
    %dma_start3A_73 = arith.constant 0 : i32
    %dma_start3A_74 = arith.constant 0 : i32
    %dma_start3A_75 = tpu.memref_slice %arg2[%dma_start3A_73, %dma_start3A_74] : memref<10000x128xf32, #tpu.memory_space<hbm>> -> memref<10000x128xf32, #tpu.memory_space<hbm>>
    tpu.enqueue_indirect_dma source(%dma_start3A_75 : memref<10000x128xf32, #tpu.memory_space<hbm>>) target(%arg14 : memref<80x128xf32, #tpu.memory_space<vmem>>) offsets(%dma_start3A_72 : memref<80xi32, #tpu.memory_space<vmem>>) semaphore(%arg27 : memref<!tpu.dma_semaphore, #tpu.memory_space<semaphore_mem>>)
    %dma_wait3A_76 = arith.constant 0 : i32
    %dma_wait3A_77 = arith.constant 0 : i32
    %dma_wait3A_78 = arith.constant 0 : i32
    %dma_wait3A_79 = tpu.memref_slice %arg3[%add3A, %dma_wait3A_76, %dma_wait3A_77, %dma_wait3A_78] : memref<32x125x2x80xi32, #tpu.memory_space<hbm>> -> memref<1x1x2x80xi32, #tpu.memory_space<hbm>>
    %dma_wait3A_80 = tpu.memref_squeeze %dma_wait3A_79 : memref<1x1x2x80xi32, #tpu.memory_space<hbm>> -> memref<2x80xi32, #tpu.memory_space<hbm>>
    %dma_wait3A_81 = arith.constant 0 : i32
    %dma_wait3A_82 = arith.constant 0 : i32
    %dma_wait3A_83 = tpu.memref_slice %arg3[%add3A, %dma_wait3A_76, %dma_wait3A_81, %dma_wait3A_82] : memref<32x125x2x80xi32, #tpu.memory_space<hbm>> -> memref<1x1x2x80xi32, #tpu.memory_space<hbm>>
    %dma_wait3A_84 = tpu.memref_squeeze %dma_wait3A_83 : memref<1x1x2x80xi32, #tpu.memory_space<hbm>> -> memref<2x80xi32, #tpu.memory_space<hbm>>
    tpu.wait_dma2 semaphore(%arg20 : memref<!tpu.dma_semaphore, #tpu.memory_space<semaphore_mem>>) src(%dma_wait3A_84 : memref<2x80xi32, #tpu.memory_space<hbm>>) dst(%arg7 : memref<2x80xi32, #tpu.memory_space<vmem>>)
    %dma_start3A_85 = arith.constant 0 : i32
    %dma_start3A_86 = arith.constant 0 : i32
    %dma_start3A_87 = tpu.memref_slice %arg7[%dma_start3A_85, %dma_start3A_86] : memref<2x80xi32, #tpu.memory_space<vmem>> -> memref<1x80xi32, #tpu.memory_space<vmem>>
    %dma_start3A_88 = tpu.memref_squeeze %dma_start3A_87 : memref<1x80xi32, #tpu.memory_space<vmem>> -> memref<80xi32, #tpu.memory_space<vmem>>
    %dma_start3A_89 = arith.constant 0 : i32
    %dma_start3A_90 = arith.constant 0 : i32
    %dma_start3A_91 = tpu.memref_slice %arg2[%dma_start3A_89, %dma_start3A_90] : memref<10000x128xf32, #tpu.memory_space<hbm>> -> memref<10000x128xf32, #tpu.memory_space<hbm>>
    tpu.enqueue_indirect_dma source(%dma_start3A_91 : memref<10000x128xf32, #tpu.memory_space<hbm>>) target(%arg15 : memref<80x128xf32, #tpu.memory_space<vmem>>) offsets(%dma_start3A_88 : memref<80xi32, #tpu.memory_space<vmem>>) semaphore(%arg28 : memref<!tpu.dma_semaphore, #tpu.memory_space<semaphore_mem>>)
    %scan3A = arith.constant 0 : i32
    %scan3A_92 = arith.constant 0 : i32
    %scan3A_93 = arith.constant 15 : i32
    %scan3A_94 = arith.addi %scan3A_92, %scan3A_93 : i32
    %scan3A_95 = arith.constant 1 : i32
    scf.for %scan3A_274 = %scan3A_92 to %scan3A_94 step %scan3A_95  : i32 {
      %mul3A_275 = arith.constant 8 : i32
      %mul3A_276 = arith.muli %scan3A_274, %mul3A_275 : i32
      %add3A_277 = arith.constant 0 : i32
      %add3A_278 = arith.addi %mul3A_276, %add3A_277 : i32
      %dma_wait3A_279 = arith.constant 0 : i32
      %dma_wait3A_280 = arith.constant 0 : i32
      %dma_wait3A_281 = tpu.memref_slice %arg6[%dma_wait3A_279, %dma_wait3A_280] : memref<2x80xi32, #tpu.memory_space<vmem>> -> memref<1x80xi32, #tpu.memory_space<vmem>>
      %dma_wait3A_282 = tpu.memref_squeeze %dma_wait3A_281 : memref<1x80xi32, #tpu.memory_space<vmem>> -> memref<80xi32, #tpu.memory_space<vmem>>
      %dma_wait3A_283 = arith.constant 0 : i32
      %dma_wait3A_284 = arith.constant 0 : i32
      %dma_wait3A_285 = tpu.memref_slice %arg2[%dma_wait3A_283, %dma_wait3A_284] : memref<10000x128xf32, #tpu.memory_space<hbm>> -> memref<10000x128xf32, #tpu.memory_space<hbm>>
      tpu.wait_indirect_dma semaphore(%arg27 : memref<!tpu.dma_semaphore, #tpu.memory_space<semaphore_mem>>) src(%dma_wait3A_285 : memref<10000x128xf32, #tpu.memory_space<hbm>>) dst(%arg14 : memref<80x128xf32, #tpu.memory_space<vmem>>)
      %dma_start3A_286 = arith.constant 1 : i32
      %dma_start3A_287 = arith.constant 0 : i32
      %dma_start3A_288 = tpu.memref_slice %arg6[%dma_start3A_286, %dma_start3A_287] : memref<2x80xi32, #tpu.memory_space<vmem>> -> memref<1x80xi32, #tpu.memory_space<vmem>>
      %dma_start3A_289 = tpu.memref_squeeze %dma_start3A_288 : memref<1x80xi32, #tpu.memory_space<vmem>> -> memref<80xi32, #tpu.memory_space<vmem>>
      %dma_start3A_290 = arith.constant 0 : i32
      %dma_start3A_291 = arith.constant 0 : i32
      %dma_start3A_292 = tpu.memref_slice %arg18[%dma_start3A_290, %dma_start3A_291] : memref<10000x128xf32, #tpu.memory_space<vmem_shared>> -> memref<10000x128xf32, #tpu.memory_space<vmem_shared>>
      tpu.enqueue_indirect_dma source(%arg14 : memref<80x128xf32, #tpu.memory_space<vmem>>) target(%dma_start3A_292 : memref<10000x128xf32, #tpu.memory_space<vmem_shared>>) offsets(%dma_start3A_289 : memref<80xi32, #tpu.memory_space<vmem>>) semaphore(%arg31 : memref<!tpu.dma_semaphore, #tpu.memory_space<semaphore_mem>>) {add = true}
      %ge3A = arith.constant 2 : i32
      %ge3A_293 = arith.cmpi sge, %add3A_278, %ge3A : i32
      %convert_element_type3A_294 = arith.extui %ge3A_293 : i1 to i32
      %cond3A_295 = arith.constant 0 : i32
      %cond3A_296 = arith.cmpi ne, %convert_element_type3A_294, %cond3A_295 : i32
      scf.if %cond3A_296 {
        %dma_wait3A_584 = arith.constant 1 : i32
        %dma_wait3A_585 = arith.constant 0 : i32
        %dma_wait3A_586 = tpu.memref_slice %arg6[%dma_wait3A_584, %dma_wait3A_585] : memref<2x80xi32, #tpu.memory_space<vmem>> -> memref<1x80xi32, #tpu.memory_space<vmem>>
        %dma_wait3A_587 = tpu.memref_squeeze %dma_wait3A_586 : memref<1x80xi32, #tpu.memory_space<vmem>> -> memref<80xi32, #tpu.memory_space<vmem>>
        %dma_wait3A_588 = arith.constant 0 : i32
        %dma_wait3A_589 = arith.constant 0 : i32
        %dma_wait3A_590 = tpu.memref_slice %arg18[%dma_wait3A_588, %dma_wait3A_589] : memref<10000x128xf32, #tpu.memory_space<vmem_shared>> -> memref<10000x128xf32, #tpu.memory_space<vmem_shared>>
        tpu.wait_indirect_dma semaphore(%arg33 : memref<!tpu.dma_semaphore, #tpu.memory_space<semaphore_mem>>) src(%arg14 : memref<80x128xf32, #tpu.memory_space<vmem>>) dst(%dma_wait3A_590 : memref<10000x128xf32, #tpu.memory_space<vmem_shared>>)
      } else {
      }
      %add3A_297 = arith.constant 8 : i32
      %add3A_298 = arith.addi %add3A_278, %add3A_297 : i32
      %sub3A = arith.constant 2 : i32
      %sub3A_299 = arith.subi %add3A_298, %sub3A : i32
      %lt3A = arith.constant 125 : i32
      %lt3A_300 = arith.cmpi slt, %sub3A_299, %lt3A : i32
      %convert_element_type3A_301 = arith.extui %lt3A_300 : i1 to i32
      %cond3A_302 = arith.constant 0 : i32
      %cond3A_303 = arith.cmpi ne, %convert_element_type3A_301, %cond3A_302 : i32
      scf.if %cond3A_303 {
        %add3A_584 = arith.constant 8 : i32
        %add3A_585 = arith.addi %add3A_278, %add3A_584 : i32
        %sub3A_586 = arith.constant 2 : i32
        %sub3A_587 = arith.subi %add3A_585, %sub3A_586 : i32
        %dma_start3A_588 = arith.constant 0 : i32
        %dma_start3A_589 = arith.constant 0 : i32
        %dma_start3A_590 = tpu.memref_slice %arg3[%add3A, %sub3A_587, %dma_start3A_588, %dma_start3A_589] : memref<32x125x2x80xi32, #tpu.memory_space<hbm>> -> memref<1x1x2x80xi32, #tpu.memory_space<hbm>>
        %dma_start3A_591 = tpu.memref_squeeze %dma_start3A_590 : memref<1x1x2x80xi32, #tpu.memory_space<hbm>> -> memref<2x80xi32, #tpu.memory_space<hbm>>
        %dma_start3A_592 = arith.constant 0 : i32
        %dma_start3A_593 = arith.constant 0 : i32
        %dma_start3A_594 = tpu.memref_slice %arg3[%add3A, %sub3A_587, %dma_start3A_592, %dma_start3A_593] : memref<32x125x2x80xi32, #tpu.memory_space<hbm>> -> memref<1x1x2x80xi32, #tpu.memory_space<hbm>>
        %dma_start3A_595 = tpu.memref_squeeze %dma_start3A_594 : memref<1x1x2x80xi32, #tpu.memory_space<hbm>> -> memref<2x80xi32, #tpu.memory_space<hbm>>
        tpu.enqueue_dma source(%dma_start3A_595 : memref<2x80xi32, #tpu.memory_space<hbm>>) target(%arg12 : memref<2x80xi32, #tpu.memory_space<vmem>>) target_semaphore(%arg25 : memref<!tpu.dma_semaphore, #tpu.memory_space<semaphore_mem>>)
      } else {
      }
      %add3A_304 = arith.constant 2 : i32
      %add3A_305 = arith.addi %add3A_278, %add3A_304 : i32
      %lt3A_306 = arith.constant 125 : i32
      %lt3A_307 = arith.cmpi slt, %add3A_305, %lt3A_306 : i32
      %convert_element_type3A_308 = arith.extui %lt3A_307 : i1 to i32
      %cond3A_309 = arith.constant 0 : i32
      %cond3A_310 = arith.cmpi ne, %convert_element_type3A_308, %cond3A_309 : i32
      scf.if %cond3A_310 {
        %dma_wait3A_584 = arith.constant 0 : i32
        %dma_wait3A_585 = arith.constant 0 : i32
        %dma_wait3A_586 = arith.constant 0 : i32
        %dma_wait3A_587 = tpu.memref_slice %arg3[%add3A, %dma_wait3A_584, %dma_wait3A_585, %dma_wait3A_586] : memref<32x125x2x80xi32, #tpu.memory_space<hbm>> -> memref<1x1x2x80xi32, #tpu.memory_space<hbm>>
        %dma_wait3A_588 = tpu.memref_squeeze %dma_wait3A_587 : memref<1x1x2x80xi32, #tpu.memory_space<hbm>> -> memref<2x80xi32, #tpu.memory_space<hbm>>
        %dma_wait3A_589 = arith.constant 0 : i32
        %dma_wait3A_590 = arith.constant 0 : i32
        %dma_wait3A_591 = tpu.memref_slice %arg3[%add3A, %dma_wait3A_584, %dma_wait3A_589, %dma_wait3A_590] : memref<32x125x2x80xi32, #tpu.memory_space<hbm>> -> memref<1x1x2x80xi32, #tpu.memory_space<hbm>>
        %dma_wait3A_592 = tpu.memref_squeeze %dma_wait3A_591 : memref<1x1x2x80xi32, #tpu.memory_space<hbm>> -> memref<2x80xi32, #tpu.memory_space<hbm>>
        tpu.wait_dma2 semaphore(%arg21 : memref<!tpu.dma_semaphore, #tpu.memory_space<semaphore_mem>>) src(%dma_wait3A_592 : memref<2x80xi32, #tpu.memory_space<hbm>>) dst(%arg8 : memref<2x80xi32, #tpu.memory_space<vmem>>)
        %dma_start3A_593 = arith.constant 0 : i32
        %dma_start3A_594 = arith.constant 0 : i32
        %dma_start3A_595 = tpu.memref_slice %arg8[%dma_start3A_593, %dma_start3A_594] : memref<2x80xi32, #tpu.memory_space<vmem>> -> memref<1x80xi32, #tpu.memory_space<vmem>>
        %dma_start3A_596 = tpu.memref_squeeze %dma_start3A_595 : memref<1x80xi32, #tpu.memory_space<vmem>> -> memref<80xi32, #tpu.memory_space<vmem>>
        %dma_start3A_597 = arith.constant 0 : i32
        %dma_start3A_598 = arith.constant 0 : i32
        %dma_start3A_599 = tpu.memref_slice %arg2[%dma_start3A_597, %dma_start3A_598] : memref<10000x128xf32, #tpu.memory_space<hbm>> -> memref<10000x128xf32, #tpu.memory_space<hbm>>
        tpu.enqueue_indirect_dma source(%dma_start3A_599 : memref<10000x128xf32, #tpu.memory_space<hbm>>) target(%arg16 : memref<80x128xf32, #tpu.memory_space<vmem>>) offsets(%dma_start3A_596 : memref<80xi32, #tpu.memory_space<vmem>>) semaphore(%arg29 : memref<!tpu.dma_semaphore, #tpu.memory_space<semaphore_mem>>)
      } else {
      }
      %mul3A_311 = arith.constant 8 : i32
      %mul3A_312 = arith.muli %scan3A_274, %mul3A_311 : i32
      %add3A_313 = arith.constant 1 : i32
      %add3A_314 = arith.addi %mul3A_312, %add3A_313 : i32
      %dma_wait3A_315 = arith.constant 0 : i32
      %dma_wait3A_316 = arith.constant 0 : i32
      %dma_wait3A_317 = tpu.memref_slice %arg6[%dma_wait3A_315, %dma_wait3A_316] : memref<2x80xi32, #tpu.memory_space<vmem>> -> memref<1x80xi32, #tpu.memory_space<vmem>>
      %dma_wait3A_318 = tpu.memref_squeeze %dma_wait3A_317 : memref<1x80xi32, #tpu.memory_space<vmem>> -> memref<80xi32, #tpu.memory_space<vmem>>
      %dma_wait3A_319 = arith.constant 0 : i32
      %dma_wait3A_320 = arith.constant 0 : i32
      %dma_wait3A_321 = tpu.memref_slice %arg2[%dma_wait3A_319, %dma_wait3A_320] : memref<10000x128xf32, #tpu.memory_space<hbm>> -> memref<10000x128xf32, #tpu.memory_space<hbm>>
      tpu.wait_indirect_dma semaphore(%arg28 : memref<!tpu.dma_semaphore, #tpu.memory_space<semaphore_mem>>) src(%dma_wait3A_321 : memref<10000x128xf32, #tpu.memory_space<hbm>>) dst(%arg15 : memref<80x128xf32, #tpu.memory_space<vmem>>)
      %dma_start3A_322 = arith.constant 1 : i32
      %dma_start3A_323 = arith.constant 0 : i32
      %dma_start3A_324 = tpu.memref_slice %arg7[%dma_start3A_322, %dma_start3A_323] : memref<2x80xi32, #tpu.memory_space<vmem>> -> memref<1x80xi32, #tpu.memory_space<vmem>>
      %dma_start3A_325 = tpu.memref_squeeze %dma_start3A_324 : memref<1x80xi32, #tpu.memory_space<vmem>> -> memref<80xi32, #tpu.memory_space<vmem>>
      %dma_start3A_326 = arith.constant 0 : i32
      %dma_start3A_327 = arith.constant 0 : i32
      %dma_start3A_328 = tpu.memref_slice %arg18[%dma_start3A_326, %dma_start3A_327] : memref<10000x128xf32, #tpu.memory_space<vmem_shared>> -> memref<10000x128xf32, #tpu.memory_space<vmem_shared>>
      tpu.enqueue_indirect_dma source(%arg15 : memref<80x128xf32, #tpu.memory_space<vmem>>) target(%dma_start3A_328 : memref<10000x128xf32, #tpu.memory_space<vmem_shared>>) offsets(%dma_start3A_325 : memref<80xi32, #tpu.memory_space<vmem>>) semaphore(%arg32 : memref<!tpu.dma_semaphore, #tpu.memory_space<semaphore_mem>>) {add = true}
      %ge3A_329 = arith.constant 2 : i32
      %ge3A_330 = arith.cmpi sge, %add3A_314, %ge3A_329 : i32
      %convert_element_type3A_331 = arith.extui %ge3A_330 : i1 to i32
      %cond3A_332 = arith.constant 0 : i32
      %cond3A_333 = arith.cmpi ne, %convert_element_type3A_331, %cond3A_332 : i32
      scf.if %cond3A_333 {
        %dma_wait3A_584 = arith.constant 1 : i32
        %dma_wait3A_585 = arith.constant 0 : i32
        %dma_wait3A_586 = tpu.memref_slice %arg6[%dma_wait3A_584, %dma_wait3A_585] : memref<2x80xi32, #tpu.memory_space<vmem>> -> memref<1x80xi32, #tpu.memory_space<vmem>>
        %dma_wait3A_587 = tpu.memref_squeeze %dma_wait3A_586 : memref<1x80xi32, #tpu.memory_space<vmem>> -> memref<80xi32, #tpu.memory_space<vmem>>
        %dma_wait3A_588 = arith.constant 0 : i32
        %dma_wait3A_589 = arith.constant 0 : i32
        %dma_wait3A_590 = tpu.memref_slice %arg18[%dma_wait3A_588, %dma_wait3A_589] : memref<10000x128xf32, #tpu.memory_space<vmem_shared>> -> memref<10000x128xf32, #tpu.memory_space<vmem_shared>>
        tpu.wait_indirect_dma semaphore(%arg34 : memref<!tpu.dma_semaphore, #tpu.memory_space<semaphore_mem>>) src(%arg14 : memref<80x128xf32, #tpu.memory_space<vmem>>) dst(%dma_wait3A_590 : memref<10000x128xf32, #tpu.memory_space<vmem_shared>>)
      } else {
      }
      %add3A_334 = arith.constant 8 : i32
      %add3A_335 = arith.addi %add3A_314, %add3A_334 : i32
      %sub3A_336 = arith.constant 2 : i32
      %sub3A_337 = arith.subi %add3A_335, %sub3A_336 : i32
      %lt3A_338 = arith.constant 125 : i32
      %lt3A_339 = arith.cmpi slt, %sub3A_337, %lt3A_338 : i32
      %convert_element_type3A_340 = arith.extui %lt3A_339 : i1 to i32
      %cond3A_341 = arith.constant 0 : i32
      %cond3A_342 = arith.cmpi ne, %convert_element_type3A_340, %cond3A_341 : i32
      scf.if %cond3A_342 {
        %add3A_584 = arith.constant 8 : i32
        %add3A_585 = arith.addi %add3A_314, %add3A_584 : i32
        %sub3A_586 = arith.constant 2 : i32
        %sub3A_587 = arith.subi %add3A_585, %sub3A_586 : i32
        %dma_start3A_588 = arith.constant 0 : i32
        %dma_start3A_589 = arith.constant 0 : i32
        %dma_start3A_590 = tpu.memref_slice %arg3[%add3A, %sub3A_587, %dma_start3A_588, %dma_start3A_589] : memref<32x125x2x80xi32, #tpu.memory_space<hbm>> -> memref<1x1x2x80xi32, #tpu.memory_space<hbm>>
        %dma_start3A_591 = tpu.memref_squeeze %dma_start3A_590 : memref<1x1x2x80xi32, #tpu.memory_space<hbm>> -> memref<2x80xi32, #tpu.memory_space<hbm>>
        %dma_start3A_592 = arith.constant 0 : i32
        %dma_start3A_593 = arith.constant 0 : i32
        %dma_start3A_594 = tpu.memref_slice %arg3[%add3A, %sub3A_587, %dma_start3A_592, %dma_start3A_593] : memref<32x125x2x80xi32, #tpu.memory_space<hbm>> -> memref<1x1x2x80xi32, #tpu.memory_space<hbm>>
        %dma_start3A_595 = tpu.memref_squeeze %dma_start3A_594 : memref<1x1x2x80xi32, #tpu.memory_space<hbm>> -> memref<2x80xi32, #tpu.memory_space<hbm>>
        tpu.enqueue_dma source(%dma_start3A_595 : memref<2x80xi32, #tpu.memory_space<hbm>>) target(%arg13 : memref<2x80xi32, #tpu.memory_space<vmem>>) target_semaphore(%arg26 : memref<!tpu.dma_semaphore, #tpu.memory_space<semaphore_mem>>)
      } else {
      }
      %add3A_343 = arith.constant 2 : i32
      %add3A_344 = arith.addi %add3A_314, %add3A_343 : i32
      %lt3A_345 = arith.constant 125 : i32
      %lt3A_346 = arith.cmpi slt, %add3A_344, %lt3A_345 : i32
      %convert_element_type3A_347 = arith.extui %lt3A_346 : i1 to i32
      %cond3A_348 = arith.constant 0 : i32
      %cond3A_349 = arith.cmpi ne, %convert_element_type3A_347, %cond3A_348 : i32
      scf.if %cond3A_349 {
        %dma_wait3A_584 = arith.constant 0 : i32
        %dma_wait3A_585 = arith.constant 0 : i32
        %dma_wait3A_586 = arith.constant 0 : i32
        %dma_wait3A_587 = tpu.memref_slice %arg3[%add3A, %dma_wait3A_584, %dma_wait3A_585, %dma_wait3A_586] : memref<32x125x2x80xi32, #tpu.memory_space<hbm>> -> memref<1x1x2x80xi32, #tpu.memory_space<hbm>>
        %dma_wait3A_588 = tpu.memref_squeeze %dma_wait3A_587 : memref<1x1x2x80xi32, #tpu.memory_space<hbm>> -> memref<2x80xi32, #tpu.memory_space<hbm>>
        %dma_wait3A_589 = arith.constant 0 : i32
        %dma_wait3A_590 = arith.constant 0 : i32
        %dma_wait3A_591 = tpu.memref_slice %arg3[%add3A, %dma_wait3A_584, %dma_wait3A_589, %dma_wait3A_590] : memref<32x125x2x80xi32, #tpu.memory_space<hbm>> -> memref<1x1x2x80xi32, #tpu.memory_space<hbm>>
        %dma_wait3A_592 = tpu.memref_squeeze %dma_wait3A_591 : memref<1x1x2x80xi32, #tpu.memory_space<hbm>> -> memref<2x80xi32, #tpu.memory_space<hbm>>
        tpu.wait_dma2 semaphore(%arg22 : memref<!tpu.dma_semaphore, #tpu.memory_space<semaphore_mem>>) src(%dma_wait3A_592 : memref<2x80xi32, #tpu.memory_space<hbm>>) dst(%arg9 : memref<2x80xi32, #tpu.memory_space<vmem>>)
        %dma_start3A_593 = arith.constant 0 : i32
        %dma_start3A_594 = arith.constant 0 : i32
        %dma_start3A_595 = tpu.memref_slice %arg9[%dma_start3A_593, %dma_start3A_594] : memref<2x80xi32, #tpu.memory_space<vmem>> -> memref<1x80xi32, #tpu.memory_space<vmem>>
        %dma_start3A_596 = tpu.memref_squeeze %dma_start3A_595 : memref<1x80xi32, #tpu.memory_space<vmem>> -> memref<80xi32, #tpu.memory_space<vmem>>
        %dma_start3A_597 = arith.constant 0 : i32
        %dma_start3A_598 = arith.constant 0 : i32
        %dma_start3A_599 = tpu.memref_slice %arg2[%dma_start3A_597, %dma_start3A_598] : memref<10000x128xf32, #tpu.memory_space<hbm>> -> memref<10000x128xf32, #tpu.memory_space<hbm>>
        tpu.enqueue_indirect_dma source(%dma_start3A_599 : memref<10000x128xf32, #tpu.memory_space<hbm>>) target(%arg17 : memref<80x128xf32, #tpu.memory_space<vmem>>) offsets(%dma_start3A_596 : memref<80xi32, #tpu.memory_space<vmem>>) semaphore(%arg30 : memref<!tpu.dma_semaphore, #tpu.memory_space<semaphore_mem>>)
      } else {
      }
      %mul3A_350 = arith.constant 8 : i32
      %mul3A_351 = arith.muli %scan3A_274, %mul3A_350 : i32
      %add3A_352 = arith.constant 2 : i32
      %add3A_353 = arith.addi %mul3A_351, %add3A_352 : i32
      %dma_wait3A_354 = arith.constant 0 : i32
      %dma_wait3A_355 = arith.constant 0 : i32
      %dma_wait3A_356 = tpu.memref_slice %arg6[%dma_wait3A_354, %dma_wait3A_355] : memref<2x80xi32, #tpu.memory_space<vmem>> -> memref<1x80xi32, #tpu.memory_space<vmem>>
      %dma_wait3A_357 = tpu.memref_squeeze %dma_wait3A_356 : memref<1x80xi32, #tpu.memory_space<vmem>> -> memref<80xi32, #tpu.memory_space<vmem>>
      %dma_wait3A_358 = arith.constant 0 : i32
      %dma_wait3A_359 = arith.constant 0 : i32
      %dma_wait3A_360 = tpu.memref_slice %arg2[%dma_wait3A_358, %dma_wait3A_359] : memref<10000x128xf32, #tpu.memory_space<hbm>> -> memref<10000x128xf32, #tpu.memory_space<hbm>>
      tpu.wait_indirect_dma semaphore(%arg29 : memref<!tpu.dma_semaphore, #tpu.memory_space<semaphore_mem>>) src(%dma_wait3A_360 : memref<10000x128xf32, #tpu.memory_space<hbm>>) dst(%arg16 : memref<80x128xf32, #tpu.memory_space<vmem>>)
      %dma_start3A_361 = arith.constant 1 : i32
      %dma_start3A_362 = arith.constant 0 : i32
      %dma_start3A_363 = tpu.memref_slice %arg8[%dma_start3A_361, %dma_start3A_362] : memref<2x80xi32, #tpu.memory_space<vmem>> -> memref<1x80xi32, #tpu.memory_space<vmem>>
      %dma_start3A_364 = tpu.memref_squeeze %dma_start3A_363 : memref<1x80xi32, #tpu.memory_space<vmem>> -> memref<80xi32, #tpu.memory_space<vmem>>
      %dma_start3A_365 = arith.constant 0 : i32
      %dma_start3A_366 = arith.constant 0 : i32
      %dma_start3A_367 = tpu.memref_slice %arg18[%dma_start3A_365, %dma_start3A_366] : memref<10000x128xf32, #tpu.memory_space<vmem_shared>> -> memref<10000x128xf32, #tpu.memory_space<vmem_shared>>
      tpu.enqueue_indirect_dma source(%arg16 : memref<80x128xf32, #tpu.memory_space<vmem>>) target(%dma_start3A_367 : memref<10000x128xf32, #tpu.memory_space<vmem_shared>>) offsets(%dma_start3A_364 : memref<80xi32, #tpu.memory_space<vmem>>) semaphore(%arg33 : memref<!tpu.dma_semaphore, #tpu.memory_space<semaphore_mem>>) {add = true}
      %ge3A_368 = arith.constant 2 : i32
      %ge3A_369 = arith.cmpi sge, %add3A_353, %ge3A_368 : i32
      %convert_element_type3A_370 = arith.extui %ge3A_369 : i1 to i32
      %cond3A_371 = arith.constant 0 : i32
      %cond3A_372 = arith.cmpi ne, %convert_element_type3A_370, %cond3A_371 : i32
      scf.if %cond3A_372 {
        %dma_wait3A_584 = arith.constant 1 : i32
        %dma_wait3A_585 = arith.constant 0 : i32
        %dma_wait3A_586 = tpu.memref_slice %arg6[%dma_wait3A_584, %dma_wait3A_585] : memref<2x80xi32, #tpu.memory_space<vmem>> -> memref<1x80xi32, #tpu.memory_space<vmem>>
        %dma_wait3A_587 = tpu.memref_squeeze %dma_wait3A_586 : memref<1x80xi32, #tpu.memory_space<vmem>> -> memref<80xi32, #tpu.memory_space<vmem>>
        %dma_wait3A_588 = arith.constant 0 : i32
        %dma_wait3A_589 = arith.constant 0 : i32
        %dma_wait3A_590 = tpu.memref_slice %arg18[%dma_wait3A_588, %dma_wait3A_589] : memref<10000x128xf32, #tpu.memory_space<vmem_shared>> -> memref<10000x128xf32, #tpu.memory_space<vmem_shared>>
        tpu.wait_indirect_dma semaphore(%arg31 : memref<!tpu.dma_semaphore, #tpu.memory_space<semaphore_mem>>) src(%arg14 : memref<80x128xf32, #tpu.memory_space<vmem>>) dst(%dma_wait3A_590 : memref<10000x128xf32, #tpu.memory_space<vmem_shared>>)
      } else {
      }
      %add3A_373 = arith.constant 8 : i32
      %add3A_374 = arith.addi %add3A_353, %add3A_373 : i32
      %sub3A_375 = arith.constant 2 : i32
      %sub3A_376 = arith.subi %add3A_374, %sub3A_375 : i32
      %lt3A_377 = arith.constant 125 : i32
      %lt3A_378 = arith.cmpi slt, %sub3A_376, %lt3A_377 : i32
      %convert_element_type3A_379 = arith.extui %lt3A_378 : i1 to i32
      %cond3A_380 = arith.constant 0 : i32
      %cond3A_381 = arith.cmpi ne, %convert_element_type3A_379, %cond3A_380 : i32
      scf.if %cond3A_381 {
        %add3A_584 = arith.constant 8 : i32
        %add3A_585 = arith.addi %add3A_353, %add3A_584 : i32
        %sub3A_586 = arith.constant 2 : i32
        %sub3A_587 = arith.subi %add3A_585, %sub3A_586 : i32
        %dma_start3A_588 = arith.constant 0 : i32
        %dma_start3A_589 = arith.constant 0 : i32
        %dma_start3A_590 = tpu.memref_slice %arg3[%add3A, %sub3A_587, %dma_start3A_588, %dma_start3A_589] : memref<32x125x2x80xi32, #tpu.memory_space<hbm>> -> memref<1x1x2x80xi32, #tpu.memory_space<hbm>>
        %dma_start3A_591 = tpu.memref_squeeze %dma_start3A_590 : memref<1x1x2x80xi32, #tpu.memory_space<hbm>> -> memref<2x80xi32, #tpu.memory_space<hbm>>
        %dma_start3A_592 = arith.constant 0 : i32
        %dma_start3A_593 = arith.constant 0 : i32
        %dma_start3A_594 = tpu.memref_slice %arg3[%add3A, %sub3A_587, %dma_start3A_592, %dma_start3A_593] : memref<32x125x2x80xi32, #tpu.memory_space<hbm>> -> memref<1x1x2x80xi32, #tpu.memory_space<hbm>>
        %dma_start3A_595 = tpu.memref_squeeze %dma_start3A_594 : memref<1x1x2x80xi32, #tpu.memory_space<hbm>> -> memref<2x80xi32, #tpu.memory_space<hbm>>
        tpu.enqueue_dma source(%dma_start3A_595 : memref<2x80xi32, #tpu.memory_space<hbm>>) target(%arg6 : memref<2x80xi32, #tpu.memory_space<vmem>>) target_semaphore(%arg19 : memref<!tpu.dma_semaphore, #tpu.memory_space<semaphore_mem>>)
      } else {
      }
      %add3A_382 = arith.constant 2 : i32
      %add3A_383 = arith.addi %add3A_353, %add3A_382 : i32
      %lt3A_384 = arith.constant 125 : i32
      %lt3A_385 = arith.cmpi slt, %add3A_383, %lt3A_384 : i32
      %convert_element_type3A_386 = arith.extui %lt3A_385 : i1 to i32
      %cond3A_387 = arith.constant 0 : i32
      %cond3A_388 = arith.cmpi ne, %convert_element_type3A_386, %cond3A_387 : i32
      scf.if %cond3A_388 {
        %dma_wait3A_584 = arith.constant 0 : i32
        %dma_wait3A_585 = arith.constant 0 : i32
        %dma_wait3A_586 = arith.constant 0 : i32
        %dma_wait3A_587 = tpu.memref_slice %arg3[%add3A, %dma_wait3A_584, %dma_wait3A_585, %dma_wait3A_586] : memref<32x125x2x80xi32, #tpu.memory_space<hbm>> -> memref<1x1x2x80xi32, #tpu.memory_space<hbm>>
        %dma_wait3A_588 = tpu.memref_squeeze %dma_wait3A_587 : memref<1x1x2x80xi32, #tpu.memory_space<hbm>> -> memref<2x80xi32, #tpu.memory_space<hbm>>
        %dma_wait3A_589 = arith.constant 0 : i32
        %dma_wait3A_590 = arith.constant 0 : i32
        %dma_wait3A_591 = tpu.memref_slice %arg3[%add3A, %dma_wait3A_584, %dma_wait3A_589, %dma_wait3A_590] : memref<32x125x2x80xi32, #tpu.memory_space<hbm>> -> memref<1x1x2x80xi32, #tpu.memory_space<hbm>>
        %dma_wait3A_592 = tpu.memref_squeeze %dma_wait3A_591 : memref<1x1x2x80xi32, #tpu.memory_space<hbm>> -> memref<2x80xi32, #tpu.memory_space<hbm>>
        tpu.wait_dma2 semaphore(%arg23 : memref<!tpu.dma_semaphore, #tpu.memory_space<semaphore_mem>>) src(%dma_wait3A_592 : memref<2x80xi32, #tpu.memory_space<hbm>>) dst(%arg10 : memref<2x80xi32, #tpu.memory_space<vmem>>)
        %dma_start3A_593 = arith.constant 0 : i32
        %dma_start3A_594 = arith.constant 0 : i32
        %dma_start3A_595 = tpu.memref_slice %arg10[%dma_start3A_593, %dma_start3A_594] : memref<2x80xi32, #tpu.memory_space<vmem>> -> memref<1x80xi32, #tpu.memory_space<vmem>>
        %dma_start3A_596 = tpu.memref_squeeze %dma_start3A_595 : memref<1x80xi32, #tpu.memory_space<vmem>> -> memref<80xi32, #tpu.memory_space<vmem>>
        %dma_start3A_597 = arith.constant 0 : i32
        %dma_start3A_598 = arith.constant 0 : i32
        %dma_start3A_599 = tpu.memref_slice %arg2[%dma_start3A_597, %dma_start3A_598] : memref<10000x128xf32, #tpu.memory_space<hbm>> -> memref<10000x128xf32, #tpu.memory_space<hbm>>
        tpu.enqueue_indirect_dma source(%dma_start3A_599 : memref<10000x128xf32, #tpu.memory_space<hbm>>) target(%arg14 : memref<80x128xf32, #tpu.memory_space<vmem>>) offsets(%dma_start3A_596 : memref<80xi32, #tpu.memory_space<vmem>>) semaphore(%arg27 : memref<!tpu.dma_semaphore, #tpu.memory_space<semaphore_mem>>)
      } else {
      }
      %mul3A_389 = arith.constant 8 : i32
      %mul3A_390 = arith.muli %scan3A_274, %mul3A_389 : i32
      %add3A_391 = arith.constant 3 : i32
      %add3A_392 = arith.addi %mul3A_390, %add3A_391 : i32
      %dma_wait3A_393 = arith.constant 0 : i32
      %dma_wait3A_394 = arith.constant 0 : i32
      %dma_wait3A_395 = tpu.memref_slice %arg6[%dma_wait3A_393, %dma_wait3A_394] : memref<2x80xi32, #tpu.memory_space<vmem>> -> memref<1x80xi32, #tpu.memory_space<vmem>>
      %dma_wait3A_396 = tpu.memref_squeeze %dma_wait3A_395 : memref<1x80xi32, #tpu.memory_space<vmem>> -> memref<80xi32, #tpu.memory_space<vmem>>
      %dma_wait3A_397 = arith.constant 0 : i32
      %dma_wait3A_398 = arith.constant 0 : i32
      %dma_wait3A_399 = tpu.memref_slice %arg2[%dma_wait3A_397, %dma_wait3A_398] : memref<10000x128xf32, #tpu.memory_space<hbm>> -> memref<10000x128xf32, #tpu.memory_space<hbm>>
      tpu.wait_indirect_dma semaphore(%arg30 : memref<!tpu.dma_semaphore, #tpu.memory_space<semaphore_mem>>) src(%dma_wait3A_399 : memref<10000x128xf32, #tpu.memory_space<hbm>>) dst(%arg17 : memref<80x128xf32, #tpu.memory_space<vmem>>)
      %dma_start3A_400 = arith.constant 1 : i32
      %dma_start3A_401 = arith.constant 0 : i32
      %dma_start3A_402 = tpu.memref_slice %arg9[%dma_start3A_400, %dma_start3A_401] : memref<2x80xi32, #tpu.memory_space<vmem>> -> memref<1x80xi32, #tpu.memory_space<vmem>>
      %dma_start3A_403 = tpu.memref_squeeze %dma_start3A_402 : memref<1x80xi32, #tpu.memory_space<vmem>> -> memref<80xi32, #tpu.memory_space<vmem>>
      %dma_start3A_404 = arith.constant 0 : i32
      %dma_start3A_405 = arith.constant 0 : i32
      %dma_start3A_406 = tpu.memref_slice %arg18[%dma_start3A_404, %dma_start3A_405] : memref<10000x128xf32, #tpu.memory_space<vmem_shared>> -> memref<10000x128xf32, #tpu.memory_space<vmem_shared>>
      tpu.enqueue_indirect_dma source(%arg17 : memref<80x128xf32, #tpu.memory_space<vmem>>) target(%dma_start3A_406 : memref<10000x128xf32, #tpu.memory_space<vmem_shared>>) offsets(%dma_start3A_403 : memref<80xi32, #tpu.memory_space<vmem>>) semaphore(%arg34 : memref<!tpu.dma_semaphore, #tpu.memory_space<semaphore_mem>>) {add = true}
      %ge3A_407 = arith.constant 2 : i32
      %ge3A_408 = arith.cmpi sge, %add3A_392, %ge3A_407 : i32
      %convert_element_type3A_409 = arith.extui %ge3A_408 : i1 to i32
      %cond3A_410 = arith.constant 0 : i32
      %cond3A_411 = arith.cmpi ne, %convert_element_type3A_409, %cond3A_410 : i32
      scf.if %cond3A_411 {
        %dma_wait3A_584 = arith.constant 1 : i32
        %dma_wait3A_585 = arith.constant 0 : i32
        %dma_wait3A_586 = tpu.memref_slice %arg6[%dma_wait3A_584, %dma_wait3A_585] : memref<2x80xi32, #tpu.memory_space<vmem>> -> memref<1x80xi32, #tpu.memory_space<vmem>>
        %dma_wait3A_587 = tpu.memref_squeeze %dma_wait3A_586 : memref<1x80xi32, #tpu.memory_space<vmem>> -> memref<80xi32, #tpu.memory_space<vmem>>
        %dma_wait3A_588 = arith.constant 0 : i32
        %dma_wait3A_589 = arith.constant 0 : i32
        %dma_wait3A_590 = tpu.memref_slice %arg18[%dma_wait3A_588, %dma_wait3A_589] : memref<10000x128xf32, #tpu.memory_space<vmem_shared>> -> memref<10000x128xf32, #tpu.memory_space<vmem_shared>>
        tpu.wait_indirect_dma semaphore(%arg32 : memref<!tpu.dma_semaphore, #tpu.memory_space<semaphore_mem>>) src(%arg14 : memref<80x128xf32, #tpu.memory_space<vmem>>) dst(%dma_wait3A_590 : memref<10000x128xf32, #tpu.memory_space<vmem_shared>>)
      } else {
      }
      %add3A_412 = arith.constant 8 : i32
      %add3A_413 = arith.addi %add3A_392, %add3A_412 : i32
      %sub3A_414 = arith.constant 2 : i32
      %sub3A_415 = arith.subi %add3A_413, %sub3A_414 : i32
      %lt3A_416 = arith.constant 125 : i32
      %lt3A_417 = arith.cmpi slt, %sub3A_415, %lt3A_416 : i32
      %convert_element_type3A_418 = arith.extui %lt3A_417 : i1 to i32
      %cond3A_419 = arith.constant 0 : i32
      %cond3A_420 = arith.cmpi ne, %convert_element_type3A_418, %cond3A_419 : i32
      scf.if %cond3A_420 {
        %add3A_584 = arith.constant 8 : i32
        %add3A_585 = arith.addi %add3A_392, %add3A_584 : i32
        %sub3A_586 = arith.constant 2 : i32
        %sub3A_587 = arith.subi %add3A_585, %sub3A_586 : i32
        %dma_start3A_588 = arith.constant 0 : i32
        %dma_start3A_589 = arith.constant 0 : i32
        %dma_start3A_590 = tpu.memref_slice %arg3[%add3A, %sub3A_587, %dma_start3A_588, %dma_start3A_589] : memref<32x125x2x80xi32, #tpu.memory_space<hbm>> -> memref<1x1x2x80xi32, #tpu.memory_space<hbm>>
        %dma_start3A_591 = tpu.memref_squeeze %dma_start3A_590 : memref<1x1x2x80xi32, #tpu.memory_space<hbm>> -> memref<2x80xi32, #tpu.memory_space<hbm>>
        %dma_start3A_592 = arith.constant 0 : i32
        %dma_start3A_593 = arith.constant 0 : i32
        %dma_start3A_594 = tpu.memref_slice %arg3[%add3A, %sub3A_587, %dma_start3A_592, %dma_start3A_593] : memref<32x125x2x80xi32, #tpu.memory_space<hbm>> -> memref<1x1x2x80xi32, #tpu.memory_space<hbm>>
        %dma_start3A_595 = tpu.memref_squeeze %dma_start3A_594 : memref<1x1x2x80xi32, #tpu.memory_space<hbm>> -> memref<2x80xi32, #tpu.memory_space<hbm>>
        tpu.enqueue_dma source(%dma_start3A_595 : memref<2x80xi32, #tpu.memory_space<hbm>>) target(%arg7 : memref<2x80xi32, #tpu.memory_space<vmem>>) target_semaphore(%arg20 : memref<!tpu.dma_semaphore, #tpu.memory_space<semaphore_mem>>)
      } else {
      }
      %add3A_421 = arith.constant 2 : i32
      %add3A_422 = arith.addi %add3A_392, %add3A_421 : i32
      %lt3A_423 = arith.constant 125 : i32
      %lt3A_424 = arith.cmpi slt, %add3A_422, %lt3A_423 : i32
      %convert_element_type3A_425 = arith.extui %lt3A_424 : i1 to i32
      %cond3A_426 = arith.constant 0 : i32
      %cond3A_427 = arith.cmpi ne, %convert_element_type3A_425, %cond3A_426 : i32
      scf.if %cond3A_427 {
        %dma_wait3A_584 = arith.constant 0 : i32
        %dma_wait3A_585 = arith.constant 0 : i32
        %dma_wait3A_586 = arith.constant 0 : i32
        %dma_wait3A_587 = tpu.memref_slice %arg3[%add3A, %dma_wait3A_584, %dma_wait3A_585, %dma_wait3A_586] : memref<32x125x2x80xi32, #tpu.memory_space<hbm>> -> memref<1x1x2x80xi32, #tpu.memory_space<hbm>>
        %dma_wait3A_588 = tpu.memref_squeeze %dma_wait3A_587 : memref<1x1x2x80xi32, #tpu.memory_space<hbm>> -> memref<2x80xi32, #tpu.memory_space<hbm>>
        %dma_wait3A_589 = arith.constant 0 : i32
        %dma_wait3A_590 = arith.constant 0 : i32
        %dma_wait3A_591 = tpu.memref_slice %arg3[%add3A, %dma_wait3A_584, %dma_wait3A_589, %dma_wait3A_590] : memref<32x125x2x80xi32, #tpu.memory_space<hbm>> -> memref<1x1x2x80xi32, #tpu.memory_space<hbm>>
        %dma_wait3A_592 = tpu.memref_squeeze %dma_wait3A_591 : memref<1x1x2x80xi32, #tpu.memory_space<hbm>> -> memref<2x80xi32, #tpu.memory_space<hbm>>
        tpu.wait_dma2 semaphore(%arg24 : memref<!tpu.dma_semaphore, #tpu.memory_space<semaphore_mem>>) src(%dma_wait3A_592 : memref<2x80xi32, #tpu.memory_space<hbm>>) dst(%arg11 : memref<2x80xi32, #tpu.memory_space<vmem>>)
        %dma_start3A_593 = arith.constant 0 : i32
        %dma_start3A_594 = arith.constant 0 : i32
        %dma_start3A_595 = tpu.memref_slice %arg11[%dma_start3A_593, %dma_start3A_594] : memref<2x80xi32, #tpu.memory_space<vmem>> -> memref<1x80xi32, #tpu.memory_space<vmem>>
        %dma_start3A_596 = tpu.memref_squeeze %dma_start3A_595 : memref<1x80xi32, #tpu.memory_space<vmem>> -> memref<80xi32, #tpu.memory_space<vmem>>
        %dma_start3A_597 = arith.constant 0 : i32
        %dma_start3A_598 = arith.constant 0 : i32
        %dma_start3A_599 = tpu.memref_slice %arg2[%dma_start3A_597, %dma_start3A_598] : memref<10000x128xf32, #tpu.memory_space<hbm>> -> memref<10000x128xf32, #tpu.memory_space<hbm>>
        tpu.enqueue_indirect_dma source(%dma_start3A_599 : memref<10000x128xf32, #tpu.memory_space<hbm>>) target(%arg15 : memref<80x128xf32, #tpu.memory_space<vmem>>) offsets(%dma_start3A_596 : memref<80xi32, #tpu.memory_space<vmem>>) semaphore(%arg28 : memref<!tpu.dma_semaphore, #tpu.memory_space<semaphore_mem>>)
      } else {
      }
      %mul3A_428 = arith.constant 8 : i32
      %mul3A_429 = arith.muli %scan3A_274, %mul3A_428 : i32
      %add3A_430 = arith.constant 4 : i32
      %add3A_431 = arith.addi %mul3A_429, %add3A_430 : i32
      %dma_wait3A_432 = arith.constant 0 : i32
      %dma_wait3A_433 = arith.constant 0 : i32
      %dma_wait3A_434 = tpu.memref_slice %arg6[%dma_wait3A_432, %dma_wait3A_433] : memref<2x80xi32, #tpu.memory_space<vmem>> -> memref<1x80xi32, #tpu.memory_space<vmem>>
      %dma_wait3A_435 = tpu.memref_squeeze %dma_wait3A_434 : memref<1x80xi32, #tpu.memory_space<vmem>> -> memref<80xi32, #tpu.memory_space<vmem>>
      %dma_wait3A_436 = arith.constant 0 : i32
      %dma_wait3A_437 = arith.constant 0 : i32
      %dma_wait3A_438 = tpu.memref_slice %arg2[%dma_wait3A_436, %dma_wait3A_437] : memref<10000x128xf32, #tpu.memory_space<hbm>> -> memref<10000x128xf32, #tpu.memory_space<hbm>>
      tpu.wait_indirect_dma semaphore(%arg27 : memref<!tpu.dma_semaphore, #tpu.memory_space<semaphore_mem>>) src(%dma_wait3A_438 : memref<10000x128xf32, #tpu.memory_space<hbm>>) dst(%arg14 : memref<80x128xf32, #tpu.memory_space<vmem>>)
      %dma_start3A_439 = arith.constant 1 : i32
      %dma_start3A_440 = arith.constant 0 : i32
      %dma_start3A_441 = tpu.memref_slice %arg10[%dma_start3A_439, %dma_start3A_440] : memref<2x80xi32, #tpu.memory_space<vmem>> -> memref<1x80xi32, #tpu.memory_space<vmem>>
      %dma_start3A_442 = tpu.memref_squeeze %dma_start3A_441 : memref<1x80xi32, #tpu.memory_space<vmem>> -> memref<80xi32, #tpu.memory_space<vmem>>
      %dma_start3A_443 = arith.constant 0 : i32
      %dma_start3A_444 = arith.constant 0 : i32
      %dma_start3A_445 = tpu.memref_slice %arg18[%dma_start3A_443, %dma_start3A_444] : memref<10000x128xf32, #tpu.memory_space<vmem_shared>> -> memref<10000x128xf32, #tpu.memory_space<vmem_shared>>
      tpu.enqueue_indirect_dma source(%arg14 : memref<80x128xf32, #tpu.memory_space<vmem>>) target(%dma_start3A_445 : memref<10000x128xf32, #tpu.memory_space<vmem_shared>>) offsets(%dma_start3A_442 : memref<80xi32, #tpu.memory_space<vmem>>) semaphore(%arg31 : memref<!tpu.dma_semaphore, #tpu.memory_space<semaphore_mem>>) {add = true}
      %ge3A_446 = arith.constant 2 : i32
      %ge3A_447 = arith.cmpi sge, %add3A_431, %ge3A_446 : i32
      %convert_element_type3A_448 = arith.extui %ge3A_447 : i1 to i32
      %cond3A_449 = arith.constant 0 : i32
      %cond3A_450 = arith.cmpi ne, %convert_element_type3A_448, %cond3A_449 : i32
      scf.if %cond3A_450 {
        %dma_wait3A_584 = arith.constant 1 : i32
        %dma_wait3A_585 = arith.constant 0 : i32
        %dma_wait3A_586 = tpu.memref_slice %arg6[%dma_wait3A_584, %dma_wait3A_585] : memref<2x80xi32, #tpu.memory_space<vmem>> -> memref<1x80xi32, #tpu.memory_space<vmem>>
        %dma_wait3A_587 = tpu.memref_squeeze %dma_wait3A_586 : memref<1x80xi32, #tpu.memory_space<vmem>> -> memref<80xi32, #tpu.memory_space<vmem>>
        %dma_wait3A_588 = arith.constant 0 : i32
        %dma_wait3A_589 = arith.constant 0 : i32
        %dma_wait3A_590 = tpu.memref_slice %arg18[%dma_wait3A_588, %dma_wait3A_589] : memref<10000x128xf32, #tpu.memory_space<vmem_shared>> -> memref<10000x128xf32, #tpu.memory_space<vmem_shared>>
        tpu.wait_indirect_dma semaphore(%arg33 : memref<!tpu.dma_semaphore, #tpu.memory_space<semaphore_mem>>) src(%arg14 : memref<80x128xf32, #tpu.memory_space<vmem>>) dst(%dma_wait3A_590 : memref<10000x128xf32, #tpu.memory_space<vmem_shared>>)
      } else {
      }
      %add3A_451 = arith.constant 8 : i32
      %add3A_452 = arith.addi %add3A_431, %add3A_451 : i32
      %sub3A_453 = arith.constant 2 : i32
      %sub3A_454 = arith.subi %add3A_452, %sub3A_453 : i32
      %lt3A_455 = arith.constant 125 : i32
      %lt3A_456 = arith.cmpi slt, %sub3A_454, %lt3A_455 : i32
      %convert_element_type3A_457 = arith.extui %lt3A_456 : i1 to i32
      %cond3A_458 = arith.constant 0 : i32
      %cond3A_459 = arith.cmpi ne, %convert_element_type3A_457, %cond3A_458 : i32
      scf.if %cond3A_459 {
        %add3A_584 = arith.constant 8 : i32
        %add3A_585 = arith.addi %add3A_431, %add3A_584 : i32
        %sub3A_586 = arith.constant 2 : i32
        %sub3A_587 = arith.subi %add3A_585, %sub3A_586 : i32
        %dma_start3A_588 = arith.constant 0 : i32
        %dma_start3A_589 = arith.constant 0 : i32
        %dma_start3A_590 = tpu.memref_slice %arg3[%add3A, %sub3A_587, %dma_start3A_588, %dma_start3A_589] : memref<32x125x2x80xi32, #tpu.memory_space<hbm>> -> memref<1x1x2x80xi32, #tpu.memory_space<hbm>>
        %dma_start3A_591 = tpu.memref_squeeze %dma_start3A_590 : memref<1x1x2x80xi32, #tpu.memory_space<hbm>> -> memref<2x80xi32, #tpu.memory_space<hbm>>
        %dma_start3A_592 = arith.constant 0 : i32
        %dma_start3A_593 = arith.constant 0 : i32
        %dma_start3A_594 = tpu.memref_slice %arg3[%add3A, %sub3A_587, %dma_start3A_592, %dma_start3A_593] : memref<32x125x2x80xi32, #tpu.memory_space<hbm>> -> memref<1x1x2x80xi32, #tpu.memory_space<hbm>>
        %dma_start3A_595 = tpu.memref_squeeze %dma_start3A_594 : memref<1x1x2x80xi32, #tpu.memory_space<hbm>> -> memref<2x80xi32, #tpu.memory_space<hbm>>
        tpu.enqueue_dma source(%dma_start3A_595 : memref<2x80xi32, #tpu.memory_space<hbm>>) target(%arg8 : memref<2x80xi32, #tpu.memory_space<vmem>>) target_semaphore(%arg21 : memref<!tpu.dma_semaphore, #tpu.memory_space<semaphore_mem>>)
      } else {
      }
      %add3A_460 = arith.constant 2 : i32
      %add3A_461 = arith.addi %add3A_431, %add3A_460 : i32
      %lt3A_462 = arith.constant 125 : i32
      %lt3A_463 = arith.cmpi slt, %add3A_461, %lt3A_462 : i32
      %convert_element_type3A_464 = arith.extui %lt3A_463 : i1 to i32
      %cond3A_465 = arith.constant 0 : i32
      %cond3A_466 = arith.cmpi ne, %convert_element_type3A_464, %cond3A_465 : i32
      scf.if %cond3A_466 {
        %dma_wait3A_584 = arith.constant 0 : i32
        %dma_wait3A_585 = arith.constant 0 : i32
        %dma_wait3A_586 = arith.constant 0 : i32
        %dma_wait3A_587 = tpu.memref_slice %arg3[%add3A, %dma_wait3A_584, %dma_wait3A_585, %dma_wait3A_586] : memref<32x125x2x80xi32, #tpu.memory_space<hbm>> -> memref<1x1x2x80xi32, #tpu.memory_space<hbm>>
        %dma_wait3A_588 = tpu.memref_squeeze %dma_wait3A_587 : memref<1x1x2x80xi32, #tpu.memory_space<hbm>> -> memref<2x80xi32, #tpu.memory_space<hbm>>
        %dma_wait3A_589 = arith.constant 0 : i32
        %dma_wait3A_590 = arith.constant 0 : i32
        %dma_wait3A_591 = tpu.memref_slice %arg3[%add3A, %dma_wait3A_584, %dma_wait3A_589, %dma_wait3A_590] : memref<32x125x2x80xi32, #tpu.memory_space<hbm>> -> memref<1x1x2x80xi32, #tpu.memory_space<hbm>>
        %dma_wait3A_592 = tpu.memref_squeeze %dma_wait3A_591 : memref<1x1x2x80xi32, #tpu.memory_space<hbm>> -> memref<2x80xi32, #tpu.memory_space<hbm>>
        tpu.wait_dma2 semaphore(%arg25 : memref<!tpu.dma_semaphore, #tpu.memory_space<semaphore_mem>>) src(%dma_wait3A_592 : memref<2x80xi32, #tpu.memory_space<hbm>>) dst(%arg12 : memref<2x80xi32, #tpu.memory_space<vmem>>)
        %dma_start3A_593 = arith.constant 0 : i32
        %dma_start3A_594 = arith.constant 0 : i32
        %dma_start3A_595 = tpu.memref_slice %arg12[%dma_start3A_593, %dma_start3A_594] : memref<2x80xi32, #tpu.memory_space<vmem>> -> memref<1x80xi32, #tpu.memory_space<vmem>>
        %dma_start3A_596 = tpu.memref_squeeze %dma_start3A_595 : memref<1x80xi32, #tpu.memory_space<vmem>> -> memref<80xi32, #tpu.memory_space<vmem>>
        %dma_start3A_597 = arith.constant 0 : i32
        %dma_start3A_598 = arith.constant 0 : i32
        %dma_start3A_599 = tpu.memref_slice %arg2[%dma_start3A_597, %dma_start3A_598] : memref<10000x128xf32, #tpu.memory_space<hbm>> -> memref<10000x128xf32, #tpu.memory_space<hbm>>
        tpu.enqueue_indirect_dma source(%dma_start3A_599 : memref<10000x128xf32, #tpu.memory_space<hbm>>) target(%arg16 : memref<80x128xf32, #tpu.memory_space<vmem>>) offsets(%dma_start3A_596 : memref<80xi32, #tpu.memory_space<vmem>>) semaphore(%arg29 : memref<!tpu.dma_semaphore, #tpu.memory_space<semaphore_mem>>)
      } else {
      }
      %mul3A_467 = arith.constant 8 : i32
      %mul3A_468 = arith.muli %scan3A_274, %mul3A_467 : i32
      %add3A_469 = arith.constant 5 : i32
      %add3A_470 = arith.addi %mul3A_468, %add3A_469 : i32
      %dma_wait3A_471 = arith.constant 0 : i32
      %dma_wait3A_472 = arith.constant 0 : i32
      %dma_wait3A_473 = tpu.memref_slice %arg6[%dma_wait3A_471, %dma_wait3A_472] : memref<2x80xi32, #tpu.memory_space<vmem>> -> memref<1x80xi32, #tpu.memory_space<vmem>>
      %dma_wait3A_474 = tpu.memref_squeeze %dma_wait3A_473 : memref<1x80xi32, #tpu.memory_space<vmem>> -> memref<80xi32, #tpu.memory_space<vmem>>
      %dma_wait3A_475 = arith.constant 0 : i32
      %dma_wait3A_476 = arith.constant 0 : i32
      %dma_wait3A_477 = tpu.memref_slice %arg2[%dma_wait3A_475, %dma_wait3A_476] : memref<10000x128xf32, #tpu.memory_space<hbm>> -> memref<10000x128xf32, #tpu.memory_space<hbm>>
      tpu.wait_indirect_dma semaphore(%arg28 : memref<!tpu.dma_semaphore, #tpu.memory_space<semaphore_mem>>) src(%dma_wait3A_477 : memref<10000x128xf32, #tpu.memory_space<hbm>>) dst(%arg15 : memref<80x128xf32, #tpu.memory_space<vmem>>)
      %dma_start3A_478 = arith.constant 1 : i32
      %dma_start3A_479 = arith.constant 0 : i32
      %dma_start3A_480 = tpu.memref_slice %arg11[%dma_start3A_478, %dma_start3A_479] : memref<2x80xi32, #tpu.memory_space<vmem>> -> memref<1x80xi32, #tpu.memory_space<vmem>>
      %dma_start3A_481 = tpu.memref_squeeze %dma_start3A_480 : memref<1x80xi32, #tpu.memory_space<vmem>> -> memref<80xi32, #tpu.memory_space<vmem>>
      %dma_start3A_482 = arith.constant 0 : i32
      %dma_start3A_483 = arith.constant 0 : i32
      %dma_start3A_484 = tpu.memref_slice %arg18[%dma_start3A_482, %dma_start3A_483] : memref<10000x128xf32, #tpu.memory_space<vmem_shared>> -> memref<10000x128xf32, #tpu.memory_space<vmem_shared>>
      tpu.enqueue_indirect_dma source(%arg15 : memref<80x128xf32, #tpu.memory_space<vmem>>) target(%dma_start3A_484 : memref<10000x128xf32, #tpu.memory_space<vmem_shared>>) offsets(%dma_start3A_481 : memref<80xi32, #tpu.memory_space<vmem>>) semaphore(%arg32 : memref<!tpu.dma_semaphore, #tpu.memory_space<semaphore_mem>>) {add = true}
      %ge3A_485 = arith.constant 2 : i32
      %ge3A_486 = arith.cmpi sge, %add3A_470, %ge3A_485 : i32
      %convert_element_type3A_487 = arith.extui %ge3A_486 : i1 to i32
      %cond3A_488 = arith.constant 0 : i32
      %cond3A_489 = arith.cmpi ne, %convert_element_type3A_487, %cond3A_488 : i32
      scf.if %cond3A_489 {
        %dma_wait3A_584 = arith.constant 1 : i32
        %dma_wait3A_585 = arith.constant 0 : i32
        %dma_wait3A_586 = tpu.memref_slice %arg6[%dma_wait3A_584, %dma_wait3A_585] : memref<2x80xi32, #tpu.memory_space<vmem>> -> memref<1x80xi32, #tpu.memory_space<vmem>>
        %dma_wait3A_587 = tpu.memref_squeeze %dma_wait3A_586 : memref<1x80xi32, #tpu.memory_space<vmem>> -> memref<80xi32, #tpu.memory_space<vmem>>
        %dma_wait3A_588 = arith.constant 0 : i32
        %dma_wait3A_589 = arith.constant 0 : i32
        %dma_wait3A_590 = tpu.memref_slice %arg18[%dma_wait3A_588, %dma_wait3A_589] : memref<10000x128xf32, #tpu.memory_space<vmem_shared>> -> memref<10000x128xf32, #tpu.memory_space<vmem_shared>>
        tpu.wait_indirect_dma semaphore(%arg34 : memref<!tpu.dma_semaphore, #tpu.memory_space<semaphore_mem>>) src(%arg14 : memref<80x128xf32, #tpu.memory_space<vmem>>) dst(%dma_wait3A_590 : memref<10000x128xf32, #tpu.memory_space<vmem_shared>>)
      } else {
      }
      %add3A_490 = arith.constant 8 : i32
      %add3A_491 = arith.addi %add3A_470, %add3A_490 : i32
      %sub3A_492 = arith.constant 2 : i32
      %sub3A_493 = arith.subi %add3A_491, %sub3A_492 : i32
      %lt3A_494 = arith.constant 125 : i32
      %lt3A_495 = arith.cmpi slt, %sub3A_493, %lt3A_494 : i32
      %convert_element_type3A_496 = arith.extui %lt3A_495 : i1 to i32
      %cond3A_497 = arith.constant 0 : i32
      %cond3A_498 = arith.cmpi ne, %convert_element_type3A_496, %cond3A_497 : i32
      scf.if %cond3A_498 {
        %add3A_584 = arith.constant 8 : i32
        %add3A_585 = arith.addi %add3A_470, %add3A_584 : i32
        %sub3A_586 = arith.constant 2 : i32
        %sub3A_587 = arith.subi %add3A_585, %sub3A_586 : i32
        %dma_start3A_588 = arith.constant 0 : i32
        %dma_start3A_589 = arith.constant 0 : i32
        %dma_start3A_590 = tpu.memref_slice %arg3[%add3A, %sub3A_587, %dma_start3A_588, %dma_start3A_589] : memref<32x125x2x80xi32, #tpu.memory_space<hbm>> -> memref<1x1x2x80xi32, #tpu.memory_space<hbm>>
        %dma_start3A_591 = tpu.memref_squeeze %dma_start3A_590 : memref<1x1x2x80xi32, #tpu.memory_space<hbm>> -> memref<2x80xi32, #tpu.memory_space<hbm>>
        %dma_start3A_592 = arith.constant 0 : i32
        %dma_start3A_593 = arith.constant 0 : i32
        %dma_start3A_594 = tpu.memref_slice %arg3[%add3A, %sub3A_587, %dma_start3A_592, %dma_start3A_593] : memref<32x125x2x80xi32, #tpu.memory_space<hbm>> -> memref<1x1x2x80xi32, #tpu.memory_space<hbm>>
        %dma_start3A_595 = tpu.memref_squeeze %dma_start3A_594 : memref<1x1x2x80xi32, #tpu.memory_space<hbm>> -> memref<2x80xi32, #tpu.memory_space<hbm>>
        tpu.enqueue_dma source(%dma_start3A_595 : memref<2x80xi32, #tpu.memory_space<hbm>>) target(%arg9 : memref<2x80xi32, #tpu.memory_space<vmem>>) target_semaphore(%arg22 : memref<!tpu.dma_semaphore, #tpu.memory_space<semaphore_mem>>)
      } else {
      }
      %add3A_499 = arith.constant 2 : i32
      %add3A_500 = arith.addi %add3A_470, %add3A_499 : i32
      %lt3A_501 = arith.constant 125 : i32
      %lt3A_502 = arith.cmpi slt, %add3A_500, %lt3A_501 : i32
      %convert_element_type3A_503 = arith.extui %lt3A_502 : i1 to i32
      %cond3A_504 = arith.constant 0 : i32
      %cond3A_505 = arith.cmpi ne, %convert_element_type3A_503, %cond3A_504 : i32
      scf.if %cond3A_505 {
        %dma_wait3A_584 = arith.constant 0 : i32
        %dma_wait3A_585 = arith.constant 0 : i32
        %dma_wait3A_586 = arith.constant 0 : i32
        %dma_wait3A_587 = tpu.memref_slice %arg3[%add3A, %dma_wait3A_584, %dma_wait3A_585, %dma_wait3A_586] : memref<32x125x2x80xi32, #tpu.memory_space<hbm>> -> memref<1x1x2x80xi32, #tpu.memory_space<hbm>>
        %dma_wait3A_588 = tpu.memref_squeeze %dma_wait3A_587 : memref<1x1x2x80xi32, #tpu.memory_space<hbm>> -> memref<2x80xi32, #tpu.memory_space<hbm>>
        %dma_wait3A_589 = arith.constant 0 : i32
        %dma_wait3A_590 = arith.constant 0 : i32
        %dma_wait3A_591 = tpu.memref_slice %arg3[%add3A, %dma_wait3A_584, %dma_wait3A_589, %dma_wait3A_590] : memref<32x125x2x80xi32, #tpu.memory_space<hbm>> -> memref<1x1x2x80xi32, #tpu.memory_space<hbm>>
        %dma_wait3A_592 = tpu.memref_squeeze %dma_wait3A_591 : memref<1x1x2x80xi32, #tpu.memory_space<hbm>> -> memref<2x80xi32, #tpu.memory_space<hbm>>
        tpu.wait_dma2 semaphore(%arg26 : memref<!tpu.dma_semaphore, #tpu.memory_space<semaphore_mem>>) src(%dma_wait3A_592 : memref<2x80xi32, #tpu.memory_space<hbm>>) dst(%arg13 : memref<2x80xi32, #tpu.memory_space<vmem>>)
        %dma_start3A_593 = arith.constant 0 : i32
        %dma_start3A_594 = arith.constant 0 : i32
        %dma_start3A_595 = tpu.memref_slice %arg13[%dma_start3A_593, %dma_start3A_594] : memref<2x80xi32, #tpu.memory_space<vmem>> -> memref<1x80xi32, #tpu.memory_space<vmem>>
        %dma_start3A_596 = tpu.memref_squeeze %dma_start3A_595 : memref<1x80xi32, #tpu.memory_space<vmem>> -> memref<80xi32, #tpu.memory_space<vmem>>
        %dma_start3A_597 = arith.constant 0 : i32
        %dma_start3A_598 = arith.constant 0 : i32
        %dma_start3A_599 = tpu.memref_slice %arg2[%dma_start3A_597, %dma_start3A_598] : memref<10000x128xf32, #tpu.memory_space<hbm>> -> memref<10000x128xf32, #tpu.memory_space<hbm>>
        tpu.enqueue_indirect_dma source(%dma_start3A_599 : memref<10000x128xf32, #tpu.memory_space<hbm>>) target(%arg17 : memref<80x128xf32, #tpu.memory_space<vmem>>) offsets(%dma_start3A_596 : memref<80xi32, #tpu.memory_space<vmem>>) semaphore(%arg30 : memref<!tpu.dma_semaphore, #tpu.memory_space<semaphore_mem>>)
      } else {
      }
      %mul3A_506 = arith.constant 8 : i32
      %mul3A_507 = arith.muli %scan3A_274, %mul3A_506 : i32
      %add3A_508 = arith.constant 6 : i32
      %add3A_509 = arith.addi %mul3A_507, %add3A_508 : i32
      %dma_wait3A_510 = arith.constant 0 : i32
      %dma_wait3A_511 = arith.constant 0 : i32
      %dma_wait3A_512 = tpu.memref_slice %arg6[%dma_wait3A_510, %dma_wait3A_511] : memref<2x80xi32, #tpu.memory_space<vmem>> -> memref<1x80xi32, #tpu.memory_space<vmem>>
      %dma_wait3A_513 = tpu.memref_squeeze %dma_wait3A_512 : memref<1x80xi32, #tpu.memory_space<vmem>> -> memref<80xi32, #tpu.memory_space<vmem>>
      %dma_wait3A_514 = arith.constant 0 : i32
      %dma_wait3A_515 = arith.constant 0 : i32
      %dma_wait3A_516 = tpu.memref_slice %arg2[%dma_wait3A_514, %dma_wait3A_515] : memref<10000x128xf32, #tpu.memory_space<hbm>> -> memref<10000x128xf32, #tpu.memory_space<hbm>>
      tpu.wait_indirect_dma semaphore(%arg29 : memref<!tpu.dma_semaphore, #tpu.memory_space<semaphore_mem>>) src(%dma_wait3A_516 : memref<10000x128xf32, #tpu.memory_space<hbm>>) dst(%arg16 : memref<80x128xf32, #tpu.memory_space<vmem>>)
      %dma_start3A_517 = arith.constant 1 : i32
      %dma_start3A_518 = arith.constant 0 : i32
      %dma_start3A_519 = tpu.memref_slice %arg12[%dma_start3A_517, %dma_start3A_518] : memref<2x80xi32, #tpu.memory_space<vmem>> -> memref<1x80xi32, #tpu.memory_space<vmem>>
      %dma_start3A_520 = tpu.memref_squeeze %dma_start3A_519 : memref<1x80xi32, #tpu.memory_space<vmem>> -> memref<80xi32, #tpu.memory_space<vmem>>
      %dma_start3A_521 = arith.constant 0 : i32
      %dma_start3A_522 = arith.constant 0 : i32
      %dma_start3A_523 = tpu.memref_slice %arg18[%dma_start3A_521, %dma_start3A_522] : memref<10000x128xf32, #tpu.memory_space<vmem_shared>> -> memref<10000x128xf32, #tpu.memory_space<vmem_shared>>
      tpu.enqueue_indirect_dma source(%arg16 : memref<80x128xf32, #tpu.memory_space<vmem>>) target(%dma_start3A_523 : memref<10000x128xf32, #tpu.memory_space<vmem_shared>>) offsets(%dma_start3A_520 : memref<80xi32, #tpu.memory_space<vmem>>) semaphore(%arg33 : memref<!tpu.dma_semaphore, #tpu.memory_space<semaphore_mem>>) {add = true}
      %ge3A_524 = arith.constant 2 : i32
      %ge3A_525 = arith.cmpi sge, %add3A_509, %ge3A_524 : i32
      %convert_element_type3A_526 = arith.extui %ge3A_525 : i1 to i32
      %cond3A_527 = arith.constant 0 : i32
      %cond3A_528 = arith.cmpi ne, %convert_element_type3A_526, %cond3A_527 : i32
      scf.if %cond3A_528 {
        %dma_wait3A_584 = arith.constant 1 : i32
        %dma_wait3A_585 = arith.constant 0 : i32
        %dma_wait3A_586 = tpu.memref_slice %arg6[%dma_wait3A_584, %dma_wait3A_585] : memref<2x80xi32, #tpu.memory_space<vmem>> -> memref<1x80xi32, #tpu.memory_space<vmem>>
        %dma_wait3A_587 = tpu.memref_squeeze %dma_wait3A_586 : memref<1x80xi32, #tpu.memory_space<vmem>> -> memref<80xi32, #tpu.memory_space<vmem>>
        %dma_wait3A_588 = arith.constant 0 : i32
        %dma_wait3A_589 = arith.constant 0 : i32
        %dma_wait3A_590 = tpu.memref_slice %arg18[%dma_wait3A_588, %dma_wait3A_589] : memref<10000x128xf32, #tpu.memory_space<vmem_shared>> -> memref<10000x128xf32, #tpu.memory_space<vmem_shared>>
        tpu.wait_indirect_dma semaphore(%arg31 : memref<!tpu.dma_semaphore, #tpu.memory_space<semaphore_mem>>) src(%arg14 : memref<80x128xf32, #tpu.memory_space<vmem>>) dst(%dma_wait3A_590 : memref<10000x128xf32, #tpu.memory_space<vmem_shared>>)
      } else {
      }
      %add3A_529 = arith.constant 8 : i32
      %add3A_530 = arith.addi %add3A_509, %add3A_529 : i32
      %sub3A_531 = arith.constant 2 : i32
      %sub3A_532 = arith.subi %add3A_530, %sub3A_531 : i32
      %lt3A_533 = arith.constant 125 : i32
      %lt3A_534 = arith.cmpi slt, %sub3A_532, %lt3A_533 : i32
      %convert_element_type3A_535 = arith.extui %lt3A_534 : i1 to i32
      %cond3A_536 = arith.constant 0 : i32
      %cond3A_537 = arith.cmpi ne, %convert_element_type3A_535, %cond3A_536 : i32
      scf.if %cond3A_537 {
        %add3A_584 = arith.constant 8 : i32
        %add3A_585 = arith.addi %add3A_509, %add3A_584 : i32
        %sub3A_586 = arith.constant 2 : i32
        %sub3A_587 = arith.subi %add3A_585, %sub3A_586 : i32
        %dma_start3A_588 = arith.constant 0 : i32
        %dma_start3A_589 = arith.constant 0 : i32
        %dma_start3A_590 = tpu.memref_slice %arg3[%add3A, %sub3A_587, %dma_start3A_588, %dma_start3A_589] : memref<32x125x2x80xi32, #tpu.memory_space<hbm>> -> memref<1x1x2x80xi32, #tpu.memory_space<hbm>>
        %dma_start3A_591 = tpu.memref_squeeze %dma_start3A_590 : memref<1x1x2x80xi32, #tpu.memory_space<hbm>> -> memref<2x80xi32, #tpu.memory_space<hbm>>
        %dma_start3A_592 = arith.constant 0 : i32
        %dma_start3A_593 = arith.constant 0 : i32
        %dma_start3A_594 = tpu.memref_slice %arg3[%add3A, %sub3A_587, %dma_start3A_592, %dma_start3A_593] : memref<32x125x2x80xi32, #tpu.memory_space<hbm>> -> memref<1x1x2x80xi32, #tpu.memory_space<hbm>>
        %dma_start3A_595 = tpu.memref_squeeze %dma_start3A_594 : memref<1x1x2x80xi32, #tpu.memory_space<hbm>> -> memref<2x80xi32, #tpu.memory_space<hbm>>
        tpu.enqueue_dma source(%dma_start3A_595 : memref<2x80xi32, #tpu.memory_space<hbm>>) target(%arg10 : memref<2x80xi32, #tpu.memory_space<vmem>>) target_semaphore(%arg23 : memref<!tpu.dma_semaphore, #tpu.memory_space<semaphore_mem>>)
      } else {
      }
      %add3A_538 = arith.constant 2 : i32
      %add3A_539 = arith.addi %add3A_509, %add3A_538 : i32
      %lt3A_540 = arith.constant 125 : i32
      %lt3A_541 = arith.cmpi slt, %add3A_539, %lt3A_540 : i32
      %convert_element_type3A_542 = arith.extui %lt3A_541 : i1 to i32
      %cond3A_543 = arith.constant 0 : i32
      %cond3A_544 = arith.cmpi ne, %convert_element_type3A_542, %cond3A_543 : i32
      scf.if %cond3A_544 {
        %dma_wait3A_584 = arith.constant 0 : i32
        %dma_wait3A_585 = arith.constant 0 : i32
        %dma_wait3A_586 = arith.constant 0 : i32
        %dma_wait3A_587 = tpu.memref_slice %arg3[%add3A, %dma_wait3A_584, %dma_wait3A_585, %dma_wait3A_586] : memref<32x125x2x80xi32, #tpu.memory_space<hbm>> -> memref<1x1x2x80xi32, #tpu.memory_space<hbm>>
        %dma_wait3A_588 = tpu.memref_squeeze %dma_wait3A_587 : memref<1x1x2x80xi32, #tpu.memory_space<hbm>> -> memref<2x80xi32, #tpu.memory_space<hbm>>
        %dma_wait3A_589 = arith.constant 0 : i32
        %dma_wait3A_590 = arith.constant 0 : i32
        %dma_wait3A_591 = tpu.memref_slice %arg3[%add3A, %dma_wait3A_584, %dma_wait3A_589, %dma_wait3A_590] : memref<32x125x2x80xi32, #tpu.memory_space<hbm>> -> memref<1x1x2x80xi32, #tpu.memory_space<hbm>>
        %dma_wait3A_592 = tpu.memref_squeeze %dma_wait3A_591 : memref<1x1x2x80xi32, #tpu.memory_space<hbm>> -> memref<2x80xi32, #tpu.memory_space<hbm>>
        tpu.wait_dma2 semaphore(%arg19 : memref<!tpu.dma_semaphore, #tpu.memory_space<semaphore_mem>>) src(%dma_wait3A_592 : memref<2x80xi32, #tpu.memory_space<hbm>>) dst(%arg6 : memref<2x80xi32, #tpu.memory_space<vmem>>)
        %dma_start3A_593 = arith.constant 0 : i32
        %dma_start3A_594 = arith.constant 0 : i32
        %dma_start3A_595 = tpu.memref_slice %arg6[%dma_start3A_593, %dma_start3A_594] : memref<2x80xi32, #tpu.memory_space<vmem>> -> memref<1x80xi32, #tpu.memory_space<vmem>>
        %dma_start3A_596 = tpu.memref_squeeze %dma_start3A_595 : memref<1x80xi32, #tpu.memory_space<vmem>> -> memref<80xi32, #tpu.memory_space<vmem>>
        %dma_start3A_597 = arith.constant 0 : i32
        %dma_start3A_598 = arith.constant 0 : i32
        %dma_start3A_599 = tpu.memref_slice %arg2[%dma_start3A_597, %dma_start3A_598] : memref<10000x128xf32, #tpu.memory_space<hbm>> -> memref<10000x128xf32, #tpu.memory_space<hbm>>
        tpu.enqueue_indirect_dma source(%dma_start3A_599 : memref<10000x128xf32, #tpu.memory_space<hbm>>) target(%arg14 : memref<80x128xf32, #tpu.memory_space<vmem>>) offsets(%dma_start3A_596 : memref<80xi32, #tpu.memory_space<vmem>>) semaphore(%arg27 : memref<!tpu.dma_semaphore, #tpu.memory_space<semaphore_mem>>)
      } else {
      }
      %mul3A_545 = arith.constant 8 : i32
      %mul3A_546 = arith.muli %scan3A_274, %mul3A_545 : i32
      %add3A_547 = arith.constant 7 : i32
      %add3A_548 = arith.addi %mul3A_546, %add3A_547 : i32
      %dma_wait3A_549 = arith.constant 0 : i32
      %dma_wait3A_550 = arith.constant 0 : i32
      %dma_wait3A_551 = tpu.memref_slice %arg6[%dma_wait3A_549, %dma_wait3A_550] : memref<2x80xi32, #tpu.memory_space<vmem>> -> memref<1x80xi32, #tpu.memory_space<vmem>>
      %dma_wait3A_552 = tpu.memref_squeeze %dma_wait3A_551 : memref<1x80xi32, #tpu.memory_space<vmem>> -> memref<80xi32, #tpu.memory_space<vmem>>
      %dma_wait3A_553 = arith.constant 0 : i32
      %dma_wait3A_554 = arith.constant 0 : i32
      %dma_wait3A_555 = tpu.memref_slice %arg2[%dma_wait3A_553, %dma_wait3A_554] : memref<10000x128xf32, #tpu.memory_space<hbm>> -> memref<10000x128xf32, #tpu.memory_space<hbm>>
      tpu.wait_indirect_dma semaphore(%arg30 : memref<!tpu.dma_semaphore, #tpu.memory_space<semaphore_mem>>) src(%dma_wait3A_555 : memref<10000x128xf32, #tpu.memory_space<hbm>>) dst(%arg17 : memref<80x128xf32, #tpu.memory_space<vmem>>)
      %dma_start3A_556 = arith.constant 1 : i32
      %dma_start3A_557 = arith.constant 0 : i32
      %dma_start3A_558 = tpu.memref_slice %arg13[%dma_start3A_556, %dma_start3A_557] : memref<2x80xi32, #tpu.memory_space<vmem>> -> memref<1x80xi32, #tpu.memory_space<vmem>>
      %dma_start3A_559 = tpu.memref_squeeze %dma_start3A_558 : memref<1x80xi32, #tpu.memory_space<vmem>> -> memref<80xi32, #tpu.memory_space<vmem>>
      %dma_start3A_560 = arith.constant 0 : i32
      %dma_start3A_561 = arith.constant 0 : i32
      %dma_start3A_562 = tpu.memref_slice %arg18[%dma_start3A_560, %dma_start3A_561] : memref<10000x128xf32, #tpu.memory_space<vmem_shared>> -> memref<10000x128xf32, #tpu.memory_space<vmem_shared>>
      tpu.enqueue_indirect_dma source(%arg17 : memref<80x128xf32, #tpu.memory_space<vmem>>) target(%dma_start3A_562 : memref<10000x128xf32, #tpu.memory_space<vmem_shared>>) offsets(%dma_start3A_559 : memref<80xi32, #tpu.memory_space<vmem>>) semaphore(%arg34 : memref<!tpu.dma_semaphore, #tpu.memory_space<semaphore_mem>>) {add = true}
      %ge3A_563 = arith.constant 2 : i32
      %ge3A_564 = arith.cmpi sge, %add3A_548, %ge3A_563 : i32
      %convert_element_type3A_565 = arith.extui %ge3A_564 : i1 to i32
      %cond3A_566 = arith.constant 0 : i32
      %cond3A_567 = arith.cmpi ne, %convert_element_type3A_565, %cond3A_566 : i32
      scf.if %cond3A_567 {
        %dma_wait3A_584 = arith.constant 1 : i32
        %dma_wait3A_585 = arith.constant 0 : i32
        %dma_wait3A_586 = tpu.memref_slice %arg6[%dma_wait3A_584, %dma_wait3A_585] : memref<2x80xi32, #tpu.memory_space<vmem>> -> memref<1x80xi32, #tpu.memory_space<vmem>>
        %dma_wait3A_587 = tpu.memref_squeeze %dma_wait3A_586 : memref<1x80xi32, #tpu.memory_space<vmem>> -> memref<80xi32, #tpu.memory_space<vmem>>
        %dma_wait3A_588 = arith.constant 0 : i32
        %dma_wait3A_589 = arith.constant 0 : i32
        %dma_wait3A_590 = tpu.memref_slice %arg18[%dma_wait3A_588, %dma_wait3A_589] : memref<10000x128xf32, #tpu.memory_space<vmem_shared>> -> memref<10000x128xf32, #tpu.memory_space<vmem_shared>>
        tpu.wait_indirect_dma semaphore(%arg32 : memref<!tpu.dma_semaphore, #tpu.memory_space<semaphore_mem>>) src(%arg14 : memref<80x128xf32, #tpu.memory_space<vmem>>) dst(%dma_wait3A_590 : memref<10000x128xf32, #tpu.memory_space<vmem_shared>>)
      } else {
      }
      %add3A_568 = arith.constant 8 : i32
      %add3A_569 = arith.addi %add3A_548, %add3A_568 : i32
      %sub3A_570 = arith.constant 2 : i32
      %sub3A_571 = arith.subi %add3A_569, %sub3A_570 : i32
      %lt3A_572 = arith.constant 125 : i32
      %lt3A_573 = arith.cmpi slt, %sub3A_571, %lt3A_572 : i32
      %convert_element_type3A_574 = arith.extui %lt3A_573 : i1 to i32
      %cond3A_575 = arith.constant 0 : i32
      %cond3A_576 = arith.cmpi ne, %convert_element_type3A_574, %cond3A_575 : i32
      scf.if %cond3A_576 {
        %add3A_584 = arith.constant 8 : i32
        %add3A_585 = arith.addi %add3A_548, %add3A_584 : i32
        %sub3A_586 = arith.constant 2 : i32
        %sub3A_587 = arith.subi %add3A_585, %sub3A_586 : i32
        %dma_start3A_588 = arith.constant 0 : i32
        %dma_start3A_589 = arith.constant 0 : i32
        %dma_start3A_590 = tpu.memref_slice %arg3[%add3A, %sub3A_587, %dma_start3A_588, %dma_start3A_589] : memref<32x125x2x80xi32, #tpu.memory_space<hbm>> -> memref<1x1x2x80xi32, #tpu.memory_space<hbm>>
        %dma_start3A_591 = tpu.memref_squeeze %dma_start3A_590 : memref<1x1x2x80xi32, #tpu.memory_space<hbm>> -> memref<2x80xi32, #tpu.memory_space<hbm>>
        %dma_start3A_592 = arith.constant 0 : i32
        %dma_start3A_593 = arith.constant 0 : i32
        %dma_start3A_594 = tpu.memref_slice %arg3[%add3A, %sub3A_587, %dma_start3A_592, %dma_start3A_593] : memref<32x125x2x80xi32, #tpu.memory_space<hbm>> -> memref<1x1x2x80xi32, #tpu.memory_space<hbm>>
        %dma_start3A_595 = tpu.memref_squeeze %dma_start3A_594 : memref<1x1x2x80xi32, #tpu.memory_space<hbm>> -> memref<2x80xi32, #tpu.memory_space<hbm>>
        tpu.enqueue_dma source(%dma_start3A_595 : memref<2x80xi32, #tpu.memory_space<hbm>>) target(%arg11 : memref<2x80xi32, #tpu.memory_space<vmem>>) target_semaphore(%arg24 : memref<!tpu.dma_semaphore, #tpu.memory_space<semaphore_mem>>)
      } else {
      }
      %add3A_577 = arith.constant 2 : i32
      %add3A_578 = arith.addi %add3A_548, %add3A_577 : i32
      %lt3A_579 = arith.constant 125 : i32
      %lt3A_580 = arith.cmpi slt, %add3A_578, %lt3A_579 : i32
      %convert_element_type3A_581 = arith.extui %lt3A_580 : i1 to i32
      %cond3A_582 = arith.constant 0 : i32
      %cond3A_583 = arith.cmpi ne, %convert_element_type3A_581, %cond3A_582 : i32
      scf.if %cond3A_583 {
        %dma_wait3A_584 = arith.constant 0 : i32
        %dma_wait3A_585 = arith.constant 0 : i32
        %dma_wait3A_586 = arith.constant 0 : i32
        %dma_wait3A_587 = tpu.memref_slice %arg3[%add3A, %dma_wait3A_584, %dma_wait3A_585, %dma_wait3A_586] : memref<32x125x2x80xi32, #tpu.memory_space<hbm>> -> memref<1x1x2x80xi32, #tpu.memory_space<hbm>>
        %dma_wait3A_588 = tpu.memref_squeeze %dma_wait3A_587 : memref<1x1x2x80xi32, #tpu.memory_space<hbm>> -> memref<2x80xi32, #tpu.memory_space<hbm>>
        %dma_wait3A_589 = arith.constant 0 : i32
        %dma_wait3A_590 = arith.constant 0 : i32
        %dma_wait3A_591 = tpu.memref_slice %arg3[%add3A, %dma_wait3A_584, %dma_wait3A_589, %dma_wait3A_590] : memref<32x125x2x80xi32, #tpu.memory_space<hbm>> -> memref<1x1x2x80xi32, #tpu.memory_space<hbm>>
        %dma_wait3A_592 = tpu.memref_squeeze %dma_wait3A_591 : memref<1x1x2x80xi32, #tpu.memory_space<hbm>> -> memref<2x80xi32, #tpu.memory_space<hbm>>
        tpu.wait_dma2 semaphore(%arg20 : memref<!tpu.dma_semaphore, #tpu.memory_space<semaphore_mem>>) src(%dma_wait3A_592 : memref<2x80xi32, #tpu.memory_space<hbm>>) dst(%arg7 : memref<2x80xi32, #tpu.memory_space<vmem>>)
        %dma_start3A_593 = arith.constant 0 : i32
        %dma_start3A_594 = arith.constant 0 : i32
        %dma_start3A_595 = tpu.memref_slice %arg7[%dma_start3A_593, %dma_start3A_594] : memref<2x80xi32, #tpu.memory_space<vmem>> -> memref<1x80xi32, #tpu.memory_space<vmem>>
        %dma_start3A_596 = tpu.memref_squeeze %dma_start3A_595 : memref<1x80xi32, #tpu.memory_space<vmem>> -> memref<80xi32, #tpu.memory_space<vmem>>
        %dma_start3A_597 = arith.constant 0 : i32
        %dma_start3A_598 = arith.constant 0 : i32
        %dma_start3A_599 = tpu.memref_slice %arg2[%dma_start3A_597, %dma_start3A_598] : memref<10000x128xf32, #tpu.memory_space<hbm>> -> memref<10000x128xf32, #tpu.memory_space<hbm>>
        tpu.enqueue_indirect_dma source(%dma_start3A_599 : memref<10000x128xf32, #tpu.memory_space<hbm>>) target(%arg15 : memref<80x128xf32, #tpu.memory_space<vmem>>) offsets(%dma_start3A_596 : memref<80xi32, #tpu.memory_space<vmem>>) semaphore(%arg28 : memref<!tpu.dma_semaphore, #tpu.memory_space<semaphore_mem>>)
      } else {
      }
    }
    %scan3A_96 = arith.constant 15 : i32
    %dma_wait3A_97 = arith.constant 0 : i32
    %dma_wait3A_98 = arith.constant 0 : i32
    %dma_wait3A_99 = tpu.memref_slice %arg6[%dma_wait3A_97, %dma_wait3A_98] : memref<2x80xi32, #tpu.memory_space<vmem>> -> memref<1x80xi32, #tpu.memory_space<vmem>>
    %dma_wait3A_100 = tpu.memref_squeeze %dma_wait3A_99 : memref<1x80xi32, #tpu.memory_space<vmem>> -> memref<80xi32, #tpu.memory_space<vmem>>
    %dma_wait3A_101 = arith.constant 0 : i32
    %dma_wait3A_102 = arith.constant 0 : i32
    %dma_wait3A_103 = tpu.memref_slice %arg2[%dma_wait3A_101, %dma_wait3A_102] : memref<10000x128xf32, #tpu.memory_space<hbm>> -> memref<10000x128xf32, #tpu.memory_space<hbm>>
    tpu.wait_indirect_dma semaphore(%arg27 : memref<!tpu.dma_semaphore, #tpu.memory_space<semaphore_mem>>) src(%dma_wait3A_103 : memref<10000x128xf32, #tpu.memory_space<hbm>>) dst(%arg14 : memref<80x128xf32, #tpu.memory_space<vmem>>)
    %dma_start3A_104 = arith.constant 1 : i32
    %dma_start3A_105 = arith.constant 0 : i32
    %dma_start3A_106 = tpu.memref_slice %arg6[%dma_start3A_104, %dma_start3A_105] : memref<2x80xi32, #tpu.memory_space<vmem>> -> memref<1x80xi32, #tpu.memory_space<vmem>>
    %dma_start3A_107 = tpu.memref_squeeze %dma_start3A_106 : memref<1x80xi32, #tpu.memory_space<vmem>> -> memref<80xi32, #tpu.memory_space<vmem>>
    %dma_start3A_108 = arith.constant 0 : i32
    %dma_start3A_109 = arith.constant 0 : i32
    %dma_start3A_110 = tpu.memref_slice %arg18[%dma_start3A_108, %dma_start3A_109] : memref<10000x128xf32, #tpu.memory_space<vmem_shared>> -> memref<10000x128xf32, #tpu.memory_space<vmem_shared>>
    tpu.enqueue_indirect_dma source(%arg14 : memref<80x128xf32, #tpu.memory_space<vmem>>) target(%dma_start3A_110 : memref<10000x128xf32, #tpu.memory_space<vmem_shared>>) offsets(%dma_start3A_107 : memref<80xi32, #tpu.memory_space<vmem>>) semaphore(%arg31 : memref<!tpu.dma_semaphore, #tpu.memory_space<semaphore_mem>>) {add = true}
    %dma_wait3A_111 = arith.constant 1 : i32
    %dma_wait3A_112 = arith.constant 0 : i32
    %dma_wait3A_113 = tpu.memref_slice %arg6[%dma_wait3A_111, %dma_wait3A_112] : memref<2x80xi32, #tpu.memory_space<vmem>> -> memref<1x80xi32, #tpu.memory_space<vmem>>
    %dma_wait3A_114 = tpu.memref_squeeze %dma_wait3A_113 : memref<1x80xi32, #tpu.memory_space<vmem>> -> memref<80xi32, #tpu.memory_space<vmem>>
    %dma_wait3A_115 = arith.constant 0 : i32
    %dma_wait3A_116 = arith.constant 0 : i32
    %dma_wait3A_117 = tpu.memref_slice %arg18[%dma_wait3A_115, %dma_wait3A_116] : memref<10000x128xf32, #tpu.memory_space<vmem_shared>> -> memref<10000x128xf32, #tpu.memory_space<vmem_shared>>
    tpu.wait_indirect_dma semaphore(%arg33 : memref<!tpu.dma_semaphore, #tpu.memory_space<semaphore_mem>>) src(%arg14 : memref<80x128xf32, #tpu.memory_space<vmem>>) dst(%dma_wait3A_117 : memref<10000x128xf32, #tpu.memory_space<vmem_shared>>)
    %dma_wait3A_118 = arith.constant 0 : i32
    %dma_wait3A_119 = arith.constant 0 : i32
    %dma_wait3A_120 = arith.constant 0 : i32
    %dma_wait3A_121 = tpu.memref_slice %arg3[%add3A, %dma_wait3A_118, %dma_wait3A_119, %dma_wait3A_120] : memref<32x125x2x80xi32, #tpu.memory_space<hbm>> -> memref<1x1x2x80xi32, #tpu.memory_space<hbm>>
    %dma_wait3A_122 = tpu.memref_squeeze %dma_wait3A_121 : memref<1x1x2x80xi32, #tpu.memory_space<hbm>> -> memref<2x80xi32, #tpu.memory_space<hbm>>
    %dma_wait3A_123 = arith.constant 0 : i32
    %dma_wait3A_124 = arith.constant 0 : i32
    %dma_wait3A_125 = tpu.memref_slice %arg3[%add3A, %dma_wait3A_118, %dma_wait3A_123, %dma_wait3A_124] : memref<32x125x2x80xi32, #tpu.memory_space<hbm>> -> memref<1x1x2x80xi32, #tpu.memory_space<hbm>>
    %dma_wait3A_126 = tpu.memref_squeeze %dma_wait3A_125 : memref<1x1x2x80xi32, #tpu.memory_space<hbm>> -> memref<2x80xi32, #tpu.memory_space<hbm>>
    tpu.wait_dma2 semaphore(%arg21 : memref<!tpu.dma_semaphore, #tpu.memory_space<semaphore_mem>>) src(%dma_wait3A_126 : memref<2x80xi32, #tpu.memory_space<hbm>>) dst(%arg8 : memref<2x80xi32, #tpu.memory_space<vmem>>)
    %dma_start3A_127 = arith.constant 0 : i32
    %dma_start3A_128 = arith.constant 0 : i32
    %dma_start3A_129 = tpu.memref_slice %arg8[%dma_start3A_127, %dma_start3A_128] : memref<2x80xi32, #tpu.memory_space<vmem>> -> memref<1x80xi32, #tpu.memory_space<vmem>>
    %dma_start3A_130 = tpu.memref_squeeze %dma_start3A_129 : memref<1x80xi32, #tpu.memory_space<vmem>> -> memref<80xi32, #tpu.memory_space<vmem>>
    %dma_start3A_131 = arith.constant 0 : i32
    %dma_start3A_132 = arith.constant 0 : i32
    %dma_start3A_133 = tpu.memref_slice %arg2[%dma_start3A_131, %dma_start3A_132] : memref<10000x128xf32, #tpu.memory_space<hbm>> -> memref<10000x128xf32, #tpu.memory_space<hbm>>
    tpu.enqueue_indirect_dma source(%dma_start3A_133 : memref<10000x128xf32, #tpu.memory_space<hbm>>) target(%arg16 : memref<80x128xf32, #tpu.memory_space<vmem>>) offsets(%dma_start3A_130 : memref<80xi32, #tpu.memory_space<vmem>>) semaphore(%arg29 : memref<!tpu.dma_semaphore, #tpu.memory_space<semaphore_mem>>)
    %dma_wait3A_134 = arith.constant 0 : i32
    %dma_wait3A_135 = arith.constant 0 : i32
    %dma_wait3A_136 = tpu.memref_slice %arg6[%dma_wait3A_134, %dma_wait3A_135] : memref<2x80xi32, #tpu.memory_space<vmem>> -> memref<1x80xi32, #tpu.memory_space<vmem>>
    %dma_wait3A_137 = tpu.memref_squeeze %dma_wait3A_136 : memref<1x80xi32, #tpu.memory_space<vmem>> -> memref<80xi32, #tpu.memory_space<vmem>>
    %dma_wait3A_138 = arith.constant 0 : i32
    %dma_wait3A_139 = arith.constant 0 : i32
    %dma_wait3A_140 = tpu.memref_slice %arg2[%dma_wait3A_138, %dma_wait3A_139] : memref<10000x128xf32, #tpu.memory_space<hbm>> -> memref<10000x128xf32, #tpu.memory_space<hbm>>
    tpu.wait_indirect_dma semaphore(%arg28 : memref<!tpu.dma_semaphore, #tpu.memory_space<semaphore_mem>>) src(%dma_wait3A_140 : memref<10000x128xf32, #tpu.memory_space<hbm>>) dst(%arg15 : memref<80x128xf32, #tpu.memory_space<vmem>>)
    %dma_start3A_141 = arith.constant 1 : i32
    %dma_start3A_142 = arith.constant 0 : i32
    %dma_start3A_143 = tpu.memref_slice %arg7[%dma_start3A_141, %dma_start3A_142] : memref<2x80xi32, #tpu.memory_space<vmem>> -> memref<1x80xi32, #tpu.memory_space<vmem>>
    %dma_start3A_144 = tpu.memref_squeeze %dma_start3A_143 : memref<1x80xi32, #tpu.memory_space<vmem>> -> memref<80xi32, #tpu.memory_space<vmem>>
    %dma_start3A_145 = arith.constant 0 : i32
    %dma_start3A_146 = arith.constant 0 : i32
    %dma_start3A_147 = tpu.memref_slice %arg18[%dma_start3A_145, %dma_start3A_146] : memref<10000x128xf32, #tpu.memory_space<vmem_shared>> -> memref<10000x128xf32, #tpu.memory_space<vmem_shared>>
    tpu.enqueue_indirect_dma source(%arg15 : memref<80x128xf32, #tpu.memory_space<vmem>>) target(%dma_start3A_147 : memref<10000x128xf32, #tpu.memory_space<vmem_shared>>) offsets(%dma_start3A_144 : memref<80xi32, #tpu.memory_space<vmem>>) semaphore(%arg32 : memref<!tpu.dma_semaphore, #tpu.memory_space<semaphore_mem>>) {add = true}
    %dma_wait3A_148 = arith.constant 1 : i32
    %dma_wait3A_149 = arith.constant 0 : i32
    %dma_wait3A_150 = tpu.memref_slice %arg6[%dma_wait3A_148, %dma_wait3A_149] : memref<2x80xi32, #tpu.memory_space<vmem>> -> memref<1x80xi32, #tpu.memory_space<vmem>>
    %dma_wait3A_151 = tpu.memref_squeeze %dma_wait3A_150 : memref<1x80xi32, #tpu.memory_space<vmem>> -> memref<80xi32, #tpu.memory_space<vmem>>
    %dma_wait3A_152 = arith.constant 0 : i32
    %dma_wait3A_153 = arith.constant 0 : i32
    %dma_wait3A_154 = tpu.memref_slice %arg18[%dma_wait3A_152, %dma_wait3A_153] : memref<10000x128xf32, #tpu.memory_space<vmem_shared>> -> memref<10000x128xf32, #tpu.memory_space<vmem_shared>>
    tpu.wait_indirect_dma semaphore(%arg34 : memref<!tpu.dma_semaphore, #tpu.memory_space<semaphore_mem>>) src(%arg14 : memref<80x128xf32, #tpu.memory_space<vmem>>) dst(%dma_wait3A_154 : memref<10000x128xf32, #tpu.memory_space<vmem_shared>>)
    %dma_wait3A_155 = arith.constant 0 : i32
    %dma_wait3A_156 = arith.constant 0 : i32
    %dma_wait3A_157 = arith.constant 0 : i32
    %dma_wait3A_158 = tpu.memref_slice %arg3[%add3A, %dma_wait3A_155, %dma_wait3A_156, %dma_wait3A_157] : memref<32x125x2x80xi32, #tpu.memory_space<hbm>> -> memref<1x1x2x80xi32, #tpu.memory_space<hbm>>
    %dma_wait3A_159 = tpu.memref_squeeze %dma_wait3A_158 : memref<1x1x2x80xi32, #tpu.memory_space<hbm>> -> memref<2x80xi32, #tpu.memory_space<hbm>>
    %dma_wait3A_160 = arith.constant 0 : i32
    %dma_wait3A_161 = arith.constant 0 : i32
    %dma_wait3A_162 = tpu.memref_slice %arg3[%add3A, %dma_wait3A_155, %dma_wait3A_160, %dma_wait3A_161] : memref<32x125x2x80xi32, #tpu.memory_space<hbm>> -> memref<1x1x2x80xi32, #tpu.memory_space<hbm>>
    %dma_wait3A_163 = tpu.memref_squeeze %dma_wait3A_162 : memref<1x1x2x80xi32, #tpu.memory_space<hbm>> -> memref<2x80xi32, #tpu.memory_space<hbm>>
    tpu.wait_dma2 semaphore(%arg22 : memref<!tpu.dma_semaphore, #tpu.memory_space<semaphore_mem>>) src(%dma_wait3A_163 : memref<2x80xi32, #tpu.memory_space<hbm>>) dst(%arg9 : memref<2x80xi32, #tpu.memory_space<vmem>>)
    %dma_start3A_164 = arith.constant 0 : i32
    %dma_start3A_165 = arith.constant 0 : i32
    %dma_start3A_166 = tpu.memref_slice %arg9[%dma_start3A_164, %dma_start3A_165] : memref<2x80xi32, #tpu.memory_space<vmem>> -> memref<1x80xi32, #tpu.memory_space<vmem>>
    %dma_start3A_167 = tpu.memref_squeeze %dma_start3A_166 : memref<1x80xi32, #tpu.memory_space<vmem>> -> memref<80xi32, #tpu.memory_space<vmem>>
    %dma_start3A_168 = arith.constant 0 : i32
    %dma_start3A_169 = arith.constant 0 : i32
    %dma_start3A_170 = tpu.memref_slice %arg2[%dma_start3A_168, %dma_start3A_169] : memref<10000x128xf32, #tpu.memory_space<hbm>> -> memref<10000x128xf32, #tpu.memory_space<hbm>>
    tpu.enqueue_indirect_dma source(%dma_start3A_170 : memref<10000x128xf32, #tpu.memory_space<hbm>>) target(%arg17 : memref<80x128xf32, #tpu.memory_space<vmem>>) offsets(%dma_start3A_167 : memref<80xi32, #tpu.memory_space<vmem>>) semaphore(%arg30 : memref<!tpu.dma_semaphore, #tpu.memory_space<semaphore_mem>>)
    %dma_wait3A_171 = arith.constant 0 : i32
    %dma_wait3A_172 = arith.constant 0 : i32
    %dma_wait3A_173 = tpu.memref_slice %arg6[%dma_wait3A_171, %dma_wait3A_172] : memref<2x80xi32, #tpu.memory_space<vmem>> -> memref<1x80xi32, #tpu.memory_space<vmem>>
    %dma_wait3A_174 = tpu.memref_squeeze %dma_wait3A_173 : memref<1x80xi32, #tpu.memory_space<vmem>> -> memref<80xi32, #tpu.memory_space<vmem>>
    %dma_wait3A_175 = arith.constant 0 : i32
    %dma_wait3A_176 = arith.constant 0 : i32
    %dma_wait3A_177 = tpu.memref_slice %arg2[%dma_wait3A_175, %dma_wait3A_176] : memref<10000x128xf32, #tpu.memory_space<hbm>> -> memref<10000x128xf32, #tpu.memory_space<hbm>>
    tpu.wait_indirect_dma semaphore(%arg29 : memref<!tpu.dma_semaphore, #tpu.memory_space<semaphore_mem>>) src(%dma_wait3A_177 : memref<10000x128xf32, #tpu.memory_space<hbm>>) dst(%arg16 : memref<80x128xf32, #tpu.memory_space<vmem>>)
    %dma_start3A_178 = arith.constant 1 : i32
    %dma_start3A_179 = arith.constant 0 : i32
    %dma_start3A_180 = tpu.memref_slice %arg8[%dma_start3A_178, %dma_start3A_179] : memref<2x80xi32, #tpu.memory_space<vmem>> -> memref<1x80xi32, #tpu.memory_space<vmem>>
    %dma_start3A_181 = tpu.memref_squeeze %dma_start3A_180 : memref<1x80xi32, #tpu.memory_space<vmem>> -> memref<80xi32, #tpu.memory_space<vmem>>
    %dma_start3A_182 = arith.constant 0 : i32
    %dma_start3A_183 = arith.constant 0 : i32
    %dma_start3A_184 = tpu.memref_slice %arg18[%dma_start3A_182, %dma_start3A_183] : memref<10000x128xf32, #tpu.memory_space<vmem_shared>> -> memref<10000x128xf32, #tpu.memory_space<vmem_shared>>
    tpu.enqueue_indirect_dma source(%arg16 : memref<80x128xf32, #tpu.memory_space<vmem>>) target(%dma_start3A_184 : memref<10000x128xf32, #tpu.memory_space<vmem_shared>>) offsets(%dma_start3A_181 : memref<80xi32, #tpu.memory_space<vmem>>) semaphore(%arg33 : memref<!tpu.dma_semaphore, #tpu.memory_space<semaphore_mem>>) {add = true}
    %dma_wait3A_185 = arith.constant 1 : i32
    %dma_wait3A_186 = arith.constant 0 : i32
    %dma_wait3A_187 = tpu.memref_slice %arg6[%dma_wait3A_185, %dma_wait3A_186] : memref<2x80xi32, #tpu.memory_space<vmem>> -> memref<1x80xi32, #tpu.memory_space<vmem>>
    %dma_wait3A_188 = tpu.memref_squeeze %dma_wait3A_187 : memref<1x80xi32, #tpu.memory_space<vmem>> -> memref<80xi32, #tpu.memory_space<vmem>>
    %dma_wait3A_189 = arith.constant 0 : i32
    %dma_wait3A_190 = arith.constant 0 : i32
    %dma_wait3A_191 = tpu.memref_slice %arg18[%dma_wait3A_189, %dma_wait3A_190] : memref<10000x128xf32, #tpu.memory_space<vmem_shared>> -> memref<10000x128xf32, #tpu.memory_space<vmem_shared>>
    tpu.wait_indirect_dma semaphore(%arg31 : memref<!tpu.dma_semaphore, #tpu.memory_space<semaphore_mem>>) src(%arg14 : memref<80x128xf32, #tpu.memory_space<vmem>>) dst(%dma_wait3A_191 : memref<10000x128xf32, #tpu.memory_space<vmem_shared>>)
    %dma_wait3A_192 = arith.constant 0 : i32
    %dma_wait3A_193 = arith.constant 0 : i32
    %dma_wait3A_194 = arith.constant 0 : i32
    %dma_wait3A_195 = tpu.memref_slice %arg3[%add3A, %dma_wait3A_192, %dma_wait3A_193, %dma_wait3A_194] : memref<32x125x2x80xi32, #tpu.memory_space<hbm>> -> memref<1x1x2x80xi32, #tpu.memory_space<hbm>>
    %dma_wait3A_196 = tpu.memref_squeeze %dma_wait3A_195 : memref<1x1x2x80xi32, #tpu.memory_space<hbm>> -> memref<2x80xi32, #tpu.memory_space<hbm>>
    %dma_wait3A_197 = arith.constant 0 : i32
    %dma_wait3A_198 = arith.constant 0 : i32
    %dma_wait3A_199 = tpu.memref_slice %arg3[%add3A, %dma_wait3A_192, %dma_wait3A_197, %dma_wait3A_198] : memref<32x125x2x80xi32, #tpu.memory_space<hbm>> -> memref<1x1x2x80xi32, #tpu.memory_space<hbm>>
    %dma_wait3A_200 = tpu.memref_squeeze %dma_wait3A_199 : memref<1x1x2x80xi32, #tpu.memory_space<hbm>> -> memref<2x80xi32, #tpu.memory_space<hbm>>
    tpu.wait_dma2 semaphore(%arg23 : memref<!tpu.dma_semaphore, #tpu.memory_space<semaphore_mem>>) src(%dma_wait3A_200 : memref<2x80xi32, #tpu.memory_space<hbm>>) dst(%arg10 : memref<2x80xi32, #tpu.memory_space<vmem>>)
    %dma_start3A_201 = arith.constant 0 : i32
    %dma_start3A_202 = arith.constant 0 : i32
    %dma_start3A_203 = tpu.memref_slice %arg10[%dma_start3A_201, %dma_start3A_202] : memref<2x80xi32, #tpu.memory_space<vmem>> -> memref<1x80xi32, #tpu.memory_space<vmem>>
    %dma_start3A_204 = tpu.memref_squeeze %dma_start3A_203 : memref<1x80xi32, #tpu.memory_space<vmem>> -> memref<80xi32, #tpu.memory_space<vmem>>
    %dma_start3A_205 = arith.constant 0 : i32
    %dma_start3A_206 = arith.constant 0 : i32
    %dma_start3A_207 = tpu.memref_slice %arg2[%dma_start3A_205, %dma_start3A_206] : memref<10000x128xf32, #tpu.memory_space<hbm>> -> memref<10000x128xf32, #tpu.memory_space<hbm>>
    tpu.enqueue_indirect_dma source(%dma_start3A_207 : memref<10000x128xf32, #tpu.memory_space<hbm>>) target(%arg14 : memref<80x128xf32, #tpu.memory_space<vmem>>) offsets(%dma_start3A_204 : memref<80xi32, #tpu.memory_space<vmem>>) semaphore(%arg27 : memref<!tpu.dma_semaphore, #tpu.memory_space<semaphore_mem>>)
    %dma_wait3A_208 = arith.constant 0 : i32
    %dma_wait3A_209 = arith.constant 0 : i32
    %dma_wait3A_210 = tpu.memref_slice %arg6[%dma_wait3A_208, %dma_wait3A_209] : memref<2x80xi32, #tpu.memory_space<vmem>> -> memref<1x80xi32, #tpu.memory_space<vmem>>
    %dma_wait3A_211 = tpu.memref_squeeze %dma_wait3A_210 : memref<1x80xi32, #tpu.memory_space<vmem>> -> memref<80xi32, #tpu.memory_space<vmem>>
    %dma_wait3A_212 = arith.constant 0 : i32
    %dma_wait3A_213 = arith.constant 0 : i32
    %dma_wait3A_214 = tpu.memref_slice %arg2[%dma_wait3A_212, %dma_wait3A_213] : memref<10000x128xf32, #tpu.memory_space<hbm>> -> memref<10000x128xf32, #tpu.memory_space<hbm>>
    tpu.wait_indirect_dma semaphore(%arg30 : memref<!tpu.dma_semaphore, #tpu.memory_space<semaphore_mem>>) src(%dma_wait3A_214 : memref<10000x128xf32, #tpu.memory_space<hbm>>) dst(%arg17 : memref<80x128xf32, #tpu.memory_space<vmem>>)
    %dma_start3A_215 = arith.constant 1 : i32
    %dma_start3A_216 = arith.constant 0 : i32
    %dma_start3A_217 = tpu.memref_slice %arg9[%dma_start3A_215, %dma_start3A_216] : memref<2x80xi32, #tpu.memory_space<vmem>> -> memref<1x80xi32, #tpu.memory_space<vmem>>
    %dma_start3A_218 = tpu.memref_squeeze %dma_start3A_217 : memref<1x80xi32, #tpu.memory_space<vmem>> -> memref<80xi32, #tpu.memory_space<vmem>>
    %dma_start3A_219 = arith.constant 0 : i32
    %dma_start3A_220 = arith.constant 0 : i32
    %dma_start3A_221 = tpu.memref_slice %arg18[%dma_start3A_219, %dma_start3A_220] : memref<10000x128xf32, #tpu.memory_space<vmem_shared>> -> memref<10000x128xf32, #tpu.memory_space<vmem_shared>>
    tpu.enqueue_indirect_dma source(%arg17 : memref<80x128xf32, #tpu.memory_space<vmem>>) target(%dma_start3A_221 : memref<10000x128xf32, #tpu.memory_space<vmem_shared>>) offsets(%dma_start3A_218 : memref<80xi32, #tpu.memory_space<vmem>>) semaphore(%arg34 : memref<!tpu.dma_semaphore, #tpu.memory_space<semaphore_mem>>) {add = true}
    %dma_wait3A_222 = arith.constant 1 : i32
    %dma_wait3A_223 = arith.constant 0 : i32
    %dma_wait3A_224 = tpu.memref_slice %arg6[%dma_wait3A_222, %dma_wait3A_223] : memref<2x80xi32, #tpu.memory_space<vmem>> -> memref<1x80xi32, #tpu.memory_space<vmem>>
    %dma_wait3A_225 = tpu.memref_squeeze %dma_wait3A_224 : memref<1x80xi32, #tpu.memory_space<vmem>> -> memref<80xi32, #tpu.memory_space<vmem>>
    %dma_wait3A_226 = arith.constant 0 : i32
    %dma_wait3A_227 = arith.constant 0 : i32
    %dma_wait3A_228 = tpu.memref_slice %arg18[%dma_wait3A_226, %dma_wait3A_227] : memref<10000x128xf32, #tpu.memory_space<vmem_shared>> -> memref<10000x128xf32, #tpu.memory_space<vmem_shared>>
    tpu.wait_indirect_dma semaphore(%arg32 : memref<!tpu.dma_semaphore, #tpu.memory_space<semaphore_mem>>) src(%arg14 : memref<80x128xf32, #tpu.memory_space<vmem>>) dst(%dma_wait3A_228 : memref<10000x128xf32, #tpu.memory_space<vmem_shared>>)
    %dma_wait3A_229 = arith.constant 0 : i32
    %dma_wait3A_230 = arith.constant 0 : i32
    %dma_wait3A_231 = tpu.memref_slice %arg6[%dma_wait3A_229, %dma_wait3A_230] : memref<2x80xi32, #tpu.memory_space<vmem>> -> memref<1x80xi32, #tpu.memory_space<vmem>>
    %dma_wait3A_232 = tpu.memref_squeeze %dma_wait3A_231 : memref<1x80xi32, #tpu.memory_space<vmem>> -> memref<80xi32, #tpu.memory_space<vmem>>
    %dma_wait3A_233 = arith.constant 0 : i32
    %dma_wait3A_234 = arith.constant 0 : i32
    %dma_wait3A_235 = tpu.memref_slice %arg2[%dma_wait3A_233, %dma_wait3A_234] : memref<10000x128xf32, #tpu.memory_space<hbm>> -> memref<10000x128xf32, #tpu.memory_space<hbm>>
    tpu.wait_indirect_dma semaphore(%arg27 : memref<!tpu.dma_semaphore, #tpu.memory_space<semaphore_mem>>) src(%dma_wait3A_235 : memref<10000x128xf32, #tpu.memory_space<hbm>>) dst(%arg14 : memref<80x128xf32, #tpu.memory_space<vmem>>)
    %dma_start3A_236 = arith.constant 1 : i32
    %dma_start3A_237 = arith.constant 0 : i32
    %dma_start3A_238 = tpu.memref_slice %arg10[%dma_start3A_236, %dma_start3A_237] : memref<2x80xi32, #tpu.memory_space<vmem>> -> memref<1x80xi32, #tpu.memory_space<vmem>>
    %dma_start3A_239 = tpu.memref_squeeze %dma_start3A_238 : memref<1x80xi32, #tpu.memory_space<vmem>> -> memref<80xi32, #tpu.memory_space<vmem>>
    %dma_start3A_240 = arith.constant 0 : i32
    %dma_start3A_241 = arith.constant 0 : i32
    %dma_start3A_242 = tpu.memref_slice %arg18[%dma_start3A_240, %dma_start3A_241] : memref<10000x128xf32, #tpu.memory_space<vmem_shared>> -> memref<10000x128xf32, #tpu.memory_space<vmem_shared>>
    tpu.enqueue_indirect_dma source(%arg14 : memref<80x128xf32, #tpu.memory_space<vmem>>) target(%dma_start3A_242 : memref<10000x128xf32, #tpu.memory_space<vmem_shared>>) offsets(%dma_start3A_239 : memref<80xi32, #tpu.memory_space<vmem>>) semaphore(%arg31 : memref<!tpu.dma_semaphore, #tpu.memory_space<semaphore_mem>>) {add = true}
    %dma_wait3A_243 = arith.constant 1 : i32
    %dma_wait3A_244 = arith.constant 0 : i32
    %dma_wait3A_245 = tpu.memref_slice %arg6[%dma_wait3A_243, %dma_wait3A_244] : memref<2x80xi32, #tpu.memory_space<vmem>> -> memref<1x80xi32, #tpu.memory_space<vmem>>
    %dma_wait3A_246 = tpu.memref_squeeze %dma_wait3A_245 : memref<1x80xi32, #tpu.memory_space<vmem>> -> memref<80xi32, #tpu.memory_space<vmem>>
    %dma_wait3A_247 = arith.constant 0 : i32
    %dma_wait3A_248 = arith.constant 0 : i32
    %dma_wait3A_249 = tpu.memref_slice %arg18[%dma_wait3A_247, %dma_wait3A_248] : memref<10000x128xf32, #tpu.memory_space<vmem_shared>> -> memref<10000x128xf32, #tpu.memory_space<vmem_shared>>
    tpu.wait_indirect_dma semaphore(%arg33 : memref<!tpu.dma_semaphore, #tpu.memory_space<semaphore_mem>>) src(%arg14 : memref<80x128xf32, #tpu.memory_space<vmem>>) dst(%dma_wait3A_249 : memref<10000x128xf32, #tpu.memory_space<vmem_shared>>)
    %dma_wait3A_250 = arith.constant 1 : i32
    %dma_wait3A_251 = arith.constant 0 : i32
    %dma_wait3A_252 = tpu.memref_slice %arg6[%dma_wait3A_250, %dma_wait3A_251] : memref<2x80xi32, #tpu.memory_space<vmem>> -> memref<1x80xi32, #tpu.memory_space<vmem>>
    %dma_wait3A_253 = tpu.memref_squeeze %dma_wait3A_252 : memref<1x80xi32, #tpu.memory_space<vmem>> -> memref<80xi32, #tpu.memory_space<vmem>>
    %dma_wait3A_254 = arith.constant 0 : i32
    %dma_wait3A_255 = arith.constant 0 : i32
    %dma_wait3A_256 = tpu.memref_slice %arg18[%dma_wait3A_254, %dma_wait3A_255] : memref<10000x128xf32, #tpu.memory_space<vmem_shared>> -> memref<10000x128xf32, #tpu.memory_space<vmem_shared>>
    tpu.wait_indirect_dma semaphore(%arg34 : memref<!tpu.dma_semaphore, #tpu.memory_space<semaphore_mem>>) src(%arg14 : memref<80x128xf32, #tpu.memory_space<vmem>>) dst(%dma_wait3A_256 : memref<10000x128xf32, #tpu.memory_space<vmem_shared>>)
    %dma_wait3A_257 = arith.constant 1 : i32
    %dma_wait3A_258 = arith.constant 0 : i32
    %dma_wait3A_259 = tpu.memref_slice %arg6[%dma_wait3A_257, %dma_wait3A_258] : memref<2x80xi32, #tpu.memory_space<vmem>> -> memref<1x80xi32, #tpu.memory_space<vmem>>
    %dma_wait3A_260 = tpu.memref_squeeze %dma_wait3A_259 : memref<1x80xi32, #tpu.memory_space<vmem>> -> memref<80xi32, #tpu.memory_space<vmem>>
    %dma_wait3A_261 = arith.constant 0 : i32
    %dma_wait3A_262 = arith.constant 0 : i32
    %dma_wait3A_263 = tpu.memref_slice %arg18[%dma_wait3A_261, %dma_wait3A_262] : memref<10000x128xf32, #tpu.memory_space<vmem_shared>> -> memref<10000x128xf32, #tpu.memory_space<vmem_shared>>
    tpu.wait_indirect_dma semaphore(%arg31 : memref<!tpu.dma_semaphore, #tpu.memory_space<semaphore_mem>>) src(%arg14 : memref<80x128xf32, #tpu.memory_space<vmem>>) dst(%dma_wait3A_263 : memref<10000x128xf32, #tpu.memory_space<vmem_shared>>)
    %barrier3A_264 = arith.constant 0 : index
    tpu.barrier barrier_id(%barrier3A_264)
    %mul3A_265 = arith.constant 624 : i32
    %mul3A_266 = arith.muli %arg1, %mul3A_265 : i32
    %mul3A_267 = arith.constant 624 : i32
    %mul3A_268 = arith.muli %arg1, %mul3A_267 : i32
    "tpu.region"() ({
      %run_scoped3A = tpu.sem_alloc : memref<!tpu.dma_semaphore, #tpu.memory_space<semaphore_mem>>
      %dma_start3A_274 = arith.constant 0 : i32
      %dma_start3A_275 = tpu.memref_slice %arg5[%arg0, %mul3A_268, %dma_start3A_274] : memref<2x10000x128xf32, #tpu.memory_space<hbm>> -> memref<1x624x128xf32, #tpu.memory_space<hbm>>
      %dma_start3A_276 = tpu.memref_squeeze %dma_start3A_275 : memref<1x624x128xf32, #tpu.memory_space<hbm>> -> memref<624x128xf32, #tpu.memory_space<hbm>>
      %dma_start3A_277 = arith.constant 0 : i32
      %dma_start3A_278 = tpu.memref_slice %arg18[%mul3A_266, %dma_start3A_277] : memref<10000x128xf32, #tpu.memory_space<vmem_shared>> -> memref<624x128xf32, #tpu.memory_space<vmem_shared>>
      tpu.enqueue_dma source(%dma_start3A_278 : memref<624x128xf32, #tpu.memory_space<vmem_shared>>) target(%dma_start3A_276 : memref<624x128xf32, #tpu.memory_space<hbm>>) target_semaphore(%run_scoped3A : memref<!tpu.dma_semaphore, #tpu.memory_space<semaphore_mem>>)
      %dma_wait3A_279 = arith.constant 0 : i32
      %dma_wait3A_280 = tpu.memref_slice %arg5[%arg0, %mul3A_268, %dma_wait3A_279] : memref<2x10000x128xf32, #tpu.memory_space<hbm>> -> memref<1x624x128xf32, #tpu.memory_space<hbm>>
      %dma_wait3A_281 = tpu.memref_squeeze %dma_wait3A_280 : memref<1x624x128xf32, #tpu.memory_space<hbm>> -> memref<624x128xf32, #tpu.memory_space<hbm>>
      %dma_wait3A_282 = arith.constant 0 : i32
      %dma_wait3A_283 = tpu.memref_slice %arg18[%mul3A_266, %dma_wait3A_282] : memref<10000x128xf32, #tpu.memory_space<vmem_shared>> -> memref<624x128xf32, #tpu.memory_space<vmem_shared>>
      tpu.wait_dma2 semaphore(%run_scoped3A : memref<!tpu.dma_semaphore, #tpu.memory_space<semaphore_mem>>) src(%dma_wait3A_283 : memref<624x128xf32, #tpu.memory_space<vmem_shared>>) dst(%dma_wait3A_281 : memref<624x128xf32, #tpu.memory_space<hbm>>)
      tpu.yield
    }) : () -> ()
    %eq3A_269 = arith.constant 0 : i32
    %eq3A_270 = arith.cmpi eq, %arg1, %eq3A_269 : i32
    %convert_element_type3A_271 = arith.extui %eq3A_270 : i1 to i32
    %cond3A_272 = arith.constant 0 : i32
    %cond3A_273 = arith.cmpi ne, %convert_element_type3A_271, %cond3A_272 : i32
    scf.if %cond3A_273 {
      "tpu.region"() ({
        %run_scoped3A = tpu.sem_alloc : memref<!tpu.dma_semaphore, #tpu.memory_space<semaphore_mem>>
        %dma_start3A_274 = arith.constant 9984 : i32
        %dma_start3A_275 = arith.constant 0 : i32
        %dma_start3A_276 = tpu.memref_slice %arg5[%arg0, %dma_start3A_274, %dma_start3A_275] : memref<2x10000x128xf32, #tpu.memory_space<hbm>> -> memref<1x16x128xf32, #tpu.memory_space<hbm>>
        %dma_start3A_277 = tpu.memref_squeeze %dma_start3A_276 : memref<1x16x128xf32, #tpu.memory_space<hbm>> -> memref<16x128xf32, #tpu.memory_space<hbm>>
        %dma_start3A_278 = arith.constant 9984 : i32
        %dma_start3A_279 = arith.constant 0 : i32
        %dma_start3A_280 = tpu.memref_slice %arg18[%dma_start3A_278, %dma_start3A_279] : memref<10000x128xf32, #tpu.memory_space<vmem_shared>> -> memref<16x128xf32, #tpu.memory_space<vmem_shared>>
        tpu.enqueue_dma source(%dma_start3A_280 : memref<16x128xf32, #tpu.memory_space<vmem_shared>>) target(%dma_start3A_277 : memref<16x128xf32, #tpu.memory_space<hbm>>) target_semaphore(%run_scoped3A : memref<!tpu.dma_semaphore, #tpu.memory_space<semaphore_mem>>)
        %dma_wait3A_281 = arith.constant 9984 : i32
        %dma_wait3A_282 = arith.constant 0 : i32
        %dma_wait3A_283 = tpu.memref_slice %arg5[%arg0, %dma_wait3A_281, %dma_wait3A_282] : memref<2x10000x128xf32, #tpu.memory_space<hbm>> -> memref<1x16x128xf32, #tpu.memory_space<hbm>>
        %dma_wait3A_284 = tpu.memref_squeeze %dma_wait3A_283 : memref<1x16x128xf32, #tpu.memory_space<hbm>> -> memref<16x128xf32, #tpu.memory_space<hbm>>
        %dma_wait3A_285 = arith.constant 9984 : i32
        %dma_wait3A_286 = arith.constant 0 : i32
        %dma_wait3A_287 = tpu.memref_slice %arg18[%dma_wait3A_285, %dma_wait3A_286] : memref<10000x128xf32, #tpu.memory_space<vmem_shared>> -> memref<16x128xf32, #tpu.memory_space<vmem_shared>>
        tpu.wait_dma2 semaphore(%run_scoped3A : memref<!tpu.dma_semaphore, #tpu.memory_space<semaphore_mem>>) src(%dma_wait3A_287 : memref<16x128xf32, #tpu.memory_space<vmem_shared>>) dst(%dma_wait3A_284 : memref<16x128xf32, #tpu.memory_space<hbm>>)
        tpu.yield
      }) : () -> ()
    } else {
    }
    return
  }
}

module attributes {stable_mosaic.version = 14 : i64} {
  func.func @_mlp1_body(%arg0: i32, %arg1: memref<1x1000x128xf32, #tpu.memory_space<vmem>>, %arg2: memref<1x1000x128xf32, #tpu.memory_space<vmem>>, %arg3: memref<128x128xf32, #tpu.memory_space<vmem>>, %arg4: memref<1x128xf32, #tpu.memory_space<vmem>>, %arg5: memref<128x128xf32, #tpu.memory_space<vmem>>, %arg6: memref<1x128xf32, #tpu.memory_space<vmem>>, %arg7: memref<1000x128xf32, #tpu.memory_space<vmem>>) attributes {dimension_semantics = [#tpu.dimension_semantics<arbitrary>], iteration_bounds = array<i64: 10>, scalar_prefetch = 0 : i64, scratch_operands = 0 : i64, tpu.core_type = #tpu.core_type<tc>, window_params = [{transform_indices = @transform_0, window_bounds = array<i64: 1, 1000, 128>}, {transform_indices = @transform_1, window_bounds = array<i64: 1, 1000, 128>}, {pipeline_mode = #tpu.pipeline_mode<synchronous>, transform_indices = @transform_2, window_bounds = array<i64: 128, 128>}, {pipeline_mode = #tpu.pipeline_mode<synchronous>, transform_indices = @transform_3, window_bounds = array<i64: 1, 128>}, {pipeline_mode = #tpu.pipeline_mode<synchronous>, transform_indices = @transform_4, window_bounds = array<i64: 128, 128>}, {pipeline_mode = #tpu.pipeline_mode<synchronous>, transform_indices = @transform_5, window_bounds = array<i64: 1, 128>}, {transform_indices = @transform_6, window_bounds = array<i64: 1000, 128>}]} {
    %get3A = arith.constant 0 : index
    %get3A_0 = arith.constant 0 : index
    %get3A_1 = arith.constant 0 : index
    %get3A_2 = vector.load %arg1[%get3A, %get3A_0, %get3A_1] : memref<1x1000x128xf32, #tpu.memory_space<vmem>>, vector<1x1000x128xf32>
    %get3A_3 = vector.shape_cast %get3A_2 : vector<1x1000x128xf32> to vector<1000x128xf32>
    %get3A_4 = arith.constant 0 : index
    %get3A_5 = arith.constant 0 : index
    %get3A_6 = arith.constant 0 : index
    %get3A_7 = vector.load %arg2[%get3A_4, %get3A_5, %get3A_6] : memref<1x1000x128xf32, #tpu.memory_space<vmem>>, vector<1x1000x128xf32>
    %get3A_8 = vector.shape_cast %get3A_7 : vector<1x1000x128xf32> to vector<1000x128xf32>
    %add3A = arith.addf %get3A_3, %get3A_8 : vector<1000x128xf32>
    %get3A_9 = arith.constant 0 : index
    %get3A_10 = arith.constant 0 : index
    %get3A_11 = vector.load %arg3[%get3A_9, %get3A_10] : memref<128x128xf32, #tpu.memory_space<vmem>>, vector<128x128xf32>
    %dot_general3A = arith.constant dense<0.000000e+00> : vector<1000x128xf32>
    %dot_general3A_12 = tpu.matmul %add3A, %get3A_11, %dot_general3A {dimension_numbers = #tpu.dot_dimension_numbers<[1], [0], [0], [1], [0, 0, 1, 1], [], []>, transpose_lhs_hint = false} : vector<1000x128xf32>, vector<128x128xf32>, vector<1000x128xf32> -> vector<1000x128xf32>
    %get3A_13 = arith.constant 0 : index
    %get3A_14 = arith.constant 0 : index
    %get3A_15 = vector.load %arg4[%get3A_13, %get3A_14] : memref<1x128xf32, #tpu.memory_space<vmem>>, vector<1x128xf32>
    %add3A_16 = vector.broadcast %get3A_15 : vector<1x128xf32> to vector<1000x128xf32>
    %add3A_17 = arith.addf %dot_general3A_12, %add3A_16 : vector<1000x128xf32>
    %max3A = arith.constant 0.000000e+00 : f32
    %max3A_18 = vector.broadcast %max3A : f32 to vector<1000x128xf32>
    %max3A_19 = arith.maximumf %add3A_17, %max3A_18 : vector<1000x128xf32>
    %get3A_20 = arith.constant 0 : index
    %get3A_21 = arith.constant 0 : index
    %get3A_22 = vector.load %arg5[%get3A_20, %get3A_21] : memref<128x128xf32, #tpu.memory_space<vmem>>, vector<128x128xf32>
    %dot_general3A_23 = arith.constant dense<0.000000e+00> : vector<1000x128xf32>
    %dot_general3A_24 = tpu.matmul %max3A_19, %get3A_22, %dot_general3A_23 {dimension_numbers = #tpu.dot_dimension_numbers<[1], [0], [0], [1], [0, 0, 1, 1], [], []>, transpose_lhs_hint = false} : vector<1000x128xf32>, vector<128x128xf32>, vector<1000x128xf32> -> vector<1000x128xf32>
    %get3A_25 = arith.constant 0 : index
    %get3A_26 = arith.constant 0 : index
    %get3A_27 = vector.load %arg6[%get3A_25, %get3A_26] : memref<1x128xf32, #tpu.memory_space<vmem>>, vector<1x128xf32>
    %add3A_28 = vector.broadcast %get3A_27 : vector<1x128xf32> to vector<1000x128xf32>
    %add3A_29 = arith.addf %dot_general3A_24, %add3A_28 : vector<1000x128xf32>
    %max3A_30 = arith.constant 0.000000e+00 : f32
    %max3A_31 = vector.broadcast %max3A_30 : f32 to vector<1000x128xf32>
    %max3A_32 = arith.maximumf %add3A_29, %max3A_31 : vector<1000x128xf32>
    %swap3A = arith.constant 0 : index
    %swap3A_33 = arith.constant 0 : index
    %swap3A_34 = vector.load %arg7[%swap3A, %swap3A_33] : memref<1000x128xf32, #tpu.memory_space<vmem>>, vector<1000x128xf32>
    tpu.vector_store %arg7[%swap3A, %swap3A_33], %max3A_32 {strides = array<i32>} : memref<1000x128xf32, #tpu.memory_space<vmem>>, vector<1000x128xf32>,
    return
  }
  func.func @transform_0(%arg0: i32) -> (i32, i32, i32) {
    %c0_i32 = arith.constant 0 : i32
    %c0_i32_0 = arith.constant 0 : i32
    %c0_i32_1 = arith.constant 0 : i32
    return %c0_i32, %arg0, %c0_i32_0 : i32, i32, i32
  }
  func.func @transform_1(%arg0: i32) -> (i32, i32, i32) {
    %c1_i32 = arith.constant 1 : i32
    %c0_i32 = arith.constant 0 : i32
    %c0_i32_0 = arith.constant 0 : i32
    return %c1_i32, %arg0, %c0_i32 : i32, i32, i32
  }
  func.func @transform_2(%arg0: i32) -> (i32, i32) {
    %c0_i32 = arith.constant 0 : i32
    %c0_i32_0 = arith.constant 0 : i32
    %c0_i32_1 = arith.constant 0 : i32
    return %c0_i32, %c0_i32_0 : i32, i32
  }
  func.func @transform_3(%arg0: i32) -> (i32, i32) {
    %c0_i32 = arith.constant 0 : i32
    %c0_i32_0 = arith.constant 0 : i32
    %c0_i32_1 = arith.constant 0 : i32
    return %c0_i32, %c0_i32_0 : i32, i32
  }
  func.func @transform_4(%arg0: i32) -> (i32, i32) {
    %c0_i32 = arith.constant 0 : i32
    %c0_i32_0 = arith.constant 0 : i32
    %c0_i32_1 = arith.constant 0 : i32
    return %c0_i32, %c0_i32_0 : i32, i32
  }
  func.func @transform_5(%arg0: i32) -> (i32, i32) {
    %c0_i32 = arith.constant 0 : i32
    %c0_i32_0 = arith.constant 0 : i32
    %c0_i32_1 = arith.constant 0 : i32
    return %c0_i32, %c0_i32_0 : i32, i32
  }
  func.func @transform_6(%arg0: i32) -> (i32, i32) {
    %c0_i32 = arith.constant 0 : i32
    %c0_i32_0 = arith.constant 0 : i32
    return %arg0, %c0_i32 : i32, i32
  }
}

module attributes {stable_mosaic.version = 14 : i64} {
  func.func @_mlp2_body(%arg0: i32, %arg1: memref<1x1000x128xf32, #tpu.memory_space<vmem>>, %arg2: memref<1x1000x128xf32, #tpu.memory_space<vmem>>, %arg3: memref<128x128xf32, #tpu.memory_space<vmem>>, %arg4: memref<1x128xf32, #tpu.memory_space<vmem>>, %arg5: memref<128x128xf32, #tpu.memory_space<vmem>>, %arg6: memref<1x128xf32, #tpu.memory_space<vmem>>, %arg7: memref<128x128xf32, #tpu.memory_space<vmem>>, %arg8: memref<1x128xf32, #tpu.memory_space<vmem>>, %arg9: memref<1000x128xf32, #tpu.memory_space<vmem>>) attributes {dimension_semantics = [#tpu.dimension_semantics<arbitrary>], iteration_bounds = array<i64: 10>, scalar_prefetch = 0 : i64, scratch_operands = 0 : i64, tpu.core_type = #tpu.core_type<tc>, window_params = [{transform_indices = @transform_0, window_bounds = array<i64: 1, 1000, 128>}, {transform_indices = @transform_1, window_bounds = array<i64: 1, 1000, 128>}, {pipeline_mode = #tpu.pipeline_mode<synchronous>, transform_indices = @transform_2, window_bounds = array<i64: 128, 128>}, {pipeline_mode = #tpu.pipeline_mode<synchronous>, transform_indices = @transform_3, window_bounds = array<i64: 1, 128>}, {pipeline_mode = #tpu.pipeline_mode<synchronous>, transform_indices = @transform_4, window_bounds = array<i64: 128, 128>}, {pipeline_mode = #tpu.pipeline_mode<synchronous>, transform_indices = @transform_5, window_bounds = array<i64: 1, 128>}, {pipeline_mode = #tpu.pipeline_mode<synchronous>, transform_indices = @transform_6, window_bounds = array<i64: 128, 128>}, {pipeline_mode = #tpu.pipeline_mode<synchronous>, transform_indices = @transform_7, window_bounds = array<i64: 1, 128>}, {transform_indices = @transform_8, window_bounds = array<i64: 1000, 128>}]} {
    %get3A = arith.constant 0 : index
    %get3A_0 = arith.constant 0 : index
    %get3A_1 = arith.constant 0 : index
    %get3A_2 = vector.load %arg1[%get3A, %get3A_0, %get3A_1] : memref<1x1000x128xf32, #tpu.memory_space<vmem>>, vector<1x1000x128xf32>
    %get3A_3 = vector.shape_cast %get3A_2 : vector<1x1000x128xf32> to vector<1000x128xf32>
    %get3A_4 = arith.constant 0 : index
    %get3A_5 = arith.constant 0 : index
    %get3A_6 = arith.constant 0 : index
    %get3A_7 = vector.load %arg2[%get3A_4, %get3A_5, %get3A_6] : memref<1x1000x128xf32, #tpu.memory_space<vmem>>, vector<1x1000x128xf32>
    %get3A_8 = vector.shape_cast %get3A_7 : vector<1x1000x128xf32> to vector<1000x128xf32>
    %add3A = arith.addf %get3A_3, %get3A_8 : vector<1000x128xf32>
    %get3A_9 = arith.constant 0 : index
    %get3A_10 = arith.constant 0 : index
    %get3A_11 = vector.load %arg3[%get3A_9, %get3A_10] : memref<128x128xf32, #tpu.memory_space<vmem>>, vector<128x128xf32>
    %dot_general3A = arith.constant dense<0.000000e+00> : vector<1000x128xf32>
    %dot_general3A_12 = tpu.matmul %add3A, %get3A_11, %dot_general3A {dimension_numbers = #tpu.dot_dimension_numbers<[1], [0], [0], [1], [0, 0, 1, 1], [], []>, transpose_lhs_hint = false} : vector<1000x128xf32>, vector<128x128xf32>, vector<1000x128xf32> -> vector<1000x128xf32>
    %get3A_13 = arith.constant 0 : index
    %get3A_14 = arith.constant 0 : index
    %get3A_15 = vector.load %arg4[%get3A_13, %get3A_14] : memref<1x128xf32, #tpu.memory_space<vmem>>, vector<1x128xf32>
    %add3A_16 = vector.broadcast %get3A_15 : vector<1x128xf32> to vector<1000x128xf32>
    %add3A_17 = arith.addf %dot_general3A_12, %add3A_16 : vector<1000x128xf32>
    %max3A = arith.constant 0.000000e+00 : f32
    %max3A_18 = vector.broadcast %max3A : f32 to vector<1000x128xf32>
    %max3A_19 = arith.maximumf %add3A_17, %max3A_18 : vector<1000x128xf32>
    %get3A_20 = arith.constant 0 : index
    %get3A_21 = arith.constant 0 : index
    %get3A_22 = vector.load %arg5[%get3A_20, %get3A_21] : memref<128x128xf32, #tpu.memory_space<vmem>>, vector<128x128xf32>
    %dot_general3A_23 = arith.constant dense<0.000000e+00> : vector<1000x128xf32>
    %dot_general3A_24 = tpu.matmul %max3A_19, %get3A_22, %dot_general3A_23 {dimension_numbers = #tpu.dot_dimension_numbers<[1], [0], [0], [1], [0, 0, 1, 1], [], []>, transpose_lhs_hint = false} : vector<1000x128xf32>, vector<128x128xf32>, vector<1000x128xf32> -> vector<1000x128xf32>
    %get3A_25 = arith.constant 0 : index
    %get3A_26 = arith.constant 0 : index
    %get3A_27 = vector.load %arg6[%get3A_25, %get3A_26] : memref<1x128xf32, #tpu.memory_space<vmem>>, vector<1x128xf32>
    %add3A_28 = vector.broadcast %get3A_27 : vector<1x128xf32> to vector<1000x128xf32>
    %add3A_29 = arith.addf %dot_general3A_24, %add3A_28 : vector<1000x128xf32>
    %max3A_30 = arith.constant 0.000000e+00 : f32
    %max3A_31 = vector.broadcast %max3A_30 : f32 to vector<1000x128xf32>
    %max3A_32 = arith.maximumf %add3A_29, %max3A_31 : vector<1000x128xf32>
    %get3A_33 = arith.constant 0 : index
    %get3A_34 = arith.constant 0 : index
    %get3A_35 = vector.load %arg7[%get3A_33, %get3A_34] : memref<128x128xf32, #tpu.memory_space<vmem>>, vector<128x128xf32>
    %dot_general3A_36 = arith.constant dense<0.000000e+00> : vector<1000x128xf32>
    %dot_general3A_37 = tpu.matmul %max3A_32, %get3A_35, %dot_general3A_36 {dimension_numbers = #tpu.dot_dimension_numbers<[1], [0], [0], [1], [0, 0, 1, 1], [], []>, transpose_lhs_hint = false} : vector<1000x128xf32>, vector<128x128xf32>, vector<1000x128xf32> -> vector<1000x128xf32>
    %get3A_38 = arith.constant 0 : index
    %get3A_39 = arith.constant 0 : index
    %get3A_40 = vector.load %arg8[%get3A_38, %get3A_39] : memref<1x128xf32, #tpu.memory_space<vmem>>, vector<1x128xf32>
    %add3A_41 = vector.broadcast %get3A_40 : vector<1x128xf32> to vector<1000x128xf32>
    %add3A_42 = arith.addf %dot_general3A_37, %add3A_41 : vector<1000x128xf32>
    %swap3A = arith.constant 0 : index
    %swap3A_43 = arith.constant 0 : index
    %swap3A_44 = vector.load %arg9[%swap3A, %swap3A_43] : memref<1000x128xf32, #tpu.memory_space<vmem>>, vector<1000x128xf32>
    tpu.vector_store %arg9[%swap3A, %swap3A_43], %add3A_42 {strides = array<i32>} : memref<1000x128xf32, #tpu.memory_space<vmem>>, vector<1000x128xf32>,
    return
  }
  func.func @transform_0(%arg0: i32) -> (i32, i32, i32) {
    %c0_i32 = arith.constant 0 : i32
    %c0_i32_0 = arith.constant 0 : i32
    %c0_i32_1 = arith.constant 0 : i32
    return %c0_i32, %arg0, %c0_i32_0 : i32, i32, i32
  }
  func.func @transform_1(%arg0: i32) -> (i32, i32, i32) {
    %c1_i32 = arith.constant 1 : i32
    %c0_i32 = arith.constant 0 : i32
    %c0_i32_0 = arith.constant 0 : i32
    return %c1_i32, %arg0, %c0_i32 : i32, i32, i32
  }
  func.func @transform_2(%arg0: i32) -> (i32, i32) {
    %c0_i32 = arith.constant 0 : i32
    %c0_i32_0 = arith.constant 0 : i32
    %c0_i32_1 = arith.constant 0 : i32
    return %c0_i32, %c0_i32_0 : i32, i32
  }
  func.func @transform_3(%arg0: i32) -> (i32, i32) {
    %c0_i32 = arith.constant 0 : i32
    %c0_i32_0 = arith.constant 0 : i32
    %c0_i32_1 = arith.constant 0 : i32
    return %c0_i32, %c0_i32_0 : i32, i32
  }
  func.func @transform_4(%arg0: i32) -> (i32, i32) {
    %c0_i32 = arith.constant 0 : i32
    %c0_i32_0 = arith.constant 0 : i32
    %c0_i32_1 = arith.constant 0 : i32
    return %c0_i32, %c0_i32_0 : i32, i32
  }
  func.func @transform_5(%arg0: i32) -> (i32, i32) {
    %c0_i32 = arith.constant 0 : i32
    %c0_i32_0 = arith.constant 0 : i32
    %c0_i32_1 = arith.constant 0 : i32
    return %c0_i32, %c0_i32_0 : i32, i32
  }
  func.func @transform_6(%arg0: i32) -> (i32, i32) {
    %c0_i32 = arith.constant 0 : i32
    %c0_i32_0 = arith.constant 0 : i32
    %c0_i32_1 = arith.constant 0 : i32
    return %c0_i32, %c0_i32_0 : i32, i32
  }
  func.func @transform_7(%arg0: i32) -> (i32, i32) {
    %c0_i32 = arith.constant 0 : i32
    %c0_i32_0 = arith.constant 0 : i32
    %c0_i32_1 = arith.constant 0 : i32
    return %c0_i32, %c0_i32_0 : i32, i32
  }
  func.func @transform_8(%arg0: i32) -> (i32, i32) {
    %c0_i32 = arith.constant 0 : i32
    %c0_i32_0 = arith.constant 0 : i32
    return %arg0, %c0_i32 : i32, i32
  }
}

</mosaic_0001>

<sc_bundles>
// kernel: kernel.6.cloned.1.call-start
scs
__scs_entry_jumppad:
0x0: {  	(pc) =	sbr.rel $0x88, $3  }
0x1: {  	(tag) =	ssettag $0x0;
	lr =	simm.s32 $0x1  }
0x2: {  	[smem:$0x3F95] =	sst lr;
	_ =	strace $0xD0000000  }
0x3: {  	_ = 	snop  }
0x4: {  	_ = 	snop  }
0x5: {  	_ = 	snop  }
0x6: {  	_ = 	snop  }
0x7: {  	_ = 	snop  }
__scs_overlays_trampoline_lowered:
0x8: {  	[smem:$0x3FA4] =	sst s0  }
0x9: {  	[smem:$0x3FA5] =	sst s1  }
0xa: {  	[smem:$0x3FA6] =	sst s2  }
0xb: {  	[smem:$0x3FA7] =	sst s3  }
0xc: {  	[smem:$0x3FA8] =	sst s4  }
0xd: {  	[smem:$0x3FA9] =	sst s5  }
0xe: {  	[smem:$0x3FAA] =	sst s6  }
0xf: {  	[smem:$0x3FAB] =	sst s7  }
0x10: {  	[smem:$0x3FAC] =	sst s8  }
0x11: {  	[smem:$0x3FAD] =	sst s9;
	s0 =	simm.s32 @!p0 $0x0  }
0x12: {  	s1 =	sld [smem:$0x3F93];
	s0 =	simm.s32 @p0 $0x1  }
0x13: {  	[smem:$0x3FAE] =	sst s0;
	s0 =	simm.s32 @!p1 $0x0  }
0x14: {  	s2 =	sld [smem:$0x3F92];
	s0 =	simm.s32 @p1 $0x1  }
0x15: {  	[smem:$0x3FAF] =	sst s0;
	s0 =	simm.s32 @!p2 $0x0  }
0x16: {  	s3 =	sld [smem:$0x3FDB];
	s0 =	simm.s32 @p2 $0x1  }
0x17: {  	s4 =	simm.s32 $0x1BF5;
	[smem:$0x3FB1] =	sst s0  }
0x18: {  	s0 =	sld [smem:$0x3F94];
	_ =	swait.ge [sflag:s4], $0x0  }
0x19: {  	s7 =	sld [smem:$0x3F95]  }
0x1a: {  	s8 =	sadd.s32 $0xFFFFE003, lr  }
0x1b: {  	s9 =	sadd.s32 $0xFFFFFEF7, lr;
	s5 =	simm.s32 $0xFFFFFFFF;
	p2 =	slt.u32 s8, $0xFFFFF086  }
0x1c: {  	p1 =	slt.u32 s9, $0xF7A;
	s5 =	simm.s32 @!p2 $0x0  }
0x1d: {  	s5 =	simm.s32 @p1 $0x1;
	p0 =	seq.s32 s7, s2  }
0x1e: {  	s7 =	smul.u32 @!p0 $0xF7A, s2;
	p2 =	seq.s32 @!p0 s5, $0x0  }
0x1f: {  	s9 =	smul.u32 $0xF7A, s1;
	s8 =	simm.s32 @!p0 $0x1BF5;
	p2 =	por !p2, p0  }
0x20: {  	[sflag:s8] =	ssyncset.s32 @!p0 $0xFFFFF086;
	s6 =	sadd.s32 @!p0 s3, s7;
	s7 =	simm.s32 @!p0 $0x108  }
0x21: {  	s3 =	sadd.s32 s3, s9;
	s6 =	sadd.s32 @!p0 $0x88, s6;
	s7 =	simm.s32 @p2 $0x1082  }
0x22: {  	[simem:s7], [sflag:s8] =	dma.local @!p0 [hbm:s6], $0xF7A  }
0x23: {  	s9 =	sor.u32 $0xD0000000, s2;
	s6 =	simm.s32 $0x108;
	_ =	swait.ge @!p0 [sflag:s8], $0x0  }
0x24: {  	s3 =	sadd.s32 $0x88, s3;
	s6 =	simm.s32 @!p1 $0x1082;
	[sflag:s4] =	ssyncset.s32 $0xFFFFF086  }
0x25: {  	[simem:s6], [sflag:s4] =	dma.local [hbm:s3], $0xF7A  }
0x26: {  	[smem:$0x3F95] =	sst s1;
	(tag) =	ssettag s2;
	_ =	strace s9  }
0x27: {  	s1 =	sld [smem:$0x3FA5]  }
0x28: {  	s2 =	sld [smem:$0x3FA6]  }
0x29: {  	s4 =	sld [smem:$0x3FA8]  }
0x2a: {  	p0 =	seq.s32 s5, $0x0;
	s5 =	sld [smem:$0x3FA9]  }
0x2b: {  	s6 =	sld [smem:$0x3FAA]  }
0x2c: {  	s7 =	sld [smem:$0x3FAB]  }
0x2d: {  	s3 =	simm.s32 $0x108;
	s8 =	sld [smem:$0x3FAC]  }
0x2e: {  	s3 =	simm.s32 @!p0 $0x1082;
	s9 =	sld [smem:$0x3FAD]  }
0x2f: {  	lr =	sadd.s32 s0, s3;
	s0 =	sld [smem:$0x3FA4]  }
0x30: {  	s3 =	sld [smem:$0x3FA7]  }
0x31: {  	[smem:$0x3FB0] =	sst s10  }
0x32: {  	s10 =	sld [smem:$0x3FAE];
	_ =	sdelay $0x3  }
0x33: {  	p0 =	seq.s32 s10, $0x1;
	s10 =	sld [smem:$0x3FB0];
	_ =	sdelay $0x3  }
0x34: {  	[smem:$0x3FB0] =	sst s10  }
0x35: {  	s10 =	sld [smem:$0x3FAF];
	_ =	sdelay $0x3  }
0x36: {  	p1 =	seq.s32 s10, $0x1;
	s10 =	sld [smem:$0x3FB0];
	_ =	sdelay $0x3  }
0x37: {  	[smem:$0x3FB0] =	sst s10  }
0x38: {  	s10 =	sld [smem:$0x3FB1]  }
0x39: {  	_ = 	snop;
	(pc) =	sbr.ind lr, $3  }
0x3a: {  	_ = 	snop  }
0x3b: {  	_ = 	snop  }
0x3c: {  	p2 =	seq.s32 s10, $0x1;
	s10 =	sld [smem:$0x3FB0]  }
0x3d: {  	_ =	shalt  }
0x3e: {  	_ =	shalt  }
0x3f: {  	_ =	shalt  }
0x40: {  	_ =	shalt  }
0x41: {  	_ =	shalt  }
0x42: {  	_ =	shalt  }
0x43: {  	_ =	shalt  }
0x44: {  	_ =	shalt  }
0x45: {  	_ =	shalt  }
0x46: {  	_ =	shalt  }
0x47: {  	_ =	shalt  }
0x48: {  	_ =	shalt  }
0x49: {  	_ =	shalt  }
0x4a: {  	_ =	shalt  }
0x4b: {  	_ =	shalt  }
0x4c: {  	_ =	shalt  }
0x4d: {  	_ =	shalt  }
0x4e: {  	_ =	shalt  }
0x4f: {  	_ =	shalt  }
0x50: {  	_ =	shalt  }
0x51: {  	_ =	shalt  }
0x52: {  	_ =	shalt  }
0x53: {  	_ =	shalt  }
0x54: {  	_ =	shalt  }
0x55: {  	_ =	shalt  }
0x56: {  	_ =	shalt  }
0x57: {  	_ =	shalt  }
0x58: {  	_ =	shalt  }
0x59: {  	_ =	shalt  }
0x5a: {  	_ =	shalt  }
0x5b: {  	_ =	shalt  }
0x5c: {  	_ =	shalt  }
0x5d: {  	_ =	shalt  }
0x5e: {  	_ =	shalt  }
0x5f: {  	_ =	shalt  }
0x60: {  	_ =	shalt  }
0x61: {  	_ =	shalt  }
0x62: {  	_ =	shalt  }
0x63: {  	_ =	shalt  }
0x64: {  	_ =	shalt  }
0x65: {  	_ =	shalt  }
0x66: {  	_ =	shalt  }
0x67: {  	_ =	shalt  }
0x68: {  	_ =	shalt  }
0x69: {  	_ =	shalt  }
0x6a: {  	_ =	shalt  }
0x6b: {  	_ =	shalt  }
0x6c: {  	_ =	shalt  }
0x6d: {  	_ =	shalt  }
0x6e: {  	_ =	shalt  }
0x6f: {  	_ =	shalt  }
0x70: {  	_ =	shalt  }
0x71: {  	_ =	shalt  }
0x72: {  	_ =	shalt  }
0x73: {  	_ =	shalt  }
0x74: {  	_ =	shalt  }
0x75: {  	_ =	shalt  }
0x76: {  	_ =	shalt  }
0x77: {  	_ =	shalt  }
0x78: {  	_ =	shalt  }
0x79: {  	_ =	shalt  }
0x7a: {  	_ =	shalt  }
0x7b: {  	_ =	shalt  }
0x7c: {  	_ =	shalt  }
0x7d: {  	_ =	shalt  }
0x7e: {  	_ =	shalt  }
0x7f: {  	_ =	shalt  }
0x80: {  	_ =	shalt  }
0x81: {  	_ =	shalt  }
0x82: {  	_ =	shalt  }
0x83: {  	_ =	shalt  }
0x84: {  	_ =	shalt  }
0x85: {  	_ =	shalt  }
0x86: {  	_ =	shalt  }
0x87: {  	_ =	shalt  }
.Lfunc_end0:
.L_simem_size_0:
called_computation_lowered:
.L_overlay_start_0:
0x88: {  	s2 =	sld [smem:$0x3FD9]  }
0x89: {  	s3 =	sld [smem:$0x3FFE];
	_ =	sdelay $0x1  }
0x8a: {  	s1 =	srdreg.scid  }
0x8b: {  	s0 =	sand.u32 $0x1, s1  }
0x8c: {  	s17 =	sshll.u32 s0, $0xA;
	s2 =	sadd.s32 s3, s2  }
0x8d: {  	s2 =	sadd.s32 s2, s17  }
0x8e: {  	[smem:$0x3FBC] =	sst s2  }
0x8f: {  	_ = 	snop  }
0x90: {  	s2 =	sld [smem:$0x3FC9];
	(tm) =	ssettm $0x1  }
0x91: {  	s18 =	sld [smem:$0x3FFB];
	_ =	sdelay $0x3  }
0x92: {  	_ =	strace s18  }
0x93: {  	s3 =	sld [smem:$0x3FFC];
	_ =	sdelay $0x3  }
0x94: {  	_ =	strace s3  }
0x95: {  	s3 =	sld [smem:$0x3FFD];
	_ =	sdelay $0x3  }
0x96: {  	_ =	strace s3  }
0x97: {  	_ =	strace $0x8FFFFFFF  }
0x98: {  	s19 =	sld [smem:$0x3FDB];
	_ =	sdelay $0x1  }
0x99: {  	s4 =	simm.s32 $_scs_section_size  }
0x9a: {  	s5 =	simm.s32 $_size__tile_overlayer_lowered;
	s6 =	simm.s32 $_tile_overlayer_lowered  }
0x9b: {  	s22 =	simm.s32 $0x1BFF;
	s21 =	sshll.u32 s6, $0x1;
	s3 =	sadd.s32 s4, s19  }
0x9c: {  	s7 =	simm.s32 $0x0;
	s20 =	sshll.u32 s5, $0x1;
	s5 =	sadd.s32 s21, s3  }
0x9d: {  	[timem:s7], [sflag:s22] =	dma.local [hbm:s5], s20  }
0x9e: {  	_ =	swait.ge [sflag:s22], s20  }
0x9f: {  	s4 =	ssub.s32 $0x0, s20;
	[sflag:s22] =	ssyncset.done $0x0  }
0xa0: {  	[sflag:s22] =	ssyncadd.s32 s4;
	_ =	sdelay $0x1  }
0xa1: {  	s23 =	simm.s32 $0x1B8B  }
0xa2: {  	_ =	swait.ge [sflag:s23], $0x1  }
0xa3: {  	[sflag:s23] =	ssyncset.done $0x0  }
0xa4: {  	s25 =	simm.s32 $0x1B8E;
	s24 =	sld [smem:$0x3FFE];
	[sflag:s23] =	ssyncadd.s32 $0xFFFFFFFF  }
0xa5: {  	s26 =	simm.s32 $execute0_lowered;
	[smem:$0x3FD2] =	sst s25  }
0xa6: {  	s5 =	sshll.u32 s26, $0x1;
	_ =	strace $0x80000046;
	[dreg:$0x1] =	wrdreg $0xFFFFFFFF  }
0xa7: {  	s28 =	simm.s32 $_size_execute0_lowered;
	s3 =	sadd.s32 s3, s5;
	[dreg:$0x0] =	wrdreg $0x0  }
0xa8: {  	s5 =	sshll.u32 s28, $0x1;
	[dreg:$0x2] =	wrdreg s3  }
0xa9: {  	[dreg:$0x3] =	wrdreg s5  }
0xaa: {  	[dreg:$0x4] =	wrdreg $0xC0  }
0xab: {  	_ =	task [dreg:s7], $0x5FFFF  }
0xac: {  	[dreg:$0x1] =	wrdreg $0xFFFFFFFF  }
0xad: {  	[dreg:$0x0] =	wrdreg $0x60  }
0xae: {  	[dreg:$0x2] =	wrdreg s2  }
0xaf: {  	[dreg:$0x3] =	wrdreg s24  }
0xb0: {  	[dreg:$0x4] =	wrdreg $0xA8000  }
0xb1: {  	[dreg:$0x5] =	wrdreg $0x9  }
0xb2: {  	_ =	task.clear_ibuf [dreg:s7], $0x6FFFF;
	_ =	strace $0x90000046  }
0xb3: {  	s29 =	simm.s32 $0x9;
	_ =	strace $0x80000048  }
0xb4: {  	_ =	swait.ge [sflag:s29], $0x1  }
0xb5: {  	[sflag:s29] =	ssyncadd.s32 $0xFFFFFFFF  }
0xb6: {  	_ =	strace $0x90000048  }
0xb7: {  	_ =	sfence  }
0xb8: {  	s30 =	sld [smem:$0x0];
	_ =	sdelay $0x2  }
0xb9: {  	s31 =	sshll.u32 s1, $0xD;
	s1 =	sshrl.u32 s1, $0x2  }
0xba: {  	s3 =	sand.u32 $0x4000, s31;
	s1 =	sadd.s32 s1, s30  }
0xbb: {  	s0 =	sor.u32 s3, s0;
	s1 =	sshll.u32 s1, $0x11  }
0xbc: {  	s0 =	sor.u32 s1, s0  }
0xbd: {  	s0 =	sadd.s32 $0x8F2B, s0  }
0xbe: {  	[sflag:s0] =	ssyncadd.remote.s32 $0x1  }
0xbf: {  	_ =	sfence.sel $0xFFFF  }
0xc0: {  	[dreg:$0x0] =	wrdreg $0xFFFFFFFF;
	(pc) =	sbr.abs _section_cstart, $3  }
0xc1: {  	[dreg:$0x1] =	wrdreg $0xFFFFFFFF  }
0xc2: {  	_ =	task.clear_ibuf [dreg:s7], $0x2FFFF;
	_ =	strace $0x9FFFFFFF  }
0xc3: {  	(tm) =	ssettm $0x7FFFFFFF  }
tec
execute0_lowered:
.L_overlay_start_1:
0x0: {  	(tag) =	ssettag $0x1  }
0x1: {  	s1 =	rddreg [dreg:$0x0]  }
0x2: {  	s0 =	rddreg [dreg:$0x1]  }
0x3: {  	s2 =	rddreg [dreg:$0x2];
	s3 =	simm.s32 $0x0  }
0x4: {  	s5 =	srdreg.scid;
	s11 =	stileid.u32;
	s29 =	simm.s32 $0x300  }
0x5: {  	s31 =	simm.s32 $0x400;
	s30 =	simm.s32 $0x50;
	[smem:$0x7FF] =	sst s3  }
0x6: {  	s4 =	sadd.s32 $0x2200, s0;
	s6 =	sadd.s32 $0x21600, s0;
	s8 =	smul.u32 $0x4E000, s11  }
0x7: {  	s5 =	sand.u32 $0x1, s5;
	s10 =	smul.u32 $0x2700, s11;
	s0 =	sadd.s32 $0x23E00, s0  }
0x8: {  	s19 =	smul.u32 $0x13800, s11;
	s20 =	sadd.s32 $0x138000, s2;
	s12 =	sadd.s32 $0x27000, s1  }
0x9: {  	s23 =	smul.u32 $0x7D00, s11;
	p1 =	sne.s32 s11, $0x0;
	_ =	strace $0x80000047  }
0xa: {  	[dreg:$0xd] =	wrdreg s6;
	s15 =	ssub.s32 $0x2, s5;
	s7 =	sshll.u32 s5, $0x4  }
0xb: {  	p0 =	seq.s32 s5, $0x1;
	s16 =	smul.u32 $0x138800, s5;
	[dreg:$0x10] =	wrdreg s20  }
0xc: {  	s5 =	smul.u32 $0x7D000, s5;
	[dreg:$0x11] =	wrdreg s12;
	s9 =	sshrl.u32 s15, $0x1  }
0xd: {  	s7 =	sor.u32 s11, s7;
	s8 =	sshrl.u32 s8, $0x2;
	s17 =	sadd.s32 s1, s10  }
0xe: {  	s11 =	simm.s32 $0x9;
	s6 =	ssub.s32 s15, s9;
	s18 =	smul.u32 $0x7D00, s7  }
0xf: {  	s8 =	sadd.s32 s8, s2;
	[dreg:$0xf] =	wrdreg s17;
	s28 =	sadd.s32 s23, s5  }
0x10: {  	s9 =	sshrl.u32 s16, $0x3;
	s23 =	simm.s32 $0x580;
	[dreg:$0xe] =	wrdreg s8  }
0x11: {  	s8 =	sadd.s32 s19, s16;
	s10 =	sadd.s32 $0x900, s28;
	s15 =	sadd.s32 $0xB00, s28  }
0x12: {  	s17 =	sadd.s32 $0xC00, s28;
	[dreg:$0x9] =	wrdreg s23;
	s21 =	sshrl.u32 s18, $0x3  }
0x13: {  	[dreg:$0xc] =	wrdreg s28;
	s8 =	sshrl.u32 s8, $0x3;
	s22 =	sadd.s32 s4, s21  }
0x14: {  	s12 =	sshrl.u32 s10, $0x3;
	s5 =	sadd.s32 s0, s8;
	[dreg:$0x12] =	wrdreg s22  }
0x15: {  	s16 =	sshrl.u32 s15, $0x3;
	s13 =	sadd.s32 $0x20, s22;
	[dreg:$0x18] =	wrdreg s5  }
0x16: {  	s10 =	sadd.s32 $0xD00, s28;
	s24 =	sadd.s32 $0x40, s22;
	[dreg:$0x13] =	wrdreg s13  }
0x17: {  	s15 =	simm.s32 $0x1;
	s25 =	sadd.s32 $0x60, s22;
	[dreg:$0x14] =	wrdreg s24  }
0x18: {  	s20 =	sshrl.u32 s10, $0x3;
	s26 =	sadd.s32 $0x80, s22;
	[dreg:$0x15] =	wrdreg s25  }
0x19: {  	s0 =	sadd.s32 s0, s9;
	s7 =	sadd.s32 $0xA0, s22;
	[dreg:$0x16] =	wrdreg s26  }
0x1a: {  	s10 =	simm.s32 $0x500;
	s5 =	sadd.s32 s12, s4;
	[dreg:$0x17] =	wrdreg s7  }
0x1b: {  	s9 =	simm.s32 $0xE;
	s0 =	sadd.s32 $0x27000, s0;
	[dreg:$0x4] =	wrdreg s5  }
0x1c: {  	s21 =	sadd.s32 s20, s4;
	s22 =	smax.u32 s6, $0x1;
	[dreg:$0x19] =	wrdreg s0  }
0x1d: {  	s20 =	simm.s32 $0xB;
	s12 =	simm.s32 $0xD;
	[dreg:$0x1a] =	wrdreg s22  }
0x1e: {  	s13 =	sadd.s32 $0xA00, s28;
	s5 =	sadd.s32 s16, s4;
	[dreg:$0x8] =	wrdreg s21  }
0x1f: {  	s25 =	simm.s32 $0x11;
	s16 =	simm.s32 $0x100;
	s24 =	simm.s32 $0x680  }
0x20: {  	s26 =	simm.s32 $0x780;
	s22 =	simm.s32 $0xC;
	[dreg:$0x6] =	wrdreg s5  }
0x21: {  	s7 =	simm.s32 $0x7;
	s8 =	sshrl.u32 s13, $0x3;
	[dreg:$0xa] =	wrdreg s24  }
0x22: {  	[dreg:$0xb] =	wrdreg s26;
	s26 =	simm.s32 $0x2;
	s13 =	simm.s32 $0x3000  }
0x23: {  	s14 =	sadd.s32 s8, s4;
	s8 =	sshrl.u32 s17, $0x3;
	s17 =	simm.s32 $0x0  }
0x24: {  	[dreg:$0x5] =	wrdreg s14;
	s19 =	sadd.s32 s8, s4;
	s8 =	simm.s32 $0x200  }
0x25: {  	s14 =	simm.s32 $0xA;
	[dreg:$0x7] =	wrdreg s19;
	s19 =	simm.s32 $0x800  }
.LBB2_1:
.Ltmp0:
0x26: {  	(pc) =	sbr.rel @!p0 .LBB2_2-.Ltmp0, $4  }
0x27: {  	_ = 	snop  }
0x28: {  	s5 =	stileid.u32  }
0x29: {  	s23 =	rddreg [dreg:$0xe];
	s24 =	sshll.u32 s5, $0x6  }
0x2a: {  	[dreg:$0x1b] =	wrdreg s17;
	s23 =	sshrl.u32 s23, $0x3;
	s21 =	sor.u32 $0x1C11, s24  }
.Ltmp1:
0x2b: {  	s5 =	rddreg [dreg:$0xd];
	(pc) =	sbr.rel @p1 .LBB2_7-.Ltmp1, $4  }
0x2c: {  	[spmem:s23], [sflag:s21] =	dma.local [hbm:s5], $0x2700  }
0x2d: {  	_ =	swait.ge [sflag:s25], $0x2700  }
0x2e: {  	[sflag:s25] =	ssyncset.done $0x0  }
0x2f: {  	[sflag:s25] =	ssyncadd.s32 $0xFFFFD900  }
.Ltmp2:
0x30: {  	(pc) =	sbr.rel .LBB2_6-.Ltmp2, $4  }
0x31: {  	_ = 	snop  }
0x32: {  	s5 =	rddreg [dreg:$0x10]  }
0x33: {  	s17 =	rddreg [dreg:$0xd];
	s24 =	sshrl.u32 s5, $0x3  }
0x34: {  	[spmem:s24], [sflag:s21] =	dma.local [hbm:s17], $0x100  }
.LBB2_2:
.Ltmp3:
0x35: {  	s5 =	rddreg [dreg:$0xf];
	(pc) =	sbr.rel @p1 .LBB2_7-.Ltmp3, $4  }
0x36: {  	[spmem:s23], [sflag:s21] =	dma.local [hbm:s5], $0x2700  }
0x37: {  	_ =	swait.ge [sflag:s25], $0x2700  }
0x38: {  	[sflag:s25] =	ssyncset.done $0x0  }
0x39: {  	[sflag:s25] =	ssyncadd.s32 $0xFFFFD900  }
0x3a: {  	s5 =	rddreg [dreg:$0x10]  }
0x3b: {  	s17 =	rddreg [dreg:$0x11];
	s24 =	sshrl.u32 s5, $0x3  }
0x3c: {  	[spmem:s24], [sflag:s21] =	dma.local [hbm:s17], $0x100  }
.LBB2_6:
0x3d: {  	_ =	swait.ge [sflag:s25], $0x100  }
0x3e: {  	[sflag:s25] =	ssyncset.done $0x0  }
0x3f: {  	[sflag:s25] =	ssyncadd.s32 $0xFFFFFF00  }
.LBB2_7:
0x40: {  	[dreg:$0x1d] =	wrdreg s23  }
0x41: {  	[dreg:$0x1c] =	wrdreg s21  }
0x42: {  	[bflag:$0x0] =	sbarrier.arrive $0xFFFF  }
0x43: {  	s25 =	simm.s32 $0x0;
	s5 =	rddreg [dreg:$0x12]  }
0x44: {  	[tilespmem:s25], [sflag:$0x1] =	stream.linear.gather [hbm4b:s5+s25], $0x100, $0x38;
	[tilespmem:$0x1E080] =	vst v63  }
0x45: {  	s21 =	rddreg [dreg:$0x13]  }
0x46: {  	[tilespmem:s16], [sflag:$0x2] =	stream.linear.gather [hbm4b:s21+s25], $0x100, $0x38;
	[tilespmem:$0x1E080] =	vst v63  }
0x47: {  	s23 =	rddreg [dreg:$0x14]  }
0x48: {  	[tilespmem:s8], [sflag:$0x3] =	stream.linear.gather [hbm4b:s23+s25], $0x100, $0x38;
	[tilespmem:$0x1E080] =	vst v63  }
0x49: {  	s24 =	rddreg [dreg:$0x15]  }
0x4a: {  	[tilespmem:s29], [sflag:$0x4] =	stream.linear.gather [hbm4b:s24+s25], $0x100, $0x38;
	[tilespmem:$0x1E080] =	vst v63  }
0x4b: {  	s0 =	rddreg [dreg:$0x16]  }
0x4c: {  	[tilespmem:s31], [sflag:$0x5] =	stream.linear.gather [hbm4b:s0+s25], $0x100, $0x38;
	[tilespmem:$0x1E080] =	vst v63  }
0x4d: {  	s6 =	rddreg [dreg:$0x17]  }
0x4e: {  	[tilespmem:s10], [sflag:$0x6] =	stream.linear.gather [hbm4b:s6+s25], $0x100, $0x38;
	[tilespmem:$0x1E080] =	vst v63  }
0x4f: {  	_ =	swait.ge [sflag:s15], $0x100  }
0x50: {  	[sflag:s15] =	ssyncset.done $0x0  }
0x51: {  	s24 =	simm.s32 $0x800;
	[sflag:s15] =	ssyncadd.s32 $0xFFFFFF00  }
0x52: {  	[tilespmem:s24], [sflag:$0x9] =	stream.indirect.gather [hbm4b:s1+s30], $0x80, s25, s30, $0xb8;
	[tilespmem:$0x1E080] =	vst v63  }
0x53: {  	_ =	swait.ge [sflag:s26], $0x100  }
0x54: {  	[sflag:s26] =	ssyncset.done $0x0  }
0x55: {  	[sflag:s26] =	ssyncadd.s32 $0xFFFFFF00  }
0x56: {  	[tilespmem:s13], [sflag:$0xA] =	stream.indirect.gather [hbm4b:s1+s30], $0x80, s16, s30, $0xb8;
	[tilespmem:$0x1E080] =	vst v63  }
0x57: {  	p2 =	por $0x1, $0x1;
	_ =	swait.ge [sflag:s11], $0x2800  }
0x58: {  	s17 =	simm.s32 $0x80;
	s25 =	simm.s32 @!p2 $0x600;
	[sflag:s11] =	ssyncset.done $0x0  }
0x59: {  	s25 =	simm.s32 @p2 $0x600;
	s26 =	simm.s32 @!p2 $0xF;
	[sflag:s11] =	ssyncadd.s32 $0xFFFFD800  }
0x5a: {  	[spmem:s2] =	stream.indirect.scatter.add.f32 [tilespmem:s19], [sflag:$0xD], $0x80, s17, s30, $0xb8;
	[tilespmem:$0x1E080] =	vst v63  }
0x5b: {  	s25 =	sadd.s32 s18, s25;
	_ =	swait.ge @!p2 [sflag:s26], $0x2800  }
0x5c: {  	s21 =	simm.s32 $0x3;
	s25 =	sshrl.u32 s25, $0x3;
	[sflag:s26] =	ssyncset.done @!p2 $0x0  }
0x5d: {  	s25 =	sadd.s32 s4, s25;
	s16 =	simm.s32 $0x600;
	[sflag:s26] =	ssyncadd.s32 @!p2 $0xFFFFD800  }
0x5e: {  	[tilespmem:s16], [sflag:$0x7] =	stream.linear.gather [hbm4b:s25+s3], $0x100, $0x38;
	[tilespmem:$0x1E080] =	vst v63  }
0x5f: {  	_ =	swait.ge [sflag:s21], $0x100  }
0x60: {  	[sflag:s21] =	ssyncset.done $0x0  }
0x61: {  	[sflag:s21] =	ssyncadd.s32 $0xFFFFFF00;
	s21 =	simm.s32 $0x5800  }
0x62: {  	[tilespmem:s21], [sflag:$0xB] =	stream.indirect.gather [hbm4b:s1+s30], $0x80, s8, s30, $0xb8;
	[tilespmem:$0x1E080] =	vst v63  }
0x63: {  	_ =	swait.ge [sflag:s14], $0x2800  }
0x64: {  	s23 =	simm.s32 $0x180;
	s25 =	simm.s32 @!p2 $0x700;
	[sflag:s14] =	ssyncset.done $0x0  }
0x65: {  	s26 =	simm.s32 @!p2 $0x10;
	s25 =	simm.s32 @p2 $0x700;
	[sflag:s14] =	ssyncadd.s32 $0xFFFFD800  }
0x66: {  	[spmem:s2] =	stream.indirect.scatter.add.f32 [tilespmem:s13], [sflag:$0xE], $0x80, s23, s30, $0xb8;
	[tilespmem:$0x1E080] =	vst v63  }
0x67: {  	s25 =	sadd.s32 s18, s25;
	_ =	swait.ge @!p2 [sflag:s26], $0x2800  }
0x68: {  	s15 =	simm.s32 $0x4;
	s25 =	sshrl.u32 s25, $0x3;
	[sflag:s26] =	ssyncset.done @!p2 $0x0  }
0x69: {  	s25 =	sadd.s32 s4, s25;
	[sflag:s26] =	ssyncadd.s32 @!p2 $0xFFFFD800;
	s26 =	simm.s32 $0x700  }
0x6a: {  	[tilespmem:s26], [sflag:$0x8] =	stream.linear.gather [hbm4b:s25+s3], $0x100, $0x38;
	[tilespmem:$0x1E080] =	vst v63  }
0x6b: {  	_ =	swait.ge [sflag:s15], $0x100  }
0x6c: {  	[sflag:s15] =	ssyncset.done $0x0  }
0x6d: {  	[sflag:s15] =	ssyncadd.s32 $0xFFFFFF00;
	s15 =	simm.s32 $0x8000  }
0x6e: {  	[tilespmem:s15], [sflag:$0xC] =	stream.indirect.gather [hbm4b:s1+s30], $0x80, s29, s30, $0xb8;
	[tilespmem:$0x1E080] =	vst v63  }
0x6f: {  	_ =	swait.ge [sflag:s20], $0x2800  }
0x70: {  	[sflag:s20] =	ssyncset.done $0x0  }
0x71: {  	s17 =	simm.s32 $0x280;
	[sflag:s20] =	ssyncadd.s32 $0xFFFFD800  }
0x72: {  	[spmem:s2] =	stream.indirect.scatter.add.f32 [tilespmem:s21], [sflag:$0xF], $0x80, s17, s30, $0xb8;
	[tilespmem:$0x1E080] =	vst v63  }
0x73: {  	s23 =	sadd.s32 $0x800, s28;
	_ =	swait.ge [sflag:s12], $0x2800  }
0x74: {  	s25 =	sshrl.u32 s23, $0x3;
	[sflag:s12] =	ssyncset.done $0x0  }
0x75: {  	s28 =	simm.s32 $0x5;
	s25 =	sadd.s32 s4, s25;
	[sflag:s12] =	ssyncadd.s32 $0xFFFFD800  }
0x76: {  	[tilespmem:s3], [sflag:$0x1] =	stream.linear.gather [hbm4b:s25+s3], $0x100, $0x38;
	[tilespmem:$0x1E080] =	vst v63  }
0x77: {  	_ =	swait.ge [sflag:s28], $0x100  }
0x78: {  	[sflag:s28] =	ssyncset.done $0x0  }
0x79: {  	[sflag:s28] =	ssyncadd.s32 $0xFFFFFF00  }
0x7a: {  	[tilespmem:s19], [sflag:$0x9] =	stream.indirect.gather [hbm4b:s1+s30], $0x80, s31, s30, $0xb8;
	[tilespmem:$0x1E080] =	vst v63  }
0x7b: {  	_ =	swait.ge [sflag:s22], $0x2800  }
0x7c: {  	[sflag:s22] =	ssyncset.done $0x0  }
0x7d: {  	s17 =	simm.s32 $0x380;
	[sflag:s22] =	ssyncadd.s32 $0xFFFFD800  }
0x7e: {  	[spmem:s2] =	stream.indirect.scatter.add.f32 [tilespmem:s15], [sflag:$0x10], $0x80, s17, s30, $0xb8;
	[tilespmem:$0x1E080] =	vst v63  }
0x7f: {  	_ =	swait.ge [sflag:s9], $0x2800  }
0x80: {  	s0 =	simm.s32 $0x100;
	s23 =	rddreg [dreg:$0x4];
	[sflag:s9] =	ssyncset.done $0x0  }
0x81: {  	s17 =	simm.s32 $0x6;
	[sflag:s9] =	ssyncadd.s32 $0xFFFFD800;
	s25 =	sadd.s32 $0x0, s23  }
0x82: {  	[tilespmem:s0], [sflag:$0x2] =	stream.linear.gather [hbm4b:s25+s3], $0x100, $0x38;
	[tilespmem:$0x1E080] =	vst v63  }
0x83: {  	_ =	swait.ge [sflag:s17], $0x100  }
0x84: {  	[sflag:s17] =	ssyncset.done $0x0  }
0x85: {  	[sflag:s17] =	ssyncadd.s32 $0xFFFFFF00  }
0x86: {  	[tilespmem:s13], [sflag:$0xA] =	stream.indirect.gather [hbm4b:s1+s30], $0x80, s10, s30, $0xb8;
	[tilespmem:$0x1E080] =	vst v63  }
0x87: {  	_ =	swait.ge [sflag:s11], $0x2800  }
0x88: {  	[sflag:s11] =	ssyncset.done $0x0  }
0x89: {  	s28 =	simm.s32 $0xF;
	s25 =	simm.s32 $0x480;
	[sflag:s11] =	ssyncadd.s32 $0xFFFFD800  }
0x8a: {  	[spmem:s2] =	stream.indirect.scatter.add.f32 [tilespmem:s19], [sflag:$0xD], $0x80, s25, s30, $0xb8;
	[tilespmem:$0x1E080] =	vst v63  }
0x8b: {  	_ =	swait.ge [sflag:s28], $0x2800  }
0x8c: {  	s5 =	rddreg [dreg:$0x5];
	[sflag:s28] =	ssyncset.done $0x0  }
0x8d: {  	[sflag:s28] =	ssyncadd.s32 $0xFFFFD800;
	s25 =	sadd.s32 $0x0, s5  }
0x8e: {  	[tilespmem:s8], [sflag:$0x3] =	stream.linear.gather [hbm4b:s25+s3], $0x100, $0x38;
	[tilespmem:$0x1E080] =	vst v63  }
0x8f: {  	_ =	swait.ge [sflag:s7], $0x100  }
0x90: {  	[sflag:s7] =	ssyncset.done $0x0  }
0x91: {  	[sflag:s7] =	ssyncadd.s32 $0xFFFFFF00  }
0x92: {  	[tilespmem:s21], [sflag:$0xB] =	stream.indirect.gather [hbm4b:s1+s30], $0x80, s16, s30, $0xb8;
	[tilespmem:$0x1E080] =	vst v63  }
0x93: {  	_ =	swait.ge [sflag:s14], $0x2800  }
0x94: {  	[sflag:s14] =	ssyncset.done $0x0  }
0x95: {  	s16 =	simm.s32 $0x10;
	s10 =	rddreg [dreg:$0x9];
	[sflag:s14] =	ssyncadd.s32 $0xFFFFD800  }
0x96: {  	[spmem:s2] =	stream.indirect.scatter.add.f32 [tilespmem:s13], [sflag:$0xE], $0x80, s10, s30, $0xb8;
	[tilespmem:$0x1E080] =	vst v63  }
0x97: {  	_ =	swait.ge [sflag:s16], $0x2800  }
0x98: {  	s23 =	rddreg [dreg:$0x6];
	[sflag:s16] =	ssyncset.done $0x0  }
0x99: {  	s8 =	simm.s32 $0x8;
	[sflag:s16] =	ssyncadd.s32 $0xFFFFD800;
	s25 =	sadd.s32 $0x0, s23  }
0x9a: {  	[tilespmem:s29], [sflag:$0x4] =	stream.linear.gather [hbm4b:s25+s3], $0x100, $0x38;
	[tilespmem:$0x1E080] =	vst v63  }
0x9b: {  	_ =	swait.ge [sflag:s8], $0x100  }
0x9c: {  	[sflag:s8] =	ssyncset.done $0x0  }
0x9d: {  	[sflag:s8] =	ssyncadd.s32 $0xFFFFFF00  }
0x9e: {  	[tilespmem:s15], [sflag:$0xC] =	stream.indirect.gather [hbm4b:s1+s30], $0x80, s26, s30, $0xb8;
	[tilespmem:$0x1E080] =	vst v63  }
0x9f: {  	_ =	swait.ge [sflag:s20], $0x2800  }
0xa0: {  	[sflag:s20] =	ssyncset.done $0x0  }
0xa1: {  	s28 =	rddreg [dreg:$0xa];
	[sflag:s20] =	ssyncadd.s32 $0xFFFFD800  }
0xa2: {  	[spmem:s2] =	stream.indirect.scatter.add.f32 [tilespmem:s21], [sflag:$0xF], $0x80, s28, s30, $0xb8;
	[tilespmem:$0x1E080] =	vst v63  }
0xa3: {  	_ =	swait.ge [sflag:s12], $0x2800  }
0xa4: {  	s29 =	rddreg [dreg:$0x7];
	[sflag:s12] =	ssyncset.done $0x0  }
0xa5: {  	s6 =	simm.s32 $0x1;
	[sflag:s12] =	ssyncadd.s32 $0xFFFFD800;
	s25 =	sadd.s32 $0x0, s29  }
0xa6: {  	[tilespmem:s31], [sflag:$0x5] =	stream.linear.gather [hbm4b:s25+s3], $0x100, $0x38;
	[tilespmem:$0x1E080] =	vst v63  }
0xa7: {  	_ =	swait.ge [sflag:s6], $0x100  }
0xa8: {  	[sflag:s6] =	ssyncset.done $0x0  }
0xa9: {  	[sflag:s6] =	ssyncadd.s32 $0xFFFFFF00  }
0xaa: {  	[tilespmem:s19], [sflag:$0x9] =	stream.indirect.gather [hbm4b:s1+s30], $0x80, s3, s30, $0xb8;
	[tilespmem:$0x1E080] =	vst v63  }
0xab: {  	_ =	swait.ge [sflag:s22], $0x2800  }
0xac: {  	[sflag:s22] =	ssyncset.done $0x0  }
0xad: {  	s31 =	rddreg [dreg:$0xb];
	[sflag:s22] =	ssyncadd.s32 $0xFFFFD800  }
0xae: {  	[spmem:s2] =	stream.indirect.scatter.add.f32 [tilespmem:s15], [sflag:$0x10], $0x80, s31, s30, $0xb8;
	[tilespmem:$0x1E080] =	vst v63  }
0xaf: {  	p2 =	por $0x0, $0x0;
	_ =	swait.ge [sflag:s9], $0x2800  }
0xb0: {  	s0 =	simm.s32 @!p2 $0x0;
	s25 =	rddreg [dreg:$0x8];
	[sflag:s9] =	ssyncset.done $0x0  }
0xb1: {  	s26 =	simm.s32 @!p2 $0x500;
	[sflag:s9] =	ssyncadd.s32 $0xFFFFD800;
	s25 =	sadd.s32 @!p2 $0x0, s25  }
0xb2: {  	[tilespmem:s26], [sflag:$0x6] =	stream.linear.gather @!p2 [hbm4b:s25+s0], $0x100, $0x38;
	[tilespmem:$0x1E080] =	vst v63  }
0xb3: {  	s26 =	simm.s32 $0x2  }
0xb4: {  	_ =	swait.ge [sflag:s26], $0x100  }
0xb5: {  	s7 =	simm.s32 $0x7;
	s25 =	simm.s32 $0x100;
	[sflag:s26] =	ssyncset.done $0x0  }
.LBB2_8:
0xb6: {  	[sflag:s26] =	ssyncadd.s32 $0xFFFFFF00;
	s6 =	simm.s32 $0x100  }
0xb7: {  	[tilespmem:s13], [sflag:$0xA] =	stream.indirect.gather [hbm4b:s1+s30], $0x80, s6, s30, $0xb8;
	[tilespmem:$0x1E080] =	vst v63  }
0xb8: {  	s24 =	sadd.s32 $0x800, s24;
	s26 =	smov.u32 s25;
	_ =	swait.ge [sflag:s11], $0x2800  }
0xb9: {  	s29 =	simm.s32 $0x80;
	p3 =	seq.s32 s26, $0x0;
	[sflag:s11] =	ssyncset.done $0x0  }
0xba: {  	s0 =	simm.s32 $0x3;
	s16 =	sadd.s32 @!p3 $0xFFFFFE00, s24;
	[sflag:s11] =	ssyncadd.s32 $0xFFFFD800  }
0xbb: {  	[spmem:s2] =	stream.indirect.scatter.add.f32 [tilespmem:s19], [sflag:$0xD], $0x80, s29, s30, $0xb8;
	[tilespmem:$0x1E080] =	vst v63  }
0xbc: {  	s5 =	simm.s32 @!p3 $0xF;
	s16 =	simm.s32 @p3 $0x600;
	s29 =	sadd.s32 @!p3 $0xFFFFFF00, s24  }
0xbd: {  	s16 =	sadd.s32 s18, s16;
	_ =	swait.ge @!p3 [sflag:s5], $0x2800;
	s29 =	simm.s32 @p3 $0x700  }
0xbe: {  	s16 =	sshrl.u32 s16, $0x3;
	[sflag:s5] =	ssyncset.done @!p3 $0x0;
	s23 =	sadd.s32 s18, s29  }
0xbf: {  	s29 =	simm.s32 $0x600;
	[sflag:s5] =	ssyncadd.s32 @!p3 $0xFFFFD800;
	s5 =	sadd.s32 s4, s16  }
0xc0: {  	[tilespmem:s29], [sflag:$0x7] =	stream.linear.gather [hbm4b:s5+s3], $0x100, $0x38;
	[tilespmem:$0x1E080] =	vst v63  }
0xc1: {  	_ =	swait.ge [sflag:s0], $0x100  }
0xc2: {  	[sflag:s0] =	ssyncset.done $0x0  }
0xc3: {  	s10 =	simm.s32 $0x200;
	[sflag:s0] =	ssyncadd.s32 $0xFFFFFF00  }
0xc4: {  	[tilespmem:s21], [sflag:$0xB] =	stream.indirect.gather [hbm4b:s1+s30], $0x80, s10, s30, $0xb8;
	[tilespmem:$0x1E080] =	vst v63  }
0xc5: {  	_ =	swait.ge [sflag:s14], $0x2800  }
0xc6: {  	[sflag:s14] =	ssyncset.done $0x0  }
0xc7: {  	s28 =	simm.s32 $0x180;
	s5 =	simm.s32 @!p3 $0x10;
	[sflag:s14] =	ssyncadd.s32 $0xFFFFD800  }
0xc8: {  	[spmem:s2] =	stream.indirect.scatter.add.f32 [tilespmem:s13], [sflag:$0xE], $0x80, s28, s30, $0xb8;
	[tilespmem:$0x1E080] =	vst v63  }
0xc9: {  	_ =	swait.ge @!p3 [sflag:s5], $0x2800  }
0xca: {  	s16 =	sshrl.u32 s23, $0x3;
	s23 =	simm.s32 $0x4;
	[sflag:s5] =	ssyncset.done @!p3 $0x0  }
0xcb: {  	s16 =	sadd.s32 s4, s16;
	s28 =	simm.s32 $0x700;
	[sflag:s5] =	ssyncadd.s32 @!p3 $0xFFFFD800  }
0xcc: {  	[tilespmem:s28], [sflag:$0x8] =	stream.linear.gather [hbm4b:s16+s3], $0x100, $0x38;
	[tilespmem:$0x1E080] =	vst v63  }
0xcd: {  	_ =	swait.ge [sflag:s23], $0x100  }
0xce: {  	[sflag:s23] =	ssyncset.done $0x0  }
0xcf: {  	[sflag:s23] =	ssyncadd.s32 $0xFFFFFF00;
	s23 =	simm.s32 $0x300  }
0xd0: {  	[tilespmem:s15], [sflag:$0xC] =	stream.indirect.gather [hbm4b:s1+s30], $0x80, s23, s30, $0xb8;
	[tilespmem:$0x1E080] =	vst v63  }
0xd1: {  	_ =	swait.ge [sflag:s20], $0x2800  }
0xd2: {  	[sflag:s20] =	ssyncset.done $0x0  }
0xd3: {  	s16 =	simm.s32 $0x280;
	s5 =	rddreg [dreg:$0xc];
	[sflag:s20] =	ssyncadd.s32 $0xFFFFD800  }
0xd4: {  	[spmem:s2] =	stream.indirect.scatter.add.f32 [tilespmem:s21], [sflag:$0xF], $0x80, s16, s30, $0xb8;
	[tilespmem:$0x1E080] =	vst v63  }
0xd5: {  	s5 =	sadd.s32 s24, s5;
	_ =	swait.ge [sflag:s12], $0x2800  }
0xd6: {  	s5 =	sshrl.u32 s5, $0x3;
	[sflag:s12] =	ssyncset.done $0x0  }
0xd7: {  	s16 =	simm.s32 $0x5;
	s5 =	sadd.s32 s4, s5;
	[sflag:s12] =	ssyncadd.s32 $0xFFFFD800  }
0xd8: {  	[tilespmem:s3], [sflag:$0x1] =	stream.linear.gather [hbm4b:s5+s3], $0x100, $0x38;
	[tilespmem:$0x1E080] =	vst v63  }
0xd9: {  	_ =	swait.ge [sflag:s16], $0x100  }
0xda: {  	[sflag:s16] =	ssyncset.done $0x0  }
0xdb: {  	[sflag:s16] =	ssyncadd.s32 $0xFFFFFF00;
	s16 =	simm.s32 $0x400  }
0xdc: {  	[tilespmem:s19], [sflag:$0x9] =	stream.indirect.gather [hbm4b:s1+s30], $0x80, s16, s30, $0xb8;
	[tilespmem:$0x1E080] =	vst v63  }
0xdd: {  	_ =	swait.ge [sflag:s22], $0x2800  }
0xde: {  	[sflag:s22] =	ssyncset.done $0x0  }
0xdf: {  	s5 =	simm.s32 $0x380;
	[sflag:s22] =	ssyncadd.s32 $0xFFFFD800  }
0xe0: {  	[spmem:s2] =	stream.indirect.scatter.add.f32 [tilespmem:s15], [sflag:$0x10], $0x80, s5, s30, $0xb8;
	[tilespmem:$0x1E080] =	vst v63  }
0xe1: {  	_ =	swait.ge [sflag:s9], $0x2800  }
0xe2: {  	s0 =	rddreg [dreg:$0x4];
	[sflag:s9] =	ssyncset.done $0x0  }
0xe3: {  	[sflag:s9] =	ssyncadd.s32 $0xFFFFD800;
	s5 =	sadd.s32 s26, s0  }
0xe4: {  	[tilespmem:s6], [sflag:$0x2] =	stream.linear.gather [hbm4b:s5+s3], $0x100, $0x38;
	[tilespmem:$0x1E080] =	vst v63  }
0xe5: {  	_ =	swait.ge [sflag:s17], $0x100  }
0xe6: {  	[sflag:s17] =	ssyncset.done $0x0  }
0xe7: {  	s6 =	simm.s32 $0x500;
	[sflag:s17] =	ssyncadd.s32 $0xFFFFFF00  }
0xe8: {  	[tilespmem:s13], [sflag:$0xA] =	stream.indirect.gather [hbm4b:s1+s30], $0x80, s6, s30, $0xb8;
	[tilespmem:$0x1E080] =	vst v63  }
0xe9: {  	_ =	swait.ge [sflag:s11], $0x2800  }
0xea: {  	[sflag:s11] =	ssyncset.done $0x0  }
0xeb: {  	s6 =	simm.s32 $0x480;
	[sflag:s11] =	ssyncadd.s32 $0xFFFFD800  }
0xec: {  	[spmem:s2] =	stream.indirect.scatter.add.f32 [tilespmem:s19], [sflag:$0xD], $0x80, s6, s30, $0xb8;
	[tilespmem:$0x1E080] =	vst v63  }
0xed: {  	s6 =	simm.s32 $0xF  }
0xee: {  	_ =	swait.ge [sflag:s6], $0x2800  }
0xef: {  	s5 =	rddreg [dreg:$0x5];
	[sflag:s6] =	ssyncset.done $0x0  }
0xf0: {  	[sflag:s6] =	ssyncadd.s32 $0xFFFFD800;
	s5 =	sadd.s32 s26, s5  }
0xf1: {  	[tilespmem:s10], [sflag:$0x3] =	stream.linear.gather [hbm4b:s5+s3], $0x100, $0x38;
	[tilespmem:$0x1E080] =	vst v63  }
0xf2: {  	_ =	swait.ge [sflag:s7], $0x100  }
0xf3: {  	[sflag:s7] =	ssyncset.done $0x0  }
0xf4: {  	[sflag:s7] =	ssyncadd.s32 $0xFFFFFF00  }
0xf5: {  	[tilespmem:s21], [sflag:$0xB] =	stream.indirect.gather [hbm4b:s1+s30], $0x80, s29, s30, $0xb8;
	[tilespmem:$0x1E080] =	vst v63  }
0xf6: {  	_ =	swait.ge [sflag:s14], $0x2800  }
0xf7: {  	[sflag:s14] =	ssyncset.done $0x0  }
0xf8: {  	s10 =	simm.s32 $0x10;
	s6 =	rddreg [dreg:$0x9];
	[sflag:s14] =	ssyncadd.s32 $0xFFFFD800  }
0xf9: {  	[spmem:s2] =	stream.indirect.scatter.add.f32 [tilespmem:s13], [sflag:$0xE], $0x80, s6, s30, $0xb8;
	[tilespmem:$0x1E080] =	vst v63  }
0xfa: {  	_ =	swait.ge [sflag:s10], $0x2800  }
0xfb: {  	s29 =	rddreg [dreg:$0x6];
	[sflag:s10] =	ssyncset.done $0x0  }
0xfc: {  	[sflag:s10] =	ssyncadd.s32 $0xFFFFD800;
	s5 =	sadd.s32 s26, s29  }
0xfd: {  	[tilespmem:s23], [sflag:$0x4] =	stream.linear.gather [hbm4b:s5+s3], $0x100, $0x38;
	[tilespmem:$0x1E080] =	vst v63  }
0xfe: {  	_ =	swait.ge [sflag:s8], $0x100  }
0xff: {  	[sflag:s8] =	ssyncset.done $0x0  }
0x100: {  	[sflag:s8] =	ssyncadd.s32 $0xFFFFFF00  }
0x101: {  	[tilespmem:s15], [sflag:$0xC] =	stream.indirect.gather [hbm4b:s1+s30], $0x80, s28, s30, $0xb8;
	[tilespmem:$0x1E080] =	vst v63  }
0x102: {  	_ =	swait.ge [sflag:s20], $0x2800  }
0x103: {  	[sflag:s20] =	ssyncset.done $0x0  }
0x104: {  	s6 =	rddreg [dreg:$0xa];
	[sflag:s20] =	ssyncadd.s32 $0xFFFFD800  }
0x105: {  	[spmem:s2] =	stream.indirect.scatter.add.f32 [tilespmem:s21], [sflag:$0xF], $0x80, s6, s30, $0xb8;
	[tilespmem:$0x1E080] =	vst v63  }
0x106: {  	_ =	swait.ge [sflag:s12], $0x2800  }
0x107: {  	s23 =	rddreg [dreg:$0x7];
	[sflag:s12] =	ssyncset.done $0x0  }
0x108: {  	s28 =	simm.s32 $0x1;
	[sflag:s12] =	ssyncadd.s32 $0xFFFFD800;
	s5 =	sadd.s32 s26, s23  }
0x109: {  	[tilespmem:s16], [sflag:$0x5] =	stream.linear.gather [hbm4b:s5+s3], $0x100, $0x38;
	[tilespmem:$0x1E080] =	vst v63  }
0x10a: {  	_ =	swait.ge [sflag:s28], $0x100  }
0x10b: {  	[sflag:s28] =	ssyncset.done $0x0  }
0x10c: {  	[sflag:s28] =	ssyncadd.s32 $0xFFFFFF00  }
0x10d: {  	[tilespmem:s19], [sflag:$0x9] =	stream.indirect.gather [hbm4b:s1+s30], $0x80, s3, s30, $0xb8;
	[tilespmem:$0x1E080] =	vst v63  }
0x10e: {  	s25 =	sadd.s32 $0x100, s25;
	_ =	swait.ge [sflag:s22], $0x2800  }
0x10f: {  	p2 =	sne.s32 s25, $0xF00;
	[sflag:s22] =	ssyncset.done $0x0  }
0x110: {  	p3 =	seq.s32 s26, $0xE00;
	s29 =	rddreg [dreg:$0xb];
	[sflag:s22] =	ssyncadd.s32 $0xFFFFD800  }
0x111: {  	[spmem:s2] =	stream.indirect.scatter.add.f32 [tilespmem:s15], [sflag:$0x10], $0x80, s29, s30, $0xb8;
	[tilespmem:$0x1E080] =	vst v63  }
0x112: {  	s16 =	simm.s32 @!p3 $0x0;
	s29 =	simm.s32 @!p3 $0x500;
	_ =	swait.ge [sflag:s9], $0x2800  }
.Ltmp4:
0x113: {  	s5 =	rddreg [dreg:$0x8];
	[sflag:s9] =	ssyncset.done $0x0;
	(pc) =	sbr.rel @p2 .LBB2_8-.Ltmp4, $4  }
0x114: {  	[sflag:s9] =	ssyncadd.s32 $0xFFFFD800;
	s5 =	sadd.s32 @!p3 s26, s5;
	s26 =	simm.s32 $0x2  }
0x115: {  	[tilespmem:s29], [sflag:$0x6] =	stream.linear.gather @!p3 [hbm4b:s5+s16], $0x100, $0x38;
	[tilespmem:$0x1E080] =	vst v63  }
0x116: {  	s31 =	simm.s32 $0x200;
	s0 =	simm.s32 $0x100;
	_ =	swait.ge [sflag:s26], $0x100  }
0x117: {  	s10 =	simm.s32 $0x300;
	s6 =	simm.s32 $0x400;
	[sflag:s26] =	ssyncset.done $0x0  }
0x118: {  	[sflag:s26] =	ssyncadd.s32 $0xFFFFFF00  }
0x119: {  	[tilespmem:s13], [sflag:$0xA] =	stream.indirect.gather [hbm4b:s1+s30], $0x80, s0, s30, $0xb8;
	[tilespmem:$0x1E080] =	vst v63  }
0x11a: {  	_ =	swait.ge [sflag:s11], $0x2800  }
0x11b: {  	[sflag:s11] =	ssyncset.done $0x0  }
0x11c: {  	s5 =	simm.s32 $0x80;
	s24 =	simm.s32 $0xF;
	[sflag:s11] =	ssyncadd.s32 $0xFFFFD800  }
0x11d: {  	[spmem:s2] =	stream.indirect.scatter.add.f32 [tilespmem:s19], [sflag:$0xD], $0x80, s5, s30, $0xb8;
	[tilespmem:$0x1E080] =	vst v63  }
0x11e: {  	_ =	swait.ge [sflag:s24], $0x2800  }
0x11f: {  	[sflag:s24] =	ssyncset.done $0x0  }
0x120: {  	s25 =	simm.s32 $0x3;
	[sflag:s24] =	ssyncadd.s32 $0xFFFFD800  }
0x121: {  	_ =	swait.ge [sflag:s25], $0x100  }
0x122: {  	[sflag:s25] =	ssyncset.done $0x0  }
0x123: {  	[sflag:s25] =	ssyncadd.s32 $0xFFFFFF00  }
0x124: {  	[tilespmem:s21], [sflag:$0xB] =	stream.indirect.gather [hbm4b:s1+s30], $0x80, s31, s30, $0xb8;
	[tilespmem:$0x1E080] =	vst v63  }
0x125: {  	_ =	swait.ge [sflag:s14], $0x2800  }
0x126: {  	[sflag:s14] =	ssyncset.done $0x0  }
0x127: {  	s7 =	simm.s32 $0x180;
	[sflag:s14] =	ssyncadd.s32 $0xFFFFD800  }
0x128: {  	[spmem:s2] =	stream.indirect.scatter.add.f32 [tilespmem:s13], [sflag:$0xE], $0x80, s7, s30, $0xb8;
	[tilespmem:$0x1E080] =	vst v63  }
0x129: {  	s7 =	simm.s32 $0x10  }
0x12a: {  	_ =	swait.ge [sflag:s7], $0x2800  }
0x12b: {  	[sflag:s7] =	ssyncset.done $0x0  }
0x12c: {  	s8 =	simm.s32 $0x4;
	[sflag:s7] =	ssyncadd.s32 $0xFFFFD800  }
0x12d: {  	_ =	swait.ge [sflag:s8], $0x100  }
0x12e: {  	[sflag:s8] =	ssyncset.done $0x0  }
0x12f: {  	[sflag:s8] =	ssyncadd.s32 $0xFFFFFF00  }
0x130: {  	[tilespmem:s15], [sflag:$0xC] =	stream.indirect.gather [hbm4b:s1+s30], $0x80, s10, s30, $0xb8;
	[tilespmem:$0x1E080] =	vst v63  }
0x131: {  	_ =	swait.ge [sflag:s20], $0x2800  }
0x132: {  	[sflag:s20] =	ssyncset.done $0x0  }
0x133: {  	s10 =	simm.s32 $0x280;
	[sflag:s20] =	ssyncadd.s32 $0xFFFFD800  }
0x134: {  	[spmem:s2] =	stream.indirect.scatter.add.f32 [tilespmem:s21], [sflag:$0xF], $0x80, s10, s30, $0xb8;
	[tilespmem:$0x1E080] =	vst v63  }
0x135: {  	_ =	swait.ge [sflag:s12], $0x2800  }
0x136: {  	[sflag:s12] =	ssyncset.done $0x0  }
0x137: {  	s16 =	simm.s32 $0x5;
	[sflag:s12] =	ssyncadd.s32 $0xFFFFD800  }
0x138: {  	_ =	swait.ge [sflag:s16], $0x100  }
0x139: {  	[sflag:s16] =	ssyncset.done $0x0  }
0x13a: {  	[sflag:s16] =	ssyncadd.s32 $0xFFFFFF00  }
0x13b: {  	[tilespmem:s19], [sflag:$0x9] =	stream.indirect.gather [hbm4b:s1+s30], $0x80, s6, s30, $0xb8;
	[tilespmem:$0x1E080] =	vst v63  }
0x13c: {  	_ =	swait.ge [sflag:s22], $0x2800  }
0x13d: {  	[sflag:s22] =	ssyncset.done $0x0  }
0x13e: {  	s17 =	simm.s32 $0x380;
	[sflag:s22] =	ssyncadd.s32 $0xFFFFD800  }
0x13f: {  	[spmem:s2] =	stream.indirect.scatter.add.f32 [tilespmem:s15], [sflag:$0x10], $0x80, s17, s30, $0xb8;
	[tilespmem:$0x1E080] =	vst v63  }
0x140: {  	_ =	swait.ge [sflag:s9], $0x2800  }
0x141: {  	[sflag:s9] =	ssyncset.done $0x0  }
0x142: {  	[sflag:s9] =	ssyncadd.s32 $0xFFFFD800  }
0x143: {  	_ =	swait.ge [sflag:s11], $0x2800  }
0x144: {  	[sflag:s11] =	ssyncset.done $0x0  }
0x145: {  	s21 =	simm.s32 $0x480;
	[sflag:s11] =	ssyncadd.s32 $0xFFFFD800  }
0x146: {  	[spmem:s2] =	stream.indirect.scatter.add.f32 [tilespmem:s19], [sflag:$0xD], $0x80, s21, s30, $0xb8;
	[tilespmem:$0x1E080] =	vst v63  }
0x147: {  	_ =	swait.ge [sflag:s24], $0x2800  }
0x148: {  	[sflag:s24] =	ssyncset.done $0x0  }
0x149: {  	[sflag:s24] =	ssyncadd.s32 $0xFFFFD800  }
0x14a: {  	_ =	swait.ge [sflag:s7], $0x2800  }
0x14b: {  	[sflag:s7] =	ssyncset.done $0x0  }
0x14c: {  	[sflag:s7] =	ssyncadd.s32 $0xFFFFD800  }
0x14d: {  	_ =	swait.ge [sflag:s12], $0x2800  }
0x14e: {  	[sflag:s12] =	ssyncset.done $0x0  }
0x14f: {  	[sflag:s12] =	ssyncadd.s32 $0xFFFFD800  }
0x150: {  	[bflag:$0x0] =	sbarrier.arrive $0xFFFF  }
0x151: {  	s23 =	rddreg [dreg:$0x18]  }
0x152: {  	s7 =	rddreg [dreg:$0x1c]  }
0x153: {  	s25 =	simm.s32 $0x11;
	s8 =	rddreg [dreg:$0x1d]  }
0x154: {  	[hbm:s23], [sflag:s7] =	dma.local [spmem:s8], $0x2700  }
0x155: {  	_ =	swait.ge [sflag:s25], $0x2700  }
0x156: {  	[sflag:s25] =	ssyncset.done $0x0;
	s5 =	rddreg [dreg:$0x10]  }
0x157: {  	s16 =	rddreg [dreg:$0x19];
	[sflag:s25] =	ssyncadd.s32 $0xFFFFD900;
	s5 =	sshrl.u32 @!p1 s5, $0x3  }
0x158: {  	[hbm:s16], [sflag:s7] =	dma.local @!p1 [spmem:s5], $0x100  }
0x159: {  	s5 =	simm.s32 @!p1 $0x11  }
0x15a: {  	_ =	swait.ge @!p1 [sflag:s5], $0x100  }
0x15b: {  	s17 =	rddreg [dreg:$0x1b]  }
0x15c: {  	s24 =	rddreg [dreg:$0x1a];
	s17 =	sadd.s32 $0x1, s17  }
0x15d: {  	p2 =	sne.s32 s17, s24  }
.Ltmp5:
0x15e: {  	_ = 	snop;
	(pc) =	sbr.rel @p2 .LBB2_1-.Ltmp5, $4  }
0x15f: {  	s29 =	simm.s32 $0x300  }
0x160: {  	s31 =	simm.s32 $0x400;
	s10 =	simm.s32 $0x500;
	s15 =	simm.s32 $0x1  }
0x161: {  	s8 =	simm.s32 $0x200;
	s16 =	simm.s32 $0x100;
	[sflag:s5] =	ssyncset.done @!p1 $0x0  }
0x162: {  	s7 =	simm.s32 $0x7;
	s28 =	rddreg [dreg:$0xc];
	[sflag:s5] =	ssyncadd.s32 @!p1 $0xFFFFFF00  }
0x163: {  	_ =	sfence.sel $0x180000  }
0x164: {  	[bflag:$0x0] =	sbarrier.arrive $0xFFFF  }
0x165: {  	_ =	strace $0x90000047  }
0x166: {  	[bflag:$0x2] =	sbarrier.arrive $0xFFFF  }
0x167: {  	s0 =	rddreg [dreg:$0x3]  }
0x168: {  	s0 =	sadd.s32 @!p1 $0x100000, s0  }
0x169: {  	[sflag:s0] =	ssyncadd.tile.s32 @!p1 $0x1;
	_ =	shalt  }
.Lfunc_end2:
_tile_overlayer_lowered:
.L_overlay_start_2:
0x16a: {  	(tag) =	ssettag $0x2  }
0x16b: {  	s0 =	rddreg [dreg:$0x0];
	s2 =	stileid.u32  }
0x16c: {  	s1 =	rddreg [dreg:$0x1];
	p0 =	sne.s32 s2, $0x0  }
0x16d: {  	s3 =	rddreg [dreg:$0x2];
	[bflag:$0x3] =	sbarrier.arrive $0xFFFF;
	s2 =	simm.s32 @!p0 $0x1C11  }
0x16e: {  	[timem:s3], [sflag:s2] =	dma.local @!p0 [hbm:s0], s1  }
0x16f: {  	s0 =	simm.s32 @!p0 $0x11  }
0x170: {  	_ =	swait.ge @!p0 [sflag:s0], s1  }
0x171: {  	s1 =	ssub.s32 @!p0 $0x0, s1;
	[sflag:s0] =	ssyncset.done @!p0 $0x0  }
0x172: {  	[sflag:s0] =	ssyncadd.s32 @!p0 s1  }
0x173: {  	[bflag:$0x3] =	sbarrier.arrive $0xFFFF  }
0x174: {  	_ =	shalt  }

// kernel: kernel.9.cloned.1.call-start
scs
__scs_entry_jumppad:
0x0: {  	(pc) =	sbr.rel $0x88, $3  }
0x1: {  	(tag) =	ssettag $0x0;
	lr =	simm.s32 $0x1  }
0x2: {  	[smem:$0x3F95] =	sst lr;
	_ =	strace $0xD0000000  }
0x3: {  	_ = 	snop  }
0x4: {  	_ = 	snop  }
0x5: {  	_ = 	snop  }
0x6: {  	_ = 	snop  }
0x7: {  	_ = 	snop  }
__scs_overlays_trampoline_lowered:
0x8: {  	[smem:$0x3FA4] =	sst s0  }
0x9: {  	[smem:$0x3FA5] =	sst s1  }
0xa: {  	[smem:$0x3FA6] =	sst s2  }
0xb: {  	[smem:$0x3FA7] =	sst s3  }
0xc: {  	[smem:$0x3FA8] =	sst s4  }
0xd: {  	[smem:$0x3FA9] =	sst s5  }
0xe: {  	[smem:$0x3FAA] =	sst s6  }
0xf: {  	[smem:$0x3FAB] =	sst s7  }
0x10: {  	[smem:$0x3FAC] =	sst s8  }
0x11: {  	[smem:$0x3FAD] =	sst s9;
	s0 =	simm.s32 @!p0 $0x0  }
0x12: {  	s1 =	sld [smem:$0x3F93];
	s0 =	simm.s32 @p0 $0x1  }
0x13: {  	[smem:$0x3FAE] =	sst s0;
	s0 =	simm.s32 @!p1 $0x0  }
0x14: {  	s2 =	sld [smem:$0x3F92];
	s0 =	simm.s32 @p1 $0x1  }
0x15: {  	[smem:$0x3FAF] =	sst s0;
	s0 =	simm.s32 @!p2 $0x0  }
0x16: {  	s3 =	sld [smem:$0x3FDB];
	s0 =	simm.s32 @p2 $0x1  }
0x17: {  	s4 =	simm.s32 $0x1BF5;
	[smem:$0x3FB1] =	sst s0  }
0x18: {  	s0 =	sld [smem:$0x3F94];
	_ =	swait.ge [sflag:s4], $0x0  }
0x19: {  	s7 =	sld [smem:$0x3F95]  }
0x1a: {  	s8 =	sadd.s32 $0xFFFFE003, lr  }
0x1b: {  	s9 =	sadd.s32 $0xFFFFFEF7, lr;
	s5 =	simm.s32 $0xFFFFFFFF;
	p2 =	slt.u32 s8, $0xFFFFF086  }
0x1c: {  	p1 =	slt.u32 s9, $0xF7A;
	s5 =	simm.s32 @!p2 $0x0  }
0x1d: {  	s5 =	simm.s32 @p1 $0x1;
	p0 =	seq.s32 s7, s2  }
0x1e: {  	s7 =	smul.u32 @!p0 $0xF7A, s2;
	p2 =	seq.s32 @!p0 s5, $0x0  }
0x1f: {  	s9 =	smul.u32 $0xF7A, s1;
	s8 =	simm.s32 @!p0 $0x1BF5;
	p2 =	por !p2, p0  }
0x20: {  	[sflag:s8] =	ssyncset.s32 @!p0 $0xFFFFF086;
	s6 =	sadd.s32 @!p0 s3, s7;
	s7 =	simm.s32 @!p0 $0x108  }
0x21: {  	s3 =	sadd.s32 s3, s9;
	s6 =	sadd.s32 @!p0 $0x88, s6;
	s7 =	simm.s32 @p2 $0x1082  }
0x22: {  	[simem:s7], [sflag:s8] =	dma.local @!p0 [hbm:s6], $0xF7A  }
0x23: {  	s9 =	sor.u32 $0xD0000000, s2;
	s6 =	simm.s32 $0x108;
	_ =	swait.ge @!p0 [sflag:s8], $0x0  }
0x24: {  	s3 =	sadd.s32 $0x88, s3;
	s6 =	simm.s32 @!p1 $0x1082;
	[sflag:s4] =	ssyncset.s32 $0xFFFFF086  }
0x25: {  	[simem:s6], [sflag:s4] =	dma.local [hbm:s3], $0xF7A  }
0x26: {  	[smem:$0x3F95] =	sst s1;
	(tag) =	ssettag s2;
	_ =	strace s9  }
0x27: {  	s1 =	sld [smem:$0x3FA5]  }
0x28: {  	s2 =	sld [smem:$0x3FA6]  }
0x29: {  	s4 =	sld [smem:$0x3FA8]  }
0x2a: {  	p0 =	seq.s32 s5, $0x0;
	s5 =	sld [smem:$0x3FA9]  }
0x2b: {  	s6 =	sld [smem:$0x3FAA]  }
0x2c: {  	s7 =	sld [smem:$0x3FAB]  }
0x2d: {  	s3 =	simm.s32 $0x108;
	s8 =	sld [smem:$0x3FAC]  }
0x2e: {  	s3 =	simm.s32 @!p0 $0x1082;
	s9 =	sld [smem:$0x3FAD]  }
0x2f: {  	lr =	sadd.s32 s0, s3;
	s0 =	sld [smem:$0x3FA4]  }
0x30: {  	s3 =	sld [smem:$0x3FA7]  }
0x31: {  	[smem:$0x3FB0] =	sst s10  }
0x32: {  	s10 =	sld [smem:$0x3FAE];
	_ =	sdelay $0x3  }
0x33: {  	p0 =	seq.s32 s10, $0x1;
	s10 =	sld [smem:$0x3FB0];
	_ =	sdelay $0x3  }
0x34: {  	[smem:$0x3FB0] =	sst s10  }
0x35: {  	s10 =	sld [smem:$0x3FAF];
	_ =	sdelay $0x3  }
0x36: {  	p1 =	seq.s32 s10, $0x1;
	s10 =	sld [smem:$0x3FB0];
	_ =	sdelay $0x3  }
0x37: {  	[smem:$0x3FB0] =	sst s10  }
0x38: {  	s10 =	sld [smem:$0x3FB1]  }
0x39: {  	_ = 	snop;
	(pc) =	sbr.ind lr, $3  }
0x3a: {  	_ = 	snop  }
0x3b: {  	_ = 	snop  }
0x3c: {  	p2 =	seq.s32 s10, $0x1;
	s10 =	sld [smem:$0x3FB0]  }
0x3d: {  	_ =	shalt  }
0x3e: {  	_ =	shalt  }
0x3f: {  	_ =	shalt  }
0x40: {  	_ =	shalt  }
0x41: {  	_ =	shalt  }
0x42: {  	_ =	shalt  }
0x43: {  	_ =	shalt  }
0x44: {  	_ =	shalt  }
0x45: {  	_ =	shalt  }
0x46: {  	_ =	shalt  }
0x47: {  	_ =	shalt  }
0x48: {  	_ =	shalt  }
0x49: {  	_ =	shalt  }
0x4a: {  	_ =	shalt  }
0x4b: {  	_ =	shalt  }
0x4c: {  	_ =	shalt  }
0x4d: {  	_ =	shalt  }
0x4e: {  	_ =	shalt  }
0x4f: {  	_ =	shalt  }
0x50: {  	_ =	shalt  }
0x51: {  	_ =	shalt  }
0x52: {  	_ =	shalt  }
0x53: {  	_ =	shalt  }
0x54: {  	_ =	shalt  }
0x55: {  	_ =	shalt  }
0x56: {  	_ =	shalt  }
0x57: {  	_ =	shalt  }
0x58: {  	_ =	shalt  }
0x59: {  	_ =	shalt  }
0x5a: {  	_ =	shalt  }
0x5b: {  	_ =	shalt  }
0x5c: {  	_ =	shalt  }
0x5d: {  	_ =	shalt  }
0x5e: {  	_ =	shalt  }
0x5f: {  	_ =	shalt  }
0x60: {  	_ =	shalt  }
0x61: {  	_ =	shalt  }
0x62: {  	_ =	shalt  }
0x63: {  	_ =	shalt  }
0x64: {  	_ =	shalt  }
0x65: {  	_ =	shalt  }
0x66: {  	_ =	shalt  }
0x67: {  	_ =	shalt  }
0x68: {  	_ =	shalt  }
0x69: {  	_ =	shalt  }
0x6a: {  	_ =	shalt  }
0x6b: {  	_ =	shalt  }
0x6c: {  	_ =	shalt  }
0x6d: {  	_ =	shalt  }
0x6e: {  	_ =	shalt  }
0x6f: {  	_ =	shalt  }
0x70: {  	_ =	shalt  }
0x71: {  	_ =	shalt  }
0x72: {  	_ =	shalt  }
0x73: {  	_ =	shalt  }
0x74: {  	_ =	shalt  }
0x75: {  	_ =	shalt  }
0x76: {  	_ =	shalt  }
0x77: {  	_ =	shalt  }
0x78: {  	_ =	shalt  }
0x79: {  	_ =	shalt  }
0x7a: {  	_ =	shalt  }
0x7b: {  	_ =	shalt  }
0x7c: {  	_ =	shalt  }
0x7d: {  	_ =	shalt  }
0x7e: {  	_ =	shalt  }
0x7f: {  	_ =	shalt  }
0x80: {  	_ =	shalt  }
0x81: {  	_ =	shalt  }
0x82: {  	_ =	shalt  }
0x83: {  	_ =	shalt  }
0x84: {  	_ =	shalt  }
0x85: {  	_ =	shalt  }
0x86: {  	_ =	shalt  }
0x87: {  	_ =	shalt  }
.Lfunc_end0:
.L_simem_size_0:
called_computation.1_lowered:
.L_overlay_start_0:
0x88: {  	s2 =	sld [smem:$0x3FD9]  }
0x89: {  	s3 =	sld [smem:$0x3FFE];
	_ =	sdelay $0x1  }
0x8a: {  	s1 =	srdreg.scid  }
0x8b: {  	s0 =	sand.u32 $0x1, s1  }
0x8c: {  	s17 =	sshll.u32 s0, $0xA;
	s2 =	sadd.s32 s3, s2  }
0x8d: {  	s2 =	sadd.s32 s2, s17  }
0x8e: {  	[smem:$0x3FBC] =	sst s2  }
0x8f: {  	_ = 	snop  }
0x90: {  	s2 =	sld [smem:$0x3FD0];
	(tm) =	ssettm $0x1  }
0x91: {  	s18 =	sld [smem:$0x3FFB];
	_ =	sdelay $0x3  }
0x92: {  	_ =	strace s18  }
0x93: {  	s3 =	sld [smem:$0x3FFC];
	_ =	sdelay $0x3  }
0x94: {  	_ =	strace s3  }
0x95: {  	s3 =	sld [smem:$0x3FFD];
	_ =	sdelay $0x3  }
0x96: {  	_ =	strace s3  }
0x97: {  	_ =	strace $0x8FFFFFFF  }
0x98: {  	s19 =	sld [smem:$0x3FDB];
	_ =	sdelay $0x1  }
0x99: {  	s4 =	simm.s32 $_scs_section_size  }
0x9a: {  	s5 =	simm.s32 $_size__tile_overlayer_lowered;
	s6 =	simm.s32 $_tile_overlayer_lowered  }
0x9b: {  	s22 =	simm.s32 $0x1BFF;
	s21 =	sshll.u32 s6, $0x1;
	s3 =	sadd.s32 s4, s19  }
0x9c: {  	s7 =	simm.s32 $0x0;
	s20 =	sshll.u32 s5, $0x1;
	s5 =	sadd.s32 s21, s3  }
0x9d: {  	[timem:s7], [sflag:s22] =	dma.local [hbm:s5], s20  }
0x9e: {  	_ =	swait.ge [sflag:s22], s20  }
0x9f: {  	s4 =	ssub.s32 $0x0, s20;
	[sflag:s22] =	ssyncset.done $0x0  }
0xa0: {  	[sflag:s22] =	ssyncadd.s32 s4;
	_ =	sdelay $0x1  }
0xa1: {  	s23 =	simm.s32 $0x1B8B  }
0xa2: {  	_ =	swait.ge [sflag:s23], $0x1  }
0xa3: {  	[sflag:s23] =	ssyncset.done $0x0  }
0xa4: {  	s25 =	simm.s32 $0x1B8E;
	s24 =	sld [smem:$0x3FFE];
	[sflag:s23] =	ssyncadd.s32 $0xFFFFFFFF  }
0xa5: {  	s26 =	simm.s32 $execute0_lowered;
	[smem:$0x3FD2] =	sst s25  }
0xa6: {  	s5 =	sshll.u32 s26, $0x1;
	_ =	strace $0x80000049;
	[dreg:$0x1] =	wrdreg $0xFFFFFFFF  }
0xa7: {  	s28 =	simm.s32 $_size_execute0_lowered;
	s3 =	sadd.s32 s3, s5;
	[dreg:$0x0] =	wrdreg $0x0  }
0xa8: {  	s5 =	sshll.u32 s28, $0x1;
	[dreg:$0x2] =	wrdreg s3  }
0xa9: {  	[dreg:$0x3] =	wrdreg s5  }
0xaa: {  	[dreg:$0x4] =	wrdreg $0xC0  }
0xab: {  	_ =	task [dreg:s7], $0x5FFFF  }
0xac: {  	[dreg:$0x1] =	wrdreg $0xFFFFFFFF  }
0xad: {  	[dreg:$0x0] =	wrdreg $0x60  }
0xae: {  	[dreg:$0x2] =	wrdreg s2  }
0xaf: {  	[dreg:$0x3] =	wrdreg s24  }
0xb0: {  	[dreg:$0x4] =	wrdreg $0xA8000  }
0xb1: {  	[dreg:$0x5] =	wrdreg $0x9  }
0xb2: {  	_ =	task.clear_ibuf [dreg:s7], $0x6FFFF;
	_ =	strace $0x90000049  }
0xb3: {  	s29 =	simm.s32 $0x9;
	_ =	strace $0x8000004B  }
0xb4: {  	_ =	swait.ge [sflag:s29], $0x1  }
0xb5: {  	[sflag:s29] =	ssyncadd.s32 $0xFFFFFFFF  }
0xb6: {  	_ =	strace $0x9000004B  }
0xb7: {  	_ =	sfence  }
0xb8: {  	s30 =	sld [smem:$0x0];
	_ =	sdelay $0x2  }
0xb9: {  	s31 =	sshll.u32 s1, $0xD;
	s1 =	sshrl.u32 s1, $0x2  }
0xba: {  	s3 =	sand.u32 $0x4000, s31;
	s1 =	sadd.s32 s1, s30  }
0xbb: {  	s0 =	sor.u32 s3, s0;
	s1 =	sshll.u32 s1, $0x11  }
0xbc: {  	s0 =	sor.u32 s1, s0  }
0xbd: {  	s0 =	sadd.s32 $0x8F2B, s0  }
0xbe: {  	[sflag:s0] =	ssyncadd.remote.s32 $0x1  }
0xbf: {  	_ =	sfence.sel $0xFFFF  }
0xc0: {  	[dreg:$0x0] =	wrdreg $0xFFFFFFFF;
	(pc) =	sbr.abs _section_cstart, $3  }
0xc1: {  	[dreg:$0x1] =	wrdreg $0xFFFFFFFF  }
0xc2: {  	_ =	task.clear_ibuf [dreg:s7], $0x2FFFF;
	_ =	strace $0x9FFFFFFF  }
0xc3: {  	(tm) =	ssettm $0x7FFFFFFF  }
tec
execute0_lowered:
.L_overlay_start_1:
0x0: {  	(tag) =	ssettag $0x1  }
0x1: {  	s1 =	rddreg [dreg:$0x0]  }
0x2: {  	s0 =	rddreg [dreg:$0x1]  }
0x3: {  	s2 =	rddreg [dreg:$0x2];
	s3 =	simm.s32 $0x0  }
0x4: {  	s5 =	srdreg.scid;
	s11 =	stileid.u32;
	s29 =	simm.s32 $0x300  }
0x5: {  	s31 =	simm.s32 $0x400;
	s30 =	simm.s32 $0x50;
	[smem:$0x7FF] =	sst s3  }
0x6: {  	s4 =	sadd.s32 $0x2200, s0;
	s6 =	sadd.s32 $0x21600, s0;
	s8 =	smul.u32 $0x4E000, s11  }
0x7: {  	s5 =	sand.u32 $0x1, s5;
	s10 =	smul.u32 $0x2700, s11;
	s0 =	sadd.s32 $0x23E00, s0  }
0x8: {  	s19 =	smul.u32 $0x13800, s11;
	s20 =	sadd.s32 $0x138000, s2;
	s12 =	sadd.s32 $0x27000, s1  }
0x9: {  	s23 =	smul.u32 $0x7D00, s11;
	p1 =	sne.s32 s11, $0x0;
	_ =	strace $0x8000004A  }
0xa: {  	[dreg:$0xd] =	wrdreg s6;
	s15 =	ssub.s32 $0x2, s5;
	s7 =	sshll.u32 s5, $0x4  }
0xb: {  	p0 =	seq.s32 s5, $0x1;
	s16 =	smul.u32 $0x138800, s5;
	[dreg:$0x10] =	wrdreg s20  }
0xc: {  	s5 =	smul.u32 $0x7D000, s5;
	[dreg:$0x11] =	wrdreg s12;
	s9 =	sshrl.u32 s15, $0x1  }
0xd: {  	s7 =	sor.u32 s11, s7;
	s8 =	sshrl.u32 s8, $0x2;
	s17 =	sadd.s32 s1, s10  }
0xe: {  	s11 =	simm.s32 $0x9;
	s6 =	ssub.s32 s15, s9;
	s18 =	smul.u32 $0x7D00, s7  }
0xf: {  	s8 =	sadd.s32 s8, s2;
	[dreg:$0xf] =	wrdreg s17;
	s28 =	sadd.s32 s23, s5  }
0x10: {  	s9 =	sshrl.u32 s16, $0x3;
	s23 =	simm.s32 $0x580;
	[dreg:$0xe] =	wrdreg s8  }
0x11: {  	s8 =	sadd.s32 s19, s16;
	s10 =	sadd.s32 $0x900, s28;
	s15 =	sadd.s32 $0xB00, s28  }
0x12: {  	s17 =	sadd.s32 $0xC00, s28;
	[dreg:$0x9] =	wrdreg s23;
	s21 =	sshrl.u32 s18, $0x3  }
0x13: {  	[dreg:$0xc] =	wrdreg s28;
	s8 =	sshrl.u32 s8, $0x3;
	s22 =	sadd.s32 s4, s21  }
0x14: {  	s12 =	sshrl.u32 s10, $0x3;
	s5 =	sadd.s32 s0, s8;
	[dreg:$0x12] =	wrdreg s22  }
0x15: {  	s16 =	sshrl.u32 s15, $0x3;
	s13 =	sadd.s32 $0x20, s22;
	[dreg:$0x18] =	wrdreg s5  }
0x16: {  	s10 =	sadd.s32 $0xD00, s28;
	s24 =	sadd.s32 $0x40, s22;
	[dreg:$0x13] =	wrdreg s13  }
0x17: {  	s15 =	simm.s32 $0x1;
	s25 =	sadd.s32 $0x60, s22;
	[dreg:$0x14] =	wrdreg s24  }
0x18: {  	s20 =	sshrl.u32 s10, $0x3;
	s26 =	sadd.s32 $0x80, s22;
	[dreg:$0x15] =	wrdreg s25  }
0x19: {  	s0 =	sadd.s32 s0, s9;
	s7 =	sadd.s32 $0xA0, s22;
	[dreg:$0x16] =	wrdreg s26  }
0x1a: {  	s10 =	simm.s32 $0x500;
	s5 =	sadd.s32 s12, s4;
	[dreg:$0x17] =	wrdreg s7  }
0x1b: {  	s9 =	simm.s32 $0xE;
	s0 =	sadd.s32 $0x27000, s0;
	[dreg:$0x4] =	wrdreg s5  }
0x1c: {  	s21 =	sadd.s32 s20, s4;
	s22 =	smax.u32 s6, $0x1;
	[dreg:$0x19] =	wrdreg s0  }
0x1d: {  	s20 =	simm.s32 $0xB;
	s12 =	simm.s32 $0xD;
	[dreg:$0x1a] =	wrdreg s22  }
0x1e: {  	s13 =	sadd.s32 $0xA00, s28;
	s5 =	sadd.s32 s16, s4;
	[dreg:$0x8] =	wrdreg s21  }
0x1f: {  	s25 =	simm.s32 $0x11;
	s16 =	simm.s32 $0x100;
	s24 =	simm.s32 $0x680  }
0x20: {  	s26 =	simm.s32 $0x780;
	s22 =	simm.s32 $0xC;
	[dreg:$0x6] =	wrdreg s5  }
0x21: {  	s7 =	simm.s32 $0x7;
	s8 =	sshrl.u32 s13, $0x3;
	[dreg:$0xa] =	wrdreg s24  }
0x22: {  	[dreg:$0xb] =	wrdreg s26;
	s26 =	simm.s32 $0x2;
	s13 =	simm.s32 $0x3000  }
0x23: {  	s14 =	sadd.s32 s8, s4;
	s8 =	sshrl.u32 s17, $0x3;
	s17 =	simm.s32 $0x0  }
0x24: {  	[dreg:$0x5] =	wrdreg s14;
	s19 =	sadd.s32 s8, s4;
	s8 =	simm.s32 $0x200  }
0x25: {  	s14 =	simm.s32 $0xA;
	[dreg:$0x7] =	wrdreg s19;
	s19 =	simm.s32 $0x800  }
.LBB2_1:
.Ltmp0:
0x26: {  	(pc) =	sbr.rel @!p0 .LBB2_2-.Ltmp0, $4  }
0x27: {  	_ = 	snop  }
0x28: {  	s5 =	stileid.u32  }
0x29: {  	s23 =	rddreg [dreg:$0xe];
	s24 =	sshll.u32 s5, $0x6  }
0x2a: {  	[dreg:$0x1b] =	wrdreg s17;
	s23 =	sshrl.u32 s23, $0x3;
	s21 =	sor.u32 $0x1C11, s24  }
.Ltmp1:
0x2b: {  	s5 =	rddreg [dreg:$0xd];
	(pc) =	sbr.rel @p1 .LBB2_7-.Ltmp1, $4  }
0x2c: {  	[spmem:s23], [sflag:s21] =	dma.local [hbm:s5], $0x2700  }
0x2d: {  	_ =	swait.ge [sflag:s25], $0x2700  }
0x2e: {  	[sflag:s25] =	ssyncset.done $0x0  }
0x2f: {  	[sflag:s25] =	ssyncadd.s32 $0xFFFFD900  }
.Ltmp2:
0x30: {  	(pc) =	sbr.rel .LBB2_6-.Ltmp2, $4  }
0x31: {  	_ = 	snop  }
0x32: {  	s5 =	rddreg [dreg:$0x10]  }
0x33: {  	s17 =	rddreg [dreg:$0xd];
	s24 =	sshrl.u32 s5, $0x3  }
0x34: {  	[spmem:s24], [sflag:s21] =	dma.local [hbm:s17], $0x100  }
.LBB2_2:
.Ltmp3:
0x35: {  	s5 =	rddreg [dreg:$0xf];
	(pc) =	sbr.rel @p1 .LBB2_7-.Ltmp3, $4  }
0x36: {  	[spmem:s23], [sflag:s21] =	dma.local [hbm:s5], $0x2700  }
0x37: {  	_ =	swait.ge [sflag:s25], $0x2700  }
0x38: {  	[sflag:s25] =	ssyncset.done $0x0  }
0x39: {  	[sflag:s25] =	ssyncadd.s32 $0xFFFFD900  }
0x3a: {  	s5 =	rddreg [dreg:$0x10]  }
0x3b: {  	s17 =	rddreg [dreg:$0x11];
	s24 =	sshrl.u32 s5, $0x3  }
0x3c: {  	[spmem:s24], [sflag:s21] =	dma.local [hbm:s17], $0x100  }
.LBB2_6:
0x3d: {  	_ =	swait.ge [sflag:s25], $0x100  }
0x3e: {  	[sflag:s25] =	ssyncset.done $0x0  }
0x3f: {  	[sflag:s25] =	ssyncadd.s32 $0xFFFFFF00  }
.LBB2_7:
0x40: {  	[dreg:$0x1d] =	wrdreg s23  }
0x41: {  	[dreg:$0x1c] =	wrdreg s21  }
0x42: {  	[bflag:$0x0] =	sbarrier.arrive $0xFFFF  }
0x43: {  	s25 =	simm.s32 $0x0;
	s5 =	rddreg [dreg:$0x12]  }
0x44: {  	[tilespmem:s25], [sflag:$0x1] =	stream.linear.gather [hbm4b:s5+s25], $0x100, $0x38;
	[tilespmem:$0x1E080] =	vst v63  }
0x45: {  	s21 =	rddreg [dreg:$0x13]  }
0x46: {  	[tilespmem:s16], [sflag:$0x2] =	stream.linear.gather [hbm4b:s21+s25], $0x100, $0x38;
	[tilespmem:$0x1E080] =	vst v63  }
0x47: {  	s23 =	rddreg [dreg:$0x14]  }
0x48: {  	[tilespmem:s8], [sflag:$0x3] =	stream.linear.gather [hbm4b:s23+s25], $0x100, $0x38;
	[tilespmem:$0x1E080] =	vst v63  }
0x49: {  	s24 =	rddreg [dreg:$0x15]  }
0x4a: {  	[tilespmem:s29], [sflag:$0x4] =	stream.linear.gather [hbm4b:s24+s25], $0x100, $0x38;
	[tilespmem:$0x1E080] =	vst v63  }
0x4b: {  	s0 =	rddreg [dreg:$0x16]  }
0x4c: {  	[tilespmem:s31], [sflag:$0x5] =	stream.linear.gather [hbm4b:s0+s25], $0x100, $0x38;
	[tilespmem:$0x1E080] =	vst v63  }
0x4d: {  	s6 =	rddreg [dreg:$0x17]  }
0x4e: {  	[tilespmem:s10], [sflag:$0x6] =	stream.linear.gather [hbm4b:s6+s25], $0x100, $0x38;
	[tilespmem:$0x1E080] =	vst v63  }
0x4f: {  	_ =	swait.ge [sflag:s15], $0x100  }
0x50: {  	[sflag:s15] =	ssyncset.done $0x0  }
0x51: {  	s24 =	simm.s32 $0x800;
	[sflag:s15] =	ssyncadd.s32 $0xFFFFFF00  }
0x52: {  	[tilespmem:s24], [sflag:$0x9] =	stream.indirect.gather [hbm4b:s1+s30], $0x80, s25, s30, $0xb8;
	[tilespmem:$0x1E080] =	vst v63  }
0x53: {  	_ =	swait.ge [sflag:s26], $0x100  }
0x54: {  	[sflag:s26] =	ssyncset.done $0x0  }
0x55: {  	[sflag:s26] =	ssyncadd.s32 $0xFFFFFF00  }
0x56: {  	[tilespmem:s13], [sflag:$0xA] =	stream.indirect.gather [hbm4b:s1+s30], $0x80, s16, s30, $0xb8;
	[tilespmem:$0x1E080] =	vst v63  }
0x57: {  	p2 =	por $0x1, $0x1;
	_ =	swait.ge [sflag:s11], $0x2800  }
0x58: {  	s17 =	simm.s32 $0x80;
	s25 =	simm.s32 @!p2 $0x600;
	[sflag:s11] =	ssyncset.done $0x0  }
0x59: {  	s25 =	simm.s32 @p2 $0x600;
	s26 =	simm.s32 @!p2 $0xF;
	[sflag:s11] =	ssyncadd.s32 $0xFFFFD800  }
0x5a: {  	[spmem:s2] =	stream.indirect.scatter.add.f32 [tilespmem:s19], [sflag:$0xD], $0x80, s17, s30, $0xb8;
	[tilespmem:$0x1E080] =	vst v63  }
0x5b: {  	s25 =	sadd.s32 s18, s25;
	_ =	swait.ge @!p2 [sflag:s26], $0x2800  }
0x5c: {  	s21 =	simm.s32 $0x3;
	s25 =	sshrl.u32 s25, $0x3;
	[sflag:s26] =	ssyncset.done @!p2 $0x0  }
0x5d: {  	s25 =	sadd.s32 s4, s25;
	s16 =	simm.s32 $0x600;
	[sflag:s26] =	ssyncadd.s32 @!p2 $0xFFFFD800  }
0x5e: {  	[tilespmem:s16], [sflag:$0x7] =	stream.linear.gather [hbm4b:s25+s3], $0x100, $0x38;
	[tilespmem:$0x1E080] =	vst v63  }
0x5f: {  	_ =	swait.ge [sflag:s21], $0x100  }
0x60: {  	[sflag:s21] =	ssyncset.done $0x0  }
0x61: {  	[sflag:s21] =	ssyncadd.s32 $0xFFFFFF00;
	s21 =	simm.s32 $0x5800  }
0x62: {  	[tilespmem:s21], [sflag:$0xB] =	stream.indirect.gather [hbm4b:s1+s30], $0x80, s8, s30, $0xb8;
	[tilespmem:$0x1E080] =	vst v63  }
0x63: {  	_ =	swait.ge [sflag:s14], $0x2800  }
0x64: {  	s23 =	simm.s32 $0x180;
	s25 =	simm.s32 @!p2 $0x700;
	[sflag:s14] =	ssyncset.done $0x0  }
0x65: {  	s26 =	simm.s32 @!p2 $0x10;
	s25 =	simm.s32 @p2 $0x700;
	[sflag:s14] =	ssyncadd.s32 $0xFFFFD800  }
0x66: {  	[spmem:s2] =	stream.indirect.scatter.add.f32 [tilespmem:s13], [sflag:$0xE], $0x80, s23, s30, $0xb8;
	[tilespmem:$0x1E080] =	vst v63  }
0x67: {  	s25 =	sadd.s32 s18, s25;
	_ =	swait.ge @!p2 [sflag:s26], $0x2800  }
0x68: {  	s15 =	simm.s32 $0x4;
	s25 =	sshrl.u32 s25, $0x3;
	[sflag:s26] =	ssyncset.done @!p2 $0x0  }
0x69: {  	s25 =	sadd.s32 s4, s25;
	[sflag:s26] =	ssyncadd.s32 @!p2 $0xFFFFD800;
	s26 =	simm.s32 $0x700  }
0x6a: {  	[tilespmem:s26], [sflag:$0x8] =	stream.linear.gather [hbm4b:s25+s3], $0x100, $0x38;
	[tilespmem:$0x1E080] =	vst v63  }
0x6b: {  	_ =	swait.ge [sflag:s15], $0x100  }
0x6c: {  	[sflag:s15] =	ssyncset.done $0x0  }
0x6d: {  	[sflag:s15] =	ssyncadd.s32 $0xFFFFFF00;
	s15 =	simm.s32 $0x8000  }
0x6e: {  	[tilespmem:s15], [sflag:$0xC] =	stream.indirect.gather [hbm4b:s1+s30], $0x80, s29, s30, $0xb8;
	[tilespmem:$0x1E080] =	vst v63  }
0x6f: {  	_ =	swait.ge [sflag:s20], $0x2800  }
0x70: {  	[sflag:s20] =	ssyncset.done $0x0  }
0x71: {  	s17 =	simm.s32 $0x280;
	[sflag:s20] =	ssyncadd.s32 $0xFFFFD800  }
0x72: {  	[spmem:s2] =	stream.indirect.scatter.add.f32 [tilespmem:s21], [sflag:$0xF], $0x80, s17, s30, $0xb8;
	[tilespmem:$0x1E080] =	vst v63  }
0x73: {  	s23 =	sadd.s32 $0x800, s28;
	_ =	swait.ge [sflag:s12], $0x2800  }
0x74: {  	s25 =	sshrl.u32 s23, $0x3;
	[sflag:s12] =	ssyncset.done $0x0  }
0x75: {  	s28 =	simm.s32 $0x5;
	s25 =	sadd.s32 s4, s25;
	[sflag:s12] =	ssyncadd.s32 $0xFFFFD800  }
0x76: {  	[tilespmem:s3], [sflag:$0x1] =	stream.linear.gather [hbm4b:s25+s3], $0x100, $0x38;
	[tilespmem:$0x1E080] =	vst v63  }
0x77: {  	_ =	swait.ge [sflag:s28], $0x100  }
0x78: {  	[sflag:s28] =	ssyncset.done $0x0  }
0x79: {  	[sflag:s28] =	ssyncadd.s32 $0xFFFFFF00  }
0x7a: {  	[tilespmem:s19], [sflag:$0x9] =	stream.indirect.gather [hbm4b:s1+s30], $0x80, s31, s30, $0xb8;
	[tilespmem:$0x1E080] =	vst v63  }
0x7b: {  	_ =	swait.ge [sflag:s22], $0x2800  }
0x7c: {  	[sflag:s22] =	ssyncset.done $0x0  }
0x7d: {  	s17 =	simm.s32 $0x380;
	[sflag:s22] =	ssyncadd.s32 $0xFFFFD800  }
0x7e: {  	[spmem:s2] =	stream.indirect.scatter.add.f32 [tilespmem:s15], [sflag:$0x10], $0x80, s17, s30, $0xb8;
	[tilespmem:$0x1E080] =	vst v63  }
0x7f: {  	_ =	swait.ge [sflag:s9], $0x2800  }
0x80: {  	s0 =	simm.s32 $0x100;
	s23 =	rddreg [dreg:$0x4];
	[sflag:s9] =	ssyncset.done $0x0  }
0x81: {  	s17 =	simm.s32 $0x6;
	[sflag:s9] =	ssyncadd.s32 $0xFFFFD800;
	s25 =	sadd.s32 $0x0, s23  }
0x82: {  	[tilespmem:s0], [sflag:$0x2] =	stream.linear.gather [hbm4b:s25+s3], $0x100, $0x38;
	[tilespmem:$0x1E080] =	vst v63  }
0x83: {  	_ =	swait.ge [sflag:s17], $0x100  }
0x84: {  	[sflag:s17] =	ssyncset.done $0x0  }
0x85: {  	[sflag:s17] =	ssyncadd.s32 $0xFFFFFF00  }
0x86: {  	[tilespmem:s13], [sflag:$0xA] =	stream.indirect.gather [hbm4b:s1+s30], $0x80, s10, s30, $0xb8;
	[tilespmem:$0x1E080] =	vst v63  }
0x87: {  	_ =	swait.ge [sflag:s11], $0x2800  }
0x88: {  	[sflag:s11] =	ssyncset.done $0x0  }
0x89: {  	s28 =	simm.s32 $0xF;
	s25 =	simm.s32 $0x480;
	[sflag:s11] =	ssyncadd.s32 $0xFFFFD800  }
0x8a: {  	[spmem:s2] =	stream.indirect.scatter.add.f32 [tilespmem:s19], [sflag:$0xD], $0x80, s25, s30, $0xb8;
	[tilespmem:$0x1E080] =	vst v63  }
0x8b: {  	_ =	swait.ge [sflag:s28], $0x2800  }
0x8c: {  	s5 =	rddreg [dreg:$0x5];
	[sflag:s28] =	ssyncset.done $0x0  }
0x8d: {  	[sflag:s28] =	ssyncadd.s32 $0xFFFFD800;
	s25 =	sadd.s32 $0x0, s5  }
0x8e: {  	[tilespmem:s8], [sflag:$0x3] =	stream.linear.gather [hbm4b:s25+s3], $0x100, $0x38;
	[tilespmem:$0x1E080] =	vst v63  }
0x8f: {  	_ =	swait.ge [sflag:s7], $0x100  }
0x90: {  	[sflag:s7] =	ssyncset.done $0x0  }
0x91: {  	[sflag:s7] =	ssyncadd.s32 $0xFFFFFF00  }
0x92: {  	[tilespmem:s21], [sflag:$0xB] =	stream.indirect.gather [hbm4b:s1+s30], $0x80, s16, s30, $0xb8;
	[tilespmem:$0x1E080] =	vst v63  }
0x93: {  	_ =	swait.ge [sflag:s14], $0x2800  }
0x94: {  	[sflag:s14] =	ssyncset.done $0x0  }
0x95: {  	s16 =	simm.s32 $0x10;
	s10 =	rddreg [dreg:$0x9];
	[sflag:s14] =	ssyncadd.s32 $0xFFFFD800  }
0x96: {  	[spmem:s2] =	stream.indirect.scatter.add.f32 [tilespmem:s13], [sflag:$0xE], $0x80, s10, s30, $0xb8;
	[tilespmem:$0x1E080] =	vst v63  }
0x97: {  	_ =	swait.ge [sflag:s16], $0x2800  }
0x98: {  	s23 =	rddreg [dreg:$0x6];
	[sflag:s16] =	ssyncset.done $0x0  }
0x99: {  	s8 =	simm.s32 $0x8;
	[sflag:s16] =	ssyncadd.s32 $0xFFFFD800;
	s25 =	sadd.s32 $0x0, s23  }
0x9a: {  	[tilespmem:s29], [sflag:$0x4] =	stream.linear.gather [hbm4b:s25+s3], $0x100, $0x38;
	[tilespmem:$0x1E080] =	vst v63  }
0x9b: {  	_ =	swait.ge [sflag:s8], $0x100  }
0x9c: {  	[sflag:s8] =	ssyncset.done $0x0  }
0x9d: {  	[sflag:s8] =	ssyncadd.s32 $0xFFFFFF00  }
0x9e: {  	[tilespmem:s15], [sflag:$0xC] =	stream.indirect.gather [hbm4b:s1+s30], $0x80, s26, s30, $0xb8;
	[tilespmem:$0x1E080] =	vst v63  }
0x9f: {  	_ =	swait.ge [sflag:s20], $0x2800  }
0xa0: {  	[sflag:s20] =	ssyncset.done $0x0  }
0xa1: {  	s28 =	rddreg [dreg:$0xa];
	[sflag:s20] =	ssyncadd.s32 $0xFFFFD800  }
0xa2: {  	[spmem:s2] =	stream.indirect.scatter.add.f32 [tilespmem:s21], [sflag:$0xF], $0x80, s28, s30, $0xb8;
	[tilespmem:$0x1E080] =	vst v63  }
0xa3: {  	_ =	swait.ge [sflag:s12], $0x2800  }
0xa4: {  	s29 =	rddreg [dreg:$0x7];
	[sflag:s12] =	ssyncset.done $0x0  }
0xa5: {  	s6 =	simm.s32 $0x1;
	[sflag:s12] =	ssyncadd.s32 $0xFFFFD800;
	s25 =	sadd.s32 $0x0, s29  }
0xa6: {  	[tilespmem:s31], [sflag:$0x5] =	stream.linear.gather [hbm4b:s25+s3], $0x100, $0x38;
	[tilespmem:$0x1E080] =	vst v63  }
0xa7: {  	_ =	swait.ge [sflag:s6], $0x100  }
0xa8: {  	[sflag:s6] =	ssyncset.done $0x0  }
0xa9: {  	[sflag:s6] =	ssyncadd.s32 $0xFFFFFF00  }
0xaa: {  	[tilespmem:s19], [sflag:$0x9] =	stream.indirect.gather [hbm4b:s1+s30], $0x80, s3, s30, $0xb8;
	[tilespmem:$0x1E080] =	vst v63  }
0xab: {  	_ =	swait.ge [sflag:s22], $0x2800  }
0xac: {  	[sflag:s22] =	ssyncset.done $0x0  }
0xad: {  	s31 =	rddreg [dreg:$0xb];
	[sflag:s22] =	ssyncadd.s32 $0xFFFFD800  }
0xae: {  	[spmem:s2] =	stream.indirect.scatter.add.f32 [tilespmem:s15], [sflag:$0x10], $0x80, s31, s30, $0xb8;
	[tilespmem:$0x1E080] =	vst v63  }
0xaf: {  	p2 =	por $0x0, $0x0;
	_ =	swait.ge [sflag:s9], $0x2800  }
0xb0: {  	s0 =	simm.s32 @!p2 $0x0;
	s25 =	rddreg [dreg:$0x8];
	[sflag:s9] =	ssyncset.done $0x0  }
0xb1: {  	s26 =	simm.s32 @!p2 $0x500;
	[sflag:s9] =	ssyncadd.s32 $0xFFFFD800;
	s25 =	sadd.s32 @!p2 $0x0, s25  }
0xb2: {  	[tilespmem:s26], [sflag:$0x6] =	stream.linear.gather @!p2 [hbm4b:s25+s0], $0x100, $0x38;
	[tilespmem:$0x1E080] =	vst v63  }
0xb3: {  	s26 =	simm.s32 $0x2  }
0xb4: {  	_ =	swait.ge [sflag:s26], $0x100  }
0xb5: {  	s7 =	simm.s32 $0x7;
	s25 =	simm.s32 $0x100;
	[sflag:s26] =	ssyncset.done $0x0  }
.LBB2_8:
0xb6: {  	[sflag:s26] =	ssyncadd.s32 $0xFFFFFF00;
	s6 =	simm.s32 $0x100  }
0xb7: {  	[tilespmem:s13], [sflag:$0xA] =	stream.indirect.gather [hbm4b:s1+s30], $0x80, s6, s30, $0xb8;
	[tilespmem:$0x1E080] =	vst v63  }
0xb8: {  	s24 =	sadd.s32 $0x800, s24;
	s26 =	smov.u32 s25;
	_ =	swait.ge [sflag:s11], $0x2800  }
0xb9: {  	s29 =	simm.s32 $0x80;
	p3 =	seq.s32 s26, $0x0;
	[sflag:s11] =	ssyncset.done $0x0  }
0xba: {  	s0 =	simm.s32 $0x3;
	s16 =	sadd.s32 @!p3 $0xFFFFFE00, s24;
	[sflag:s11] =	ssyncadd.s32 $0xFFFFD800  }
0xbb: {  	[spmem:s2] =	stream.indirect.scatter.add.f32 [tilespmem:s19], [sflag:$0xD], $0x80, s29, s30, $0xb8;
	[tilespmem:$0x1E080] =	vst v63  }
0xbc: {  	s5 =	simm.s32 @!p3 $0xF;
	s16 =	simm.s32 @p3 $0x600;
	s29 =	sadd.s32 @!p3 $0xFFFFFF00, s24  }
0xbd: {  	s16 =	sadd.s32 s18, s16;
	_ =	swait.ge @!p3 [sflag:s5], $0x2800;
	s29 =	simm.s32 @p3 $0x700  }
0xbe: {  	s16 =	sshrl.u32 s16, $0x3;
	[sflag:s5] =	ssyncset.done @!p3 $0x0;
	s23 =	sadd.s32 s18, s29  }
0xbf: {  	s29 =	simm.s32 $0x600;
	[sflag:s5] =	ssyncadd.s32 @!p3 $0xFFFFD800;
	s5 =	sadd.s32 s4, s16  }
0xc0: {  	[tilespmem:s29], [sflag:$0x7] =	stream.linear.gather [hbm4b:s5+s3], $0x100, $0x38;
	[tilespmem:$0x1E080] =	vst v63  }
0xc1: {  	_ =	swait.ge [sflag:s0], $0x100  }
0xc2: {  	[sflag:s0] =	ssyncset.done $0x0  }
0xc3: {  	s10 =	simm.s32 $0x200;
	[sflag:s0] =	ssyncadd.s32 $0xFFFFFF00  }
0xc4: {  	[tilespmem:s21], [sflag:$0xB] =	stream.indirect.gather [hbm4b:s1+s30], $0x80, s10, s30, $0xb8;
	[tilespmem:$0x1E080] =	vst v63  }
0xc5: {  	_ =	swait.ge [sflag:s14], $0x2800  }
0xc6: {  	[sflag:s14] =	ssyncset.done $0x0  }
0xc7: {  	s28 =	simm.s32 $0x180;
	s5 =	simm.s32 @!p3 $0x10;
	[sflag:s14] =	ssyncadd.s32 $0xFFFFD800  }
0xc8: {  	[spmem:s2] =	stream.indirect.scatter.add.f32 [tilespmem:s13], [sflag:$0xE], $0x80, s28, s30, $0xb8;
	[tilespmem:$0x1E080] =	vst v63  }
0xc9: {  	_ =	swait.ge @!p3 [sflag:s5], $0x2800  }
0xca: {  	s16 =	sshrl.u32 s23, $0x3;
	s23 =	simm.s32 $0x4;
	[sflag:s5] =	ssyncset.done @!p3 $0x0  }
0xcb: {  	s16 =	sadd.s32 s4, s16;
	s28 =	simm.s32 $0x700;
	[sflag:s5] =	ssyncadd.s32 @!p3 $0xFFFFD800  }
0xcc: {  	[tilespmem:s28], [sflag:$0x8] =	stream.linear.gather [hbm4b:s16+s3], $0x100, $0x38;
	[tilespmem:$0x1E080] =	vst v63  }
0xcd: {  	_ =	swait.ge [sflag:s23], $0x100  }
0xce: {  	[sflag:s23] =	ssyncset.done $0x0  }
0xcf: {  	[sflag:s23] =	ssyncadd.s32 $0xFFFFFF00;
	s23 =	simm.s32 $0x300  }
0xd0: {  	[tilespmem:s15], [sflag:$0xC] =	stream.indirect.gather [hbm4b:s1+s30], $0x80, s23, s30, $0xb8;
	[tilespmem:$0x1E080] =	vst v63  }
0xd1: {  	_ =	swait.ge [sflag:s20], $0x2800  }
0xd2: {  	[sflag:s20] =	ssyncset.done $0x0  }
0xd3: {  	s16 =	simm.s32 $0x280;
	s5 =	rddreg [dreg:$0xc];
	[sflag:s20] =	ssyncadd.s32 $0xFFFFD800  }
0xd4: {  	[spmem:s2] =	stream.indirect.scatter.add.f32 [tilespmem:s21], [sflag:$0xF], $0x80, s16, s30, $0xb8;
	[tilespmem:$0x1E080] =	vst v63  }
0xd5: {  	s5 =	sadd.s32 s24, s5;
	_ =	swait.ge [sflag:s12], $0x2800  }
0xd6: {  	s5 =	sshrl.u32 s5, $0x3;
	[sflag:s12] =	ssyncset.done $0x0  }
0xd7: {  	s16 =	simm.s32 $0x5;
	s5 =	sadd.s32 s4, s5;
	[sflag:s12] =	ssyncadd.s32 $0xFFFFD800  }
0xd8: {  	[tilespmem:s3], [sflag:$0x1] =	stream.linear.gather [hbm4b:s5+s3], $0x100, $0x38;
	[tilespmem:$0x1E080] =	vst v63  }
0xd9: {  	_ =	swait.ge [sflag:s16], $0x100  }
0xda: {  	[sflag:s16] =	ssyncset.done $0x0  }
0xdb: {  	[sflag:s16] =	ssyncadd.s32 $0xFFFFFF00;
	s16 =	simm.s32 $0x400  }
0xdc: {  	[tilespmem:s19], [sflag:$0x9] =	stream.indirect.gather [hbm4b:s1+s30], $0x80, s16, s30, $0xb8;
	[tilespmem:$0x1E080] =	vst v63  }
0xdd: {  	_ =	swait.ge [sflag:s22], $0x2800  }
0xde: {  	[sflag:s22] =	ssyncset.done $0x0  }
0xdf: {  	s5 =	simm.s32 $0x380;
	[sflag:s22] =	ssyncadd.s32 $0xFFFFD800  }
0xe0: {  	[spmem:s2] =	stream.indirect.scatter.add.f32 [tilespmem:s15], [sflag:$0x10], $0x80, s5, s30, $0xb8;
	[tilespmem:$0x1E080] =	vst v63  }
0xe1: {  	_ =	swait.ge [sflag:s9], $0x2800  }
0xe2: {  	s0 =	rddreg [dreg:$0x4];
	[sflag:s9] =	ssyncset.done $0x0  }
0xe3: {  	[sflag:s9] =	ssyncadd.s32 $0xFFFFD800;
	s5 =	sadd.s32 s26, s0  }
0xe4: {  	[tilespmem:s6], [sflag:$0x2] =	stream.linear.gather [hbm4b:s5+s3], $0x100, $0x38;
	[tilespmem:$0x1E080] =	vst v63  }
0xe5: {  	_ =	swait.ge [sflag:s17], $0x100  }
0xe6: {  	[sflag:s17] =	ssyncset.done $0x0  }
0xe7: {  	s6 =	simm.s32 $0x500;
	[sflag:s17] =	ssyncadd.s32 $0xFFFFFF00  }
0xe8: {  	[tilespmem:s13], [sflag:$0xA] =	stream.indirect.gather [hbm4b:s1+s30], $0x80, s6, s30, $0xb8;
	[tilespmem:$0x1E080] =	vst v63  }
0xe9: {  	_ =	swait.ge [sflag:s11], $0x2800  }
0xea: {  	[sflag:s11] =	ssyncset.done $0x0  }
0xeb: {  	s6 =	simm.s32 $0x480;
	[sflag:s11] =	ssyncadd.s32 $0xFFFFD800  }
0xec: {  	[spmem:s2] =	stream.indirect.scatter.add.f32 [tilespmem:s19], [sflag:$0xD], $0x80, s6, s30, $0xb8;
	[tilespmem:$0x1E080] =	vst v63  }
0xed: {  	s6 =	simm.s32 $0xF  }
0xee: {  	_ =	swait.ge [sflag:s6], $0x2800  }
0xef: {  	s5 =	rddreg [dreg:$0x5];
	[sflag:s6] =	ssyncset.done $0x0  }
0xf0: {  	[sflag:s6] =	ssyncadd.s32 $0xFFFFD800;
	s5 =	sadd.s32 s26, s5  }
0xf1: {  	[tilespmem:s10], [sflag:$0x3] =	stream.linear.gather [hbm4b:s5+s3], $0x100, $0x38;
	[tilespmem:$0x1E080] =	vst v63  }
0xf2: {  	_ =	swait.ge [sflag:s7], $0x100  }
0xf3: {  	[sflag:s7] =	ssyncset.done $0x0  }
0xf4: {  	[sflag:s7] =	ssyncadd.s32 $0xFFFFFF00  }
0xf5: {  	[tilespmem:s21], [sflag:$0xB] =	stream.indirect.gather [hbm4b:s1+s30], $0x80, s29, s30, $0xb8;
	[tilespmem:$0x1E080] =	vst v63  }
0xf6: {  	_ =	swait.ge [sflag:s14], $0x2800  }
0xf7: {  	[sflag:s14] =	ssyncset.done $0x0  }
0xf8: {  	s10 =	simm.s32 $0x10;
	s6 =	rddreg [dreg:$0x9];
	[sflag:s14] =	ssyncadd.s32 $0xFFFFD800  }
0xf9: {  	[spmem:s2] =	stream.indirect.scatter.add.f32 [tilespmem:s13], [sflag:$0xE], $0x80, s6, s30, $0xb8;
	[tilespmem:$0x1E080] =	vst v63  }
0xfa: {  	_ =	swait.ge [sflag:s10], $0x2800  }
0xfb: {  	s29 =	rddreg [dreg:$0x6];
	[sflag:s10] =	ssyncset.done $0x0  }
0xfc: {  	[sflag:s10] =	ssyncadd.s32 $0xFFFFD800;
	s5 =	sadd.s32 s26, s29  }
0xfd: {  	[tilespmem:s23], [sflag:$0x4] =	stream.linear.gather [hbm4b:s5+s3], $0x100, $0x38;
	[tilespmem:$0x1E080] =	vst v63  }
0xfe: {  	_ =	swait.ge [sflag:s8], $0x100  }
0xff: {  	[sflag:s8] =	ssyncset.done $0x0  }
0x100: {  	[sflag:s8] =	ssyncadd.s32 $0xFFFFFF00  }
0x101: {  	[tilespmem:s15], [sflag:$0xC] =	stream.indirect.gather [hbm4b:s1+s30], $0x80, s28, s30, $0xb8;
	[tilespmem:$0x1E080] =	vst v63  }
0x102: {  	_ =	swait.ge [sflag:s20], $0x2800  }
0x103: {  	[sflag:s20] =	ssyncset.done $0x0  }
0x104: {  	s6 =	rddreg [dreg:$0xa];
	[sflag:s20] =	ssyncadd.s32 $0xFFFFD800  }
0x105: {  	[spmem:s2] =	stream.indirect.scatter.add.f32 [tilespmem:s21], [sflag:$0xF], $0x80, s6, s30, $0xb8;
	[tilespmem:$0x1E080] =	vst v63  }
0x106: {  	_ =	swait.ge [sflag:s12], $0x2800  }
0x107: {  	s23 =	rddreg [dreg:$0x7];
	[sflag:s12] =	ssyncset.done $0x0  }
0x108: {  	s28 =	simm.s32 $0x1;
	[sflag:s12] =	ssyncadd.s32 $0xFFFFD800;
	s5 =	sadd.s32 s26, s23  }
0x109: {  	[tilespmem:s16], [sflag:$0x5] =	stream.linear.gather [hbm4b:s5+s3], $0x100, $0x38;
	[tilespmem:$0x1E080] =	vst v63  }
0x10a: {  	_ =	swait.ge [sflag:s28], $0x100  }
0x10b: {  	[sflag:s28] =	ssyncset.done $0x0  }
0x10c: {  	[sflag:s28] =	ssyncadd.s32 $0xFFFFFF00  }
0x10d: {  	[tilespmem:s19], [sflag:$0x9] =	stream.indirect.gather [hbm4b:s1+s30], $0x80, s3, s30, $0xb8;
	[tilespmem:$0x1E080] =	vst v63  }
0x10e: {  	s25 =	sadd.s32 $0x100, s25;
	_ =	swait.ge [sflag:s22], $0x2800  }
0x10f: {  	p2 =	sne.s32 s25, $0xF00;
	[sflag:s22] =	ssyncset.done $0x0  }
0x110: {  	p3 =	seq.s32 s26, $0xE00;
	s29 =	rddreg [dreg:$0xb];
	[sflag:s22] =	ssyncadd.s32 $0xFFFFD800  }
0x111: {  	[spmem:s2] =	stream.indirect.scatter.add.f32 [tilespmem:s15], [sflag:$0x10], $0x80, s29, s30, $0xb8;
	[tilespmem:$0x1E080] =	vst v63  }
0x112: {  	s16 =	simm.s32 @!p3 $0x0;
	s29 =	simm.s32 @!p3 $0x500;
	_ =	swait.ge [sflag:s9], $0x2800  }
.Ltmp4:
0x113: {  	s5 =	rddreg [dreg:$0x8];
	[sflag:s9] =	ssyncset.done $0x0;
	(pc) =	sbr.rel @p2 .LBB2_8-.Ltmp4, $4  }
0x114: {  	[sflag:s9] =	ssyncadd.s32 $0xFFFFD800;
	s5 =	sadd.s32 @!p3 s26, s5;
	s26 =	simm.s32 $0x2  }
0x115: {  	[tilespmem:s29], [sflag:$0x6] =	stream.linear.gather @!p3 [hbm4b:s5+s16], $0x100, $0x38;
	[tilespmem:$0x1E080] =	vst v63  }
0x116: {  	s31 =	simm.s32 $0x200;
	s0 =	simm.s32 $0x100;
	_ =	swait.ge [sflag:s26], $0x100  }
0x117: {  	s10 =	simm.s32 $0x300;
	s6 =	simm.s32 $0x400;
	[sflag:s26] =	ssyncset.done $0x0  }
0x118: {  	[sflag:s26] =	ssyncadd.s32 $0xFFFFFF00  }
0x119: {  	[tilespmem:s13], [sflag:$0xA] =	stream.indirect.gather [hbm4b:s1+s30], $0x80, s0, s30, $0xb8;
	[tilespmem:$0x1E080] =	vst v63  }
0x11a: {  	_ =	swait.ge [sflag:s11], $0x2800  }
0x11b: {  	[sflag:s11] =	ssyncset.done $0x0  }
0x11c: {  	s5 =	simm.s32 $0x80;
	s24 =	simm.s32 $0xF;
	[sflag:s11] =	ssyncadd.s32 $0xFFFFD800  }
0x11d: {  	[spmem:s2] =	stream.indirect.scatter.add.f32 [tilespmem:s19], [sflag:$0xD], $0x80, s5, s30, $0xb8;
	[tilespmem:$0x1E080] =	vst v63  }
0x11e: {  	_ =	swait.ge [sflag:s24], $0x2800  }
0x11f: {  	[sflag:s24] =	ssyncset.done $0x0  }
0x120: {  	s25 =	simm.s32 $0x3;
	[sflag:s24] =	ssyncadd.s32 $0xFFFFD800  }
0x121: {  	_ =	swait.ge [sflag:s25], $0x100  }
0x122: {  	[sflag:s25] =	ssyncset.done $0x0  }
0x123: {  	[sflag:s25] =	ssyncadd.s32 $0xFFFFFF00  }
0x124: {  	[tilespmem:s21], [sflag:$0xB] =	stream.indirect.gather [hbm4b:s1+s30], $0x80, s31, s30, $0xb8;
	[tilespmem:$0x1E080] =	vst v63  }
0x125: {  	_ =	swait.ge [sflag:s14], $0x2800  }
0x126: {  	[sflag:s14] =	ssyncset.done $0x0  }
0x127: {  	s7 =	simm.s32 $0x180;
	[sflag:s14] =	ssyncadd.s32 $0xFFFFD800  }
0x128: {  	[spmem:s2] =	stream.indirect.scatter.add.f32 [tilespmem:s13], [sflag:$0xE], $0x80, s7, s30, $0xb8;
	[tilespmem:$0x1E080] =	vst v63  }
0x129: {  	s7 =	simm.s32 $0x10  }
0x12a: {  	_ =	swait.ge [sflag:s7], $0x2800  }
0x12b: {  	[sflag:s7] =	ssyncset.done $0x0  }
0x12c: {  	s8 =	simm.s32 $0x4;
	[sflag:s7] =	ssyncadd.s32 $0xFFFFD800  }
0x12d: {  	_ =	swait.ge [sflag:s8], $0x100  }
0x12e: {  	[sflag:s8] =	ssyncset.done $0x0  }
0x12f: {  	[sflag:s8] =	ssyncadd.s32 $0xFFFFFF00  }
0x130: {  	[tilespmem:s15], [sflag:$0xC] =	stream.indirect.gather [hbm4b:s1+s30], $0x80, s10, s30, $0xb8;
	[tilespmem:$0x1E080] =	vst v63  }
0x131: {  	_ =	swait.ge [sflag:s20], $0x2800  }
0x132: {  	[sflag:s20] =	ssyncset.done $0x0  }
0x133: {  	s10 =	simm.s32 $0x280;
	[sflag:s20] =	ssyncadd.s32 $0xFFFFD800  }
0x134: {  	[spmem:s2] =	stream.indirect.scatter.add.f32 [tilespmem:s21], [sflag:$0xF], $0x80, s10, s30, $0xb8;
	[tilespmem:$0x1E080] =	vst v63  }
0x135: {  	_ =	swait.ge [sflag:s12], $0x2800  }
0x136: {  	[sflag:s12] =	ssyncset.done $0x0  }
0x137: {  	s16 =	simm.s32 $0x5;
	[sflag:s12] =	ssyncadd.s32 $0xFFFFD800  }
0x138: {  	_ =	swait.ge [sflag:s16], $0x100  }
0x139: {  	[sflag:s16] =	ssyncset.done $0x0  }
0x13a: {  	[sflag:s16] =	ssyncadd.s32 $0xFFFFFF00  }
0x13b: {  	[tilespmem:s19], [sflag:$0x9] =	stream.indirect.gather [hbm4b:s1+s30], $0x80, s6, s30, $0xb8;
	[tilespmem:$0x1E080] =	vst v63  }
0x13c: {  	_ =	swait.ge [sflag:s22], $0x2800  }
0x13d: {  	[sflag:s22] =	ssyncset.done $0x0  }
0x13e: {  	s17 =	simm.s32 $0x380;
	[sflag:s22] =	ssyncadd.s32 $0xFFFFD800  }
0x13f: {  	[spmem:s2] =	stream.indirect.scatter.add.f32 [tilespmem:s15], [sflag:$0x10], $0x80, s17, s30, $0xb8;
	[tilespmem:$0x1E080] =	vst v63  }
0x140: {  	_ =	swait.ge [sflag:s9], $0x2800  }
0x141: {  	[sflag:s9] =	ssyncset.done $0x0  }
0x142: {  	[sflag:s9] =	ssyncadd.s32 $0xFFFFD800  }
0x143: {  	_ =	swait.ge [sflag:s11], $0x2800  }
0x144: {  	[sflag:s11] =	ssyncset.done $0x0  }
0x145: {  	s21 =	simm.s32 $0x480;
	[sflag:s11] =	ssyncadd.s32 $0xFFFFD800  }
0x146: {  	[spmem:s2] =	stream.indirect.scatter.add.f32 [tilespmem:s19], [sflag:$0xD], $0x80, s21, s30, $0xb8;
	[tilespmem:$0x1E080] =	vst v63  }
0x147: {  	_ =	swait.ge [sflag:s24], $0x2800  }
0x148: {  	[sflag:s24] =	ssyncset.done $0x0  }
0x149: {  	[sflag:s24] =	ssyncadd.s32 $0xFFFFD800  }
0x14a: {  	_ =	swait.ge [sflag:s7], $0x2800  }
0x14b: {  	[sflag:s7] =	ssyncset.done $0x0  }
0x14c: {  	[sflag:s7] =	ssyncadd.s32 $0xFFFFD800  }
0x14d: {  	_ =	swait.ge [sflag:s12], $0x2800  }
0x14e: {  	[sflag:s12] =	ssyncset.done $0x0  }
0x14f: {  	[sflag:s12] =	ssyncadd.s32 $0xFFFFD800  }
0x150: {  	[bflag:$0x0] =	sbarrier.arrive $0xFFFF  }
0x151: {  	s23 =	rddreg [dreg:$0x18]  }
0x152: {  	s7 =	rddreg [dreg:$0x1c]  }
0x153: {  	s25 =	simm.s32 $0x11;
	s8 =	rddreg [dreg:$0x1d]  }
0x154: {  	[hbm:s23], [sflag:s7] =	dma.local [spmem:s8], $0x2700  }
0x155: {  	_ =	swait.ge [sflag:s25], $0x2700  }
0x156: {  	[sflag:s25] =	ssyncset.done $0x0;
	s5 =	rddreg [dreg:$0x10]  }
0x157: {  	s16 =	rddreg [dreg:$0x19];
	[sflag:s25] =	ssyncadd.s32 $0xFFFFD900;
	s5 =	sshrl.u32 @!p1 s5, $0x3  }
0x158: {  	[hbm:s16], [sflag:s7] =	dma.local @!p1 [spmem:s5], $0x100  }
0x159: {  	s5 =	simm.s32 @!p1 $0x11  }
0x15a: {  	_ =	swait.ge @!p1 [sflag:s5], $0x100  }
0x15b: {  	s17 =	rddreg [dreg:$0x1b]  }
0x15c: {  	s24 =	rddreg [dreg:$0x1a];
	s17 =	sadd.s32 $0x1, s17  }
0x15d: {  	p2 =	sne.s32 s17, s24  }
.Ltmp5:
0x15e: {  	_ = 	snop;
	(pc) =	sbr.rel @p2 .LBB2_1-.Ltmp5, $4  }
0x15f: {  	s29 =	simm.s32 $0x300  }
0x160: {  	s31 =	simm.s32 $0x400;
	s10 =	simm.s32 $0x500;
	s15 =	simm.s32 $0x1  }
0x161: {  	s8 =	simm.s32 $0x200;
	s16 =	simm.s32 $0x100;
	[sflag:s5] =	ssyncset.done @!p1 $0x0  }
0x162: {  	s7 =	simm.s32 $0x7;
	s28 =	rddreg [dreg:$0xc];
	[sflag:s5] =	ssyncadd.s32 @!p1 $0xFFFFFF00  }
0x163: {  	_ =	sfence.sel $0x180000  }
0x164: {  	[bflag:$0x0] =	sbarrier.arrive $0xFFFF  }
0x165: {  	_ =	strace $0x9000004A  }
0x166: {  	[bflag:$0x2] =	sbarrier.arrive $0xFFFF  }
0x167: {  	s0 =	rddreg [dreg:$0x3]  }
0x168: {  	s0 =	sadd.s32 @!p1 $0x100000, s0  }
0x169: {  	[sflag:s0] =	ssyncadd.tile.s32 @!p1 $0x1;
	_ =	shalt  }
.Lfunc_end2:
_tile_overlayer_lowered:
.L_overlay_start_2:
0x16a: {  	(tag) =	ssettag $0x2  }
0x16b: {  	s0 =	rddreg [dreg:$0x0];
	s2 =	stileid.u32  }
0x16c: {  	s1 =	rddreg [dreg:$0x1];
	p0 =	sne.s32 s2, $0x0  }
0x16d: {  	s3 =	rddreg [dreg:$0x2];
	[bflag:$0x3] =	sbarrier.arrive $0xFFFF;
	s2 =	simm.s32 @!p0 $0x1C11  }
0x16e: {  	[timem:s3], [sflag:s2] =	dma.local @!p0 [hbm:s0], s1  }
0x16f: {  	s0 =	simm.s32 @!p0 $0x11  }
0x170: {  	_ =	swait.ge @!p0 [sflag:s0], s1  }
0x171: {  	s1 =	ssub.s32 @!p0 $0x0, s1;
	[sflag:s0] =	ssyncset.done @!p0 $0x0  }
0x172: {  	[sflag:s0] =	ssyncadd.s32 @!p0 s1  }
0x173: {  	[bflag:$0x3] =	sbarrier.arrive $0xFFFF  }
0x174: {  	_ =	shalt  }

</sc_bundles>
